<compile_context>
chip_gen: v7x
topology: tpu7x:2x2x1
jax: 0.10.2.dev20260603
libtpu: 0.0.44.dev20260713+nightly
codegen_flags: <defaults>
</compile_context>

<pallas_src>
import functools

import jax
import jax.numpy as jnp
from jax import lax
from jax.experimental import pallas as pl
from jax.experimental.pallas import tpu as pltpu
from jax.experimental.pallas import tpu_sc as plsc

L = 16
NC = 2
NS = 16
NW = NC * NS
BT = 128
NBUF = 4
OPD = 128


def _sc_embed(table_p, x_t, scale_v, *, bpw, h, d):
    btot = bpw * NW
    nbt = bpw // BT
    mesh = plsc.VectorSubcoreMesh(core_axis_name="c", subcore_axis_name="s")

    @functools.partial(
        pl.kernel,
        out_type=jax.ShapeDtypeStruct((h, btot // 8, 8, OPD), jnp.float32),
        mesh=mesh,
        scratch_types=[
            pltpu.VMEM((h, bpw), jnp.int32),
            pltpu.VMEM((NBUF, BT, d), jnp.float32),
            pltpu.VMEM((NBUF, BT // 8, 8, d), jnp.float32),
            pltpu.VMEM((L,), jnp.float32),
            pltpu.SemaphoreType.DMA((NBUF,)),
            pltpu.SemaphoreType.DMA((NBUF,)),
        ],
        compiler_params=pltpu.CompilerParams(use_tc_tiling_on_sc=False),
    )
    def body(table_hbm, xt_hbm, scale_hbm, out_hbm,
             idx_v, gbuf, sbuf, scale_sp, gsem, ssem):
        wid = lax.axis_index("s") * NC + lax.axis_index("c")
        pltpu.sync_copy(scale_hbm, scale_sp)
        pltpu.sync_copy(xt_hbm.at[:, pl.ds(wid * bpw, bpw)], idx_v)
        sv = scale_sp[...]

        def fire_gather(hh, bt):
            pltpu.async_copy(table_hbm.at[idx_v.at[hh, pl.ds(bt * BT, BT)]],
                             gbuf.at[bt], gsem.at[bt])

        def out_slice(hh, bt):
            return out_hbm.at[hh, pl.ds((wid * bpw + bt * BT) // 8, BT // 8),
                              :, pl.ds(0, d)]

        for bt in range(nbt):
            fire_gather(0, bt)

        @pl.loop(0, h)
        def _h(hh):
            for bt in range(nbt):
                pltpu.make_async_copy(
                    table_hbm.at[idx_v.at[hh, pl.ds(bt * BT, BT)]],
                    gbuf.at[bt], gsem.at[bt]).wait()

                @pl.when(hh > 0)
                def _():
                    pltpu.make_async_copy(sbuf.at[bt], out_slice(hh, bt),
                                          ssem.at[bt]).wait()

                @pl.loop(0, BT // 8)
                def _grp(g):
                    for k in range(8):
                        for c in range(d // L):
                            sl = pl.ds(c * L, L)
                            sbuf[bt, g, k, sl] = gbuf[bt, g * 8 + k, sl] * sv

                @pl.when(hh + 1 < h)
                def _():
                    fire_gather(hh + 1, bt)

                pltpu.async_copy(sbuf.at[bt], out_slice(hh, bt), ssem.at[bt])

        for bt in range(nbt):
            pltpu.make_async_copy(sbuf.at[bt], out_slice(h - 1, bt),
                                  ssem.at[bt]).wait()

    return body(table_p, x_t, scale_v)


def kernel(x, table, scale):
    b, h = x.shape
    v, d = table.shape
    bpw = b // NW
    assert b % (NW * BT) == 0 and d % L == 0 and bpw // BT == NBUF and d <= OPD
    x_t = x.T.astype(jnp.int32)
    table_p = table
    scale_v = jnp.broadcast_to(scale.astype(jnp.float32), (L,))
    out4 = _sc_embed(table_p, x_t, scale_v, bpw=bpw, h=h, d=d)
    return out4[:, :, :, :d].reshape(h, b, d).transpose(1, 0, 2)

# --- scband reference (transcript-rebuilt; emitter-appended) ---
"""Pipeline reference for scband-embedding-65146063946191 (READ-ONLY COPY).

The authoritative reference and input builder live on the scoring server;
editing this copy changes nothing except your own understanding.
"""

import jax, jax.numpy as jnp
import numpy as np

VOCAB = 1000000
D_MODEL = 64
BATCH = 16384
HIST = 50

def setup_inputs(seed: int = 0) -> dict:
    key = jax.random.key(seed)
    k1, k2 = jax.random.split(key)
    x = jax.random.randint(k1, (BATCH, HIST), 0, VOCAB, dtype=jnp.int64)
    table = jax.random.normal(k2, (VOCAB, D_MODEL), dtype=jnp.float32)
    # padding_idx=0: zero out row 0 as nn.Embedding does at init
    table = table.at[0].set(0.0)
    scale = jnp.asarray(np.sqrt(D_MODEL), dtype=jnp.float32)
    return {"x": x, "table": table, "scale": scale}

def reference(x, table, scale):
    # nn.Embedding(padding_idx=0) lookup: gather rows; rows with idx==0 map to zero row
    emb = jnp.take(table, x, axis=0)
    # explicit padding mask (faithful to padding_idx semantics incl. gradient masking)
    mask = (x != 0).astype(emb.dtype)[..., None]
    emb = emb * mask
    # dropout p=0.0 is identity in eval/with p=0
    return emb * scale

if __name__ == "__main__":
    import jax
    _d = setup_inputs()
    print(jax.jit(kernel)(*tuple(_d.values())))

</pallas_src>

<mosaic_0001>
#map = affine_map<(d0, d1) -> (0, 0)>
#map1 = affine_map<(d0, d1) -> (0)>
#map2 = affine_map<(d0, d1) -> (0, 0, 0, 0)>
module attributes {stable_mosaic.version = 14 : i64} {
  func.func @body(%arg0: i32, %arg1: i32, %arg2: memref<1000000x64xf32, #tpu.memory_space<hbm>>, %arg3: memref<50x16384xi32, #tpu.memory_space<hbm>>, %arg4: memref<16xf32, #tpu.memory_space<hbm>>, %arg5: memref<50x2048x8x128xf32, #tpu.memory_space<hbm>>, %arg6: memref<50x512xi32, #tpu.memory_space<vmem>>, %arg7: memref<4x128x64xf32, #tpu.memory_space<vmem>>, %arg8: memref<4x16x8x64xf32, #tpu.memory_space<vmem>>, %arg9: memref<16xf32, #tpu.memory_space<vmem>>, %arg10: memref<4x!tpu.dma_semaphore, #tpu.memory_space<semaphore_mem>>, %arg11: memref<4x!tpu.dma_semaphore, #tpu.memory_space<semaphore_mem>>) attributes {dimension_semantics = [#tpu.dimension_semantics<core_parallel>, #tpu.dimension_semantics<subcore_parallel>], iteration_bounds = array<i64: 2, 16>, scalar_prefetch = 0 : i64, scratch_operands = 6 : i64, tpu.core_type = #tpu.core_type<sc_vector_subcore>, window_params = [{transform_indices = #map}, {transform_indices = #map}, {transform_indices = #map1}, {transform_indices = #map2}]} {
    %mul3A = arith.constant 2 : i32
    %mul3A_0 = arith.muli %arg1, %mul3A : i32
    %add3A = arith.addi %mul3A_0, %arg0 : i32
    "tpu.region"() ({
      %run_scoped3A = tpu.sem_alloc : memref<!tpu.dma_semaphore, #tpu.memory_space<semaphore_mem>>
      tpu.enqueue_dma source(%arg4 : memref<16xf32, #tpu.memory_space<hbm>>) target(%arg9 : memref<16xf32, #tpu.memory_space<vmem>>) target_semaphore(%run_scoped3A : memref<!tpu.dma_semaphore, #tpu.memory_space<semaphore_mem>>)
      tpu.wait_dma2 semaphore(%run_scoped3A : memref<!tpu.dma_semaphore, #tpu.memory_space<semaphore_mem>>) src(%arg4 : memref<16xf32, #tpu.memory_space<hbm>>) dst(%arg9 : memref<16xf32, #tpu.memory_space<vmem>>)
      tpu.yield
    }) : () -> ()
    %mul3A_1 = arith.constant 512 : i32
    %mul3A_2 = arith.muli %add3A, %mul3A_1 : i32
    "tpu.region"() ({
      %run_scoped3A = tpu.sem_alloc : memref<!tpu.dma_semaphore, #tpu.memory_space<semaphore_mem>>
      %dma_start3A_263 = arith.constant 0 : i32
      %dma_start3A_264 = tpu.memref_slice %arg3[%dma_start3A_263, %mul3A_2] : memref<50x16384xi32, #tpu.memory_space<hbm>> -> memref<50x512xi32, #tpu.memory_space<hbm>>
      %dma_start3A_265 = arith.constant 0 : i32
      %dma_start3A_266 = tpu.memref_slice %arg3[%dma_start3A_265, %mul3A_2] : memref<50x16384xi32, #tpu.memory_space<hbm>> -> memref<50x512xi32, #tpu.memory_space<hbm>>
      tpu.enqueue_dma source(%dma_start3A_266 : memref<50x512xi32, #tpu.memory_space<hbm>>) target(%arg6 : memref<50x512xi32, #tpu.memory_space<vmem>>) target_semaphore(%run_scoped3A : memref<!tpu.dma_semaphore, #tpu.memory_space<semaphore_mem>>)
      %dma_wait3A_267 = arith.constant 0 : i32
      %dma_wait3A_268 = tpu.memref_slice %arg3[%dma_wait3A_267, %mul3A_2] : memref<50x16384xi32, #tpu.memory_space<hbm>> -> memref<50x512xi32, #tpu.memory_space<hbm>>
      %dma_wait3A_269 = arith.constant 0 : i32
      %dma_wait3A_270 = tpu.memref_slice %arg3[%dma_wait3A_269, %mul3A_2] : memref<50x16384xi32, #tpu.memory_space<hbm>> -> memref<50x512xi32, #tpu.memory_space<hbm>>
      tpu.wait_dma2 semaphore(%run_scoped3A : memref<!tpu.dma_semaphore, #tpu.memory_space<semaphore_mem>>) src(%dma_wait3A_270 : memref<50x512xi32, #tpu.memory_space<hbm>>) dst(%arg6 : memref<50x512xi32, #tpu.memory_space<vmem>>)
      tpu.yield
    }) : () -> ()
    %get3A = arith.constant 0 : index
    %get3A_3 = tpu.vector_load %arg9[%get3A] {strides = array<i32>} : memref<16xf32, #tpu.memory_space<vmem>>, vector<16xf32>,
    %get3A_4 = vector.shape_cast %get3A_3 : vector<16xf32> to vector<16xf32>
    %dma_start3A = arith.constant 0 : i32
    %dma_start3A_5 = arith.constant 0 : i32
    %dma_start3A_6 = arith.constant 0 : i32
    %dma_start3A_7 = arith.constant 0 : i32
    %dma_start3A_8 = arith.constant 0 : i32
    %dma_start3A_9 = tpu.memref_slice %arg7[%dma_start3A_5, %dma_start3A_7, %dma_start3A_8] : memref<4x128x64xf32, #tpu.memory_space<vmem>> -> memref<1x128x64xf32, #tpu.memory_space<vmem>>
    %dma_start3A_10 = tpu.memref_squeeze %dma_start3A_9 : memref<1x128x64xf32, #tpu.memory_space<vmem>> -> memref<128x64xf32, #tpu.memory_space<vmem>>
    %dma_start3A_11 = arith.constant 0 : i32
    %dma_start3A_12 = tpu.memref_slice %arg6[%dma_start3A, %dma_start3A_11] : memref<50x512xi32, #tpu.memory_space<vmem>> -> memref<1x128xi32, #tpu.memory_space<vmem>>
    %dma_start3A_13 = tpu.memref_squeeze %dma_start3A_12 : memref<1x128xi32, #tpu.memory_space<vmem>> -> memref<128xi32, #tpu.memory_space<vmem>>
    %dma_start3A_14 = arith.constant 0 : i32
    %dma_start3A_15 = arith.constant 0 : i32
    %dma_start3A_16 = tpu.memref_slice %arg2[%dma_start3A_14, %dma_start3A_15] : memref<1000000x64xf32, #tpu.memory_space<hbm>> -> memref<1000000x64xf32, #tpu.memory_space<hbm>>
    %dma_start3A_17 = tpu.memref_slice %arg10[%dma_start3A_6] : memref<4x!tpu.dma_semaphore, #tpu.memory_space<semaphore_mem>> -> memref<1x!tpu.dma_semaphore, #tpu.memory_space<semaphore_mem>>
    %dma_start3A_18 = tpu.memref_squeeze %dma_start3A_17 : memref<1x!tpu.dma_semaphore, #tpu.memory_space<semaphore_mem>> -> memref<!tpu.dma_semaphore, #tpu.memory_space<semaphore_mem>>
    tpu.enqueue_indirect_dma source(%dma_start3A_16 : memref<1000000x64xf32, #tpu.memory_space<hbm>>) target(%dma_start3A_10 : memref<128x64xf32, #tpu.memory_space<vmem>>) offsets(%dma_start3A_13 : memref<128xi32, #tpu.memory_space<vmem>>) semaphore(%dma_start3A_18 : memref<!tpu.dma_semaphore, #tpu.memory_space<semaphore_mem>>)
    %dma_start3A_19 = arith.constant 0 : i32
    %dma_start3A_20 = arith.constant 1 : i32
    %dma_start3A_21 = arith.constant 1 : i32
    %dma_start3A_22 = arith.constant 0 : i32
    %dma_start3A_23 = arith.constant 0 : i32
    %dma_start3A_24 = tpu.memref_slice %arg7[%dma_start3A_20, %dma_start3A_22, %dma_start3A_23] : memref<4x128x64xf32, #tpu.memory_space<vmem>> -> memref<1x128x64xf32, #tpu.memory_space<vmem>>
    %dma_start3A_25 = tpu.memref_squeeze %dma_start3A_24 : memref<1x128x64xf32, #tpu.memory_space<vmem>> -> memref<128x64xf32, #tpu.memory_space<vmem>>
    %dma_start3A_26 = arith.constant 128 : i32
    %dma_start3A_27 = tpu.memref_slice %arg6[%dma_start3A_19, %dma_start3A_26] : memref<50x512xi32, #tpu.memory_space<vmem>> -> memref<1x128xi32, #tpu.memory_space<vmem>>
    %dma_start3A_28 = tpu.memref_squeeze %dma_start3A_27 : memref<1x128xi32, #tpu.memory_space<vmem>> -> memref<128xi32, #tpu.memory_space<vmem>>
    %dma_start3A_29 = arith.constant 0 : i32
    %dma_start3A_30 = arith.constant 0 : i32
    %dma_start3A_31 = tpu.memref_slice %arg2[%dma_start3A_29, %dma_start3A_30] : memref<1000000x64xf32, #tpu.memory_space<hbm>> -> memref<1000000x64xf32, #tpu.memory_space<hbm>>
    %dma_start3A_32 = tpu.memref_slice %arg10[%dma_start3A_21] : memref<4x!tpu.dma_semaphore, #tpu.memory_space<semaphore_mem>> -> memref<1x!tpu.dma_semaphore, #tpu.memory_space<semaphore_mem>>
    %dma_start3A_33 = tpu.memref_squeeze %dma_start3A_32 : memref<1x!tpu.dma_semaphore, #tpu.memory_space<semaphore_mem>> -> memref<!tpu.dma_semaphore, #tpu.memory_space<semaphore_mem>>
    tpu.enqueue_indirect_dma source(%dma_start3A_31 : memref<1000000x64xf32, #tpu.memory_space<hbm>>) target(%dma_start3A_25 : memref<128x64xf32, #tpu.memory_space<vmem>>) offsets(%dma_start3A_28 : memref<128xi32, #tpu.memory_space<vmem>>) semaphore(%dma_start3A_33 : memref<!tpu.dma_semaphore, #tpu.memory_space<semaphore_mem>>)
    %dma_start3A_34 = arith.constant 0 : i32
    %dma_start3A_35 = arith.constant 2 : i32
    %dma_start3A_36 = arith.constant 2 : i32
    %dma_start3A_37 = arith.constant 0 : i32
    %dma_start3A_38 = arith.constant 0 : i32
    %dma_start3A_39 = tpu.memref_slice %arg7[%dma_start3A_35, %dma_start3A_37, %dma_start3A_38] : memref<4x128x64xf32, #tpu.memory_space<vmem>> -> memref<1x128x64xf32, #tpu.memory_space<vmem>>
    %dma_start3A_40 = tpu.memref_squeeze %dma_start3A_39 : memref<1x128x64xf32, #tpu.memory_space<vmem>> -> memref<128x64xf32, #tpu.memory_space<vmem>>
    %dma_start3A_41 = arith.constant 256 : i32
    %dma_start3A_42 = tpu.memref_slice %arg6[%dma_start3A_34, %dma_start3A_41] : memref<50x512xi32, #tpu.memory_space<vmem>> -> memref<1x128xi32, #tpu.memory_space<vmem>>
    %dma_start3A_43 = tpu.memref_squeeze %dma_start3A_42 : memref<1x128xi32, #tpu.memory_space<vmem>> -> memref<128xi32, #tpu.memory_space<vmem>>
    %dma_start3A_44 = arith.constant 0 : i32
    %dma_start3A_45 = arith.constant 0 : i32
    %dma_start3A_46 = tpu.memref_slice %arg2[%dma_start3A_44, %dma_start3A_45] : memref<1000000x64xf32, #tpu.memory_space<hbm>> -> memref<1000000x64xf32, #tpu.memory_space<hbm>>
    %dma_start3A_47 = tpu.memref_slice %arg10[%dma_start3A_36] : memref<4x!tpu.dma_semaphore, #tpu.memory_space<semaphore_mem>> -> memref<1x!tpu.dma_semaphore, #tpu.memory_space<semaphore_mem>>
    %dma_start3A_48 = tpu.memref_squeeze %dma_start3A_47 : memref<1x!tpu.dma_semaphore, #tpu.memory_space<semaphore_mem>> -> memref<!tpu.dma_semaphore, #tpu.memory_space<semaphore_mem>>
    tpu.enqueue_indirect_dma source(%dma_start3A_46 : memref<1000000x64xf32, #tpu.memory_space<hbm>>) target(%dma_start3A_40 : memref<128x64xf32, #tpu.memory_space<vmem>>) offsets(%dma_start3A_43 : memref<128xi32, #tpu.memory_space<vmem>>) semaphore(%dma_start3A_48 : memref<!tpu.dma_semaphore, #tpu.memory_space<semaphore_mem>>)
    %dma_start3A_49 = arith.constant 0 : i32
    %dma_start3A_50 = arith.constant 3 : i32
    %dma_start3A_51 = arith.constant 3 : i32
    %dma_start3A_52 = arith.constant 0 : i32
    %dma_start3A_53 = arith.constant 0 : i32
    %dma_start3A_54 = tpu.memref_slice %arg7[%dma_start3A_50, %dma_start3A_52, %dma_start3A_53] : memref<4x128x64xf32, #tpu.memory_space<vmem>> -> memref<1x128x64xf32, #tpu.memory_space<vmem>>
    %dma_start3A_55 = tpu.memref_squeeze %dma_start3A_54 : memref<1x128x64xf32, #tpu.memory_space<vmem>> -> memref<128x64xf32, #tpu.memory_space<vmem>>
    %dma_start3A_56 = arith.constant 384 : i32
    %dma_start3A_57 = tpu.memref_slice %arg6[%dma_start3A_49, %dma_start3A_56] : memref<50x512xi32, #tpu.memory_space<vmem>> -> memref<1x128xi32, #tpu.memory_space<vmem>>
    %dma_start3A_58 = tpu.memref_squeeze %dma_start3A_57 : memref<1x128xi32, #tpu.memory_space<vmem>> -> memref<128xi32, #tpu.memory_space<vmem>>
    %dma_start3A_59 = arith.constant 0 : i32
    %dma_start3A_60 = arith.constant 0 : i32
    %dma_start3A_61 = tpu.memref_slice %arg2[%dma_start3A_59, %dma_start3A_60] : memref<1000000x64xf32, #tpu.memory_space<hbm>> -> memref<1000000x64xf32, #tpu.memory_space<hbm>>
    %dma_start3A_62 = tpu.memref_slice %arg10[%dma_start3A_51] : memref<4x!tpu.dma_semaphore, #tpu.memory_space<semaphore_mem>> -> memref<1x!tpu.dma_semaphore, #tpu.memory_space<semaphore_mem>>
    %dma_start3A_63 = tpu.memref_squeeze %dma_start3A_62 : memref<1x!tpu.dma_semaphore, #tpu.memory_space<semaphore_mem>> -> memref<!tpu.dma_semaphore, #tpu.memory_space<semaphore_mem>>
    tpu.enqueue_indirect_dma source(%dma_start3A_61 : memref<1000000x64xf32, #tpu.memory_space<hbm>>) target(%dma_start3A_55 : memref<128x64xf32, #tpu.memory_space<vmem>>) offsets(%dma_start3A_58 : memref<128xi32, #tpu.memory_space<vmem>>) semaphore(%dma_start3A_63 : memref<!tpu.dma_semaphore, #tpu.memory_space<semaphore_mem>>)
    %scan3A = arith.constant 0 : i32
    %scan3A_64 = arith.constant 50 : i32
    %scan3A_65 = arith.addi %scan3A, %scan3A_64 : i32
    %scan3A_66 = arith.constant 1 : i32
    scf.for %scan3A_263 = %scan3A to %scan3A_65 step %scan3A_66  : i32 {
      %mul3A_264 = arith.constant 1 : i32
      %mul3A_265 = arith.muli %scan3A_263, %mul3A_264 : i32
      %add3A_266 = arith.constant 0 : i32
      %add3A_267 = arith.addi %add3A_266, %mul3A_265 : i32
      %dma_wait3A_268 = arith.constant 0 : i32
      %dma_wait3A_269 = arith.constant 0 : i32
      %dma_wait3A_270 = arith.constant 0 : i32
      %dma_wait3A_271 = arith.constant 0 : i32
      %dma_wait3A_272 = tpu.memref_slice %arg7[%dma_wait3A_268, %dma_wait3A_270, %dma_wait3A_271] : memref<4x128x64xf32, #tpu.memory_space<vmem>> -> memref<1x128x64xf32, #tpu.memory_space<vmem>>
      %dma_wait3A_273 = tpu.memref_squeeze %dma_wait3A_272 : memref<1x128x64xf32, #tpu.memory_space<vmem>> -> memref<128x64xf32, #tpu.memory_space<vmem>>
      %dma_wait3A_274 = arith.constant 0 : i32
      %dma_wait3A_275 = tpu.memref_slice %arg6[%add3A_267, %dma_wait3A_274] : memref<50x512xi32, #tpu.memory_space<vmem>> -> memref<1x128xi32, #tpu.memory_space<vmem>>
      %dma_wait3A_276 = tpu.memref_squeeze %dma_wait3A_275 : memref<1x128xi32, #tpu.memory_space<vmem>> -> memref<128xi32, #tpu.memory_space<vmem>>
      %dma_wait3A_277 = arith.constant 0 : i32
      %dma_wait3A_278 = arith.constant 0 : i32
      %dma_wait3A_279 = tpu.memref_slice %arg2[%dma_wait3A_277, %dma_wait3A_278] : memref<1000000x64xf32, #tpu.memory_space<hbm>> -> memref<1000000x64xf32, #tpu.memory_space<hbm>>
      %dma_wait3A_280 = tpu.memref_slice %arg10[%dma_wait3A_269] : memref<4x!tpu.dma_semaphore, #tpu.memory_space<semaphore_mem>> -> memref<1x!tpu.dma_semaphore, #tpu.memory_space<semaphore_mem>>
      %dma_wait3A_281 = tpu.memref_squeeze %dma_wait3A_280 : memref<1x!tpu.dma_semaphore, #tpu.memory_space<semaphore_mem>> -> memref<!tpu.dma_semaphore, #tpu.memory_space<semaphore_mem>>
      tpu.wait_indirect_dma semaphore(%dma_wait3A_281 : memref<!tpu.dma_semaphore, #tpu.memory_space<semaphore_mem>>) src(%dma_wait3A_279 : memref<1000000x64xf32, #tpu.memory_space<hbm>>) dst(%dma_wait3A_273 : memref<128x64xf32, #tpu.memory_space<vmem>>)
      %gt3A = arith.constant 0 : i32
      %gt3A_282 = arith.cmpi sgt, %add3A_267, %gt3A : i32
      %convert_element_type3A = arith.extui %gt3A_282 : i1 to i32
      %cond3A = arith.constant 0 : i32
      %cond3A_283 = arith.cmpi ne, %convert_element_type3A, %cond3A : i32
      scf.if %cond3A_283 {
        %mul3A_588 = arith.constant 512 : i32
        %mul3A_589 = arith.muli %add3A, %mul3A_588 : i32
        %add3A_590 = arith.constant 0 : i32
        %add3A_591 = arith.addi %mul3A_589, %add3A_590 : i32
        %jit3A_592 = arith.constant 8 : i32
        %div3A_593 = arith.divsi %add3A_591, %jit3A_592 : i32
        %sign3A_594 = arith.constant 0 : i32
        %sign3A_595 = arith.cmpi sgt, %add3A_591, %sign3A_594 : i32
        %sign3A_596 = arith.extui %sign3A_595 : i1 to i32
        %sign3A_597 = arith.constant 0 : i32
        %sign3A_598 = arith.cmpi slt, %add3A_591, %sign3A_597 : i32
        %sign3A_599 = arith.extui %sign3A_598 : i1 to i32
        %sign3A_600 = arith.subi %sign3A_596, %sign3A_599 : i32
        %sign3A_601 = arith.constant 0 : i32
        %sign3A_602 = arith.cmpi sgt, %jit3A_592, %sign3A_601 : i32
        %sign3A_603 = arith.extui %sign3A_602 : i1 to i32
        %sign3A_604 = arith.constant 0 : i32
        %sign3A_605 = arith.cmpi slt, %jit3A_592, %sign3A_604 : i32
        %sign3A_606 = arith.extui %sign3A_605 : i1 to i32
        %sign3A_607 = arith.subi %sign3A_603, %sign3A_606 : i32
        %ne3A_608 = arith.cmpi ne, %sign3A_600, %sign3A_607 : i32
        %rem3A_609 = arith.remsi %add3A_591, %jit3A_592 : i32
        %ne3A_610 = arith.constant 0 : i32
        %ne3A_611 = arith.cmpi ne, %rem3A_609, %ne3A_610 : i32
        %and3A_612 = arith.andi %ne3A_608, %ne3A_611 : i1
        %sub3A_613 = arith.constant 1 : i32
        %sub3A_614 = arith.subi %div3A_593, %sub3A_613 : i32
        %select_n3A_615 = arith.select %and3A_612, %sub3A_614, %div3A_593 : i32
        %dma_wait3A_616 = arith.constant 0 : i32
        %dma_wait3A_617 = arith.constant 0 : i32
        %dma_wait3A_618 = arith.constant 0 : i32
        %dma_wait3A_619 = arith.constant 0 : i32
        %dma_wait3A_620 = arith.constant 0 : i32
        %dma_wait3A_621 = tpu.memref_slice %arg8[%dma_wait3A_616, %dma_wait3A_618, %dma_wait3A_619, %dma_wait3A_620] : memref<4x16x8x64xf32, #tpu.memory_space<vmem>> -> memref<1x16x8x64xf32, #tpu.memory_space<vmem>>
        %dma_wait3A_622 = tpu.memref_squeeze %dma_wait3A_621 : memref<1x16x8x64xf32, #tpu.memory_space<vmem>> -> memref<16x8x64xf32, #tpu.memory_space<vmem>>
        %dma_wait3A_623 = arith.constant 0 : i32
        %dma_wait3A_624 = arith.constant 0 : i32
        %dma_wait3A_625 = tpu.memref_slice %arg5[%add3A_267, %select_n3A_615, %dma_wait3A_623, %dma_wait3A_624] : memref<50x2048x8x128xf32, #tpu.memory_space<hbm>> -> memref<1x16x8x64xf32, #tpu.memory_space<hbm>>
        %dma_wait3A_626 = tpu.memref_squeeze %dma_wait3A_625 : memref<1x16x8x64xf32, #tpu.memory_space<hbm>> -> memref<16x8x64xf32, #tpu.memory_space<hbm>>
        %dma_wait3A_627 = tpu.memref_slice %arg11[%dma_wait3A_617] : memref<4x!tpu.dma_semaphore, #tpu.memory_space<semaphore_mem>> -> memref<1x!tpu.dma_semaphore, #tpu.memory_space<semaphore_mem>>
        %dma_wait3A_628 = tpu.memref_squeeze %dma_wait3A_627 : memref<1x!tpu.dma_semaphore, #tpu.memory_space<semaphore_mem>> -> memref<!tpu.dma_semaphore, #tpu.memory_space<semaphore_mem>>
        %dma_wait3A_629 = arith.constant 0 : i32
        %dma_wait3A_630 = arith.constant 0 : i32
        %dma_wait3A_631 = tpu.memref_slice %arg5[%add3A_267, %select_n3A_615, %dma_wait3A_629, %dma_wait3A_630] : memref<50x2048x8x128xf32, #tpu.memory_space<hbm>> -> memref<1x16x8x64xf32, #tpu.memory_space<hbm>>
        %dma_wait3A_632 = tpu.memref_squeeze %dma_wait3A_631 : memref<1x16x8x64xf32, #tpu.memory_space<hbm>> -> memref<16x8x64xf32, #tpu.memory_space<hbm>>
        %dma_wait3A_633 = arith.constant 0 : i32
        %dma_wait3A_634 = arith.constant 0 : i32
        %dma_wait3A_635 = arith.constant 0 : i32
        %dma_wait3A_636 = tpu.memref_slice %arg8[%dma_wait3A_616, %dma_wait3A_633, %dma_wait3A_634, %dma_wait3A_635] : memref<4x16x8x64xf32, #tpu.memory_space<vmem>> -> memref<1x16x8x64xf32, #tpu.memory_space<vmem>>
        %dma_wait3A_637 = tpu.memref_squeeze %dma_wait3A_636 : memref<1x16x8x64xf32, #tpu.memory_space<vmem>> -> memref<16x8x64xf32, #tpu.memory_space<vmem>>
        tpu.wait_dma2 semaphore(%dma_wait3A_628 : memref<!tpu.dma_semaphore, #tpu.memory_space<semaphore_mem>>) src(%dma_wait3A_637 : memref<16x8x64xf32, #tpu.memory_space<vmem>>) dst(%dma_wait3A_632 : memref<16x8x64xf32, #tpu.memory_space<hbm>>)
      } else {
      }
      %scan3A_284 = arith.constant 0 : i32
      %scan3A_285 = arith.constant 16 : i32
      %scan3A_286 = arith.addi %scan3A_284, %scan3A_285 : i32
      %scan3A_287 = arith.constant 1 : i32
      scf.for %scan3A_588 = %scan3A_284 to %scan3A_286 step %scan3A_287  : i32 {
        %mul3A_589 = arith.constant 1 : i32
        %mul3A_590 = arith.muli %scan3A_588, %mul3A_589 : i32
        %add3A_591 = arith.constant 0 : i32
        %add3A_592 = arith.addi %add3A_591, %mul3A_590 : i32
        %mul3A_593 = arith.constant 8 : i32
        %mul3A_594 = arith.muli %add3A_592, %mul3A_593 : i32
        %add3A_595 = arith.constant 0 : i32
        %add3A_596 = arith.addi %mul3A_594, %add3A_595 : i32
        %get3A_597 = arith.constant 0 : i32
        %get3A_598 = arith.index_cast %get3A_597 : i32 to index
        %get3A_599 = arith.index_cast %add3A_596 : i32 to index
        %get3A_600 = arith.constant 0 : index
        %get3A_601 = tpu.vector_load %arg7[%get3A_598, %get3A_599, %get3A_600] {strides = array<i32>} : memref<4x128x64xf32, #tpu.memory_space<vmem>>, vector<1x1x16xf32>,
        %get3A_602 = vector.shape_cast %get3A_601 : vector<1x1x16xf32> to vector<16xf32>
        %mul3A_603 = arith.mulf %get3A_602, %get3A_4 : vector<16xf32>
        %swap3A = arith.constant 0 : i32
        %swap3A_604 = arith.constant 0 : i32
        %swap3A_605 = arith.index_cast %swap3A : i32 to index
        %swap3A_606 = arith.index_cast %add3A_592 : i32 to index
        %swap3A_607 = arith.index_cast %swap3A_604 : i32 to index
        %swap3A_608 = arith.constant 0 : index
        %swap3A_609 = tpu.vector_load %arg8[%swap3A_605, %swap3A_606, %swap3A_607, %swap3A_608] {strides = array<i32>} : memref<4x16x8x64xf32, #tpu.memory_space<vmem>>, vector<1x1x1x16xf32>,
        %swap3A_610 = vector.shape_cast %swap3A_609 : vector<1x1x1x16xf32> to vector<16xf32>
        %swap3A_611 = vector.shape_cast %mul3A_603 : vector<16xf32> to vector<1x1x1x16xf32>
        tpu.vector_store %arg8[%swap3A_605, %swap3A_606, %swap3A_607, %swap3A_608], %swap3A_611 {strides = array<i32>} : memref<4x16x8x64xf32, #tpu.memory_space<vmem>>, vector<1x1x1x16xf32>,
        %mul3A_612 = arith.constant 8 : i32
        %mul3A_613 = arith.muli %add3A_592, %mul3A_612 : i32
        %add3A_614 = arith.constant 0 : i32
        %add3A_615 = arith.addi %mul3A_613, %add3A_614 : i32
        %get3A_616 = arith.constant 0 : i32
        %get3A_617 = arith.index_cast %get3A_616 : i32 to index
        %get3A_618 = arith.index_cast %add3A_615 : i32 to index
        %get3A_619 = arith.constant 16 : index
        %get3A_620 = tpu.vector_load %arg7[%get3A_617, %get3A_618, %get3A_619] {strides = array<i32>} : memref<4x128x64xf32, #tpu.memory_space<vmem>>, vector<1x1x16xf32>,
        %get3A_621 = vector.shape_cast %get3A_620 : vector<1x1x16xf32> to vector<16xf32>
        %mul3A_622 = arith.mulf %get3A_621, %get3A_4 : vector<16xf32>
        %swap3A_623 = arith.constant 0 : i32
        %swap3A_624 = arith.constant 0 : i32
        %swap3A_625 = arith.index_cast %swap3A_623 : i32 to index
        %swap3A_626 = arith.index_cast %add3A_592 : i32 to index
        %swap3A_627 = arith.index_cast %swap3A_624 : i32 to index
        %swap3A_628 = arith.constant 16 : index
        %swap3A_629 = tpu.vector_load %arg8[%swap3A_625, %swap3A_626, %swap3A_627, %swap3A_628] {strides = array<i32>} : memref<4x16x8x64xf32, #tpu.memory_space<vmem>>, vector<1x1x1x16xf32>,
        %swap3A_630 = vector.shape_cast %swap3A_629 : vector<1x1x1x16xf32> to vector<16xf32>
        %swap3A_631 = vector.shape_cast %mul3A_622 : vector<16xf32> to vector<1x1x1x16xf32>
        tpu.vector_store %arg8[%swap3A_625, %swap3A_626, %swap3A_627, %swap3A_628], %swap3A_631 {strides = array<i32>} : memref<4x16x8x64xf32, #tpu.memory_space<vmem>>, vector<1x1x1x16xf32>,
        %mul3A_632 = arith.constant 8 : i32
        %mul3A_633 = arith.muli %add3A_592, %mul3A_632 : i32
        %add3A_634 = arith.constant 0 : i32
        %add3A_635 = arith.addi %mul3A_633, %add3A_634 : i32
        %get3A_636 = arith.constant 0 : i32
        %get3A_637 = arith.index_cast %get3A_636 : i32 to index
        %get3A_638 = arith.index_cast %add3A_635 : i32 to index
        %get3A_639 = arith.constant 32 : index
        %get3A_640 = tpu.vector_load %arg7[%get3A_637, %get3A_638, %get3A_639] {strides = array<i32>} : memref<4x128x64xf32, #tpu.memory_space<vmem>>, vector<1x1x16xf32>,
        %get3A_641 = vector.shape_cast %get3A_640 : vector<1x1x16xf32> to vector<16xf32>
        %mul3A_642 = arith.mulf %get3A_641, %get3A_4 : vector<16xf32>
        %swap3A_643 = arith.constant 0 : i32
        %swap3A_644 = arith.constant 0 : i32
        %swap3A_645 = arith.index_cast %swap3A_643 : i32 to index
        %swap3A_646 = arith.index_cast %add3A_592 : i32 to index
        %swap3A_647 = arith.index_cast %swap3A_644 : i32 to index
        %swap3A_648 = arith.constant 32 : index
        %swap3A_649 = tpu.vector_load %arg8[%swap3A_645, %swap3A_646, %swap3A_647, %swap3A_648] {strides = array<i32>} : memref<4x16x8x64xf32, #tpu.memory_space<vmem>>, vector<1x1x1x16xf32>,
        %swap3A_650 = vector.shape_cast %swap3A_649 : vector<1x1x1x16xf32> to vector<16xf32>
        %swap3A_651 = vector.shape_cast %mul3A_642 : vector<16xf32> to vector<1x1x1x16xf32>
        tpu.vector_store %arg8[%swap3A_645, %swap3A_646, %swap3A_647, %swap3A_648], %swap3A_651 {strides = array<i32>} : memref<4x16x8x64xf32, #tpu.memory_space<vmem>>, vector<1x1x1x16xf32>,
        %mul3A_652 = arith.constant 8 : i32
        %mul3A_653 = arith.muli %add3A_592, %mul3A_652 : i32
        %add3A_654 = arith.constant 0 : i32
        %add3A_655 = arith.addi %mul3A_653, %add3A_654 : i32
        %get3A_656 = arith.constant 0 : i32
        %get3A_657 = arith.index_cast %get3A_656 : i32 to index
        %get3A_658 = arith.index_cast %add3A_655 : i32 to index
        %get3A_659 = arith.constant 48 : index
        %get3A_660 = tpu.vector_load %arg7[%get3A_657, %get3A_658, %get3A_659] {strides = array<i32>} : memref<4x128x64xf32, #tpu.memory_space<vmem>>, vector<1x1x16xf32>,
        %get3A_661 = vector.shape_cast %get3A_660 : vector<1x1x16xf32> to vector<16xf32>
        %mul3A_662 = arith.mulf %get3A_661, %get3A_4 : vector<16xf32>
        %swap3A_663 = arith.constant 0 : i32
        %swap3A_664 = arith.constant 0 : i32
        %swap3A_665 = arith.index_cast %swap3A_663 : i32 to index
        %swap3A_666 = arith.index_cast %add3A_592 : i32 to index
        %swap3A_667 = arith.index_cast %swap3A_664 : i32 to index
        %swap3A_668 = arith.constant 48 : index
        %swap3A_669 = tpu.vector_load %arg8[%swap3A_665, %swap3A_666, %swap3A_667, %swap3A_668] {strides = array<i32>} : memref<4x16x8x64xf32, #tpu.memory_space<vmem>>, vector<1x1x1x16xf32>,
        %swap3A_670 = vector.shape_cast %swap3A_669 : vector<1x1x1x16xf32> to vector<16xf32>
        %swap3A_671 = vector.shape_cast %mul3A_662 : vector<16xf32> to vector<1x1x1x16xf32>
        tpu.vector_store %arg8[%swap3A_665, %swap3A_666, %swap3A_667, %swap3A_668], %swap3A_671 {strides = array<i32>} : memref<4x16x8x64xf32, #tpu.memory_space<vmem>>, vector<1x1x1x16xf32>,
        %mul3A_672 = arith.constant 8 : i32
        %mul3A_673 = arith.muli %add3A_592, %mul3A_672 : i32
        %add3A_674 = arith.constant 1 : i32
        %add3A_675 = arith.addi %mul3A_673, %add3A_674 : i32
        %get3A_676 = arith.constant 0 : i32
        %get3A_677 = arith.index_cast %get3A_676 : i32 to index
        %get3A_678 = arith.index_cast %add3A_675 : i32 to index
        %get3A_679 = arith.constant 0 : index
        %get3A_680 = tpu.vector_load %arg7[%get3A_677, %get3A_678, %get3A_679] {strides = array<i32>} : memref<4x128x64xf32, #tpu.memory_space<vmem>>, vector<1x1x16xf32>,
        %get3A_681 = vector.shape_cast %get3A_680 : vector<1x1x16xf32> to vector<16xf32>
        %mul3A_682 = arith.mulf %get3A_681, %get3A_4 : vector<16xf32>
        %swap3A_683 = arith.constant 0 : i32
        %swap3A_684 = arith.constant 1 : i32
        %swap3A_685 = arith.index_cast %swap3A_683 : i32 to index
        %swap3A_686 = arith.index_cast %add3A_592 : i32 to index
        %swap3A_687 = arith.index_cast %swap3A_684 : i32 to index
        %swap3A_688 = arith.constant 0 : index
        %swap3A_689 = tpu.vector_load %arg8[%swap3A_685, %swap3A_686, %swap3A_687, %swap3A_688] {strides = array<i32>} : memref<4x16x8x64xf32, #tpu.memory_space<vmem>>, vector<1x1x1x16xf32>,
        %swap3A_690 = vector.shape_cast %swap3A_689 : vector<1x1x1x16xf32> to vector<16xf32>
        %swap3A_691 = vector.shape_cast %mul3A_682 : vector<16xf32> to vector<1x1x1x16xf32>
        tpu.vector_store %arg8[%swap3A_685, %swap3A_686, %swap3A_687, %swap3A_688], %swap3A_691 {strides = array<i32>} : memref<4x16x8x64xf32, #tpu.memory_space<vmem>>, vector<1x1x1x16xf32>,
        %mul3A_692 = arith.constant 8 : i32
        %mul3A_693 = arith.muli %add3A_592, %mul3A_692 : i32
        %add3A_694 = arith.constant 1 : i32
        %add3A_695 = arith.addi %mul3A_693, %add3A_694 : i32
        %get3A_696 = arith.constant 0 : i32
        %get3A_697 = arith.index_cast %get3A_696 : i32 to index
        %get3A_698 = arith.index_cast %add3A_695 : i32 to index
        %get3A_699 = arith.constant 16 : index
        %get3A_700 = tpu.vector_load %arg7[%get3A_697, %get3A_698, %get3A_699] {strides = array<i32>} : memref<4x128x64xf32, #tpu.memory_space<vmem>>, vector<1x1x16xf32>,
        %get3A_701 = vector.shape_cast %get3A_700 : vector<1x1x16xf32> to vector<16xf32>
        %mul3A_702 = arith.mulf %get3A_701, %get3A_4 : vector<16xf32>
        %swap3A_703 = arith.constant 0 : i32
        %swap3A_704 = arith.constant 1 : i32
        %swap3A_705 = arith.index_cast %swap3A_703 : i32 to index
        %swap3A_706 = arith.index_cast %add3A_592 : i32 to index
        %swap3A_707 = arith.index_cast %swap3A_704 : i32 to index
        %swap3A_708 = arith.constant 16 : index
        %swap3A_709 = tpu.vector_load %arg8[%swap3A_705, %swap3A_706, %swap3A_707, %swap3A_708] {strides = array<i32>} : memref<4x16x8x64xf32, #tpu.memory_space<vmem>>, vector<1x1x1x16xf32>,
        %swap3A_710 = vector.shape_cast %swap3A_709 : vector<1x1x1x16xf32> to vector<16xf32>
        %swap3A_711 = vector.shape_cast %mul3A_702 : vector<16xf32> to vector<1x1x1x16xf32>
        tpu.vector_store %arg8[%swap3A_705, %swap3A_706, %swap3A_707, %swap3A_708], %swap3A_711 {strides = array<i32>} : memref<4x16x8x64xf32, #tpu.memory_space<vmem>>, vector<1x1x1x16xf32>,
        %mul3A_712 = arith.constant 8 : i32
        %mul3A_713 = arith.muli %add3A_592, %mul3A_712 : i32
        %add3A_714 = arith.constant 1 : i32
        %add3A_715 = arith.addi %mul3A_713, %add3A_714 : i32
        %get3A_716 = arith.constant 0 : i32
        %get3A_717 = arith.index_cast %get3A_716 : i32 to index
        %get3A_718 = arith.index_cast %add3A_715 : i32 to index
        %get3A_719 = arith.constant 32 : index
        %get3A_720 = tpu.vector_load %arg7[%get3A_717, %get3A_718, %get3A_719] {strides = array<i32>} : memref<4x128x64xf32, #tpu.memory_space<vmem>>, vector<1x1x16xf32>,
        %get3A_721 = vector.shape_cast %get3A_720 : vector<1x1x16xf32> to vector<16xf32>
        %mul3A_722 = arith.mulf %get3A_721, %get3A_4 : vector<16xf32>
        %swap3A_723 = arith.constant 0 : i32
        %swap3A_724 = arith.constant 1 : i32
        %swap3A_725 = arith.index_cast %swap3A_723 : i32 to index
        %swap3A_726 = arith.index_cast %add3A_592 : i32 to index
        %swap3A_727 = arith.index_cast %swap3A_724 : i32 to index
        %swap3A_728 = arith.constant 32 : index
        %swap3A_729 = tpu.vector_load %arg8[%swap3A_725, %swap3A_726, %swap3A_727, %swap3A_728] {strides = array<i32>} : memref<4x16x8x64xf32, #tpu.memory_space<vmem>>, vector<1x1x1x16xf32>,
        %swap3A_730 = vector.shape_cast %swap3A_729 : vector<1x1x1x16xf32> to vector<16xf32>
        %swap3A_731 = vector.shape_cast %mul3A_722 : vector<16xf32> to vector<1x1x1x16xf32>
        tpu.vector_store %arg8[%swap3A_725, %swap3A_726, %swap3A_727, %swap3A_728], %swap3A_731 {strides = array<i32>} : memref<4x16x8x64xf32, #tpu.memory_space<vmem>>, vector<1x1x1x16xf32>,
        %mul3A_732 = arith.constant 8 : i32
        %mul3A_733 = arith.muli %add3A_592, %mul3A_732 : i32
        %add3A_734 = arith.constant 1 : i32
        %add3A_735 = arith.addi %mul3A_733, %add3A_734 : i32
        %get3A_736 = arith.constant 0 : i32
        %get3A_737 = arith.index_cast %get3A_736 : i32 to index
        %get3A_738 = arith.index_cast %add3A_735 : i32 to index
        %get3A_739 = arith.constant 48 : index
        %get3A_740 = tpu.vector_load %arg7[%get3A_737, %get3A_738, %get3A_739] {strides = array<i32>} : memref<4x128x64xf32, #tpu.memory_space<vmem>>, vector<1x1x16xf32>,
        %get3A_741 = vector.shape_cast %get3A_740 : vector<1x1x16xf32> to vector<16xf32>
        %mul3A_742 = arith.mulf %get3A_741, %get3A_4 : vector<16xf32>
        %swap3A_743 = arith.constant 0 : i32
        %swap3A_744 = arith.constant 1 : i32
        %swap3A_745 = arith.index_cast %swap3A_743 : i32 to index
        %swap3A_746 = arith.index_cast %add3A_592 : i32 to index
        %swap3A_747 = arith.index_cast %swap3A_744 : i32 to index
        %swap3A_748 = arith.constant 48 : index
        %swap3A_749 = tpu.vector_load %arg8[%swap3A_745, %swap3A_746, %swap3A_747, %swap3A_748] {strides = array<i32>} : memref<4x16x8x64xf32, #tpu.memory_space<vmem>>, vector<1x1x1x16xf32>,
        %swap3A_750 = vector.shape_cast %swap3A_749 : vector<1x1x1x16xf32> to vector<16xf32>
        %swap3A_751 = vector.shape_cast %mul3A_742 : vector<16xf32> to vector<1x1x1x16xf32>
        tpu.vector_store %arg8[%swap3A_745, %swap3A_746, %swap3A_747, %swap3A_748], %swap3A_751 {strides = array<i32>} : memref<4x16x8x64xf32, #tpu.memory_space<vmem>>, vector<1x1x1x16xf32>,
        %mul3A_752 = arith.constant 8 : i32
        %mul3A_753 = arith.muli %add3A_592, %mul3A_752 : i32
        %add3A_754 = arith.constant 2 : i32
        %add3A_755 = arith.addi %mul3A_753, %add3A_754 : i32
        %get3A_756 = arith.constant 0 : i32
        %get3A_757 = arith.index_cast %get3A_756 : i32 to index
        %get3A_758 = arith.index_cast %add3A_755 : i32 to index
        %get3A_759 = arith.constant 0 : index
        %get3A_760 = tpu.vector_load %arg7[%get3A_757, %get3A_758, %get3A_759] {strides = array<i32>} : memref<4x128x64xf32, #tpu.memory_space<vmem>>, vector<1x1x16xf32>,
        %get3A_761 = vector.shape_cast %get3A_760 : vector<1x1x16xf32> to vector<16xf32>
        %mul3A_762 = arith.mulf %get3A_761, %get3A_4 : vector<16xf32>
        %swap3A_763 = arith.constant 0 : i32
        %swap3A_764 = arith.constant 2 : i32
        %swap3A_765 = arith.index_cast %swap3A_763 : i32 to index
        %swap3A_766 = arith.index_cast %add3A_592 : i32 to index
        %swap3A_767 = arith.index_cast %swap3A_764 : i32 to index
        %swap3A_768 = arith.constant 0 : index
        %swap3A_769 = tpu.vector_load %arg8[%swap3A_765, %swap3A_766, %swap3A_767, %swap3A_768] {strides = array<i32>} : memref<4x16x8x64xf32, #tpu.memory_space<vmem>>, vector<1x1x1x16xf32>,
        %swap3A_770 = vector.shape_cast %swap3A_769 : vector<1x1x1x16xf32> to vector<16xf32>
        %swap3A_771 = vector.shape_cast %mul3A_762 : vector<16xf32> to vector<1x1x1x16xf32>
        tpu.vector_store %arg8[%swap3A_765, %swap3A_766, %swap3A_767, %swap3A_768], %swap3A_771 {strides = array<i32>} : memref<4x16x8x64xf32, #tpu.memory_space<vmem>>, vector<1x1x1x16xf32>,
        %mul3A_772 = arith.constant 8 : i32
        %mul3A_773 = arith.muli %add3A_592, %mul3A_772 : i32
        %add3A_774 = arith.constant 2 : i32
        %add3A_775 = arith.addi %mul3A_773, %add3A_774 : i32
        %get3A_776 = arith.constant 0 : i32
        %get3A_777 = arith.index_cast %get3A_776 : i32 to index
        %get3A_778 = arith.index_cast %add3A_775 : i32 to index
        %get3A_779 = arith.constant 16 : index
        %get3A_780 = tpu.vector_load %arg7[%get3A_777, %get3A_778, %get3A_779] {strides = array<i32>} : memref<4x128x64xf32, #tpu.memory_space<vmem>>, vector<1x1x16xf32>,
        %get3A_781 = vector.shape_cast %get3A_780 : vector<1x1x16xf32> to vector<16xf32>
        %mul3A_782 = arith.mulf %get3A_781, %get3A_4 : vector<16xf32>
        %swap3A_783 = arith.constant 0 : i32
        %swap3A_784 = arith.constant 2 : i32
        %swap3A_785 = arith.index_cast %swap3A_783 : i32 to index
        %swap3A_786 = arith.index_cast %add3A_592 : i32 to index
        %swap3A_787 = arith.index_cast %swap3A_784 : i32 to index
        %swap3A_788 = arith.constant 16 : index
        %swap3A_789 = tpu.vector_load %arg8[%swap3A_785, %swap3A_786, %swap3A_787, %swap3A_788] {strides = array<i32>} : memref<4x16x8x64xf32, #tpu.memory_space<vmem>>, vector<1x1x1x16xf32>,
        %swap3A_790 = vector.shape_cast %swap3A_789 : vector<1x1x1x16xf32> to vector<16xf32>
        %swap3A_791 = vector.shape_cast %mul3A_782 : vector<16xf32> to vector<1x1x1x16xf32>
        tpu.vector_store %arg8[%swap3A_785, %swap3A_786, %swap3A_787, %swap3A_788], %swap3A_791 {strides = array<i32>} : memref<4x16x8x64xf32, #tpu.memory_space<vmem>>, vector<1x1x1x16xf32>,
        %mul3A_792 = arith.constant 8 : i32
        %mul3A_793 = arith.muli %add3A_592, %mul3A_792 : i32
        %add3A_794 = arith.constant 2 : i32
        %add3A_795 = arith.addi %mul3A_793, %add3A_794 : i32
        %get3A_796 = arith.constant 0 : i32
        %get3A_797 = arith.index_cast %get3A_796 : i32 to index
        %get3A_798 = arith.index_cast %add3A_795 : i32 to index
        %get3A_799 = arith.constant 32 : index
        %get3A_800 = tpu.vector_load %arg7[%get3A_797, %get3A_798, %get3A_799] {strides = array<i32>} : memref<4x128x64xf32, #tpu.memory_space<vmem>>, vector<1x1x16xf32>,
        %get3A_801 = vector.shape_cast %get3A_800 : vector<1x1x16xf32> to vector<16xf32>
        %mul3A_802 = arith.mulf %get3A_801, %get3A_4 : vector<16xf32>
        %swap3A_803 = arith.constant 0 : i32
        %swap3A_804 = arith.constant 2 : i32
        %swap3A_805 = arith.index_cast %swap3A_803 : i32 to index
        %swap3A_806 = arith.index_cast %add3A_592 : i32 to index
        %swap3A_807 = arith.index_cast %swap3A_804 : i32 to index
        %swap3A_808 = arith.constant 32 : index
        %swap3A_809 = tpu.vector_load %arg8[%swap3A_805, %swap3A_806, %swap3A_807, %swap3A_808] {strides = array<i32>} : memref<4x16x8x64xf32, #tpu.memory_space<vmem>>, vector<1x1x1x16xf32>,
        %swap3A_810 = vector.shape_cast %swap3A_809 : vector<1x1x1x16xf32> to vector<16xf32>
        %swap3A_811 = vector.shape_cast %mul3A_802 : vector<16xf32> to vector<1x1x1x16xf32>
        tpu.vector_store %arg8[%swap3A_805, %swap3A_806, %swap3A_807, %swap3A_808], %swap3A_811 {strides = array<i32>} : memref<4x16x8x64xf32, #tpu.memory_space<vmem>>, vector<1x1x1x16xf32>,
        %mul3A_812 = arith.constant 8 : i32
        %mul3A_813 = arith.muli %add3A_592, %mul3A_812 : i32
        %add3A_814 = arith.constant 2 : i32
        %add3A_815 = arith.addi %mul3A_813, %add3A_814 : i32
        %get3A_816 = arith.constant 0 : i32
        %get3A_817 = arith.index_cast %get3A_816 : i32 to index
        %get3A_818 = arith.index_cast %add3A_815 : i32 to index
        %get3A_819 = arith.constant 48 : index
        %get3A_820 = tpu.vector_load %arg7[%get3A_817, %get3A_818, %get3A_819] {strides = array<i32>} : memref<4x128x64xf32, #tpu.memory_space<vmem>>, vector<1x1x16xf32>,
        %get3A_821 = vector.shape_cast %get3A_820 : vector<1x1x16xf32> to vector<16xf32>
        %mul3A_822 = arith.mulf %get3A_821, %get3A_4 : vector<16xf32>
        %swap3A_823 = arith.constant 0 : i32
        %swap3A_824 = arith.constant 2 : i32
        %swap3A_825 = arith.index_cast %swap3A_823 : i32 to index
        %swap3A_826 = arith.index_cast %add3A_592 : i32 to index
        %swap3A_827 = arith.index_cast %swap3A_824 : i32 to index
        %swap3A_828 = arith.constant 48 : index
        %swap3A_829 = tpu.vector_load %arg8[%swap3A_825, %swap3A_826, %swap3A_827, %swap3A_828] {strides = array<i32>} : memref<4x16x8x64xf32, #tpu.memory_space<vmem>>, vector<1x1x1x16xf32>,
        %swap3A_830 = vector.shape_cast %swap3A_829 : vector<1x1x1x16xf32> to vector<16xf32>
        %swap3A_831 = vector.shape_cast %mul3A_822 : vector<16xf32> to vector<1x1x1x16xf32>
        tpu.vector_store %arg8[%swap3A_825, %swap3A_826, %swap3A_827, %swap3A_828], %swap3A_831 {strides = array<i32>} : memref<4x16x8x64xf32, #tpu.memory_space<vmem>>, vector<1x1x1x16xf32>,
        %mul3A_832 = arith.constant 8 : i32
        %mul3A_833 = arith.muli %add3A_592, %mul3A_832 : i32
        %add3A_834 = arith.constant 3 : i32
        %add3A_835 = arith.addi %mul3A_833, %add3A_834 : i32
        %get3A_836 = arith.constant 0 : i32
        %get3A_837 = arith.index_cast %get3A_836 : i32 to index
        %get3A_838 = arith.index_cast %add3A_835 : i32 to index
        %get3A_839 = arith.constant 0 : index
        %get3A_840 = tpu.vector_load %arg7[%get3A_837, %get3A_838, %get3A_839] {strides = array<i32>} : memref<4x128x64xf32, #tpu.memory_space<vmem>>, vector<1x1x16xf32>,
        %get3A_841 = vector.shape_cast %get3A_840 : vector<1x1x16xf32> to vector<16xf32>
        %mul3A_842 = arith.mulf %get3A_841, %get3A_4 : vector<16xf32>
        %swap3A_843 = arith.constant 0 : i32
        %swap3A_844 = arith.constant 3 : i32
        %swap3A_845 = arith.index_cast %swap3A_843 : i32 to index
        %swap3A_846 = arith.index_cast %add3A_592 : i32 to index
        %swap3A_847 = arith.index_cast %swap3A_844 : i32 to index
        %swap3A_848 = arith.constant 0 : index
        %swap3A_849 = tpu.vector_load %arg8[%swap3A_845, %swap3A_846, %swap3A_847, %swap3A_848] {strides = array<i32>} : memref<4x16x8x64xf32, #tpu.memory_space<vmem>>, vector<1x1x1x16xf32>,
        %swap3A_850 = vector.shape_cast %swap3A_849 : vector<1x1x1x16xf32> to vector<16xf32>
        %swap3A_851 = vector.shape_cast %mul3A_842 : vector<16xf32> to vector<1x1x1x16xf32>
        tpu.vector_store %arg8[%swap3A_845, %swap3A_846, %swap3A_847, %swap3A_848], %swap3A_851 {strides = array<i32>} : memref<4x16x8x64xf32, #tpu.memory_space<vmem>>, vector<1x1x1x16xf32>,
        %mul3A_852 = arith.constant 8 : i32
        %mul3A_853 = arith.muli %add3A_592, %mul3A_852 : i32
        %add3A_854 = arith.constant 3 : i32
        %add3A_855 = arith.addi %mul3A_853, %add3A_854 : i32
        %get3A_856 = arith.constant 0 : i32
        %get3A_857 = arith.index_cast %get3A_856 : i32 to index
        %get3A_858 = arith.index_cast %add3A_855 : i32 to index
        %get3A_859 = arith.constant 16 : index
        %get3A_860 = tpu.vector_load %arg7[%get3A_857, %get3A_858, %get3A_859] {strides = array<i32>} : memref<4x128x64xf32, #tpu.memory_space<vmem>>, vector<1x1x16xf32>,
        %get3A_861 = vector.shape_cast %get3A_860 : vector<1x1x16xf32> to vector<16xf32>
        %mul3A_862 = arith.mulf %get3A_861, %get3A_4 : vector<16xf32>
        %swap3A_863 = arith.constant 0 : i32
        %swap3A_864 = arith.constant 3 : i32
        %swap3A_865 = arith.index_cast %swap3A_863 : i32 to index
        %swap3A_866 = arith.index_cast %add3A_592 : i32 to index
        %swap3A_867 = arith.index_cast %swap3A_864 : i32 to index
        %swap3A_868 = arith.constant 16 : index
        %swap3A_869 = tpu.vector_load %arg8[%swap3A_865, %swap3A_866, %swap3A_867, %swap3A_868] {strides = array<i32>} : memref<4x16x8x64xf32, #tpu.memory_space<vmem>>, vector<1x1x1x16xf32>,
        %swap3A_870 = vector.shape_cast %swap3A_869 : vector<1x1x1x16xf32> to vector<16xf32>
        %swap3A_871 = vector.shape_cast %mul3A_862 : vector<16xf32> to vector<1x1x1x16xf32>
        tpu.vector_store %arg8[%swap3A_865, %swap3A_866, %swap3A_867, %swap3A_868], %swap3A_871 {strides = array<i32>} : memref<4x16x8x64xf32, #tpu.memory_space<vmem>>, vector<1x1x1x16xf32>,
        %mul3A_872 = arith.constant 8 : i32
        %mul3A_873 = arith.muli %add3A_592, %mul3A_872 : i32
        %add3A_874 = arith.constant 3 : i32
        %add3A_875 = arith.addi %mul3A_873, %add3A_874 : i32
        %get3A_876 = arith.constant 0 : i32
        %get3A_877 = arith.index_cast %get3A_876 : i32 to index
        %get3A_878 = arith.index_cast %add3A_875 : i32 to index
        %get3A_879 = arith.constant 32 : index
        %get3A_880 = tpu.vector_load %arg7[%get3A_877, %get3A_878, %get3A_879] {strides = array<i32>} : memref<4x128x64xf32, #tpu.memory_space<vmem>>, vector<1x1x16xf32>,
        %get3A_881 = vector.shape_cast %get3A_880 : vector<1x1x16xf32> to vector<16xf32>
        %mul3A_882 = arith.mulf %get3A_881, %get3A_4 : vector<16xf32>
        %swap3A_883 = arith.constant 0 : i32
        %swap3A_884 = arith.constant 3 : i32
        %swap3A_885 = arith.index_cast %swap3A_883 : i32 to index
        %swap3A_886 = arith.index_cast %add3A_592 : i32 to index
        %swap3A_887 = arith.index_cast %swap3A_884 : i32 to index
        %swap3A_888 = arith.constant 32 : index
        %swap3A_889 = tpu.vector_load %arg8[%swap3A_885, %swap3A_886, %swap3A_887, %swap3A_888] {strides = array<i32>} : memref<4x16x8x64xf32, #tpu.memory_space<vmem>>, vector<1x1x1x16xf32>,
        %swap3A_890 = vector.shape_cast %swap3A_889 : vector<1x1x1x16xf32> to vector<16xf32>
        %swap3A_891 = vector.shape_cast %mul3A_882 : vector<16xf32> to vector<1x1x1x16xf32>
        tpu.vector_store %arg8[%swap3A_885, %swap3A_886, %swap3A_887, %swap3A_888], %swap3A_891 {strides = array<i32>} : memref<4x16x8x64xf32, #tpu.memory_space<vmem>>, vector<1x1x1x16xf32>,
        %mul3A_892 = arith.constant 8 : i32
        %mul3A_893 = arith.muli %add3A_592, %mul3A_892 : i32
        %add3A_894 = arith.constant 3 : i32
        %add3A_895 = arith.addi %mul3A_893, %add3A_894 : i32
        %get3A_896 = arith.constant 0 : i32
        %get3A_897 = arith.index_cast %get3A_896 : i32 to index
        %get3A_898 = arith.index_cast %add3A_895 : i32 to index
        %get3A_899 = arith.constant 48 : index
        %get3A_900 = tpu.vector_load %arg7[%get3A_897, %get3A_898, %get3A_899] {strides = array<i32>} : memref<4x128x64xf32, #tpu.memory_space<vmem>>, vector<1x1x16xf32>,
        %get3A_901 = vector.shape_cast %get3A_900 : vector<1x1x16xf32> to vector<16xf32>
        %mul3A_902 = arith.mulf %get3A_901, %get3A_4 : vector<16xf32>
        %swap3A_903 = arith.constant 0 : i32
        %swap3A_904 = arith.constant 3 : i32
        %swap3A_905 = arith.index_cast %swap3A_903 : i32 to index
        %swap3A_906 = arith.index_cast %add3A_592 : i32 to index
        %swap3A_907 = arith.index_cast %swap3A_904 : i32 to index
        %swap3A_908 = arith.constant 48 : index
        %swap3A_909 = tpu.vector_load %arg8[%swap3A_905, %swap3A_906, %swap3A_907, %swap3A_908] {strides = array<i32>} : memref<4x16x8x64xf32, #tpu.memory_space<vmem>>, vector<1x1x1x16xf32>,
        %swap3A_910 = vector.shape_cast %swap3A_909 : vector<1x1x1x16xf32> to vector<16xf32>
        %swap3A_911 = vector.shape_cast %mul3A_902 : vector<16xf32> to vector<1x1x1x16xf32>
        tpu.vector_store %arg8[%swap3A_905, %swap3A_906, %swap3A_907, %swap3A_908], %swap3A_911 {strides = array<i32>} : memref<4x16x8x64xf32, #tpu.memory_space<vmem>>, vector<1x1x1x16xf32>,
        %mul3A_912 = arith.constant 8 : i32
        %mul3A_913 = arith.muli %add3A_592, %mul3A_912 : i32
        %add3A_914 = arith.constant 4 : i32
        %add3A_915 = arith.addi %mul3A_913, %add3A_914 : i32
        %get3A_916 = arith.constant 0 : i32
        %get3A_917 = arith.index_cast %get3A_916 : i32 to index
        %get3A_918 = arith.index_cast %add3A_915 : i32 to index
        %get3A_919 = arith.constant 0 : index
        %get3A_920 = tpu.vector_load %arg7[%get3A_917, %get3A_918, %get3A_919] {strides = array<i32>} : memref<4x128x64xf32, #tpu.memory_space<vmem>>, vector<1x1x16xf32>,
        %get3A_921 = vector.shape_cast %get3A_920 : vector<1x1x16xf32> to vector<16xf32>
        %mul3A_922 = arith.mulf %get3A_921, %get3A_4 : vector<16xf32>
        %swap3A_923 = arith.constant 0 : i32
        %swap3A_924 = arith.constant 4 : i32
        %swap3A_925 = arith.index_cast %swap3A_923 : i32 to index
        %swap3A_926 = arith.index_cast %add3A_592 : i32 to index
        %swap3A_927 = arith.index_cast %swap3A_924 : i32 to index
        %swap3A_928 = arith.constant 0 : index
        %swap3A_929 = tpu.vector_load %arg8[%swap3A_925, %swap3A_926, %swap3A_927, %swap3A_928] {strides = array<i32>} : memref<4x16x8x64xf32, #tpu.memory_space<vmem>>, vector<1x1x1x16xf32>,
        %swap3A_930 = vector.shape_cast %swap3A_929 : vector<1x1x1x16xf32> to vector<16xf32>
        %swap3A_931 = vector.shape_cast %mul3A_922 : vector<16xf32> to vector<1x1x1x16xf32>
        tpu.vector_store %arg8[%swap3A_925, %swap3A_926, %swap3A_927, %swap3A_928], %swap3A_931 {strides = array<i32>} : memref<4x16x8x64xf32, #tpu.memory_space<vmem>>, vector<1x1x1x16xf32>,
        %mul3A_932 = arith.constant 8 : i32
        %mul3A_933 = arith.muli %add3A_592, %mul3A_932 : i32
        %add3A_934 = arith.constant 4 : i32
        %add3A_935 = arith.addi %mul3A_933, %add3A_934 : i32
        %get3A_936 = arith.constant 0 : i32
        %get3A_937 = arith.index_cast %get3A_936 : i32 to index
        %get3A_938 = arith.index_cast %add3A_935 : i32 to index
        %get3A_939 = arith.constant 16 : index
        %get3A_940 = tpu.vector_load %arg7[%get3A_937, %get3A_938, %get3A_939] {strides = array<i32>} : memref<4x128x64xf32, #tpu.memory_space<vmem>>, vector<1x1x16xf32>,
        %get3A_941 = vector.shape_cast %get3A_940 : vector<1x1x16xf32> to vector<16xf32>
        %mul3A_942 = arith.mulf %get3A_941, %get3A_4 : vector<16xf32>
        %swap3A_943 = arith.constant 0 : i32
        %swap3A_944 = arith.constant 4 : i32
        %swap3A_945 = arith.index_cast %swap3A_943 : i32 to index
        %swap3A_946 = arith.index_cast %add3A_592 : i32 to index
        %swap3A_947 = arith.index_cast %swap3A_944 : i32 to index
        %swap3A_948 = arith.constant 16 : index
        %swap3A_949 = tpu.vector_load %arg8[%swap3A_945, %swap3A_946, %swap3A_947, %swap3A_948] {strides = array<i32>} : memref<4x16x8x64xf32, #tpu.memory_space<vmem>>, vector<1x1x1x16xf32>,
        %swap3A_950 = vector.shape_cast %swap3A_949 : vector<1x1x1x16xf32> to vector<16xf32>
        %swap3A_951 = vector.shape_cast %mul3A_942 : vector<16xf32> to vector<1x1x1x16xf32>
        tpu.vector_store %arg8[%swap3A_945, %swap3A_946, %swap3A_947, %swap3A_948], %swap3A_951 {strides = array<i32>} : memref<4x16x8x64xf32, #tpu.memory_space<vmem>>, vector<1x1x1x16xf32>,
        %mul3A_952 = arith.constant 8 : i32
        %mul3A_953 = arith.muli %add3A_592, %mul3A_952 : i32
        %add3A_954 = arith.constant 4 : i32
        %add3A_955 = arith.addi %mul3A_953, %add3A_954 : i32
        %get3A_956 = arith.constant 0 : i32
        %get3A_957 = arith.index_cast %get3A_956 : i32 to index
        %get3A_958 = arith.index_cast %add3A_955 : i32 to index
        %get3A_959 = arith.constant 32 : index
        %get3A_960 = tpu.vector_load %arg7[%get3A_957, %get3A_958, %get3A_959] {strides = array<i32>} : memref<4x128x64xf32, #tpu.memory_space<vmem>>, vector<1x1x16xf32>,
        %get3A_961 = vector.shape_cast %get3A_960 : vector<1x1x16xf32> to vector<16xf32>
        %mul3A_962 = arith.mulf %get3A_961, %get3A_4 : vector<16xf32>
        %swap3A_963 = arith.constant 0 : i32
        %swap3A_964 = arith.constant 4 : i32
        %swap3A_965 = arith.index_cast %swap3A_963 : i32 to index
        %swap3A_966 = arith.index_cast %add3A_592 : i32 to index
        %swap3A_967 = arith.index_cast %swap3A_964 : i32 to index
        %swap3A_968 = arith.constant 32 : index
        %swap3A_969 = tpu.vector_load %arg8[%swap3A_965, %swap3A_966, %swap3A_967, %swap3A_968] {strides = array<i32>} : memref<4x16x8x64xf32, #tpu.memory_space<vmem>>, vector<1x1x1x16xf32>,
        %swap3A_970 = vector.shape_cast %swap3A_969 : vector<1x1x1x16xf32> to vector<16xf32>
        %swap3A_971 = vector.shape_cast %mul3A_962 : vector<16xf32> to vector<1x1x1x16xf32>
        tpu.vector_store %arg8[%swap3A_965, %swap3A_966, %swap3A_967, %swap3A_968], %swap3A_971 {strides = array<i32>} : memref<4x16x8x64xf32, #tpu.memory_space<vmem>>, vector<1x1x1x16xf32>,
        %mul3A_972 = arith.constant 8 : i32
        %mul3A_973 = arith.muli %add3A_592, %mul3A_972 : i32
        %add3A_974 = arith.constant 4 : i32
        %add3A_975 = arith.addi %mul3A_973, %add3A_974 : i32
        %get3A_976 = arith.constant 0 : i32
        %get3A_977 = arith.index_cast %get3A_976 : i32 to index
        %get3A_978 = arith.index_cast %add3A_975 : i32 to index
        %get3A_979 = arith.constant 48 : index
        %get3A_980 = tpu.vector_load %arg7[%get3A_977, %get3A_978, %get3A_979] {strides = array<i32>} : memref<4x128x64xf32, #tpu.memory_space<vmem>>, vector<1x1x16xf32>,
        %get3A_981 = vector.shape_cast %get3A_980 : vector<1x1x16xf32> to vector<16xf32>
        %mul3A_982 = arith.mulf %get3A_981, %get3A_4 : vector<16xf32>
        %swap3A_983 = arith.constant 0 : i32
        %swap3A_984 = arith.constant 4 : i32
        %swap3A_985 = arith.index_cast %swap3A_983 : i32 to index
        %swap3A_986 = arith.index_cast %add3A_592 : i32 to index
        %swap3A_987 = arith.index_cast %swap3A_984 : i32 to index
        %swap3A_988 = arith.constant 48 : index
        %swap3A_989 = tpu.vector_load %arg8[%swap3A_985, %swap3A_986, %swap3A_987, %swap3A_988] {strides = array<i32>} : memref<4x16x8x64xf32, #tpu.memory_space<vmem>>, vector<1x1x1x16xf32>,
        %swap3A_990 = vector.shape_cast %swap3A_989 : vector<1x1x1x16xf32> to vector<16xf32>
        %swap3A_991 = vector.shape_cast %mul3A_982 : vector<16xf32> to vector<1x1x1x16xf32>
        tpu.vector_store %arg8[%swap3A_985, %swap3A_986, %swap3A_987, %swap3A_988], %swap3A_991 {strides = array<i32>} : memref<4x16x8x64xf32, #tpu.memory_space<vmem>>, vector<1x1x1x16xf32>,
        %mul3A_992 = arith.constant 8 : i32
        %mul3A_993 = arith.muli %add3A_592, %mul3A_992 : i32
        %add3A_994 = arith.constant 5 : i32
        %add3A_995 = arith.addi %mul3A_993, %add3A_994 : i32
        %get3A_996 = arith.constant 0 : i32
        %get3A_997 = arith.index_cast %get3A_996 : i32 to index
        %get3A_998 = arith.index_cast %add3A_995 : i32 to index
        %get3A_999 = arith.constant 0 : index
        %get3A_1000 = tpu.vector_load %arg7[%get3A_997, %get3A_998, %get3A_999] {strides = array<i32>} : memref<4x128x64xf32, #tpu.memory_space<vmem>>, vector<1x1x16xf32>,
        %get3A_1001 = vector.shape_cast %get3A_1000 : vector<1x1x16xf32> to vector<16xf32>
        %mul3A_1002 = arith.mulf %get3A_1001, %get3A_4 : vector<16xf32>
        %swap3A_1003 = arith.constant 0 : i32
        %swap3A_1004 = arith.constant 5 : i32
        %swap3A_1005 = arith.index_cast %swap3A_1003 : i32 to index
        %swap3A_1006 = arith.index_cast %add3A_592 : i32 to index
        %swap3A_1007 = arith.index_cast %swap3A_1004 : i32 to index
        %swap3A_1008 = arith.constant 0 : index
        %swap3A_1009 = tpu.vector_load %arg8[%swap3A_1005, %swap3A_1006, %swap3A_1007, %swap3A_1008] {strides = array<i32>} : memref<4x16x8x64xf32, #tpu.memory_space<vmem>>, vector<1x1x1x16xf32>,
        %swap3A_1010 = vector.shape_cast %swap3A_1009 : vector<1x1x1x16xf32> to vector<16xf32>
        %swap3A_1011 = vector.shape_cast %mul3A_1002 : vector<16xf32> to vector<1x1x1x16xf32>
        tpu.vector_store %arg8[%swap3A_1005, %swap3A_1006, %swap3A_1007, %swap3A_1008], %swap3A_1011 {strides = array<i32>} : memref<4x16x8x64xf32, #tpu.memory_space<vmem>>, vector<1x1x1x16xf32>,
        %mul3A_1012 = arith.constant 8 : i32
        %mul3A_1013 = arith.muli %add3A_592, %mul3A_1012 : i32
        %add3A_1014 = arith.constant 5 : i32
        %add3A_1015 = arith.addi %mul3A_1013, %add3A_1014 : i32
        %get3A_1016 = arith.constant 0 : i32
        %get3A_1017 = arith.index_cast %get3A_1016 : i32 to index
        %get3A_1018 = arith.index_cast %add3A_1015 : i32 to index
        %get3A_1019 = arith.constant 16 : index
        %get3A_1020 = tpu.vector_load %arg7[%get3A_1017, %get3A_1018, %get3A_1019] {strides = array<i32>} : memref<4x128x64xf32, #tpu.memory_space<vmem>>, vector<1x1x16xf32>,
        %get3A_1021 = vector.shape_cast %get3A_1020 : vector<1x1x16xf32> to vector<16xf32>
        %mul3A_1022 = arith.mulf %get3A_1021, %get3A_4 : vector<16xf32>
        %swap3A_1023 = arith.constant 0 : i32
        %swap3A_1024 = arith.constant 5 : i32
        %swap3A_1025 = arith.index_cast %swap3A_1023 : i32 to index
        %swap3A_1026 = arith.index_cast %add3A_592 : i32 to index
        %swap3A_1027 = arith.index_cast %swap3A_1024 : i32 to index
        %swap3A_1028 = arith.constant 16 : index
        %swap3A_1029 = tpu.vector_load %arg8[%swap3A_1025, %swap3A_1026, %swap3A_1027, %swap3A_1028] {strides = array<i32>} : memref<4x16x8x64xf32, #tpu.memory_space<vmem>>, vector<1x1x1x16xf32>,
        %swap3A_1030 = vector.shape_cast %swap3A_1029 : vector<1x1x1x16xf32> to vector<16xf32>
        %swap3A_1031 = vector.shape_cast %mul3A_1022 : vector<16xf32> to vector<1x1x1x16xf32>
        tpu.vector_store %arg8[%swap3A_1025, %swap3A_1026, %swap3A_1027, %swap3A_1028], %swap3A_1031 {strides = array<i32>} : memref<4x16x8x64xf32, #tpu.memory_space<vmem>>, vector<1x1x1x16xf32>,
        %mul3A_1032 = arith.constant 8 : i32
        %mul3A_1033 = arith.muli %add3A_592, %mul3A_1032 : i32
        %add3A_1034 = arith.constant 5 : i32
        %add3A_1035 = arith.addi %mul3A_1033, %add3A_1034 : i32
        %get3A_1036 = arith.constant 0 : i32
        %get3A_1037 = arith.index_cast %get3A_1036 : i32 to index
        %get3A_1038 = arith.index_cast %add3A_1035 : i32 to index
        %get3A_1039 = arith.constant 32 : index
        %get3A_1040 = tpu.vector_load %arg7[%get3A_1037, %get3A_1038, %get3A_1039] {strides = array<i32>} : memref<4x128x64xf32, #tpu.memory_space<vmem>>, vector<1x1x16xf32>,
        %get3A_1041 = vector.shape_cast %get3A_1040 : vector<1x1x16xf32> to vector<16xf32>
        %mul3A_1042 = arith.mulf %get3A_1041, %get3A_4 : vector<16xf32>
        %swap3A_1043 = arith.constant 0 : i32
        %swap3A_1044 = arith.constant 5 : i32
        %swap3A_1045 = arith.index_cast %swap3A_1043 : i32 to index
        %swap3A_1046 = arith.index_cast %add3A_592 : i32 to index
        %swap3A_1047 = arith.index_cast %swap3A_1044 : i32 to index
        %swap3A_1048 = arith.constant 32 : index
        %swap3A_1049 = tpu.vector_load %arg8[%swap3A_1045, %swap3A_1046, %swap3A_1047, %swap3A_1048] {strides = array<i32>} : memref<4x16x8x64xf32, #tpu.memory_space<vmem>>, vector<1x1x1x16xf32>,
        %swap3A_1050 = vector.shape_cast %swap3A_1049 : vector<1x1x1x16xf32> to vector<16xf32>
        %swap3A_1051 = vector.shape_cast %mul3A_1042 : vector<16xf32> to vector<1x1x1x16xf32>
        tpu.vector_store %arg8[%swap3A_1045, %swap3A_1046, %swap3A_1047, %swap3A_1048], %swap3A_1051 {strides = array<i32>} : memref<4x16x8x64xf32, #tpu.memory_space<vmem>>, vector<1x1x1x16xf32>,
        %mul3A_1052 = arith.constant 8 : i32
        %mul3A_1053 = arith.muli %add3A_592, %mul3A_1052 : i32
        %add3A_1054 = arith.constant 5 : i32
        %add3A_1055 = arith.addi %mul3A_1053, %add3A_1054 : i32
        %get3A_1056 = arith.constant 0 : i32
        %get3A_1057 = arith.index_cast %get3A_1056 : i32 to index
        %get3A_1058 = arith.index_cast %add3A_1055 : i32 to index
        %get3A_1059 = arith.constant 48 : index
        %get3A_1060 = tpu.vector_load %arg7[%get3A_1057, %get3A_1058, %get3A_1059] {strides = array<i32>} : memref<4x128x64xf32, #tpu.memory_space<vmem>>, vector<1x1x16xf32>,
        %get3A_1061 = vector.shape_cast %get3A_1060 : vector<1x1x16xf32> to vector<16xf32>
        %mul3A_1062 = arith.mulf %get3A_1061, %get3A_4 : vector<16xf32>
        %swap3A_1063 = arith.constant 0 : i32
        %swap3A_1064 = arith.constant 5 : i32
        %swap3A_1065 = arith.index_cast %swap3A_1063 : i32 to index
        %swap3A_1066 = arith.index_cast %add3A_592 : i32 to index
        %swap3A_1067 = arith.index_cast %swap3A_1064 : i32 to index
        %swap3A_1068 = arith.constant 48 : index
        %swap3A_1069 = tpu.vector_load %arg8[%swap3A_1065, %swap3A_1066, %swap3A_1067, %swap3A_1068] {strides = array<i32>} : memref<4x16x8x64xf32, #tpu.memory_space<vmem>>, vector<1x1x1x16xf32>,
        %swap3A_1070 = vector.shape_cast %swap3A_1069 : vector<1x1x1x16xf32> to vector<16xf32>
        %swap3A_1071 = vector.shape_cast %mul3A_1062 : vector<16xf32> to vector<1x1x1x16xf32>
        tpu.vector_store %arg8[%swap3A_1065, %swap3A_1066, %swap3A_1067, %swap3A_1068], %swap3A_1071 {strides = array<i32>} : memref<4x16x8x64xf32, #tpu.memory_space<vmem>>, vector<1x1x1x16xf32>,
        %mul3A_1072 = arith.constant 8 : i32
        %mul3A_1073 = arith.muli %add3A_592, %mul3A_1072 : i32
        %add3A_1074 = arith.constant 6 : i32
        %add3A_1075 = arith.addi %mul3A_1073, %add3A_1074 : i32
        %get3A_1076 = arith.constant 0 : i32
        %get3A_1077 = arith.index_cast %get3A_1076 : i32 to index
        %get3A_1078 = arith.index_cast %add3A_1075 : i32 to index
        %get3A_1079 = arith.constant 0 : index
        %get3A_1080 = tpu.vector_load %arg7[%get3A_1077, %get3A_1078, %get3A_1079] {strides = array<i32>} : memref<4x128x64xf32, #tpu.memory_space<vmem>>, vector<1x1x16xf32>,
        %get3A_1081 = vector.shape_cast %get3A_1080 : vector<1x1x16xf32> to vector<16xf32>
        %mul3A_1082 = arith.mulf %get3A_1081, %get3A_4 : vector<16xf32>
        %swap3A_1083 = arith.constant 0 : i32
        %swap3A_1084 = arith.constant 6 : i32
        %swap3A_1085 = arith.index_cast %swap3A_1083 : i32 to index
        %swap3A_1086 = arith.index_cast %add3A_592 : i32 to index
        %swap3A_1087 = arith.index_cast %swap3A_1084 : i32 to index
        %swap3A_1088 = arith.constant 0 : index
        %swap3A_1089 = tpu.vector_load %arg8[%swap3A_1085, %swap3A_1086, %swap3A_1087, %swap3A_1088] {strides = array<i32>} : memref<4x16x8x64xf32, #tpu.memory_space<vmem>>, vector<1x1x1x16xf32>,
        %swap3A_1090 = vector.shape_cast %swap3A_1089 : vector<1x1x1x16xf32> to vector<16xf32>
        %swap3A_1091 = vector.shape_cast %mul3A_1082 : vector<16xf32> to vector<1x1x1x16xf32>
        tpu.vector_store %arg8[%swap3A_1085, %swap3A_1086, %swap3A_1087, %swap3A_1088], %swap3A_1091 {strides = array<i32>} : memref<4x16x8x64xf32, #tpu.memory_space<vmem>>, vector<1x1x1x16xf32>,
        %mul3A_1092 = arith.constant 8 : i32
        %mul3A_1093 = arith.muli %add3A_592, %mul3A_1092 : i32
        %add3A_1094 = arith.constant 6 : i32
        %add3A_1095 = arith.addi %mul3A_1093, %add3A_1094 : i32
        %get3A_1096 = arith.constant 0 : i32
        %get3A_1097 = arith.index_cast %get3A_1096 : i32 to index
        %get3A_1098 = arith.index_cast %add3A_1095 : i32 to index
        %get3A_1099 = arith.constant 16 : index
        %get3A_1100 = tpu.vector_load %arg7[%get3A_1097, %get3A_1098, %get3A_1099] {strides = array<i32>} : memref<4x128x64xf32, #tpu.memory_space<vmem>>, vector<1x1x16xf32>,
        %get3A_1101 = vector.shape_cast %get3A_1100 : vector<1x1x16xf32> to vector<16xf32>
        %mul3A_1102 = arith.mulf %get3A_1101, %get3A_4 : vector<16xf32>
        %swap3A_1103 = arith.constant 0 : i32
        %swap3A_1104 = arith.constant 6 : i32
        %swap3A_1105 = arith.index_cast %swap3A_1103 : i32 to index
        %swap3A_1106 = arith.index_cast %add3A_592 : i32 to index
        %swap3A_1107 = arith.index_cast %swap3A_1104 : i32 to index
        %swap3A_1108 = arith.constant 16 : index
        %swap3A_1109 = tpu.vector_load %arg8[%swap3A_1105, %swap3A_1106, %swap3A_1107, %swap3A_1108] {strides = array<i32>} : memref<4x16x8x64xf32, #tpu.memory_space<vmem>>, vector<1x1x1x16xf32>,
        %swap3A_1110 = vector.shape_cast %swap3A_1109 : vector<1x1x1x16xf32> to vector<16xf32>
        %swap3A_1111 = vector.shape_cast %mul3A_1102 : vector<16xf32> to vector<1x1x1x16xf32>
        tpu.vector_store %arg8[%swap3A_1105, %swap3A_1106, %swap3A_1107, %swap3A_1108], %swap3A_1111 {strides = array<i32>} : memref<4x16x8x64xf32, #tpu.memory_space<vmem>>, vector<1x1x1x16xf32>,
        %mul3A_1112 = arith.constant 8 : i32
        %mul3A_1113 = arith.muli %add3A_592, %mul3A_1112 : i32
        %add3A_1114 = arith.constant 6 : i32
        %add3A_1115 = arith.addi %mul3A_1113, %add3A_1114 : i32
        %get3A_1116 = arith.constant 0 : i32
        %get3A_1117 = arith.index_cast %get3A_1116 : i32 to index
        %get3A_1118 = arith.index_cast %add3A_1115 : i32 to index
        %get3A_1119 = arith.constant 32 : index
        %get3A_1120 = tpu.vector_load %arg7[%get3A_1117, %get3A_1118, %get3A_1119] {strides = array<i32>} : memref<4x128x64xf32, #tpu.memory_space<vmem>>, vector<1x1x16xf32>,
        %get3A_1121 = vector.shape_cast %get3A_1120 : vector<1x1x16xf32> to vector<16xf32>
        %mul3A_1122 = arith.mulf %get3A_1121, %get3A_4 : vector<16xf32>
        %swap3A_1123 = arith.constant 0 : i32
        %swap3A_1124 = arith.constant 6 : i32
        %swap3A_1125 = arith.index_cast %swap3A_1123 : i32 to index
        %swap3A_1126 = arith.index_cast %add3A_592 : i32 to index
        %swap3A_1127 = arith.index_cast %swap3A_1124 : i32 to index
        %swap3A_1128 = arith.constant 32 : index
        %swap3A_1129 = tpu.vector_load %arg8[%swap3A_1125, %swap3A_1126, %swap3A_1127, %swap3A_1128] {strides = array<i32>} : memref<4x16x8x64xf32, #tpu.memory_space<vmem>>, vector<1x1x1x16xf32>,
        %swap3A_1130 = vector.shape_cast %swap3A_1129 : vector<1x1x1x16xf32> to vector<16xf32>
        %swap3A_1131 = vector.shape_cast %mul3A_1122 : vector<16xf32> to vector<1x1x1x16xf32>
        tpu.vector_store %arg8[%swap3A_1125, %swap3A_1126, %swap3A_1127, %swap3A_1128], %swap3A_1131 {strides = array<i32>} : memref<4x16x8x64xf32, #tpu.memory_space<vmem>>, vector<1x1x1x16xf32>,
        %mul3A_1132 = arith.constant 8 : i32
        %mul3A_1133 = arith.muli %add3A_592, %mul3A_1132 : i32
        %add3A_1134 = arith.constant 6 : i32
        %add3A_1135 = arith.addi %mul3A_1133, %add3A_1134 : i32
        %get3A_1136 = arith.constant 0 : i32
        %get3A_1137 = arith.index_cast %get3A_1136 : i32 to index
        %get3A_1138 = arith.index_cast %add3A_1135 : i32 to index
        %get3A_1139 = arith.constant 48 : index
        %get3A_1140 = tpu.vector_load %arg7[%get3A_1137, %get3A_1138, %get3A_1139] {strides = array<i32>} : memref<4x128x64xf32, #tpu.memory_space<vmem>>, vector<1x1x16xf32>,
        %get3A_1141 = vector.shape_cast %get3A_1140 : vector<1x1x16xf32> to vector<16xf32>
        %mul3A_1142 = arith.mulf %get3A_1141, %get3A_4 : vector<16xf32>
        %swap3A_1143 = arith.constant 0 : i32
        %swap3A_1144 = arith.constant 6 : i32
        %swap3A_1145 = arith.index_cast %swap3A_1143 : i32 to index
        %swap3A_1146 = arith.index_cast %add3A_592 : i32 to index
        %swap3A_1147 = arith.index_cast %swap3A_1144 : i32 to index
        %swap3A_1148 = arith.constant 48 : index
        %swap3A_1149 = tpu.vector_load %arg8[%swap3A_1145, %swap3A_1146, %swap3A_1147, %swap3A_1148] {strides = array<i32>} : memref<4x16x8x64xf32, #tpu.memory_space<vmem>>, vector<1x1x1x16xf32>,
        %swap3A_1150 = vector.shape_cast %swap3A_1149 : vector<1x1x1x16xf32> to vector<16xf32>
        %swap3A_1151 = vector.shape_cast %mul3A_1142 : vector<16xf32> to vector<1x1x1x16xf32>
        tpu.vector_store %arg8[%swap3A_1145, %swap3A_1146, %swap3A_1147, %swap3A_1148], %swap3A_1151 {strides = array<i32>} : memref<4x16x8x64xf32, #tpu.memory_space<vmem>>, vector<1x1x1x16xf32>,
        %mul3A_1152 = arith.constant 8 : i32
        %mul3A_1153 = arith.muli %add3A_592, %mul3A_1152 : i32
        %add3A_1154 = arith.constant 7 : i32
        %add3A_1155 = arith.addi %mul3A_1153, %add3A_1154 : i32
        %get3A_1156 = arith.constant 0 : i32
        %get3A_1157 = arith.index_cast %get3A_1156 : i32 to index
        %get3A_1158 = arith.index_cast %add3A_1155 : i32 to index
        %get3A_1159 = arith.constant 0 : index
        %get3A_1160 = tpu.vector_load %arg7[%get3A_1157, %get3A_1158, %get3A_1159] {strides = array<i32>} : memref<4x128x64xf32, #tpu.memory_space<vmem>>, vector<1x1x16xf32>,
        %get3A_1161 = vector.shape_cast %get3A_1160 : vector<1x1x16xf32> to vector<16xf32>
        %mul3A_1162 = arith.mulf %get3A_1161, %get3A_4 : vector<16xf32>
        %swap3A_1163 = arith.constant 0 : i32
        %swap3A_1164 = arith.constant 7 : i32
        %swap3A_1165 = arith.index_cast %swap3A_1163 : i32 to index
        %swap3A_1166 = arith.index_cast %add3A_592 : i32 to index
        %swap3A_1167 = arith.index_cast %swap3A_1164 : i32 to index
        %swap3A_1168 = arith.constant 0 : index
        %swap3A_1169 = tpu.vector_load %arg8[%swap3A_1165, %swap3A_1166, %swap3A_1167, %swap3A_1168] {strides = array<i32>} : memref<4x16x8x64xf32, #tpu.memory_space<vmem>>, vector<1x1x1x16xf32>,
        %swap3A_1170 = vector.shape_cast %swap3A_1169 : vector<1x1x1x16xf32> to vector<16xf32>
        %swap3A_1171 = vector.shape_cast %mul3A_1162 : vector<16xf32> to vector<1x1x1x16xf32>
        tpu.vector_store %arg8[%swap3A_1165, %swap3A_1166, %swap3A_1167, %swap3A_1168], %swap3A_1171 {strides = array<i32>} : memref<4x16x8x64xf32, #tpu.memory_space<vmem>>, vector<1x1x1x16xf32>,
        %mul3A_1172 = arith.constant 8 : i32
        %mul3A_1173 = arith.muli %add3A_592, %mul3A_1172 : i32
        %add3A_1174 = arith.constant 7 : i32
        %add3A_1175 = arith.addi %mul3A_1173, %add3A_1174 : i32
        %get3A_1176 = arith.constant 0 : i32
        %get3A_1177 = arith.index_cast %get3A_1176 : i32 to index
        %get3A_1178 = arith.index_cast %add3A_1175 : i32 to index
        %get3A_1179 = arith.constant 16 : index
        %get3A_1180 = tpu.vector_load %arg7[%get3A_1177, %get3A_1178, %get3A_1179] {strides = array<i32>} : memref<4x128x64xf32, #tpu.memory_space<vmem>>, vector<1x1x16xf32>,
        %get3A_1181 = vector.shape_cast %get3A_1180 : vector<1x1x16xf32> to vector<16xf32>
        %mul3A_1182 = arith.mulf %get3A_1181, %get3A_4 : vector<16xf32>
        %swap3A_1183 = arith.constant 0 : i32
        %swap3A_1184 = arith.constant 7 : i32
        %swap3A_1185 = arith.index_cast %swap3A_1183 : i32 to index
        %swap3A_1186 = arith.index_cast %add3A_592 : i32 to index
        %swap3A_1187 = arith.index_cast %swap3A_1184 : i32 to index
        %swap3A_1188 = arith.constant 16 : index
        %swap3A_1189 = tpu.vector_load %arg8[%swap3A_1185, %swap3A_1186, %swap3A_1187, %swap3A_1188] {strides = array<i32>} : memref<4x16x8x64xf32, #tpu.memory_space<vmem>>, vector<1x1x1x16xf32>,
        %swap3A_1190 = vector.shape_cast %swap3A_1189 : vector<1x1x1x16xf32> to vector<16xf32>
        %swap3A_1191 = vector.shape_cast %mul3A_1182 : vector<16xf32> to vector<1x1x1x16xf32>
        tpu.vector_store %arg8[%swap3A_1185, %swap3A_1186, %swap3A_1187, %swap3A_1188], %swap3A_1191 {strides = array<i32>} : memref<4x16x8x64xf32, #tpu.memory_space<vmem>>, vector<1x1x1x16xf32>,
        %mul3A_1192 = arith.constant 8 : i32
        %mul3A_1193 = arith.muli %add3A_592, %mul3A_1192 : i32
        %add3A_1194 = arith.constant 7 : i32
        %add3A_1195 = arith.addi %mul3A_1193, %add3A_1194 : i32
        %get3A_1196 = arith.constant 0 : i32
        %get3A_1197 = arith.index_cast %get3A_1196 : i32 to index
        %get3A_1198 = arith.index_cast %add3A_1195 : i32 to index
        %get3A_1199 = arith.constant 32 : index
        %get3A_1200 = tpu.vector_load %arg7[%get3A_1197, %get3A_1198, %get3A_1199] {strides = array<i32>} : memref<4x128x64xf32, #tpu.memory_space<vmem>>, vector<1x1x16xf32>,
        %get3A_1201 = vector.shape_cast %get3A_1200 : vector<1x1x16xf32> to vector<16xf32>
        %mul3A_1202 = arith.mulf %get3A_1201, %get3A_4 : vector<16xf32>
        %swap3A_1203 = arith.constant 0 : i32
        %swap3A_1204 = arith.constant 7 : i32
        %swap3A_1205 = arith.index_cast %swap3A_1203 : i32 to index
        %swap3A_1206 = arith.index_cast %add3A_592 : i32 to index
        %swap3A_1207 = arith.index_cast %swap3A_1204 : i32 to index
        %swap3A_1208 = arith.constant 32 : index
        %swap3A_1209 = tpu.vector_load %arg8[%swap3A_1205, %swap3A_1206, %swap3A_1207, %swap3A_1208] {strides = array<i32>} : memref<4x16x8x64xf32, #tpu.memory_space<vmem>>, vector<1x1x1x16xf32>,
        %swap3A_1210 = vector.shape_cast %swap3A_1209 : vector<1x1x1x16xf32> to vector<16xf32>
        %swap3A_1211 = vector.shape_cast %mul3A_1202 : vector<16xf32> to vector<1x1x1x16xf32>
        tpu.vector_store %arg8[%swap3A_1205, %swap3A_1206, %swap3A_1207, %swap3A_1208], %swap3A_1211 {strides = array<i32>} : memref<4x16x8x64xf32, #tpu.memory_space<vmem>>, vector<1x1x1x16xf32>,
        %mul3A_1212 = arith.constant 8 : i32
        %mul3A_1213 = arith.muli %add3A_592, %mul3A_1212 : i32
        %add3A_1214 = arith.constant 7 : i32
        %add3A_1215 = arith.addi %mul3A_1213, %add3A_1214 : i32
        %get3A_1216 = arith.constant 0 : i32
        %get3A_1217 = arith.index_cast %get3A_1216 : i32 to index
        %get3A_1218 = arith.index_cast %add3A_1215 : i32 to index
        %get3A_1219 = arith.constant 48 : index
        %get3A_1220 = tpu.vector_load %arg7[%get3A_1217, %get3A_1218, %get3A_1219] {strides = array<i32>} : memref<4x128x64xf32, #tpu.memory_space<vmem>>, vector<1x1x16xf32>,
        %get3A_1221 = vector.shape_cast %get3A_1220 : vector<1x1x16xf32> to vector<16xf32>
        %mul3A_1222 = arith.mulf %get3A_1221, %get3A_4 : vector<16xf32>
        %swap3A_1223 = arith.constant 0 : i32
        %swap3A_1224 = arith.constant 7 : i32
        %swap3A_1225 = arith.index_cast %swap3A_1223 : i32 to index
        %swap3A_1226 = arith.index_cast %add3A_592 : i32 to index
        %swap3A_1227 = arith.index_cast %swap3A_1224 : i32 to index
        %swap3A_1228 = arith.constant 48 : index
        %swap3A_1229 = tpu.vector_load %arg8[%swap3A_1225, %swap3A_1226, %swap3A_1227, %swap3A_1228] {strides = array<i32>} : memref<4x16x8x64xf32, #tpu.memory_space<vmem>>, vector<1x1x1x16xf32>,
        %swap3A_1230 = vector.shape_cast %swap3A_1229 : vector<1x1x1x16xf32> to vector<16xf32>
        %swap3A_1231 = vector.shape_cast %mul3A_1222 : vector<16xf32> to vector<1x1x1x16xf32>
        tpu.vector_store %arg8[%swap3A_1225, %swap3A_1226, %swap3A_1227, %swap3A_1228], %swap3A_1231 {strides = array<i32>} : memref<4x16x8x64xf32, #tpu.memory_space<vmem>>, vector<1x1x1x16xf32>,
      }
      %scan3A_288 = arith.constant 16 : i32
      %add3A_289 = arith.constant 1 : i32
      %add3A_290 = arith.addi %add3A_267, %add3A_289 : i32
      %lt3A = arith.constant 50 : i32
      %lt3A_291 = arith.cmpi slt, %add3A_290, %lt3A : i32
      %convert_element_type3A_292 = arith.extui %lt3A_291 : i1 to i32
      %cond3A_293 = arith.constant 0 : i32
      %cond3A_294 = arith.cmpi ne, %convert_element_type3A_292, %cond3A_293 : i32
      scf.if %cond3A_294 {
        %add3A_588 = arith.constant 1 : i32
        %add3A_589 = arith.addi %add3A_267, %add3A_588 : i32
        %dma_start3A_590 = arith.constant 0 : i32
        %dma_start3A_591 = arith.constant 0 : i32
        %dma_start3A_592 = arith.constant 0 : i32
        %dma_start3A_593 = arith.constant 0 : i32
        %dma_start3A_594 = tpu.memref_slice %arg7[%dma_start3A_590, %dma_start3A_592, %dma_start3A_593] : memref<4x128x64xf32, #tpu.memory_space<vmem>> -> memref<1x128x64xf32, #tpu.memory_space<vmem>>
        %dma_start3A_595 = tpu.memref_squeeze %dma_start3A_594 : memref<1x128x64xf32, #tpu.memory_space<vmem>> -> memref<128x64xf32, #tpu.memory_space<vmem>>
        %dma_start3A_596 = arith.constant 0 : i32
        %dma_start3A_597 = tpu.memref_slice %arg6[%add3A_589, %dma_start3A_596] : memref<50x512xi32, #tpu.memory_space<vmem>> -> memref<1x128xi32, #tpu.memory_space<vmem>>
        %dma_start3A_598 = tpu.memref_squeeze %dma_start3A_597 : memref<1x128xi32, #tpu.memory_space<vmem>> -> memref<128xi32, #tpu.memory_space<vmem>>
        %dma_start3A_599 = arith.constant 0 : i32
        %dma_start3A_600 = arith.constant 0 : i32
        %dma_start3A_601 = tpu.memref_slice %arg2[%dma_start3A_599, %dma_start3A_600] : memref<1000000x64xf32, #tpu.memory_space<hbm>> -> memref<1000000x64xf32, #tpu.memory_space<hbm>>
        %dma_start3A_602 = tpu.memref_slice %arg10[%dma_start3A_591] : memref<4x!tpu.dma_semaphore, #tpu.memory_space<semaphore_mem>> -> memref<1x!tpu.dma_semaphore, #tpu.memory_space<semaphore_mem>>
        %dma_start3A_603 = tpu.memref_squeeze %dma_start3A_602 : memref<1x!tpu.dma_semaphore, #tpu.memory_space<semaphore_mem>> -> memref<!tpu.dma_semaphore, #tpu.memory_space<semaphore_mem>>
        tpu.enqueue_indirect_dma source(%dma_start3A_601 : memref<1000000x64xf32, #tpu.memory_space<hbm>>) target(%dma_start3A_595 : memref<128x64xf32, #tpu.memory_space<vmem>>) offsets(%dma_start3A_598 : memref<128xi32, #tpu.memory_space<vmem>>) semaphore(%dma_start3A_603 : memref<!tpu.dma_semaphore, #tpu.memory_space<semaphore_mem>>)
      } else {
      }
      %mul3A_295 = arith.constant 512 : i32
      %mul3A_296 = arith.muli %add3A, %mul3A_295 : i32
      %add3A_297 = arith.constant 0 : i32
      %add3A_298 = arith.addi %mul3A_296, %add3A_297 : i32
      %jit3A_299 = arith.constant 8 : i32
      %div3A_300 = arith.divsi %add3A_298, %jit3A_299 : i32
      %sign3A_301 = arith.constant 0 : i32
      %sign3A_302 = arith.cmpi sgt, %add3A_298, %sign3A_301 : i32
      %sign3A_303 = arith.extui %sign3A_302 : i1 to i32
      %sign3A_304 = arith.constant 0 : i32
      %sign3A_305 = arith.cmpi slt, %add3A_298, %sign3A_304 : i32
      %sign3A_306 = arith.extui %sign3A_305 : i1 to i32
      %sign3A_307 = arith.subi %sign3A_303, %sign3A_306 : i32
      %sign3A_308 = arith.constant 0 : i32
      %sign3A_309 = arith.cmpi sgt, %jit3A_299, %sign3A_308 : i32
      %sign3A_310 = arith.extui %sign3A_309 : i1 to i32
      %sign3A_311 = arith.constant 0 : i32
      %sign3A_312 = arith.cmpi slt, %jit3A_299, %sign3A_311 : i32
      %sign3A_313 = arith.extui %sign3A_312 : i1 to i32
      %sign3A_314 = arith.subi %sign3A_310, %sign3A_313 : i32
      %ne3A_315 = arith.cmpi ne, %sign3A_307, %sign3A_314 : i32
      %rem3A_316 = arith.remsi %add3A_298, %jit3A_299 : i32
      %ne3A_317 = arith.constant 0 : i32
      %ne3A_318 = arith.cmpi ne, %rem3A_316, %ne3A_317 : i32
      %and3A_319 = arith.andi %ne3A_315, %ne3A_318 : i1
      %sub3A_320 = arith.constant 1 : i32
      %sub3A_321 = arith.subi %div3A_300, %sub3A_320 : i32
      %select_n3A_322 = arith.select %and3A_319, %sub3A_321, %div3A_300 : i32
      %dma_start3A_323 = arith.constant 0 : i32
      %dma_start3A_324 = arith.constant 0 : i32
      %dma_start3A_325 = arith.constant 0 : i32
      %dma_start3A_326 = arith.constant 0 : i32
      %dma_start3A_327 = arith.constant 0 : i32
      %dma_start3A_328 = tpu.memref_slice %arg8[%dma_start3A_323, %dma_start3A_325, %dma_start3A_326, %dma_start3A_327] : memref<4x16x8x64xf32, #tpu.memory_space<vmem>> -> memref<1x16x8x64xf32, #tpu.memory_space<vmem>>
      %dma_start3A_329 = tpu.memref_squeeze %dma_start3A_328 : memref<1x16x8x64xf32, #tpu.memory_space<vmem>> -> memref<16x8x64xf32, #tpu.memory_space<vmem>>
      %dma_start3A_330 = arith.constant 0 : i32
      %dma_start3A_331 = arith.constant 0 : i32
      %dma_start3A_332 = tpu.memref_slice %arg5[%add3A_267, %select_n3A_322, %dma_start3A_330, %dma_start3A_331] : memref<50x2048x8x128xf32, #tpu.memory_space<hbm>> -> memref<1x16x8x64xf32, #tpu.memory_space<hbm>>
      %dma_start3A_333 = tpu.memref_squeeze %dma_start3A_332 : memref<1x16x8x64xf32, #tpu.memory_space<hbm>> -> memref<16x8x64xf32, #tpu.memory_space<hbm>>
      %dma_start3A_334 = tpu.memref_slice %arg11[%dma_start3A_324] : memref<4x!tpu.dma_semaphore, #tpu.memory_space<semaphore_mem>> -> memref<1x!tpu.dma_semaphore, #tpu.memory_space<semaphore_mem>>
      %dma_start3A_335 = tpu.memref_squeeze %dma_start3A_334 : memref<1x!tpu.dma_semaphore, #tpu.memory_space<semaphore_mem>> -> memref<!tpu.dma_semaphore, #tpu.memory_space<semaphore_mem>>
      %dma_start3A_336 = arith.constant 0 : i32
      %dma_start3A_337 = arith.constant 0 : i32
      %dma_start3A_338 = tpu.memref_slice %arg5[%add3A_267, %select_n3A_322, %dma_start3A_336, %dma_start3A_337] : memref<50x2048x8x128xf32, #tpu.memory_space<hbm>> -> memref<1x16x8x64xf32, #tpu.memory_space<hbm>>
      %dma_start3A_339 = tpu.memref_squeeze %dma_start3A_338 : memref<1x16x8x64xf32, #tpu.memory_space<hbm>> -> memref<16x8x64xf32, #tpu.memory_space<hbm>>
      %dma_start3A_340 = arith.constant 0 : i32
      %dma_start3A_341 = arith.constant 0 : i32
      %dma_start3A_342 = arith.constant 0 : i32
      %dma_start3A_343 = tpu.memref_slice %arg8[%dma_start3A_323, %dma_start3A_340, %dma_start3A_341, %dma_start3A_342] : memref<4x16x8x64xf32, #tpu.memory_space<vmem>> -> memref<1x16x8x64xf32, #tpu.memory_space<vmem>>
      %dma_start3A_344 = tpu.memref_squeeze %dma_start3A_343 : memref<1x16x8x64xf32, #tpu.memory_space<vmem>> -> memref<16x8x64xf32, #tpu.memory_space<vmem>>
      tpu.enqueue_dma source(%dma_start3A_344 : memref<16x8x64xf32, #tpu.memory_space<vmem>>) target(%dma_start3A_339 : memref<16x8x64xf32, #tpu.memory_space<hbm>>) target_semaphore(%dma_start3A_335 : memref<!tpu.dma_semaphore, #tpu.memory_space<semaphore_mem>>)
      %dma_wait3A_345 = arith.constant 1 : i32
      %dma_wait3A_346 = arith.constant 1 : i32
      %dma_wait3A_347 = arith.constant 0 : i32
      %dma_wait3A_348 = arith.constant 0 : i32
      %dma_wait3A_349 = tpu.memref_slice %arg7[%dma_wait3A_345, %dma_wait3A_347, %dma_wait3A_348] : memref<4x128x64xf32, #tpu.memory_space<vmem>> -> memref<1x128x64xf32, #tpu.memory_space<vmem>>
      %dma_wait3A_350 = tpu.memref_squeeze %dma_wait3A_349 : memref<1x128x64xf32, #tpu.memory_space<vmem>> -> memref<128x64xf32, #tpu.memory_space<vmem>>
      %dma_wait3A_351 = arith.constant 128 : i32
      %dma_wait3A_352 = tpu.memref_slice %arg6[%add3A_267, %dma_wait3A_351] : memref<50x512xi32, #tpu.memory_space<vmem>> -> memref<1x128xi32, #tpu.memory_space<vmem>>
      %dma_wait3A_353 = tpu.memref_squeeze %dma_wait3A_352 : memref<1x128xi32, #tpu.memory_space<vmem>> -> memref<128xi32, #tpu.memory_space<vmem>>
      %dma_wait3A_354 = arith.constant 0 : i32
      %dma_wait3A_355 = arith.constant 0 : i32
      %dma_wait3A_356 = tpu.memref_slice %arg2[%dma_wait3A_354, %dma_wait3A_355] : memref<1000000x64xf32, #tpu.memory_space<hbm>> -> memref<1000000x64xf32, #tpu.memory_space<hbm>>
      %dma_wait3A_357 = tpu.memref_slice %arg10[%dma_wait3A_346] : memref<4x!tpu.dma_semaphore, #tpu.memory_space<semaphore_mem>> -> memref<1x!tpu.dma_semaphore, #tpu.memory_space<semaphore_mem>>
      %dma_wait3A_358 = tpu.memref_squeeze %dma_wait3A_357 : memref<1x!tpu.dma_semaphore, #tpu.memory_space<semaphore_mem>> -> memref<!tpu.dma_semaphore, #tpu.memory_space<semaphore_mem>>
      tpu.wait_indirect_dma semaphore(%dma_wait3A_358 : memref<!tpu.dma_semaphore, #tpu.memory_space<semaphore_mem>>) src(%dma_wait3A_356 : memref<1000000x64xf32, #tpu.memory_space<hbm>>) dst(%dma_wait3A_350 : memref<128x64xf32, #tpu.memory_space<vmem>>)
      %gt3A_359 = arith.constant 0 : i32
      %gt3A_360 = arith.cmpi sgt, %add3A_267, %gt3A_359 : i32
      %convert_element_type3A_361 = arith.extui %gt3A_360 : i1 to i32
      %cond3A_362 = arith.constant 0 : i32
      %cond3A_363 = arith.cmpi ne, %convert_element_type3A_361, %cond3A_362 : i32
      scf.if %cond3A_363 {
        %mul3A_588 = arith.constant 512 : i32
        %mul3A_589 = arith.muli %add3A, %mul3A_588 : i32
        %add3A_590 = arith.constant 128 : i32
        %add3A_591 = arith.addi %mul3A_589, %add3A_590 : i32
        %jit3A_592 = arith.constant 8 : i32
        %div3A_593 = arith.divsi %add3A_591, %jit3A_592 : i32
        %sign3A_594 = arith.constant 0 : i32
        %sign3A_595 = arith.cmpi sgt, %add3A_591, %sign3A_594 : i32
        %sign3A_596 = arith.extui %sign3A_595 : i1 to i32
        %sign3A_597 = arith.constant 0 : i32
        %sign3A_598 = arith.cmpi slt, %add3A_591, %sign3A_597 : i32
        %sign3A_599 = arith.extui %sign3A_598 : i1 to i32
        %sign3A_600 = arith.subi %sign3A_596, %sign3A_599 : i32
        %sign3A_601 = arith.constant 0 : i32
        %sign3A_602 = arith.cmpi sgt, %jit3A_592, %sign3A_601 : i32
        %sign3A_603 = arith.extui %sign3A_602 : i1 to i32
        %sign3A_604 = arith.constant 0 : i32
        %sign3A_605 = arith.cmpi slt, %jit3A_592, %sign3A_604 : i32
        %sign3A_606 = arith.extui %sign3A_605 : i1 to i32
        %sign3A_607 = arith.subi %sign3A_603, %sign3A_606 : i32
        %ne3A_608 = arith.cmpi ne, %sign3A_600, %sign3A_607 : i32
        %rem3A_609 = arith.remsi %add3A_591, %jit3A_592 : i32
        %ne3A_610 = arith.constant 0 : i32
        %ne3A_611 = arith.cmpi ne, %rem3A_609, %ne3A_610 : i32
        %and3A_612 = arith.andi %ne3A_608, %ne3A_611 : i1
        %sub3A_613 = arith.constant 1 : i32
        %sub3A_614 = arith.subi %div3A_593, %sub3A_613 : i32
        %select_n3A_615 = arith.select %and3A_612, %sub3A_614, %div3A_593 : i32
        %dma_wait3A_616 = arith.constant 1 : i32
        %dma_wait3A_617 = arith.constant 1 : i32
        %dma_wait3A_618 = arith.constant 0 : i32
        %dma_wait3A_619 = arith.constant 0 : i32
        %dma_wait3A_620 = arith.constant 0 : i32
        %dma_wait3A_621 = tpu.memref_slice %arg8[%dma_wait3A_616, %dma_wait3A_618, %dma_wait3A_619, %dma_wait3A_620] : memref<4x16x8x64xf32, #tpu.memory_space<vmem>> -> memref<1x16x8x64xf32, #tpu.memory_space<vmem>>
        %dma_wait3A_622 = tpu.memref_squeeze %dma_wait3A_621 : memref<1x16x8x64xf32, #tpu.memory_space<vmem>> -> memref<16x8x64xf32, #tpu.memory_space<vmem>>
        %dma_wait3A_623 = arith.constant 0 : i32
        %dma_wait3A_624 = arith.constant 0 : i32
        %dma_wait3A_625 = tpu.memref_slice %arg5[%add3A_267, %select_n3A_615, %dma_wait3A_623, %dma_wait3A_624] : memref<50x2048x8x128xf32, #tpu.memory_space<hbm>> -> memref<1x16x8x64xf32, #tpu.memory_space<hbm>>
        %dma_wait3A_626 = tpu.memref_squeeze %dma_wait3A_625 : memref<1x16x8x64xf32, #tpu.memory_space<hbm>> -> memref<16x8x64xf32, #tpu.memory_space<hbm>>
        %dma_wait3A_627 = tpu.memref_slice %arg11[%dma_wait3A_617] : memref<4x!tpu.dma_semaphore, #tpu.memory_space<semaphore_mem>> -> memref<1x!tpu.dma_semaphore, #tpu.memory_space<semaphore_mem>>
        %dma_wait3A_628 = tpu.memref_squeeze %dma_wait3A_627 : memref<1x!tpu.dma_semaphore, #tpu.memory_space<semaphore_mem>> -> memref<!tpu.dma_semaphore, #tpu.memory_space<semaphore_mem>>
        %dma_wait3A_629 = arith.constant 0 : i32
        %dma_wait3A_630 = arith.constant 0 : i32
        %dma_wait3A_631 = tpu.memref_slice %arg5[%add3A_267, %select_n3A_615, %dma_wait3A_629, %dma_wait3A_630] : memref<50x2048x8x128xf32, #tpu.memory_space<hbm>> -> memref<1x16x8x64xf32, #tpu.memory_space<hbm>>
        %dma_wait3A_632 = tpu.memref_squeeze %dma_wait3A_631 : memref<1x16x8x64xf32, #tpu.memory_space<hbm>> -> memref<16x8x64xf32, #tpu.memory_space<hbm>>
        %dma_wait3A_633 = arith.constant 0 : i32
        %dma_wait3A_634 = arith.constant 0 : i32
        %dma_wait3A_635 = arith.constant 0 : i32
        %dma_wait3A_636 = tpu.memref_slice %arg8[%dma_wait3A_616, %dma_wait3A_633, %dma_wait3A_634, %dma_wait3A_635] : memref<4x16x8x64xf32, #tpu.memory_space<vmem>> -> memref<1x16x8x64xf32, #tpu.memory_space<vmem>>
        %dma_wait3A_637 = tpu.memref_squeeze %dma_wait3A_636 : memref<1x16x8x64xf32, #tpu.memory_space<vmem>> -> memref<16x8x64xf32, #tpu.memory_space<vmem>>
        tpu.wait_dma2 semaphore(%dma_wait3A_628 : memref<!tpu.dma_semaphore, #tpu.memory_space<semaphore_mem>>) src(%dma_wait3A_637 : memref<16x8x64xf32, #tpu.memory_space<vmem>>) dst(%dma_wait3A_632 : memref<16x8x64xf32, #tpu.memory_space<hbm>>)
      } else {
      }
      %scan3A_364 = arith.constant 0 : i32
      %scan3A_365 = arith.constant 16 : i32
      %scan3A_366 = arith.addi %scan3A_364, %scan3A_365 : i32
      %scan3A_367 = arith.constant 1 : i32
      scf.for %scan3A_588 = %scan3A_364 to %scan3A_366 step %scan3A_367  : i32 {
        %mul3A_589 = arith.constant 1 : i32
        %mul3A_590 = arith.muli %scan3A_588, %mul3A_589 : i32
        %add3A_591 = arith.constant 0 : i32
        %add3A_592 = arith.addi %add3A_591, %mul3A_590 : i32
        %mul3A_593 = arith.constant 8 : i32
        %mul3A_594 = arith.muli %add3A_592, %mul3A_593 : i32
        %add3A_595 = arith.constant 0 : i32
        %add3A_596 = arith.addi %mul3A_594, %add3A_595 : i32
        %get3A_597 = arith.constant 1 : i32
        %get3A_598 = arith.index_cast %get3A_597 : i32 to index
        %get3A_599 = arith.index_cast %add3A_596 : i32 to index
        %get3A_600 = arith.constant 0 : index
        %get3A_601 = tpu.vector_load %arg7[%get3A_598, %get3A_599, %get3A_600] {strides = array<i32>} : memref<4x128x64xf32, #tpu.memory_space<vmem>>, vector<1x1x16xf32>,
        %get3A_602 = vector.shape_cast %get3A_601 : vector<1x1x16xf32> to vector<16xf32>
        %mul3A_603 = arith.mulf %get3A_602, %get3A_4 : vector<16xf32>
        %swap3A = arith.constant 1 : i32
        %swap3A_604 = arith.constant 0 : i32
        %swap3A_605 = arith.index_cast %swap3A : i32 to index
        %swap3A_606 = arith.index_cast %add3A_592 : i32 to index
        %swap3A_607 = arith.index_cast %swap3A_604 : i32 to index
        %swap3A_608 = arith.constant 0 : index
        %swap3A_609 = tpu.vector_load %arg8[%swap3A_605, %swap3A_606, %swap3A_607, %swap3A_608] {strides = array<i32>} : memref<4x16x8x64xf32, #tpu.memory_space<vmem>>, vector<1x1x1x16xf32>,
        %swap3A_610 = vector.shape_cast %swap3A_609 : vector<1x1x1x16xf32> to vector<16xf32>
        %swap3A_611 = vector.shape_cast %mul3A_603 : vector<16xf32> to vector<1x1x1x16xf32>
        tpu.vector_store %arg8[%swap3A_605, %swap3A_606, %swap3A_607, %swap3A_608], %swap3A_611 {strides = array<i32>} : memref<4x16x8x64xf32, #tpu.memory_space<vmem>>, vector<1x1x1x16xf32>,
        %mul3A_612 = arith.constant 8 : i32
        %mul3A_613 = arith.muli %add3A_592, %mul3A_612 : i32
        %add3A_614 = arith.constant 0 : i32
        %add3A_615 = arith.addi %mul3A_613, %add3A_614 : i32
        %get3A_616 = arith.constant 1 : i32
        %get3A_617 = arith.index_cast %get3A_616 : i32 to index
        %get3A_618 = arith.index_cast %add3A_615 : i32 to index
        %get3A_619 = arith.constant 16 : index
        %get3A_620 = tpu.vector_load %arg7[%get3A_617, %get3A_618, %get3A_619] {strides = array<i32>} : memref<4x128x64xf32, #tpu.memory_space<vmem>>, vector<1x1x16xf32>,
        %get3A_621 = vector.shape_cast %get3A_620 : vector<1x1x16xf32> to vector<16xf32>
        %mul3A_622 = arith.mulf %get3A_621, %get3A_4 : vector<16xf32>
        %swap3A_623 = arith.constant 1 : i32
        %swap3A_624 = arith.constant 0 : i32
        %swap3A_625 = arith.index_cast %swap3A_623 : i32 to index
        %swap3A_626 = arith.index_cast %add3A_592 : i32 to index
        %swap3A_627 = arith.index_cast %swap3A_624 : i32 to index
        %swap3A_628 = arith.constant 16 : index
        %swap3A_629 = tpu.vector_load %arg8[%swap3A_625, %swap3A_626, %swap3A_627, %swap3A_628] {strides = array<i32>} : memref<4x16x8x64xf32, #tpu.memory_space<vmem>>, vector<1x1x1x16xf32>,
        %swap3A_630 = vector.shape_cast %swap3A_629 : vector<1x1x1x16xf32> to vector<16xf32>
        %swap3A_631 = vector.shape_cast %mul3A_622 : vector<16xf32> to vector<1x1x1x16xf32>
        tpu.vector_store %arg8[%swap3A_625, %swap3A_626, %swap3A_627, %swap3A_628], %swap3A_631 {strides = array<i32>} : memref<4x16x8x64xf32, #tpu.memory_space<vmem>>, vector<1x1x1x16xf32>,
        %mul3A_632 = arith.constant 8 : i32
        %mul3A_633 = arith.muli %add3A_592, %mul3A_632 : i32
        %add3A_634 = arith.constant 0 : i32
        %add3A_635 = arith.addi %mul3A_633, %add3A_634 : i32
        %get3A_636 = arith.constant 1 : i32
        %get3A_637 = arith.index_cast %get3A_636 : i32 to index
        %get3A_638 = arith.index_cast %add3A_635 : i32 to index
        %get3A_639 = arith.constant 32 : index
        %get3A_640 = tpu.vector_load %arg7[%get3A_637, %get3A_638, %get3A_639] {strides = array<i32>} : memref<4x128x64xf32, #tpu.memory_space<vmem>>, vector<1x1x16xf32>,
        %get3A_641 = vector.shape_cast %get3A_640 : vector<1x1x16xf32> to vector<16xf32>
        %mul3A_642 = arith.mulf %get3A_641, %get3A_4 : vector<16xf32>
        %swap3A_643 = arith.constant 1 : i32
        %swap3A_644 = arith.constant 0 : i32
        %swap3A_645 = arith.index_cast %swap3A_643 : i32 to index
        %swap3A_646 = arith.index_cast %add3A_592 : i32 to index
        %swap3A_647 = arith.index_cast %swap3A_644 : i32 to index
        %swap3A_648 = arith.constant 32 : index
        %swap3A_649 = tpu.vector_load %arg8[%swap3A_645, %swap3A_646, %swap3A_647, %swap3A_648] {strides = array<i32>} : memref<4x16x8x64xf32, #tpu.memory_space<vmem>>, vector<1x1x1x16xf32>,
        %swap3A_650 = vector.shape_cast %swap3A_649 : vector<1x1x1x16xf32> to vector<16xf32>
        %swap3A_651 = vector.shape_cast %mul3A_642 : vector<16xf32> to vector<1x1x1x16xf32>
        tpu.vector_store %arg8[%swap3A_645, %swap3A_646, %swap3A_647, %swap3A_648], %swap3A_651 {strides = array<i32>} : memref<4x16x8x64xf32, #tpu.memory_space<vmem>>, vector<1x1x1x16xf32>,
        %mul3A_652 = arith.constant 8 : i32
        %mul3A_653 = arith.muli %add3A_592, %mul3A_652 : i32
        %add3A_654 = arith.constant 0 : i32
        %add3A_655 = arith.addi %mul3A_653, %add3A_654 : i32
        %get3A_656 = arith.constant 1 : i32
        %get3A_657 = arith.index_cast %get3A_656 : i32 to index
        %get3A_658 = arith.index_cast %add3A_655 : i32 to index
        %get3A_659 = arith.constant 48 : index
        %get3A_660 = tpu.vector_load %arg7[%get3A_657, %get3A_658, %get3A_659] {strides = array<i32>} : memref<4x128x64xf32, #tpu.memory_space<vmem>>, vector<1x1x16xf32>,
        %get3A_661 = vector.shape_cast %get3A_660 : vector<1x1x16xf32> to vector<16xf32>
        %mul3A_662 = arith.mulf %get3A_661, %get3A_4 : vector<16xf32>
        %swap3A_663 = arith.constant 1 : i32
        %swap3A_664 = arith.constant 0 : i32
        %swap3A_665 = arith.index_cast %swap3A_663 : i32 to index
        %swap3A_666 = arith.index_cast %add3A_592 : i32 to index
        %swap3A_667 = arith.index_cast %swap3A_664 : i32 to index
        %swap3A_668 = arith.constant 48 : index
        %swap3A_669 = tpu.vector_load %arg8[%swap3A_665, %swap3A_666, %swap3A_667, %swap3A_668] {strides = array<i32>} : memref<4x16x8x64xf32, #tpu.memory_space<vmem>>, vector<1x1x1x16xf32>,
        %swap3A_670 = vector.shape_cast %swap3A_669 : vector<1x1x1x16xf32> to vector<16xf32>
        %swap3A_671 = vector.shape_cast %mul3A_662 : vector<16xf32> to vector<1x1x1x16xf32>
        tpu.vector_store %arg8[%swap3A_665, %swap3A_666, %swap3A_667, %swap3A_668], %swap3A_671 {strides = array<i32>} : memref<4x16x8x64xf32, #tpu.memory_space<vmem>>, vector<1x1x1x16xf32>,
        %mul3A_672 = arith.constant 8 : i32
        %mul3A_673 = arith.muli %add3A_592, %mul3A_672 : i32
        %add3A_674 = arith.constant 1 : i32
        %add3A_675 = arith.addi %mul3A_673, %add3A_674 : i32
        %get3A_676 = arith.constant 1 : i32
        %get3A_677 = arith.index_cast %get3A_676 : i32 to index
        %get3A_678 = arith.index_cast %add3A_675 : i32 to index
        %get3A_679 = arith.constant 0 : index
        %get3A_680 = tpu.vector_load %arg7[%get3A_677, %get3A_678, %get3A_679] {strides = array<i32>} : memref<4x128x64xf32, #tpu.memory_space<vmem>>, vector<1x1x16xf32>,
        %get3A_681 = vector.shape_cast %get3A_680 : vector<1x1x16xf32> to vector<16xf32>
        %mul3A_682 = arith.mulf %get3A_681, %get3A_4 : vector<16xf32>
        %swap3A_683 = arith.constant 1 : i32
        %swap3A_684 = arith.constant 1 : i32
        %swap3A_685 = arith.index_cast %swap3A_683 : i32 to index
        %swap3A_686 = arith.index_cast %add3A_592 : i32 to index
        %swap3A_687 = arith.index_cast %swap3A_684 : i32 to index
        %swap3A_688 = arith.constant 0 : index
        %swap3A_689 = tpu.vector_load %arg8[%swap3A_685, %swap3A_686, %swap3A_687, %swap3A_688] {strides = array<i32>} : memref<4x16x8x64xf32, #tpu.memory_space<vmem>>, vector<1x1x1x16xf32>,
        %swap3A_690 = vector.shape_cast %swap3A_689 : vector<1x1x1x16xf32> to vector<16xf32>
        %swap3A_691 = vector.shape_cast %mul3A_682 : vector<16xf32> to vector<1x1x1x16xf32>
        tpu.vector_store %arg8[%swap3A_685, %swap3A_686, %swap3A_687, %swap3A_688], %swap3A_691 {strides = array<i32>} : memref<4x16x8x64xf32, #tpu.memory_space<vmem>>, vector<1x1x1x16xf32>,
        %mul3A_692 = arith.constant 8 : i32
        %mul3A_693 = arith.muli %add3A_592, %mul3A_692 : i32
        %add3A_694 = arith.constant 1 : i32
        %add3A_695 = arith.addi %mul3A_693, %add3A_694 : i32
        %get3A_696 = arith.constant 1 : i32
        %get3A_697 = arith.index_cast %get3A_696 : i32 to index
        %get3A_698 = arith.index_cast %add3A_695 : i32 to index
        %get3A_699 = arith.constant 16 : index
        %get3A_700 = tpu.vector_load %arg7[%get3A_697, %get3A_698, %get3A_699] {strides = array<i32>} : memref<4x128x64xf32, #tpu.memory_space<vmem>>, vector<1x1x16xf32>,
        %get3A_701 = vector.shape_cast %get3A_700 : vector<1x1x16xf32> to vector<16xf32>
        %mul3A_702 = arith.mulf %get3A_701, %get3A_4 : vector<16xf32>
        %swap3A_703 = arith.constant 1 : i32
        %swap3A_704 = arith.constant 1 : i32
        %swap3A_705 = arith.index_cast %swap3A_703 : i32 to index
        %swap3A_706 = arith.index_cast %add3A_592 : i32 to index
        %swap3A_707 = arith.index_cast %swap3A_704 : i32 to index
        %swap3A_708 = arith.constant 16 : index
        %swap3A_709 = tpu.vector_load %arg8[%swap3A_705, %swap3A_706, %swap3A_707, %swap3A_708] {strides = array<i32>} : memref<4x16x8x64xf32, #tpu.memory_space<vmem>>, vector<1x1x1x16xf32>,
        %swap3A_710 = vector.shape_cast %swap3A_709 : vector<1x1x1x16xf32> to vector<16xf32>
        %swap3A_711 = vector.shape_cast %mul3A_702 : vector<16xf32> to vector<1x1x1x16xf32>
        tpu.vector_store %arg8[%swap3A_705, %swap3A_706, %swap3A_707, %swap3A_708], %swap3A_711 {strides = array<i32>} : memref<4x16x8x64xf32, #tpu.memory_space<vmem>>, vector<1x1x1x16xf32>,
        %mul3A_712 = arith.constant 8 : i32
        %mul3A_713 = arith.muli %add3A_592, %mul3A_712 : i32
        %add3A_714 = arith.constant 1 : i32
        %add3A_715 = arith.addi %mul3A_713, %add3A_714 : i32
        %get3A_716 = arith.constant 1 : i32
        %get3A_717 = arith.index_cast %get3A_716 : i32 to index
        %get3A_718 = arith.index_cast %add3A_715 : i32 to index
        %get3A_719 = arith.constant 32 : index
        %get3A_720 = tpu.vector_load %arg7[%get3A_717, %get3A_718, %get3A_719] {strides = array<i32>} : memref<4x128x64xf32, #tpu.memory_space<vmem>>, vector<1x1x16xf32>,
        %get3A_721 = vector.shape_cast %get3A_720 : vector<1x1x16xf32> to vector<16xf32>
        %mul3A_722 = arith.mulf %get3A_721, %get3A_4 : vector<16xf32>
        %swap3A_723 = arith.constant 1 : i32
        %swap3A_724 = arith.constant 1 : i32
        %swap3A_725 = arith.index_cast %swap3A_723 : i32 to index
        %swap3A_726 = arith.index_cast %add3A_592 : i32 to index
        %swap3A_727 = arith.index_cast %swap3A_724 : i32 to index
        %swap3A_728 = arith.constant 32 : index
        %swap3A_729 = tpu.vector_load %arg8[%swap3A_725, %swap3A_726, %swap3A_727, %swap3A_728] {strides = array<i32>} : memref<4x16x8x64xf32, #tpu.memory_space<vmem>>, vector<1x1x1x16xf32>,
        %swap3A_730 = vector.shape_cast %swap3A_729 : vector<1x1x1x16xf32> to vector<16xf32>
        %swap3A_731 = vector.shape_cast %mul3A_722 : vector<16xf32> to vector<1x1x1x16xf32>
        tpu.vector_store %arg8[%swap3A_725, %swap3A_726, %swap3A_727, %swap3A_728], %swap3A_731 {strides = array<i32>} : memref<4x16x8x64xf32, #tpu.memory_space<vmem>>, vector<1x1x1x16xf32>,
        %mul3A_732 = arith.constant 8 : i32
        %mul3A_733 = arith.muli %add3A_592, %mul3A_732 : i32
        %add3A_734 = arith.constant 1 : i32
        %add3A_735 = arith.addi %mul3A_733, %add3A_734 : i32
        %get3A_736 = arith.constant 1 : i32
        %get3A_737 = arith.index_cast %get3A_736 : i32 to index
        %get3A_738 = arith.index_cast %add3A_735 : i32 to index
        %get3A_739 = arith.constant 48 : index
        %get3A_740 = tpu.vector_load %arg7[%get3A_737, %get3A_738, %get3A_739] {strides = array<i32>} : memref<4x128x64xf32, #tpu.memory_space<vmem>>, vector<1x1x16xf32>,
        %get3A_741 = vector.shape_cast %get3A_740 : vector<1x1x16xf32> to vector<16xf32>
        %mul3A_742 = arith.mulf %get3A_741, %get3A_4 : vector<16xf32>
        %swap3A_743 = arith.constant 1 : i32
        %swap3A_744 = arith.constant 1 : i32
        %swap3A_745 = arith.index_cast %swap3A_743 : i32 to index
        %swap3A_746 = arith.index_cast %add3A_592 : i32 to index
        %swap3A_747 = arith.index_cast %swap3A_744 : i32 to index
        %swap3A_748 = arith.constant 48 : index
        %swap3A_749 = tpu.vector_load %arg8[%swap3A_745, %swap3A_746, %swap3A_747, %swap3A_748] {strides = array<i32>} : memref<4x16x8x64xf32, #tpu.memory_space<vmem>>, vector<1x1x1x16xf32>,
        %swap3A_750 = vector.shape_cast %swap3A_749 : vector<1x1x1x16xf32> to vector<16xf32>
        %swap3A_751 = vector.shape_cast %mul3A_742 : vector<16xf32> to vector<1x1x1x16xf32>
        tpu.vector_store %arg8[%swap3A_745, %swap3A_746, %swap3A_747, %swap3A_748], %swap3A_751 {strides = array<i32>} : memref<4x16x8x64xf32, #tpu.memory_space<vmem>>, vector<1x1x1x16xf32>,
        %mul3A_752 = arith.constant 8 : i32
        %mul3A_753 = arith.muli %add3A_592, %mul3A_752 : i32
        %add3A_754 = arith.constant 2 : i32
        %add3A_755 = arith.addi %mul3A_753, %add3A_754 : i32
        %get3A_756 = arith.constant 1 : i32
        %get3A_757 = arith.index_cast %get3A_756 : i32 to index
        %get3A_758 = arith.index_cast %add3A_755 : i32 to index
        %get3A_759 = arith.constant 0 : index
        %get3A_760 = tpu.vector_load %arg7[%get3A_757, %get3A_758, %get3A_759] {strides = array<i32>} : memref<4x128x64xf32, #tpu.memory_space<vmem>>, vector<1x1x16xf32>,
        %get3A_761 = vector.shape_cast %get3A_760 : vector<1x1x16xf32> to vector<16xf32>
        %mul3A_762 = arith.mulf %get3A_761, %get3A_4 : vector<16xf32>
        %swap3A_763 = arith.constant 1 : i32
        %swap3A_764 = arith.constant 2 : i32
        %swap3A_765 = arith.index_cast %swap3A_763 : i32 to index
        %swap3A_766 = arith.index_cast %add3A_592 : i32 to index
        %swap3A_767 = arith.index_cast %swap3A_764 : i32 to index
        %swap3A_768 = arith.constant 0 : index
        %swap3A_769 = tpu.vector_load %arg8[%swap3A_765, %swap3A_766, %swap3A_767, %swap3A_768] {strides = array<i32>} : memref<4x16x8x64xf32, #tpu.memory_space<vmem>>, vector<1x1x1x16xf32>,
        %swap3A_770 = vector.shape_cast %swap3A_769 : vector<1x1x1x16xf32> to vector<16xf32>
        %swap3A_771 = vector.shape_cast %mul3A_762 : vector<16xf32> to vector<1x1x1x16xf32>
        tpu.vector_store %arg8[%swap3A_765, %swap3A_766, %swap3A_767, %swap3A_768], %swap3A_771 {strides = array<i32>} : memref<4x16x8x64xf32, #tpu.memory_space<vmem>>, vector<1x1x1x16xf32>,
        %mul3A_772 = arith.constant 8 : i32
        %mul3A_773 = arith.muli %add3A_592, %mul3A_772 : i32
        %add3A_774 = arith.constant 2 : i32
        %add3A_775 = arith.addi %mul3A_773, %add3A_774 : i32
        %get3A_776 = arith.constant 1 : i32
        %get3A_777 = arith.index_cast %get3A_776 : i32 to index
        %get3A_778 = arith.index_cast %add3A_775 : i32 to index
        %get3A_779 = arith.constant 16 : index
        %get3A_780 = tpu.vector_load %arg7[%get3A_777, %get3A_778, %get3A_779] {strides = array<i32>} : memref<4x128x64xf32, #tpu.memory_space<vmem>>, vector<1x1x16xf32>,
        %get3A_781 = vector.shape_cast %get3A_780 : vector<1x1x16xf32> to vector<16xf32>
        %mul3A_782 = arith.mulf %get3A_781, %get3A_4 : vector<16xf32>
        %swap3A_783 = arith.constant 1 : i32
        %swap3A_784 = arith.constant 2 : i32
        %swap3A_785 = arith.index_cast %swap3A_783 : i32 to index
        %swap3A_786 = arith.index_cast %add3A_592 : i32 to index
        %swap3A_787 = arith.index_cast %swap3A_784 : i32 to index
        %swap3A_788 = arith.constant 16 : index
        %swap3A_789 = tpu.vector_load %arg8[%swap3A_785, %swap3A_786, %swap3A_787, %swap3A_788] {strides = array<i32>} : memref<4x16x8x64xf32, #tpu.memory_space<vmem>>, vector<1x1x1x16xf32>,
        %swap3A_790 = vector.shape_cast %swap3A_789 : vector<1x1x1x16xf32> to vector<16xf32>
        %swap3A_791 = vector.shape_cast %mul3A_782 : vector<16xf32> to vector<1x1x1x16xf32>
        tpu.vector_store %arg8[%swap3A_785, %swap3A_786, %swap3A_787, %swap3A_788], %swap3A_791 {strides = array<i32>} : memref<4x16x8x64xf32, #tpu.memory_space<vmem>>, vector<1x1x1x16xf32>,
        %mul3A_792 = arith.constant 8 : i32
        %mul3A_793 = arith.muli %add3A_592, %mul3A_792 : i32
        %add3A_794 = arith.constant 2 : i32
        %add3A_795 = arith.addi %mul3A_793, %add3A_794 : i32
        %get3A_796 = arith.constant 1 : i32
        %get3A_797 = arith.index_cast %get3A_796 : i32 to index
        %get3A_798 = arith.index_cast %add3A_795 : i32 to index
        %get3A_799 = arith.constant 32 : index
        %get3A_800 = tpu.vector_load %arg7[%get3A_797, %get3A_798, %get3A_799] {strides = array<i32>} : memref<4x128x64xf32, #tpu.memory_space<vmem>>, vector<1x1x16xf32>,
        %get3A_801 = vector.shape_cast %get3A_800 : vector<1x1x16xf32> to vector<16xf32>
        %mul3A_802 = arith.mulf %get3A_801, %get3A_4 : vector<16xf32>
        %swap3A_803 = arith.constant 1 : i32
        %swap3A_804 = arith.constant 2 : i32
        %swap3A_805 = arith.index_cast %swap3A_803 : i32 to index
        %swap3A_806 = arith.index_cast %add3A_592 : i32 to index
        %swap3A_807 = arith.index_cast %swap3A_804 : i32 to index
        %swap3A_808 = arith.constant 32 : index
        %swap3A_809 = tpu.vector_load %arg8[%swap3A_805, %swap3A_806, %swap3A_807, %swap3A_808] {strides = array<i32>} : memref<4x16x8x64xf32, #tpu.memory_space<vmem>>, vector<1x1x1x16xf32>,
        %swap3A_810 = vector.shape_cast %swap3A_809 : vector<1x1x1x16xf32> to vector<16xf32>
        %swap3A_811 = vector.shape_cast %mul3A_802 : vector<16xf32> to vector<1x1x1x16xf32>
        tpu.vector_store %arg8[%swap3A_805, %swap3A_806, %swap3A_807, %swap3A_808], %swap3A_811 {strides = array<i32>} : memref<4x16x8x64xf32, #tpu.memory_space<vmem>>, vector<1x1x1x16xf32>,
        %mul3A_812 = arith.constant 8 : i32
        %mul3A_813 = arith.muli %add3A_592, %mul3A_812 : i32
        %add3A_814 = arith.constant 2 : i32
        %add3A_815 = arith.addi %mul3A_813, %add3A_814 : i32
        %get3A_816 = arith.constant 1 : i32
        %get3A_817 = arith.index_cast %get3A_816 : i32 to index
        %get3A_818 = arith.index_cast %add3A_815 : i32 to index
        %get3A_819 = arith.constant 48 : index
        %get3A_820 = tpu.vector_load %arg7[%get3A_817, %get3A_818, %get3A_819] {strides = array<i32>} : memref<4x128x64xf32, #tpu.memory_space<vmem>>, vector<1x1x16xf32>,
        %get3A_821 = vector.shape_cast %get3A_820 : vector<1x1x16xf32> to vector<16xf32>
        %mul3A_822 = arith.mulf %get3A_821, %get3A_4 : vector<16xf32>
        %swap3A_823 = arith.constant 1 : i32
        %swap3A_824 = arith.constant 2 : i32
        %swap3A_825 = arith.index_cast %swap3A_823 : i32 to index
        %swap3A_826 = arith.index_cast %add3A_592 : i32 to index
        %swap3A_827 = arith.index_cast %swap3A_824 : i32 to index
        %swap3A_828 = arith.constant 48 : index
        %swap3A_829 = tpu.vector_load %arg8[%swap3A_825, %swap3A_826, %swap3A_827, %swap3A_828] {strides = array<i32>} : memref<4x16x8x64xf32, #tpu.memory_space<vmem>>, vector<1x1x1x16xf32>,
        %swap3A_830 = vector.shape_cast %swap3A_829 : vector<1x1x1x16xf32> to vector<16xf32>
        %swap3A_831 = vector.shape_cast %mul3A_822 : vector<16xf32> to vector<1x1x1x16xf32>
        tpu.vector_store %arg8[%swap3A_825, %swap3A_826, %swap3A_827, %swap3A_828], %swap3A_831 {strides = array<i32>} : memref<4x16x8x64xf32, #tpu.memory_space<vmem>>, vector<1x1x1x16xf32>,
        %mul3A_832 = arith.constant 8 : i32
        %mul3A_833 = arith.muli %add3A_592, %mul3A_832 : i32
        %add3A_834 = arith.constant 3 : i32
        %add3A_835 = arith.addi %mul3A_833, %add3A_834 : i32
        %get3A_836 = arith.constant 1 : i32
        %get3A_837 = arith.index_cast %get3A_836 : i32 to index
        %get3A_838 = arith.index_cast %add3A_835 : i32 to index
        %get3A_839 = arith.constant 0 : index
        %get3A_840 = tpu.vector_load %arg7[%get3A_837, %get3A_838, %get3A_839] {strides = array<i32>} : memref<4x128x64xf32, #tpu.memory_space<vmem>>, vector<1x1x16xf32>,
        %get3A_841 = vector.shape_cast %get3A_840 : vector<1x1x16xf32> to vector<16xf32>
        %mul3A_842 = arith.mulf %get3A_841, %get3A_4 : vector<16xf32>
        %swap3A_843 = arith.constant 1 : i32
        %swap3A_844 = arith.constant 3 : i32
        %swap3A_845 = arith.index_cast %swap3A_843 : i32 to index
        %swap3A_846 = arith.index_cast %add3A_592 : i32 to index
        %swap3A_847 = arith.index_cast %swap3A_844 : i32 to index
        %swap3A_848 = arith.constant 0 : index
        %swap3A_849 = tpu.vector_load %arg8[%swap3A_845, %swap3A_846, %swap3A_847, %swap3A_848] {strides = array<i32>} : memref<4x16x8x64xf32, #tpu.memory_space<vmem>>, vector<1x1x1x16xf32>,
        %swap3A_850 = vector.shape_cast %swap3A_849 : vector<1x1x1x16xf32> to vector<16xf32>
        %swap3A_851 = vector.shape_cast %mul3A_842 : vector<16xf32> to vector<1x1x1x16xf32>
        tpu.vector_store %arg8[%swap3A_845, %swap3A_846, %swap3A_847, %swap3A_848], %swap3A_851 {strides = array<i32>} : memref<4x16x8x64xf32, #tpu.memory_space<vmem>>, vector<1x1x1x16xf32>,
        %mul3A_852 = arith.constant 8 : i32
        %mul3A_853 = arith.muli %add3A_592, %mul3A_852 : i32
        %add3A_854 = arith.constant 3 : i32
        %add3A_855 = arith.addi %mul3A_853, %add3A_854 : i32
        %get3A_856 = arith.constant 1 : i32
        %get3A_857 = arith.index_cast %get3A_856 : i32 to index
        %get3A_858 = arith.index_cast %add3A_855 : i32 to index
        %get3A_859 = arith.constant 16 : index
        %get3A_860 = tpu.vector_load %arg7[%get3A_857, %get3A_858, %get3A_859] {strides = array<i32>} : memref<4x128x64xf32, #tpu.memory_space<vmem>>, vector<1x1x16xf32>,
        %get3A_861 = vector.shape_cast %get3A_860 : vector<1x1x16xf32> to vector<16xf32>
        %mul3A_862 = arith.mulf %get3A_861, %get3A_4 : vector<16xf32>
        %swap3A_863 = arith.constant 1 : i32
        %swap3A_864 = arith.constant 3 : i32
        %swap3A_865 = arith.index_cast %swap3A_863 : i32 to index
        %swap3A_866 = arith.index_cast %add3A_592 : i32 to index
        %swap3A_867 = arith.index_cast %swap3A_864 : i32 to index
        %swap3A_868 = arith.constant 16 : index
        %swap3A_869 = tpu.vector_load %arg8[%swap3A_865, %swap3A_866, %swap3A_867, %swap3A_868] {strides = array<i32>} : memref<4x16x8x64xf32, #tpu.memory_space<vmem>>, vector<1x1x1x16xf32>,
        %swap3A_870 = vector.shape_cast %swap3A_869 : vector<1x1x1x16xf32> to vector<16xf32>
        %swap3A_871 = vector.shape_cast %mul3A_862 : vector<16xf32> to vector<1x1x1x16xf32>
        tpu.vector_store %arg8[%swap3A_865, %swap3A_866, %swap3A_867, %swap3A_868], %swap3A_871 {strides = array<i32>} : memref<4x16x8x64xf32, #tpu.memory_space<vmem>>, vector<1x1x1x16xf32>,
        %mul3A_872 = arith.constant 8 : i32
        %mul3A_873 = arith.muli %add3A_592, %mul3A_872 : i32
        %add3A_874 = arith.constant 3 : i32
        %add3A_875 = arith.addi %mul3A_873, %add3A_874 : i32
        %get3A_876 = arith.constant 1 : i32
        %get3A_877 = arith.index_cast %get3A_876 : i32 to index
        %get3A_878 = arith.index_cast %add3A_875 : i32 to index
        %get3A_879 = arith.constant 32 : index
        %get3A_880 = tpu.vector_load %arg7[%get3A_877, %get3A_878, %get3A_879] {strides = array<i32>} : memref<4x128x64xf32, #tpu.memory_space<vmem>>, vector<1x1x16xf32>,
        %get3A_881 = vector.shape_cast %get3A_880 : vector<1x1x16xf32> to vector<16xf32>
        %mul3A_882 = arith.mulf %get3A_881, %get3A_4 : vector<16xf32>
        %swap3A_883 = arith.constant 1 : i32
        %swap3A_884 = arith.constant 3 : i32
        %swap3A_885 = arith.index_cast %swap3A_883 : i32 to index
        %swap3A_886 = arith.index_cast %add3A_592 : i32 to index
        %swap3A_887 = arith.index_cast %swap3A_884 : i32 to index
        %swap3A_888 = arith.constant 32 : index
        %swap3A_889 = tpu.vector_load %arg8[%swap3A_885, %swap3A_886, %swap3A_887, %swap3A_888] {strides = array<i32>} : memref<4x16x8x64xf32, #tpu.memory_space<vmem>>, vector<1x1x1x16xf32>,
        %swap3A_890 = vector.shape_cast %swap3A_889 : vector<1x1x1x16xf32> to vector<16xf32>
        %swap3A_891 = vector.shape_cast %mul3A_882 : vector<16xf32> to vector<1x1x1x16xf32>
        tpu.vector_store %arg8[%swap3A_885, %swap3A_886, %swap3A_887, %swap3A_888], %swap3A_891 {strides = array<i32>} : memref<4x16x8x64xf32, #tpu.memory_space<vmem>>, vector<1x1x1x16xf32>,
        %mul3A_892 = arith.constant 8 : i32
        %mul3A_893 = arith.muli %add3A_592, %mul3A_892 : i32
        %add3A_894 = arith.constant 3 : i32
        %add3A_895 = arith.addi %mul3A_893, %add3A_894 : i32
        %get3A_896 = arith.constant 1 : i32
        %get3A_897 = arith.index_cast %get3A_896 : i32 to index
        %get3A_898 = arith.index_cast %add3A_895 : i32 to index
        %get3A_899 = arith.constant 48 : index
        %get3A_900 = tpu.vector_load %arg7[%get3A_897, %get3A_898, %get3A_899] {strides = array<i32>} : memref<4x128x64xf32, #tpu.memory_space<vmem>>, vector<1x1x16xf32>,
        %get3A_901 = vector.shape_cast %get3A_900 : vector<1x1x16xf32> to vector<16xf32>
        %mul3A_902 = arith.mulf %get3A_901, %get3A_4 : vector<16xf32>
        %swap3A_903 = arith.constant 1 : i32
        %swap3A_904 = arith.constant 3 : i32
        %swap3A_905 = arith.index_cast %swap3A_903 : i32 to index
        %swap3A_906 = arith.index_cast %add3A_592 : i32 to index
        %swap3A_907 = arith.index_cast %swap3A_904 : i32 to index
        %swap3A_908 = arith.constant 48 : index
        %swap3A_909 = tpu.vector_load %arg8[%swap3A_905, %swap3A_906, %swap3A_907, %swap3A_908] {strides = array<i32>} : memref<4x16x8x64xf32, #tpu.memory_space<vmem>>, vector<1x1x1x16xf32>,
        %swap3A_910 = vector.shape_cast %swap3A_909 : vector<1x1x1x16xf32> to vector<16xf32>
        %swap3A_911 = vector.shape_cast %mul3A_902 : vector<16xf32> to vector<1x1x1x16xf32>
        tpu.vector_store %arg8[%swap3A_905, %swap3A_906, %swap3A_907, %swap3A_908], %swap3A_911 {strides = array<i32>} : memref<4x16x8x64xf32, #tpu.memory_space<vmem>>, vector<1x1x1x16xf32>,
        %mul3A_912 = arith.constant 8 : i32
        %mul3A_913 = arith.muli %add3A_592, %mul3A_912 : i32
        %add3A_914 = arith.constant 4 : i32
        %add3A_915 = arith.addi %mul3A_913, %add3A_914 : i32
        %get3A_916 = arith.constant 1 : i32
        %get3A_917 = arith.index_cast %get3A_916 : i32 to index
        %get3A_918 = arith.index_cast %add3A_915 : i32 to index
        %get3A_919 = arith.constant 0 : index
        %get3A_920 = tpu.vector_load %arg7[%get3A_917, %get3A_918, %get3A_919] {strides = array<i32>} : memref<4x128x64xf32, #tpu.memory_space<vmem>>, vector<1x1x16xf32>,
        %get3A_921 = vector.shape_cast %get3A_920 : vector<1x1x16xf32> to vector<16xf32>
        %mul3A_922 = arith.mulf %get3A_921, %get3A_4 : vector<16xf32>
        %swap3A_923 = arith.constant 1 : i32
        %swap3A_924 = arith.constant 4 : i32
        %swap3A_925 = arith.index_cast %swap3A_923 : i32 to index
        %swap3A_926 = arith.index_cast %add3A_592 : i32 to index
        %swap3A_927 = arith.index_cast %swap3A_924 : i32 to index
        %swap3A_928 = arith.constant 0 : index
        %swap3A_929 = tpu.vector_load %arg8[%swap3A_925, %swap3A_926, %swap3A_927, %swap3A_928] {strides = array<i32>} : memref<4x16x8x64xf32, #tpu.memory_space<vmem>>, vector<1x1x1x16xf32>,
        %swap3A_930 = vector.shape_cast %swap3A_929 : vector<1x1x1x16xf32> to vector<16xf32>
        %swap3A_931 = vector.shape_cast %mul3A_922 : vector<16xf32> to vector<1x1x1x16xf32>
        tpu.vector_store %arg8[%swap3A_925, %swap3A_926, %swap3A_927, %swap3A_928], %swap3A_931 {strides = array<i32>} : memref<4x16x8x64xf32, #tpu.memory_space<vmem>>, vector<1x1x1x16xf32>,
        %mul3A_932 = arith.constant 8 : i32
        %mul3A_933 = arith.muli %add3A_592, %mul3A_932 : i32
        %add3A_934 = arith.constant 4 : i32
        %add3A_935 = arith.addi %mul3A_933, %add3A_934 : i32
        %get3A_936 = arith.constant 1 : i32
        %get3A_937 = arith.index_cast %get3A_936 : i32 to index
        %get3A_938 = arith.index_cast %add3A_935 : i32 to index
        %get3A_939 = arith.constant 16 : index
        %get3A_940 = tpu.vector_load %arg7[%get3A_937, %get3A_938, %get3A_939] {strides = array<i32>} : memref<4x128x64xf32, #tpu.memory_space<vmem>>, vector<1x1x16xf32>,
        %get3A_941 = vector.shape_cast %get3A_940 : vector<1x1x16xf32> to vector<16xf32>
        %mul3A_942 = arith.mulf %get3A_941, %get3A_4 : vector<16xf32>
        %swap3A_943 = arith.constant 1 : i32
        %swap3A_944 = arith.constant 4 : i32
        %swap3A_945 = arith.index_cast %swap3A_943 : i32 to index
        %swap3A_946 = arith.index_cast %add3A_592 : i32 to index
        %swap3A_947 = arith.index_cast %swap3A_944 : i32 to index
        %swap3A_948 = arith.constant 16 : index
        %swap3A_949 = tpu.vector_load %arg8[%swap3A_945, %swap3A_946, %swap3A_947, %swap3A_948] {strides = array<i32>} : memref<4x16x8x64xf32, #tpu.memory_space<vmem>>, vector<1x1x1x16xf32>,
        %swap3A_950 = vector.shape_cast %swap3A_949 : vector<1x1x1x16xf32> to vector<16xf32>
        %swap3A_951 = vector.shape_cast %mul3A_942 : vector<16xf32> to vector<1x1x1x16xf32>
        tpu.vector_store %arg8[%swap3A_945, %swap3A_946, %swap3A_947, %swap3A_948], %swap3A_951 {strides = array<i32>} : memref<4x16x8x64xf32, #tpu.memory_space<vmem>>, vector<1x1x1x16xf32>,
        %mul3A_952 = arith.constant 8 : i32
        %mul3A_953 = arith.muli %add3A_592, %mul3A_952 : i32
        %add3A_954 = arith.constant 4 : i32
        %add3A_955 = arith.addi %mul3A_953, %add3A_954 : i32
        %get3A_956 = arith.constant 1 : i32
        %get3A_957 = arith.index_cast %get3A_956 : i32 to index
        %get3A_958 = arith.index_cast %add3A_955 : i32 to index
        %get3A_959 = arith.constant 32 : index
        %get3A_960 = tpu.vector_load %arg7[%get3A_957, %get3A_958, %get3A_959] {strides = array<i32>} : memref<4x128x64xf32, #tpu.memory_space<vmem>>, vector<1x1x16xf32>,
        %get3A_961 = vector.shape_cast %get3A_960 : vector<1x1x16xf32> to vector<16xf32>
        %mul3A_962 = arith.mulf %get3A_961, %get3A_4 : vector<16xf32>
        %swap3A_963 = arith.constant 1 : i32
        %swap3A_964 = arith.constant 4 : i32
        %swap3A_965 = arith.index_cast %swap3A_963 : i32 to index
        %swap3A_966 = arith.index_cast %add3A_592 : i32 to index
        %swap3A_967 = arith.index_cast %swap3A_964 : i32 to index
        %swap3A_968 = arith.constant 32 : index
        %swap3A_969 = tpu.vector_load %arg8[%swap3A_965, %swap3A_966, %swap3A_967, %swap3A_968] {strides = array<i32>} : memref<4x16x8x64xf32, #tpu.memory_space<vmem>>, vector<1x1x1x16xf32>,
        %swap3A_970 = vector.shape_cast %swap3A_969 : vector<1x1x1x16xf32> to vector<16xf32>
        %swap3A_971 = vector.shape_cast %mul3A_962 : vector<16xf32> to vector<1x1x1x16xf32>
        tpu.vector_store %arg8[%swap3A_965, %swap3A_966, %swap3A_967, %swap3A_968], %swap3A_971 {strides = array<i32>} : memref<4x16x8x64xf32, #tpu.memory_space<vmem>>, vector<1x1x1x16xf32>,
        %mul3A_972 = arith.constant 8 : i32
        %mul3A_973 = arith.muli %add3A_592, %mul3A_972 : i32
        %add3A_974 = arith.constant 4 : i32
        %add3A_975 = arith.addi %mul3A_973, %add3A_974 : i32
        %get3A_976 = arith.constant 1 : i32
        %get3A_977 = arith.index_cast %get3A_976 : i32 to index
        %get3A_978 = arith.index_cast %add3A_975 : i32 to index
        %get3A_979 = arith.constant 48 : index
        %get3A_980 = tpu.vector_load %arg7[%get3A_977, %get3A_978, %get3A_979] {strides = array<i32>} : memref<4x128x64xf32, #tpu.memory_space<vmem>>, vector<1x1x16xf32>,
        %get3A_981 = vector.shape_cast %get3A_980 : vector<1x1x16xf32> to vector<16xf32>
        %mul3A_982 = arith.mulf %get3A_981, %get3A_4 : vector<16xf32>
        %swap3A_983 = arith.constant 1 : i32
        %swap3A_984 = arith.constant 4 : i32
        %swap3A_985 = arith.index_cast %swap3A_983 : i32 to index
        %swap3A_986 = arith.index_cast %add3A_592 : i32 to index
        %swap3A_987 = arith.index_cast %swap3A_984 : i32 to index
        %swap3A_988 = arith.constant 48 : index
        %swap3A_989 = tpu.vector_load %arg8[%swap3A_985, %swap3A_986, %swap3A_987, %swap3A_988] {strides = array<i32>} : memref<4x16x8x64xf32, #tpu.memory_space<vmem>>, vector<1x1x1x16xf32>,
        %swap3A_990 = vector.shape_cast %swap3A_989 : vector<1x1x1x16xf32> to vector<16xf32>
        %swap3A_991 = vector.shape_cast %mul3A_982 : vector<16xf32> to vector<1x1x1x16xf32>
        tpu.vector_store %arg8[%swap3A_985, %swap3A_986, %swap3A_987, %swap3A_988], %swap3A_991 {strides = array<i32>} : memref<4x16x8x64xf32, #tpu.memory_space<vmem>>, vector<1x1x1x16xf32>,
        %mul3A_992 = arith.constant 8 : i32
        %mul3A_993 = arith.muli %add3A_592, %mul3A_992 : i32
        %add3A_994 = arith.constant 5 : i32
        %add3A_995 = arith.addi %mul3A_993, %add3A_994 : i32
        %get3A_996 = arith.constant 1 : i32
        %get3A_997 = arith.index_cast %get3A_996 : i32 to index
        %get3A_998 = arith.index_cast %add3A_995 : i32 to index
        %get3A_999 = arith.constant 0 : index
        %get3A_1000 = tpu.vector_load %arg7[%get3A_997, %get3A_998, %get3A_999] {strides = array<i32>} : memref<4x128x64xf32, #tpu.memory_space<vmem>>, vector<1x1x16xf32>,
        %get3A_1001 = vector.shape_cast %get3A_1000 : vector<1x1x16xf32> to vector<16xf32>
        %mul3A_1002 = arith.mulf %get3A_1001, %get3A_4 : vector<16xf32>
        %swap3A_1003 = arith.constant 1 : i32
        %swap3A_1004 = arith.constant 5 : i32
        %swap3A_1005 = arith.index_cast %swap3A_1003 : i32 to index
        %swap3A_1006 = arith.index_cast %add3A_592 : i32 to index
        %swap3A_1007 = arith.index_cast %swap3A_1004 : i32 to index
        %swap3A_1008 = arith.constant 0 : index
        %swap3A_1009 = tpu.vector_load %arg8[%swap3A_1005, %swap3A_1006, %swap3A_1007, %swap3A_1008] {strides = array<i32>} : memref<4x16x8x64xf32, #tpu.memory_space<vmem>>, vector<1x1x1x16xf32>,
        %swap3A_1010 = vector.shape_cast %swap3A_1009 : vector<1x1x1x16xf32> to vector<16xf32>
        %swap3A_1011 = vector.shape_cast %mul3A_1002 : vector<16xf32> to vector<1x1x1x16xf32>
        tpu.vector_store %arg8[%swap3A_1005, %swap3A_1006, %swap3A_1007, %swap3A_1008], %swap3A_1011 {strides = array<i32>} : memref<4x16x8x64xf32, #tpu.memory_space<vmem>>, vector<1x1x1x16xf32>,
        %mul3A_1012 = arith.constant 8 : i32
        %mul3A_1013 = arith.muli %add3A_592, %mul3A_1012 : i32
        %add3A_1014 = arith.constant 5 : i32
        %add3A_1015 = arith.addi %mul3A_1013, %add3A_1014 : i32
        %get3A_1016 = arith.constant 1 : i32
        %get3A_1017 = arith.index_cast %get3A_1016 : i32 to index
        %get3A_1018 = arith.index_cast %add3A_1015 : i32 to index
        %get3A_1019 = arith.constant 16 : index
        %get3A_1020 = tpu.vector_load %arg7[%get3A_1017, %get3A_1018, %get3A_1019] {strides = array<i32>} : memref<4x128x64xf32, #tpu.memory_space<vmem>>, vector<1x1x16xf32>,
        %get3A_1021 = vector.shape_cast %get3A_1020 : vector<1x1x16xf32> to vector<16xf32>
        %mul3A_1022 = arith.mulf %get3A_1021, %get3A_4 : vector<16xf32>
        %swap3A_1023 = arith.constant 1 : i32
        %swap3A_1024 = arith.constant 5 : i32
        %swap3A_1025 = arith.index_cast %swap3A_1023 : i32 to index
        %swap3A_1026 = arith.index_cast %add3A_592 : i32 to index
        %swap3A_1027 = arith.index_cast %swap3A_1024 : i32 to index
        %swap3A_1028 = arith.constant 16 : index
        %swap3A_1029 = tpu.vector_load %arg8[%swap3A_1025, %swap3A_1026, %swap3A_1027, %swap3A_1028] {strides = array<i32>} : memref<4x16x8x64xf32, #tpu.memory_space<vmem>>, vector<1x1x1x16xf32>,
        %swap3A_1030 = vector.shape_cast %swap3A_1029 : vector<1x1x1x16xf32> to vector<16xf32>
        %swap3A_1031 = vector.shape_cast %mul3A_1022 : vector<16xf32> to vector<1x1x1x16xf32>
        tpu.vector_store %arg8[%swap3A_1025, %swap3A_1026, %swap3A_1027, %swap3A_1028], %swap3A_1031 {strides = array<i32>} : memref<4x16x8x64xf32, #tpu.memory_space<vmem>>, vector<1x1x1x16xf32>,
        %mul3A_1032 = arith.constant 8 : i32
        %mul3A_1033 = arith.muli %add3A_592, %mul3A_1032 : i32
        %add3A_1034 = arith.constant 5 : i32
        %add3A_1035 = arith.addi %mul3A_1033, %add3A_1034 : i32
        %get3A_1036 = arith.constant 1 : i32
        %get3A_1037 = arith.index_cast %get3A_1036 : i32 to index
        %get3A_1038 = arith.index_cast %add3A_1035 : i32 to index
        %get3A_1039 = arith.constant 32 : index
        %get3A_1040 = tpu.vector_load %arg7[%get3A_1037, %get3A_1038, %get3A_1039] {strides = array<i32>} : memref<4x128x64xf32, #tpu.memory_space<vmem>>, vector<1x1x16xf32>,
        %get3A_1041 = vector.shape_cast %get3A_1040 : vector<1x1x16xf32> to vector<16xf32>
        %mul3A_1042 = arith.mulf %get3A_1041, %get3A_4 : vector<16xf32>
        %swap3A_1043 = arith.constant 1 : i32
        %swap3A_1044 = arith.constant 5 : i32
        %swap3A_1045 = arith.index_cast %swap3A_1043 : i32 to index
        %swap3A_1046 = arith.index_cast %add3A_592 : i32 to index
        %swap3A_1047 = arith.index_cast %swap3A_1044 : i32 to index
        %swap3A_1048 = arith.constant 32 : index
        %swap3A_1049 = tpu.vector_load %arg8[%swap3A_1045, %swap3A_1046, %swap3A_1047, %swap3A_1048] {strides = array<i32>} : memref<4x16x8x64xf32, #tpu.memory_space<vmem>>, vector<1x1x1x16xf32>,
        %swap3A_1050 = vector.shape_cast %swap3A_1049 : vector<1x1x1x16xf32> to vector<16xf32>
        %swap3A_1051 = vector.shape_cast %mul3A_1042 : vector<16xf32> to vector<1x1x1x16xf32>
        tpu.vector_store %arg8[%swap3A_1045, %swap3A_1046, %swap3A_1047, %swap3A_1048], %swap3A_1051 {strides = array<i32>} : memref<4x16x8x64xf32, #tpu.memory_space<vmem>>, vector<1x1x1x16xf32>,
        %mul3A_1052 = arith.constant 8 : i32
        %mul3A_1053 = arith.muli %add3A_592, %mul3A_1052 : i32
        %add3A_1054 = arith.constant 5 : i32
        %add3A_1055 = arith.addi %mul3A_1053, %add3A_1054 : i32
        %get3A_1056 = arith.constant 1 : i32
        %get3A_1057 = arith.index_cast %get3A_1056 : i32 to index
        %get3A_1058 = arith.index_cast %add3A_1055 : i32 to index
        %get3A_1059 = arith.constant 48 : index
        %get3A_1060 = tpu.vector_load %arg7[%get3A_1057, %get3A_1058, %get3A_1059] {strides = array<i32>} : memref<4x128x64xf32, #tpu.memory_space<vmem>>, vector<1x1x16xf32>,
        %get3A_1061 = vector.shape_cast %get3A_1060 : vector<1x1x16xf32> to vector<16xf32>
        %mul3A_1062 = arith.mulf %get3A_1061, %get3A_4 : vector<16xf32>
        %swap3A_1063 = arith.constant 1 : i32
        %swap3A_1064 = arith.constant 5 : i32
        %swap3A_1065 = arith.index_cast %swap3A_1063 : i32 to index
        %swap3A_1066 = arith.index_cast %add3A_592 : i32 to index
        %swap3A_1067 = arith.index_cast %swap3A_1064 : i32 to index
        %swap3A_1068 = arith.constant 48 : index
        %swap3A_1069 = tpu.vector_load %arg8[%swap3A_1065, %swap3A_1066, %swap3A_1067, %swap3A_1068] {strides = array<i32>} : memref<4x16x8x64xf32, #tpu.memory_space<vmem>>, vector<1x1x1x16xf32>,
        %swap3A_1070 = vector.shape_cast %swap3A_1069 : vector<1x1x1x16xf32> to vector<16xf32>
        %swap3A_1071 = vector.shape_cast %mul3A_1062 : vector<16xf32> to vector<1x1x1x16xf32>
        tpu.vector_store %arg8[%swap3A_1065, %swap3A_1066, %swap3A_1067, %swap3A_1068], %swap3A_1071 {strides = array<i32>} : memref<4x16x8x64xf32, #tpu.memory_space<vmem>>, vector<1x1x1x16xf32>,
        %mul3A_1072 = arith.constant 8 : i32
        %mul3A_1073 = arith.muli %add3A_592, %mul3A_1072 : i32
        %add3A_1074 = arith.constant 6 : i32
        %add3A_1075 = arith.addi %mul3A_1073, %add3A_1074 : i32
        %get3A_1076 = arith.constant 1 : i32
        %get3A_1077 = arith.index_cast %get3A_1076 : i32 to index
        %get3A_1078 = arith.index_cast %add3A_1075 : i32 to index
        %get3A_1079 = arith.constant 0 : index
        %get3A_1080 = tpu.vector_load %arg7[%get3A_1077, %get3A_1078, %get3A_1079] {strides = array<i32>} : memref<4x128x64xf32, #tpu.memory_space<vmem>>, vector<1x1x16xf32>,
        %get3A_1081 = vector.shape_cast %get3A_1080 : vector<1x1x16xf32> to vector<16xf32>
        %mul3A_1082 = arith.mulf %get3A_1081, %get3A_4 : vector<16xf32>
        %swap3A_1083 = arith.constant 1 : i32
        %swap3A_1084 = arith.constant 6 : i32
        %swap3A_1085 = arith.index_cast %swap3A_1083 : i32 to index
        %swap3A_1086 = arith.index_cast %add3A_592 : i32 to index
        %swap3A_1087 = arith.index_cast %swap3A_1084 : i32 to index
        %swap3A_1088 = arith.constant 0 : index
        %swap3A_1089 = tpu.vector_load %arg8[%swap3A_1085, %swap3A_1086, %swap3A_1087, %swap3A_1088] {strides = array<i32>} : memref<4x16x8x64xf32, #tpu.memory_space<vmem>>, vector<1x1x1x16xf32>,
        %swap3A_1090 = vector.shape_cast %swap3A_1089 : vector<1x1x1x16xf32> to vector<16xf32>
        %swap3A_1091 = vector.shape_cast %mul3A_1082 : vector<16xf32> to vector<1x1x1x16xf32>
        tpu.vector_store %arg8[%swap3A_1085, %swap3A_1086, %swap3A_1087, %swap3A_1088], %swap3A_1091 {strides = array<i32>} : memref<4x16x8x64xf32, #tpu.memory_space<vmem>>, vector<1x1x1x16xf32>,
        %mul3A_1092 = arith.constant 8 : i32
        %mul3A_1093 = arith.muli %add3A_592, %mul3A_1092 : i32
        %add3A_1094 = arith.constant 6 : i32
        %add3A_1095 = arith.addi %mul3A_1093, %add3A_1094 : i32
        %get3A_1096 = arith.constant 1 : i32
        %get3A_1097 = arith.index_cast %get3A_1096 : i32 to index
        %get3A_1098 = arith.index_cast %add3A_1095 : i32 to index
        %get3A_1099 = arith.constant 16 : index
        %get3A_1100 = tpu.vector_load %arg7[%get3A_1097, %get3A_1098, %get3A_1099] {strides = array<i32>} : memref<4x128x64xf32, #tpu.memory_space<vmem>>, vector<1x1x16xf32>,
        %get3A_1101 = vector.shape_cast %get3A_1100 : vector<1x1x16xf32> to vector<16xf32>
        %mul3A_1102 = arith.mulf %get3A_1101, %get3A_4 : vector<16xf32>
        %swap3A_1103 = arith.constant 1 : i32
        %swap3A_1104 = arith.constant 6 : i32
        %swap3A_1105 = arith.index_cast %swap3A_1103 : i32 to index
        %swap3A_1106 = arith.index_cast %add3A_592 : i32 to index
        %swap3A_1107 = arith.index_cast %swap3A_1104 : i32 to index
        %swap3A_1108 = arith.constant 16 : index
        %swap3A_1109 = tpu.vector_load %arg8[%swap3A_1105, %swap3A_1106, %swap3A_1107, %swap3A_1108] {strides = array<i32>} : memref<4x16x8x64xf32, #tpu.memory_space<vmem>>, vector<1x1x1x16xf32>,
        %swap3A_1110 = vector.shape_cast %swap3A_1109 : vector<1x1x1x16xf32> to vector<16xf32>
        %swap3A_1111 = vector.shape_cast %mul3A_1102 : vector<16xf32> to vector<1x1x1x16xf32>
        tpu.vector_store %arg8[%swap3A_1105, %swap3A_1106, %swap3A_1107, %swap3A_1108], %swap3A_1111 {strides = array<i32>} : memref<4x16x8x64xf32, #tpu.memory_space<vmem>>, vector<1x1x1x16xf32>,
        %mul3A_1112 = arith.constant 8 : i32
        %mul3A_1113 = arith.muli %add3A_592, %mul3A_1112 : i32
        %add3A_1114 = arith.constant 6 : i32
        %add3A_1115 = arith.addi %mul3A_1113, %add3A_1114 : i32
        %get3A_1116 = arith.constant 1 : i32
        %get3A_1117 = arith.index_cast %get3A_1116 : i32 to index
        %get3A_1118 = arith.index_cast %add3A_1115 : i32 to index
        %get3A_1119 = arith.constant 32 : index
        %get3A_1120 = tpu.vector_load %arg7[%get3A_1117, %get3A_1118, %get3A_1119] {strides = array<i32>} : memref<4x128x64xf32, #tpu.memory_space<vmem>>, vector<1x1x16xf32>,
        %get3A_1121 = vector.shape_cast %get3A_1120 : vector<1x1x16xf32> to vector<16xf32>
        %mul3A_1122 = arith.mulf %get3A_1121, %get3A_4 : vector<16xf32>
        %swap3A_1123 = arith.constant 1 : i32
        %swap3A_1124 = arith.constant 6 : i32
        %swap3A_1125 = arith.index_cast %swap3A_1123 : i32 to index
        %swap3A_1126 = arith.index_cast %add3A_592 : i32 to index
        %swap3A_1127 = arith.index_cast %swap3A_1124 : i32 to index
        %swap3A_1128 = arith.constant 32 : index
        %swap3A_1129 = tpu.vector_load %arg8[%swap3A_1125, %swap3A_1126, %swap3A_1127, %swap3A_1128] {strides = array<i32>} : memref<4x16x8x64xf32, #tpu.memory_space<vmem>>, vector<1x1x1x16xf32>,
        %swap3A_1130 = vector.shape_cast %swap3A_1129 : vector<1x1x1x16xf32> to vector<16xf32>
        %swap3A_1131 = vector.shape_cast %mul3A_1122 : vector<16xf32> to vector<1x1x1x16xf32>
        tpu.vector_store %arg8[%swap3A_1125, %swap3A_1126, %swap3A_1127, %swap3A_1128], %swap3A_1131 {strides = array<i32>} : memref<4x16x8x64xf32, #tpu.memory_space<vmem>>, vector<1x1x1x16xf32>,
        %mul3A_1132 = arith.constant 8 : i32
        %mul3A_1133 = arith.muli %add3A_592, %mul3A_1132 : i32
        %add3A_1134 = arith.constant 6 : i32
        %add3A_1135 = arith.addi %mul3A_1133, %add3A_1134 : i32
        %get3A_1136 = arith.constant 1 : i32
        %get3A_1137 = arith.index_cast %get3A_1136 : i32 to index
        %get3A_1138 = arith.index_cast %add3A_1135 : i32 to index
        %get3A_1139 = arith.constant 48 : index
        %get3A_1140 = tpu.vector_load %arg7[%get3A_1137, %get3A_1138, %get3A_1139] {strides = array<i32>} : memref<4x128x64xf32, #tpu.memory_space<vmem>>, vector<1x1x16xf32>,
        %get3A_1141 = vector.shape_cast %get3A_1140 : vector<1x1x16xf32> to vector<16xf32>
        %mul3A_1142 = arith.mulf %get3A_1141, %get3A_4 : vector<16xf32>
        %swap3A_1143 = arith.constant 1 : i32
        %swap3A_1144 = arith.constant 6 : i32
        %swap3A_1145 = arith.index_cast %swap3A_1143 : i32 to index
        %swap3A_1146 = arith.index_cast %add3A_592 : i32 to index
        %swap3A_1147 = arith.index_cast %swap3A_1144 : i32 to index
        %swap3A_1148 = arith.constant 48 : index
        %swap3A_1149 = tpu.vector_load %arg8[%swap3A_1145, %swap3A_1146, %swap3A_1147, %swap3A_1148] {strides = array<i32>} : memref<4x16x8x64xf32, #tpu.memory_space<vmem>>, vector<1x1x1x16xf32>,
        %swap3A_1150 = vector.shape_cast %swap3A_1149 : vector<1x1x1x16xf32> to vector<16xf32>
        %swap3A_1151 = vector.shape_cast %mul3A_1142 : vector<16xf32> to vector<1x1x1x16xf32>
        tpu.vector_store %arg8[%swap3A_1145, %swap3A_1146, %swap3A_1147, %swap3A_1148], %swap3A_1151 {strides = array<i32>} : memref<4x16x8x64xf32, #tpu.memory_space<vmem>>, vector<1x1x1x16xf32>,
        %mul3A_1152 = arith.constant 8 : i32
        %mul3A_1153 = arith.muli %add3A_592, %mul3A_1152 : i32
        %add3A_1154 = arith.constant 7 : i32
        %add3A_1155 = arith.addi %mul3A_1153, %add3A_1154 : i32
        %get3A_1156 = arith.constant 1 : i32
        %get3A_1157 = arith.index_cast %get3A_1156 : i32 to index
        %get3A_1158 = arith.index_cast %add3A_1155 : i32 to index
        %get3A_1159 = arith.constant 0 : index
        %get3A_1160 = tpu.vector_load %arg7[%get3A_1157, %get3A_1158, %get3A_1159] {strides = array<i32>} : memref<4x128x64xf32, #tpu.memory_space<vmem>>, vector<1x1x16xf32>,
        %get3A_1161 = vector.shape_cast %get3A_1160 : vector<1x1x16xf32> to vector<16xf32>
        %mul3A_1162 = arith.mulf %get3A_1161, %get3A_4 : vector<16xf32>
        %swap3A_1163 = arith.constant 1 : i32
        %swap3A_1164 = arith.constant 7 : i32
        %swap3A_1165 = arith.index_cast %swap3A_1163 : i32 to index
        %swap3A_1166 = arith.index_cast %add3A_592 : i32 to index
        %swap3A_1167 = arith.index_cast %swap3A_1164 : i32 to index
        %swap3A_1168 = arith.constant 0 : index
        %swap3A_1169 = tpu.vector_load %arg8[%swap3A_1165, %swap3A_1166, %swap3A_1167, %swap3A_1168] {strides = array<i32>} : memref<4x16x8x64xf32, #tpu.memory_space<vmem>>, vector<1x1x1x16xf32>,
        %swap3A_1170 = vector.shape_cast %swap3A_1169 : vector<1x1x1x16xf32> to vector<16xf32>
        %swap3A_1171 = vector.shape_cast %mul3A_1162 : vector<16xf32> to vector<1x1x1x16xf32>
        tpu.vector_store %arg8[%swap3A_1165, %swap3A_1166, %swap3A_1167, %swap3A_1168], %swap3A_1171 {strides = array<i32>} : memref<4x16x8x64xf32, #tpu.memory_space<vmem>>, vector<1x1x1x16xf32>,
        %mul3A_1172 = arith.constant 8 : i32
        %mul3A_1173 = arith.muli %add3A_592, %mul3A_1172 : i32
        %add3A_1174 = arith.constant 7 : i32
        %add3A_1175 = arith.addi %mul3A_1173, %add3A_1174 : i32
        %get3A_1176 = arith.constant 1 : i32
        %get3A_1177 = arith.index_cast %get3A_1176 : i32 to index
        %get3A_1178 = arith.index_cast %add3A_1175 : i32 to index
        %get3A_1179 = arith.constant 16 : index
        %get3A_1180 = tpu.vector_load %arg7[%get3A_1177, %get3A_1178, %get3A_1179] {strides = array<i32>} : memref<4x128x64xf32, #tpu.memory_space<vmem>>, vector<1x1x16xf32>,
        %get3A_1181 = vector.shape_cast %get3A_1180 : vector<1x1x16xf32> to vector<16xf32>
        %mul3A_1182 = arith.mulf %get3A_1181, %get3A_4 : vector<16xf32>
        %swap3A_1183 = arith.constant 1 : i32
        %swap3A_1184 = arith.constant 7 : i32
        %swap3A_1185 = arith.index_cast %swap3A_1183 : i32 to index
        %swap3A_1186 = arith.index_cast %add3A_592 : i32 to index
        %swap3A_1187 = arith.index_cast %swap3A_1184 : i32 to index
        %swap3A_1188 = arith.constant 16 : index
        %swap3A_1189 = tpu.vector_load %arg8[%swap3A_1185, %swap3A_1186, %swap3A_1187, %swap3A_1188] {strides = array<i32>} : memref<4x16x8x64xf32, #tpu.memory_space<vmem>>, vector<1x1x1x16xf32>,
        %swap3A_1190 = vector.shape_cast %swap3A_1189 : vector<1x1x1x16xf32> to vector<16xf32>
        %swap3A_1191 = vector.shape_cast %mul3A_1182 : vector<16xf32> to vector<1x1x1x16xf32>
        tpu.vector_store %arg8[%swap3A_1185, %swap3A_1186, %swap3A_1187, %swap3A_1188], %swap3A_1191 {strides = array<i32>} : memref<4x16x8x64xf32, #tpu.memory_space<vmem>>, vector<1x1x1x16xf32>,
        %mul3A_1192 = arith.constant 8 : i32
        %mul3A_1193 = arith.muli %add3A_592, %mul3A_1192 : i32
        %add3A_1194 = arith.constant 7 : i32
        %add3A_1195 = arith.addi %mul3A_1193, %add3A_1194 : i32
        %get3A_1196 = arith.constant 1 : i32
        %get3A_1197 = arith.index_cast %get3A_1196 : i32 to index
        %get3A_1198 = arith.index_cast %add3A_1195 : i32 to index
        %get3A_1199 = arith.constant 32 : index
        %get3A_1200 = tpu.vector_load %arg7[%get3A_1197, %get3A_1198, %get3A_1199] {strides = array<i32>} : memref<4x128x64xf32, #tpu.memory_space<vmem>>, vector<1x1x16xf32>,
        %get3A_1201 = vector.shape_cast %get3A_1200 : vector<1x1x16xf32> to vector<16xf32>
        %mul3A_1202 = arith.mulf %get3A_1201, %get3A_4 : vector<16xf32>
        %swap3A_1203 = arith.constant 1 : i32
        %swap3A_1204 = arith.constant 7 : i32
        %swap3A_1205 = arith.index_cast %swap3A_1203 : i32 to index
        %swap3A_1206 = arith.index_cast %add3A_592 : i32 to index
        %swap3A_1207 = arith.index_cast %swap3A_1204 : i32 to index
        %swap3A_1208 = arith.constant 32 : index
        %swap3A_1209 = tpu.vector_load %arg8[%swap3A_1205, %swap3A_1206, %swap3A_1207, %swap3A_1208] {strides = array<i32>} : memref<4x16x8x64xf32, #tpu.memory_space<vmem>>, vector<1x1x1x16xf32>,
        %swap3A_1210 = vector.shape_cast %swap3A_1209 : vector<1x1x1x16xf32> to vector<16xf32>
        %swap3A_1211 = vector.shape_cast %mul3A_1202 : vector<16xf32> to vector<1x1x1x16xf32>
        tpu.vector_store %arg8[%swap3A_1205, %swap3A_1206, %swap3A_1207, %swap3A_1208], %swap3A_1211 {strides = array<i32>} : memref<4x16x8x64xf32, #tpu.memory_space<vmem>>, vector<1x1x1x16xf32>,
        %mul3A_1212 = arith.constant 8 : i32
        %mul3A_1213 = arith.muli %add3A_592, %mul3A_1212 : i32
        %add3A_1214 = arith.constant 7 : i32
        %add3A_1215 = arith.addi %mul3A_1213, %add3A_1214 : i32
        %get3A_1216 = arith.constant 1 : i32
        %get3A_1217 = arith.index_cast %get3A_1216 : i32 to index
        %get3A_1218 = arith.index_cast %add3A_1215 : i32 to index
        %get3A_1219 = arith.constant 48 : index
        %get3A_1220 = tpu.vector_load %arg7[%get3A_1217, %get3A_1218, %get3A_1219] {strides = array<i32>} : memref<4x128x64xf32, #tpu.memory_space<vmem>>, vector<1x1x16xf32>,
        %get3A_1221 = vector.shape_cast %get3A_1220 : vector<1x1x16xf32> to vector<16xf32>
        %mul3A_1222 = arith.mulf %get3A_1221, %get3A_4 : vector<16xf32>
        %swap3A_1223 = arith.constant 1 : i32
        %swap3A_1224 = arith.constant 7 : i32
        %swap3A_1225 = arith.index_cast %swap3A_1223 : i32 to index
        %swap3A_1226 = arith.index_cast %add3A_592 : i32 to index
        %swap3A_1227 = arith.index_cast %swap3A_1224 : i32 to index
        %swap3A_1228 = arith.constant 48 : index
        %swap3A_1229 = tpu.vector_load %arg8[%swap3A_1225, %swap3A_1226, %swap3A_1227, %swap3A_1228] {strides = array<i32>} : memref<4x16x8x64xf32, #tpu.memory_space<vmem>>, vector<1x1x1x16xf32>,
        %swap3A_1230 = vector.shape_cast %swap3A_1229 : vector<1x1x1x16xf32> to vector<16xf32>
        %swap3A_1231 = vector.shape_cast %mul3A_1222 : vector<16xf32> to vector<1x1x1x16xf32>
        tpu.vector_store %arg8[%swap3A_1225, %swap3A_1226, %swap3A_1227, %swap3A_1228], %swap3A_1231 {strides = array<i32>} : memref<4x16x8x64xf32, #tpu.memory_space<vmem>>, vector<1x1x1x16xf32>,
      }
      %scan3A_368 = arith.constant 16 : i32
      %add3A_369 = arith.constant 1 : i32
      %add3A_370 = arith.addi %add3A_267, %add3A_369 : i32
      %lt3A_371 = arith.constant 50 : i32
      %lt3A_372 = arith.cmpi slt, %add3A_370, %lt3A_371 : i32
      %convert_element_type3A_373 = arith.extui %lt3A_372 : i1 to i32
      %cond3A_374 = arith.constant 0 : i32
      %cond3A_375 = arith.cmpi ne, %convert_element_type3A_373, %cond3A_374 : i32
      scf.if %cond3A_375 {
        %add3A_588 = arith.constant 1 : i32
        %add3A_589 = arith.addi %add3A_267, %add3A_588 : i32
        %dma_start3A_590 = arith.constant 1 : i32
        %dma_start3A_591 = arith.constant 1 : i32
        %dma_start3A_592 = arith.constant 0 : i32
        %dma_start3A_593 = arith.constant 0 : i32
        %dma_start3A_594 = tpu.memref_slice %arg7[%dma_start3A_590, %dma_start3A_592, %dma_start3A_593] : memref<4x128x64xf32, #tpu.memory_space<vmem>> -> memref<1x128x64xf32, #tpu.memory_space<vmem>>
        %dma_start3A_595 = tpu.memref_squeeze %dma_start3A_594 : memref<1x128x64xf32, #tpu.memory_space<vmem>> -> memref<128x64xf32, #tpu.memory_space<vmem>>
        %dma_start3A_596 = arith.constant 128 : i32
        %dma_start3A_597 = tpu.memref_slice %arg6[%add3A_589, %dma_start3A_596] : memref<50x512xi32, #tpu.memory_space<vmem>> -> memref<1x128xi32, #tpu.memory_space<vmem>>
        %dma_start3A_598 = tpu.memref_squeeze %dma_start3A_597 : memref<1x128xi32, #tpu.memory_space<vmem>> -> memref<128xi32, #tpu.memory_space<vmem>>
        %dma_start3A_599 = arith.constant 0 : i32
        %dma_start3A_600 = arith.constant 0 : i32
        %dma_start3A_601 = tpu.memref_slice %arg2[%dma_start3A_599, %dma_start3A_600] : memref<1000000x64xf32, #tpu.memory_space<hbm>> -> memref<1000000x64xf32, #tpu.memory_space<hbm>>
        %dma_start3A_602 = tpu.memref_slice %arg10[%dma_start3A_591] : memref<4x!tpu.dma_semaphore, #tpu.memory_space<semaphore_mem>> -> memref<1x!tpu.dma_semaphore, #tpu.memory_space<semaphore_mem>>
        %dma_start3A_603 = tpu.memref_squeeze %dma_start3A_602 : memref<1x!tpu.dma_semaphore, #tpu.memory_space<semaphore_mem>> -> memref<!tpu.dma_semaphore, #tpu.memory_space<semaphore_mem>>
        tpu.enqueue_indirect_dma source(%dma_start3A_601 : memref<1000000x64xf32, #tpu.memory_space<hbm>>) target(%dma_start3A_595 : memref<128x64xf32, #tpu.memory_space<vmem>>) offsets(%dma_start3A_598 : memref<128xi32, #tpu.memory_space<vmem>>) semaphore(%dma_start3A_603 : memref<!tpu.dma_semaphore, #tpu.memory_space<semaphore_mem>>)
      } else {
      }
      %mul3A_376 = arith.constant 512 : i32
      %mul3A_377 = arith.muli %add3A, %mul3A_376 : i32
      %add3A_378 = arith.constant 128 : i32
      %add3A_379 = arith.addi %mul3A_377, %add3A_378 : i32
      %jit3A_380 = arith.constant 8 : i32
      %div3A_381 = arith.divsi %add3A_379, %jit3A_380 : i32
      %sign3A_382 = arith.constant 0 : i32
      %sign3A_383 = arith.cmpi sgt, %add3A_379, %sign3A_382 : i32
      %sign3A_384 = arith.extui %sign3A_383 : i1 to i32
      %sign3A_385 = arith.constant 0 : i32
      %sign3A_386 = arith.cmpi slt, %add3A_379, %sign3A_385 : i32
      %sign3A_387 = arith.extui %sign3A_386 : i1 to i32
      %sign3A_388 = arith.subi %sign3A_384, %sign3A_387 : i32
      %sign3A_389 = arith.constant 0 : i32
      %sign3A_390 = arith.cmpi sgt, %jit3A_380, %sign3A_389 : i32
      %sign3A_391 = arith.extui %sign3A_390 : i1 to i32
      %sign3A_392 = arith.constant 0 : i32
      %sign3A_393 = arith.cmpi slt, %jit3A_380, %sign3A_392 : i32
      %sign3A_394 = arith.extui %sign3A_393 : i1 to i32
      %sign3A_395 = arith.subi %sign3A_391, %sign3A_394 : i32
      %ne3A_396 = arith.cmpi ne, %sign3A_388, %sign3A_395 : i32
      %rem3A_397 = arith.remsi %add3A_379, %jit3A_380 : i32
      %ne3A_398 = arith.constant 0 : i32
      %ne3A_399 = arith.cmpi ne, %rem3A_397, %ne3A_398 : i32
      %and3A_400 = arith.andi %ne3A_396, %ne3A_399 : i1
      %sub3A_401 = arith.constant 1 : i32
      %sub3A_402 = arith.subi %div3A_381, %sub3A_401 : i32
      %select_n3A_403 = arith.select %and3A_400, %sub3A_402, %div3A_381 : i32
      %dma_start3A_404 = arith.constant 1 : i32
      %dma_start3A_405 = arith.constant 1 : i32
      %dma_start3A_406 = arith.constant 0 : i32
      %dma_start3A_407 = arith.constant 0 : i32
      %dma_start3A_408 = arith.constant 0 : i32
      %dma_start3A_409 = tpu.memref_slice %arg8[%dma_start3A_404, %dma_start3A_406, %dma_start3A_407, %dma_start3A_408] : memref<4x16x8x64xf32, #tpu.memory_space<vmem>> -> memref<1x16x8x64xf32, #tpu.memory_space<vmem>>
      %dma_start3A_410 = tpu.memref_squeeze %dma_start3A_409 : memref<1x16x8x64xf32, #tpu.memory_space<vmem>> -> memref<16x8x64xf32, #tpu.memory_space<vmem>>
      %dma_start3A_411 = arith.constant 0 : i32
      %dma_start3A_412 = arith.constant 0 : i32
      %dma_start3A_413 = tpu.memref_slice %arg5[%add3A_267, %select_n3A_403, %dma_start3A_411, %dma_start3A_412] : memref<50x2048x8x128xf32, #tpu.memory_space<hbm>> -> memref<1x16x8x64xf32, #tpu.memory_space<hbm>>
      %dma_start3A_414 = tpu.memref_squeeze %dma_start3A_413 : memref<1x16x8x64xf32, #tpu.memory_space<hbm>> -> memref<16x8x64xf32, #tpu.memory_space<hbm>>
      %dma_start3A_415 = tpu.memref_slice %arg11[%dma_start3A_405] : memref<4x!tpu.dma_semaphore, #tpu.memory_space<semaphore_mem>> -> memref<1x!tpu.dma_semaphore, #tpu.memory_space<semaphore_mem>>
      %dma_start3A_416 = tpu.memref_squeeze %dma_start3A_415 : memref<1x!tpu.dma_semaphore, #tpu.memory_space<semaphore_mem>> -> memref<!tpu.dma_semaphore, #tpu.memory_space<semaphore_mem>>
      %dma_start3A_417 = arith.constant 0 : i32
      %dma_start3A_418 = arith.constant 0 : i32
      %dma_start3A_419 = tpu.memref_slice %arg5[%add3A_267, %select_n3A_403, %dma_start3A_417, %dma_start3A_418] : memref<50x2048x8x128xf32, #tpu.memory_space<hbm>> -> memref<1x16x8x64xf32, #tpu.memory_space<hbm>>
      %dma_start3A_420 = tpu.memref_squeeze %dma_start3A_419 : memref<1x16x8x64xf32, #tpu.memory_space<hbm>> -> memref<16x8x64xf32, #tpu.memory_space<hbm>>
      %dma_start3A_421 = arith.constant 0 : i32
      %dma_start3A_422 = arith.constant 0 : i32
      %dma_start3A_423 = arith.constant 0 : i32
      %dma_start3A_424 = tpu.memref_slice %arg8[%dma_start3A_404, %dma_start3A_421, %dma_start3A_422, %dma_start3A_423] : memref<4x16x8x64xf32, #tpu.memory_space<vmem>> -> memref<1x16x8x64xf32, #tpu.memory_space<vmem>>
      %dma_start3A_425 = tpu.memref_squeeze %dma_start3A_424 : memref<1x16x8x64xf32, #tpu.memory_space<vmem>> -> memref<16x8x64xf32, #tpu.memory_space<vmem>>
      tpu.enqueue_dma source(%dma_start3A_425 : memref<16x8x64xf32, #tpu.memory_space<vmem>>) target(%dma_start3A_420 : memref<16x8x64xf32, #tpu.memory_space<hbm>>) target_semaphore(%dma_start3A_416 : memref<!tpu.dma_semaphore, #tpu.memory_space<semaphore_mem>>)
      %dma_wait3A_426 = arith.constant 2 : i32
      %dma_wait3A_427 = arith.constant 2 : i32
      %dma_wait3A_428 = arith.constant 0 : i32
      %dma_wait3A_429 = arith.constant 0 : i32
      %dma_wait3A_430 = tpu.memref_slice %arg7[%dma_wait3A_426, %dma_wait3A_428, %dma_wait3A_429] : memref<4x128x64xf32, #tpu.memory_space<vmem>> -> memref<1x128x64xf32, #tpu.memory_space<vmem>>
      %dma_wait3A_431 = tpu.memref_squeeze %dma_wait3A_430 : memref<1x128x64xf32, #tpu.memory_space<vmem>> -> memref<128x64xf32, #tpu.memory_space<vmem>>
      %dma_wait3A_432 = arith.constant 256 : i32
      %dma_wait3A_433 = tpu.memref_slice %arg6[%add3A_267, %dma_wait3A_432] : memref<50x512xi32, #tpu.memory_space<vmem>> -> memref<1x128xi32, #tpu.memory_space<vmem>>
      %dma_wait3A_434 = tpu.memref_squeeze %dma_wait3A_433 : memref<1x128xi32, #tpu.memory_space<vmem>> -> memref<128xi32, #tpu.memory_space<vmem>>
      %dma_wait3A_435 = arith.constant 0 : i32
      %dma_wait3A_436 = arith.constant 0 : i32
      %dma_wait3A_437 = tpu.memref_slice %arg2[%dma_wait3A_435, %dma_wait3A_436] : memref<1000000x64xf32, #tpu.memory_space<hbm>> -> memref<1000000x64xf32, #tpu.memory_space<hbm>>
      %dma_wait3A_438 = tpu.memref_slice %arg10[%dma_wait3A_427] : memref<4x!tpu.dma_semaphore, #tpu.memory_space<semaphore_mem>> -> memref<1x!tpu.dma_semaphore, #tpu.memory_space<semaphore_mem>>
      %dma_wait3A_439 = tpu.memref_squeeze %dma_wait3A_438 : memref<1x!tpu.dma_semaphore, #tpu.memory_space<semaphore_mem>> -> memref<!tpu.dma_semaphore, #tpu.memory_space<semaphore_mem>>
      tpu.wait_indirect_dma semaphore(%dma_wait3A_439 : memref<!tpu.dma_semaphore, #tpu.memory_space<semaphore_mem>>) src(%dma_wait3A_437 : memref<1000000x64xf32, #tpu.memory_space<hbm>>) dst(%dma_wait3A_431 : memref<128x64xf32, #tpu.memory_space<vmem>>)
      %gt3A_440 = arith.constant 0 : i32
      %gt3A_441 = arith.cmpi sgt, %add3A_267, %gt3A_440 : i32
      %convert_element_type3A_442 = arith.extui %gt3A_441 : i1 to i32
      %cond3A_443 = arith.constant 0 : i32
      %cond3A_444 = arith.cmpi ne, %convert_element_type3A_442, %cond3A_443 : i32
      scf.if %cond3A_444 {
        %mul3A_588 = arith.constant 512 : i32
        %mul3A_589 = arith.muli %add3A, %mul3A_588 : i32
        %add3A_590 = arith.constant 256 : i32
        %add3A_591 = arith.addi %mul3A_589, %add3A_590 : i32
        %jit3A_592 = arith.constant 8 : i32
        %div3A_593 = arith.divsi %add3A_591, %jit3A_592 : i32
        %sign3A_594 = arith.constant 0 : i32
        %sign3A_595 = arith.cmpi sgt, %add3A_591, %sign3A_594 : i32
        %sign3A_596 = arith.extui %sign3A_595 : i1 to i32
        %sign3A_597 = arith.constant 0 : i32
        %sign3A_598 = arith.cmpi slt, %add3A_591, %sign3A_597 : i32
        %sign3A_599 = arith.extui %sign3A_598 : i1 to i32
        %sign3A_600 = arith.subi %sign3A_596, %sign3A_599 : i32
        %sign3A_601 = arith.constant 0 : i32
        %sign3A_602 = arith.cmpi sgt, %jit3A_592, %sign3A_601 : i32
        %sign3A_603 = arith.extui %sign3A_602 : i1 to i32
        %sign3A_604 = arith.constant 0 : i32
        %sign3A_605 = arith.cmpi slt, %jit3A_592, %sign3A_604 : i32
        %sign3A_606 = arith.extui %sign3A_605 : i1 to i32
        %sign3A_607 = arith.subi %sign3A_603, %sign3A_606 : i32
        %ne3A_608 = arith.cmpi ne, %sign3A_600, %sign3A_607 : i32
        %rem3A_609 = arith.remsi %add3A_591, %jit3A_592 : i32
        %ne3A_610 = arith.constant 0 : i32
        %ne3A_611 = arith.cmpi ne, %rem3A_609, %ne3A_610 : i32
        %and3A_612 = arith.andi %ne3A_608, %ne3A_611 : i1
        %sub3A_613 = arith.constant 1 : i32
        %sub3A_614 = arith.subi %div3A_593, %sub3A_613 : i32
        %select_n3A_615 = arith.select %and3A_612, %sub3A_614, %div3A_593 : i32
        %dma_wait3A_616 = arith.constant 2 : i32
        %dma_wait3A_617 = arith.constant 2 : i32
        %dma_wait3A_618 = arith.constant 0 : i32
        %dma_wait3A_619 = arith.constant 0 : i32
        %dma_wait3A_620 = arith.constant 0 : i32
        %dma_wait3A_621 = tpu.memref_slice %arg8[%dma_wait3A_616, %dma_wait3A_618, %dma_wait3A_619, %dma_wait3A_620] : memref<4x16x8x64xf32, #tpu.memory_space<vmem>> -> memref<1x16x8x64xf32, #tpu.memory_space<vmem>>
        %dma_wait3A_622 = tpu.memref_squeeze %dma_wait3A_621 : memref<1x16x8x64xf32, #tpu.memory_space<vmem>> -> memref<16x8x64xf32, #tpu.memory_space<vmem>>
        %dma_wait3A_623 = arith.constant 0 : i32
        %dma_wait3A_624 = arith.constant 0 : i32
        %dma_wait3A_625 = tpu.memref_slice %arg5[%add3A_267, %select_n3A_615, %dma_wait3A_623, %dma_wait3A_624] : memref<50x2048x8x128xf32, #tpu.memory_space<hbm>> -> memref<1x16x8x64xf32, #tpu.memory_space<hbm>>
        %dma_wait3A_626 = tpu.memref_squeeze %dma_wait3A_625 : memref<1x16x8x64xf32, #tpu.memory_space<hbm>> -> memref<16x8x64xf32, #tpu.memory_space<hbm>>
        %dma_wait3A_627 = tpu.memref_slice %arg11[%dma_wait3A_617] : memref<4x!tpu.dma_semaphore, #tpu.memory_space<semaphore_mem>> -> memref<1x!tpu.dma_semaphore, #tpu.memory_space<semaphore_mem>>
        %dma_wait3A_628 = tpu.memref_squeeze %dma_wait3A_627 : memref<1x!tpu.dma_semaphore, #tpu.memory_space<semaphore_mem>> -> memref<!tpu.dma_semaphore, #tpu.memory_space<semaphore_mem>>
        %dma_wait3A_629 = arith.constant 0 : i32
        %dma_wait3A_630 = arith.constant 0 : i32
        %dma_wait3A_631 = tpu.memref_slice %arg5[%add3A_267, %select_n3A_615, %dma_wait3A_629, %dma_wait3A_630] : memref<50x2048x8x128xf32, #tpu.memory_space<hbm>> -> memref<1x16x8x64xf32, #tpu.memory_space<hbm>>
        %dma_wait3A_632 = tpu.memref_squeeze %dma_wait3A_631 : memref<1x16x8x64xf32, #tpu.memory_space<hbm>> -> memref<16x8x64xf32, #tpu.memory_space<hbm>>
        %dma_wait3A_633 = arith.constant 0 : i32
        %dma_wait3A_634 = arith.constant 0 : i32
        %dma_wait3A_635 = arith.constant 0 : i32
        %dma_wait3A_636 = tpu.memref_slice %arg8[%dma_wait3A_616, %dma_wait3A_633, %dma_wait3A_634, %dma_wait3A_635] : memref<4x16x8x64xf32, #tpu.memory_space<vmem>> -> memref<1x16x8x64xf32, #tpu.memory_space<vmem>>
        %dma_wait3A_637 = tpu.memref_squeeze %dma_wait3A_636 : memref<1x16x8x64xf32, #tpu.memory_space<vmem>> -> memref<16x8x64xf32, #tpu.memory_space<vmem>>
        tpu.wait_dma2 semaphore(%dma_wait3A_628 : memref<!tpu.dma_semaphore, #tpu.memory_space<semaphore_mem>>) src(%dma_wait3A_637 : memref<16x8x64xf32, #tpu.memory_space<vmem>>) dst(%dma_wait3A_632 : memref<16x8x64xf32, #tpu.memory_space<hbm>>)
      } else {
      }
      %scan3A_445 = arith.constant 0 : i32
      %scan3A_446 = arith.constant 16 : i32
      %scan3A_447 = arith.addi %scan3A_445, %scan3A_446 : i32
      %scan3A_448 = arith.constant 1 : i32
      scf.for %scan3A_588 = %scan3A_445 to %scan3A_447 step %scan3A_448  : i32 {
        %mul3A_589 = arith.constant 1 : i32
        %mul3A_590 = arith.muli %scan3A_588, %mul3A_589 : i32
        %add3A_591 = arith.constant 0 : i32
        %add3A_592 = arith.addi %add3A_591, %mul3A_590 : i32
        %mul3A_593 = arith.constant 8 : i32
        %mul3A_594 = arith.muli %add3A_592, %mul3A_593 : i32
        %add3A_595 = arith.constant 0 : i32
        %add3A_596 = arith.addi %mul3A_594, %add3A_595 : i32
        %get3A_597 = arith.constant 2 : i32
        %get3A_598 = arith.index_cast %get3A_597 : i32 to index
        %get3A_599 = arith.index_cast %add3A_596 : i32 to index
        %get3A_600 = arith.constant 0 : index
        %get3A_601 = tpu.vector_load %arg7[%get3A_598, %get3A_599, %get3A_600] {strides = array<i32>} : memref<4x128x64xf32, #tpu.memory_space<vmem>>, vector<1x1x16xf32>,
        %get3A_602 = vector.shape_cast %get3A_601 : vector<1x1x16xf32> to vector<16xf32>
        %mul3A_603 = arith.mulf %get3A_602, %get3A_4 : vector<16xf32>
        %swap3A = arith.constant 2 : i32
        %swap3A_604 = arith.constant 0 : i32
        %swap3A_605 = arith.index_cast %swap3A : i32 to index
        %swap3A_606 = arith.index_cast %add3A_592 : i32 to index
        %swap3A_607 = arith.index_cast %swap3A_604 : i32 to index
        %swap3A_608 = arith.constant 0 : index
        %swap3A_609 = tpu.vector_load %arg8[%swap3A_605, %swap3A_606, %swap3A_607, %swap3A_608] {strides = array<i32>} : memref<4x16x8x64xf32, #tpu.memory_space<vmem>>, vector<1x1x1x16xf32>,
        %swap3A_610 = vector.shape_cast %swap3A_609 : vector<1x1x1x16xf32> to vector<16xf32>
        %swap3A_611 = vector.shape_cast %mul3A_603 : vector<16xf32> to vector<1x1x1x16xf32>
        tpu.vector_store %arg8[%swap3A_605, %swap3A_606, %swap3A_607, %swap3A_608], %swap3A_611 {strides = array<i32>} : memref<4x16x8x64xf32, #tpu.memory_space<vmem>>, vector<1x1x1x16xf32>,
        %mul3A_612 = arith.constant 8 : i32
        %mul3A_613 = arith.muli %add3A_592, %mul3A_612 : i32
        %add3A_614 = arith.constant 0 : i32
        %add3A_615 = arith.addi %mul3A_613, %add3A_614 : i32
        %get3A_616 = arith.constant 2 : i32
        %get3A_617 = arith.index_cast %get3A_616 : i32 to index
        %get3A_618 = arith.index_cast %add3A_615 : i32 to index
        %get3A_619 = arith.constant 16 : index
        %get3A_620 = tpu.vector_load %arg7[%get3A_617, %get3A_618, %get3A_619] {strides = array<i32>} : memref<4x128x64xf32, #tpu.memory_space<vmem>>, vector<1x1x16xf32>,
        %get3A_621 = vector.shape_cast %get3A_620 : vector<1x1x16xf32> to vector<16xf32>
        %mul3A_622 = arith.mulf %get3A_621, %get3A_4 : vector<16xf32>
        %swap3A_623 = arith.constant 2 : i32
        %swap3A_624 = arith.constant 0 : i32
        %swap3A_625 = arith.index_cast %swap3A_623 : i32 to index
        %swap3A_626 = arith.index_cast %add3A_592 : i32 to index
        %swap3A_627 = arith.index_cast %swap3A_624 : i32 to index
        %swap3A_628 = arith.constant 16 : index
        %swap3A_629 = tpu.vector_load %arg8[%swap3A_625, %swap3A_626, %swap3A_627, %swap3A_628] {strides = array<i32>} : memref<4x16x8x64xf32, #tpu.memory_space<vmem>>, vector<1x1x1x16xf32>,
        %swap3A_630 = vector.shape_cast %swap3A_629 : vector<1x1x1x16xf32> to vector<16xf32>
        %swap3A_631 = vector.shape_cast %mul3A_622 : vector<16xf32> to vector<1x1x1x16xf32>
        tpu.vector_store %arg8[%swap3A_625, %swap3A_626, %swap3A_627, %swap3A_628], %swap3A_631 {strides = array<i32>} : memref<4x16x8x64xf32, #tpu.memory_space<vmem>>, vector<1x1x1x16xf32>,
        %mul3A_632 = arith.constant 8 : i32
        %mul3A_633 = arith.muli %add3A_592, %mul3A_632 : i32
        %add3A_634 = arith.constant 0 : i32
        %add3A_635 = arith.addi %mul3A_633, %add3A_634 : i32
        %get3A_636 = arith.constant 2 : i32
        %get3A_637 = arith.index_cast %get3A_636 : i32 to index
        %get3A_638 = arith.index_cast %add3A_635 : i32 to index
        %get3A_639 = arith.constant 32 : index
        %get3A_640 = tpu.vector_load %arg7[%get3A_637, %get3A_638, %get3A_639] {strides = array<i32>} : memref<4x128x64xf32, #tpu.memory_space<vmem>>, vector<1x1x16xf32>,
        %get3A_641 = vector.shape_cast %get3A_640 : vector<1x1x16xf32> to vector<16xf32>
        %mul3A_642 = arith.mulf %get3A_641, %get3A_4 : vector<16xf32>
        %swap3A_643 = arith.constant 2 : i32
        %swap3A_644 = arith.constant 0 : i32
        %swap3A_645 = arith.index_cast %swap3A_643 : i32 to index
        %swap3A_646 = arith.index_cast %add3A_592 : i32 to index
        %swap3A_647 = arith.index_cast %swap3A_644 : i32 to index
        %swap3A_648 = arith.constant 32 : index
        %swap3A_649 = tpu.vector_load %arg8[%swap3A_645, %swap3A_646, %swap3A_647, %swap3A_648] {strides = array<i32>} : memref<4x16x8x64xf32, #tpu.memory_space<vmem>>, vector<1x1x1x16xf32>,
        %swap3A_650 = vector.shape_cast %swap3A_649 : vector<1x1x1x16xf32> to vector<16xf32>
        %swap3A_651 = vector.shape_cast %mul3A_642 : vector<16xf32> to vector<1x1x1x16xf32>
        tpu.vector_store %arg8[%swap3A_645, %swap3A_646, %swap3A_647, %swap3A_648], %swap3A_651 {strides = array<i32>} : memref<4x16x8x64xf32, #tpu.memory_space<vmem>>, vector<1x1x1x16xf32>,
        %mul3A_652 = arith.constant 8 : i32
        %mul3A_653 = arith.muli %add3A_592, %mul3A_652 : i32
        %add3A_654 = arith.constant 0 : i32
        %add3A_655 = arith.addi %mul3A_653, %add3A_654 : i32
        %get3A_656 = arith.constant 2 : i32
        %get3A_657 = arith.index_cast %get3A_656 : i32 to index
        %get3A_658 = arith.index_cast %add3A_655 : i32 to index
        %get3A_659 = arith.constant 48 : index
        %get3A_660 = tpu.vector_load %arg7[%get3A_657, %get3A_658, %get3A_659] {strides = array<i32>} : memref<4x128x64xf32, #tpu.memory_space<vmem>>, vector<1x1x16xf32>,
        %get3A_661 = vector.shape_cast %get3A_660 : vector<1x1x16xf32> to vector<16xf32>
        %mul3A_662 = arith.mulf %get3A_661, %get3A_4 : vector<16xf32>
        %swap3A_663 = arith.constant 2 : i32
        %swap3A_664 = arith.constant 0 : i32
        %swap3A_665 = arith.index_cast %swap3A_663 : i32 to index
        %swap3A_666 = arith.index_cast %add3A_592 : i32 to index
        %swap3A_667 = arith.index_cast %swap3A_664 : i32 to index
        %swap3A_668 = arith.constant 48 : index
        %swap3A_669 = tpu.vector_load %arg8[%swap3A_665, %swap3A_666, %swap3A_667, %swap3A_668] {strides = array<i32>} : memref<4x16x8x64xf32, #tpu.memory_space<vmem>>, vector<1x1x1x16xf32>,
        %swap3A_670 = vector.shape_cast %swap3A_669 : vector<1x1x1x16xf32> to vector<16xf32>
        %swap3A_671 = vector.shape_cast %mul3A_662 : vector<16xf32> to vector<1x1x1x16xf32>
        tpu.vector_store %arg8[%swap3A_665, %swap3A_666, %swap3A_667, %swap3A_668], %swap3A_671 {strides = array<i32>} : memref<4x16x8x64xf32, #tpu.memory_space<vmem>>, vector<1x1x1x16xf32>,
        %mul3A_672 = arith.constant 8 : i32
        %mul3A_673 = arith.muli %add3A_592, %mul3A_672 : i32
        %add3A_674 = arith.constant 1 : i32
        %add3A_675 = arith.addi %mul3A_673, %add3A_674 : i32
        %get3A_676 = arith.constant 2 : i32
        %get3A_677 = arith.index_cast %get3A_676 : i32 to index
        %get3A_678 = arith.index_cast %add3A_675 : i32 to index
        %get3A_679 = arith.constant 0 : index
        %get3A_680 = tpu.vector_load %arg7[%get3A_677, %get3A_678, %get3A_679] {strides = array<i32>} : memref<4x128x64xf32, #tpu.memory_space<vmem>>, vector<1x1x16xf32>,
        %get3A_681 = vector.shape_cast %get3A_680 : vector<1x1x16xf32> to vector<16xf32>
        %mul3A_682 = arith.mulf %get3A_681, %get3A_4 : vector<16xf32>
        %swap3A_683 = arith.constant 2 : i32
        %swap3A_684 = arith.constant 1 : i32
        %swap3A_685 = arith.index_cast %swap3A_683 : i32 to index
        %swap3A_686 = arith.index_cast %add3A_592 : i32 to index
        %swap3A_687 = arith.index_cast %swap3A_684 : i32 to index
        %swap3A_688 = arith.constant 0 : index
        %swap3A_689 = tpu.vector_load %arg8[%swap3A_685, %swap3A_686, %swap3A_687, %swap3A_688] {strides = array<i32>} : memref<4x16x8x64xf32, #tpu.memory_space<vmem>>, vector<1x1x1x16xf32>,
        %swap3A_690 = vector.shape_cast %swap3A_689 : vector<1x1x1x16xf32> to vector<16xf32>
        %swap3A_691 = vector.shape_cast %mul3A_682 : vector<16xf32> to vector<1x1x1x16xf32>
        tpu.vector_store %arg8[%swap3A_685, %swap3A_686, %swap3A_687, %swap3A_688], %swap3A_691 {strides = array<i32>} : memref<4x16x8x64xf32, #tpu.memory_space<vmem>>, vector<1x1x1x16xf32>,
        %mul3A_692 = arith.constant 8 : i32
        %mul3A_693 = arith.muli %add3A_592, %mul3A_692 : i32
        %add3A_694 = arith.constant 1 : i32
        %add3A_695 = arith.addi %mul3A_693, %add3A_694 : i32
        %get3A_696 = arith.constant 2 : i32
        %get3A_697 = arith.index_cast %get3A_696 : i32 to index
        %get3A_698 = arith.index_cast %add3A_695 : i32 to index
        %get3A_699 = arith.constant 16 : index
        %get3A_700 = tpu.vector_load %arg7[%get3A_697, %get3A_698, %get3A_699] {strides = array<i32>} : memref<4x128x64xf32, #tpu.memory_space<vmem>>, vector<1x1x16xf32>,
        %get3A_701 = vector.shape_cast %get3A_700 : vector<1x1x16xf32> to vector<16xf32>
        %mul3A_702 = arith.mulf %get3A_701, %get3A_4 : vector<16xf32>
        %swap3A_703 = arith.constant 2 : i32
        %swap3A_704 = arith.constant 1 : i32
        %swap3A_705 = arith.index_cast %swap3A_703 : i32 to index
        %swap3A_706 = arith.index_cast %add3A_592 : i32 to index
        %swap3A_707 = arith.index_cast %swap3A_704 : i32 to index
        %swap3A_708 = arith.constant 16 : index
        %swap3A_709 = tpu.vector_load %arg8[%swap3A_705, %swap3A_706, %swap3A_707, %swap3A_708] {strides = array<i32>} : memref<4x16x8x64xf32, #tpu.memory_space<vmem>>, vector<1x1x1x16xf32>,
        %swap3A_710 = vector.shape_cast %swap3A_709 : vector<1x1x1x16xf32> to vector<16xf32>
        %swap3A_711 = vector.shape_cast %mul3A_702 : vector<16xf32> to vector<1x1x1x16xf32>
        tpu.vector_store %arg8[%swap3A_705, %swap3A_706, %swap3A_707, %swap3A_708], %swap3A_711 {strides = array<i32>} : memref<4x16x8x64xf32, #tpu.memory_space<vmem>>, vector<1x1x1x16xf32>,
        %mul3A_712 = arith.constant 8 : i32
        %mul3A_713 = arith.muli %add3A_592, %mul3A_712 : i32
        %add3A_714 = arith.constant 1 : i32
        %add3A_715 = arith.addi %mul3A_713, %add3A_714 : i32
        %get3A_716 = arith.constant 2 : i32
        %get3A_717 = arith.index_cast %get3A_716 : i32 to index
        %get3A_718 = arith.index_cast %add3A_715 : i32 to index
        %get3A_719 = arith.constant 32 : index
        %get3A_720 = tpu.vector_load %arg7[%get3A_717, %get3A_718, %get3A_719] {strides = array<i32>} : memref<4x128x64xf32, #tpu.memory_space<vmem>>, vector<1x1x16xf32>,
        %get3A_721 = vector.shape_cast %get3A_720 : vector<1x1x16xf32> to vector<16xf32>
        %mul3A_722 = arith.mulf %get3A_721, %get3A_4 : vector<16xf32>
        %swap3A_723 = arith.constant 2 : i32
        %swap3A_724 = arith.constant 1 : i32
        %swap3A_725 = arith.index_cast %swap3A_723 : i32 to index
        %swap3A_726 = arith.index_cast %add3A_592 : i32 to index
        %swap3A_727 = arith.index_cast %swap3A_724 : i32 to index
        %swap3A_728 = arith.constant 32 : index
        %swap3A_729 = tpu.vector_load %arg8[%swap3A_725, %swap3A_726, %swap3A_727, %swap3A_728] {strides = array<i32>} : memref<4x16x8x64xf32, #tpu.memory_space<vmem>>, vector<1x1x1x16xf32>,
        %swap3A_730 = vector.shape_cast %swap3A_729 : vector<1x1x1x16xf32> to vector<16xf32>
        %swap3A_731 = vector.shape_cast %mul3A_722 : vector<16xf32> to vector<1x1x1x16xf32>
        tpu.vector_store %arg8[%swap3A_725, %swap3A_726, %swap3A_727, %swap3A_728], %swap3A_731 {strides = array<i32>} : memref<4x16x8x64xf32, #tpu.memory_space<vmem>>, vector<1x1x1x16xf32>,
        %mul3A_732 = arith.constant 8 : i32
        %mul3A_733 = arith.muli %add3A_592, %mul3A_732 : i32
        %add3A_734 = arith.constant 1 : i32
        %add3A_735 = arith.addi %mul3A_733, %add3A_734 : i32
        %get3A_736 = arith.constant 2 : i32
        %get3A_737 = arith.index_cast %get3A_736 : i32 to index
        %get3A_738 = arith.index_cast %add3A_735 : i32 to index
        %get3A_739 = arith.constant 48 : index
        %get3A_740 = tpu.vector_load %arg7[%get3A_737, %get3A_738, %get3A_739] {strides = array<i32>} : memref<4x128x64xf32, #tpu.memory_space<vmem>>, vector<1x1x16xf32>,
        %get3A_741 = vector.shape_cast %get3A_740 : vector<1x1x16xf32> to vector<16xf32>
        %mul3A_742 = arith.mulf %get3A_741, %get3A_4 : vector<16xf32>
        %swap3A_743 = arith.constant 2 : i32
        %swap3A_744 = arith.constant 1 : i32
        %swap3A_745 = arith.index_cast %swap3A_743 : i32 to index
        %swap3A_746 = arith.index_cast %add3A_592 : i32 to index
        %swap3A_747 = arith.index_cast %swap3A_744 : i32 to index
        %swap3A_748 = arith.constant 48 : index
        %swap3A_749 = tpu.vector_load %arg8[%swap3A_745, %swap3A_746, %swap3A_747, %swap3A_748] {strides = array<i32>} : memref<4x16x8x64xf32, #tpu.memory_space<vmem>>, vector<1x1x1x16xf32>,
        %swap3A_750 = vector.shape_cast %swap3A_749 : vector<1x1x1x16xf32> to vector<16xf32>
        %swap3A_751 = vector.shape_cast %mul3A_742 : vector<16xf32> to vector<1x1x1x16xf32>
        tpu.vector_store %arg8[%swap3A_745, %swap3A_746, %swap3A_747, %swap3A_748], %swap3A_751 {strides = array<i32>} : memref<4x16x8x64xf32, #tpu.memory_space<vmem>>, vector<1x1x1x16xf32>,
        %mul3A_752 = arith.constant 8 : i32
        %mul3A_753 = arith.muli %add3A_592, %mul3A_752 : i32
        %add3A_754 = arith.constant 2 : i32
        %add3A_755 = arith.addi %mul3A_753, %add3A_754 : i32
        %get3A_756 = arith.constant 2 : i32
        %get3A_757 = arith.index_cast %get3A_756 : i32 to index
        %get3A_758 = arith.index_cast %add3A_755 : i32 to index
        %get3A_759 = arith.constant 0 : index
        %get3A_760 = tpu.vector_load %arg7[%get3A_757, %get3A_758, %get3A_759] {strides = array<i32>} : memref<4x128x64xf32, #tpu.memory_space<vmem>>, vector<1x1x16xf32>,
        %get3A_761 = vector.shape_cast %get3A_760 : vector<1x1x16xf32> to vector<16xf32>
        %mul3A_762 = arith.mulf %get3A_761, %get3A_4 : vector<16xf32>
        %swap3A_763 = arith.constant 2 : i32
        %swap3A_764 = arith.constant 2 : i32
        %swap3A_765 = arith.index_cast %swap3A_763 : i32 to index
        %swap3A_766 = arith.index_cast %add3A_592 : i32 to index
        %swap3A_767 = arith.index_cast %swap3A_764 : i32 to index
        %swap3A_768 = arith.constant 0 : index
        %swap3A_769 = tpu.vector_load %arg8[%swap3A_765, %swap3A_766, %swap3A_767, %swap3A_768] {strides = array<i32>} : memref<4x16x8x64xf32, #tpu.memory_space<vmem>>, vector<1x1x1x16xf32>,
        %swap3A_770 = vector.shape_cast %swap3A_769 : vector<1x1x1x16xf32> to vector<16xf32>
        %swap3A_771 = vector.shape_cast %mul3A_762 : vector<16xf32> to vector<1x1x1x16xf32>
        tpu.vector_store %arg8[%swap3A_765, %swap3A_766, %swap3A_767, %swap3A_768], %swap3A_771 {strides = array<i32>} : memref<4x16x8x64xf32, #tpu.memory_space<vmem>>, vector<1x1x1x16xf32>,
        %mul3A_772 = arith.constant 8 : i32
        %mul3A_773 = arith.muli %add3A_592, %mul3A_772 : i32
        %add3A_774 = arith.constant 2 : i32
        %add3A_775 = arith.addi %mul3A_773, %add3A_774 : i32
        %get3A_776 = arith.constant 2 : i32
        %get3A_777 = arith.index_cast %get3A_776 : i32 to index
        %get3A_778 = arith.index_cast %add3A_775 : i32 to index
        %get3A_779 = arith.constant 16 : index
        %get3A_780 = tpu.vector_load %arg7[%get3A_777, %get3A_778, %get3A_779] {strides = array<i32>} : memref<4x128x64xf32, #tpu.memory_space<vmem>>, vector<1x1x16xf32>,
        %get3A_781 = vector.shape_cast %get3A_780 : vector<1x1x16xf32> to vector<16xf32>
        %mul3A_782 = arith.mulf %get3A_781, %get3A_4 : vector<16xf32>
        %swap3A_783 = arith.constant 2 : i32
        %swap3A_784 = arith.constant 2 : i32
        %swap3A_785 = arith.index_cast %swap3A_783 : i32 to index
        %swap3A_786 = arith.index_cast %add3A_592 : i32 to index
        %swap3A_787 = arith.index_cast %swap3A_784 : i32 to index
        %swap3A_788 = arith.constant 16 : index
        %swap3A_789 = tpu.vector_load %arg8[%swap3A_785, %swap3A_786, %swap3A_787, %swap3A_788] {strides = array<i32>} : memref<4x16x8x64xf32, #tpu.memory_space<vmem>>, vector<1x1x1x16xf32>,
        %swap3A_790 = vector.shape_cast %swap3A_789 : vector<1x1x1x16xf32> to vector<16xf32>
        %swap3A_791 = vector.shape_cast %mul3A_782 : vector<16xf32> to vector<1x1x1x16xf32>
        tpu.vector_store %arg8[%swap3A_785, %swap3A_786, %swap3A_787, %swap3A_788], %swap3A_791 {strides = array<i32>} : memref<4x16x8x64xf32, #tpu.memory_space<vmem>>, vector<1x1x1x16xf32>,
        %mul3A_792 = arith.constant 8 : i32
        %mul3A_793 = arith.muli %add3A_592, %mul3A_792 : i32
        %add3A_794 = arith.constant 2 : i32
        %add3A_795 = arith.addi %mul3A_793, %add3A_794 : i32
        %get3A_796 = arith.constant 2 : i32
        %get3A_797 = arith.index_cast %get3A_796 : i32 to index
        %get3A_798 = arith.index_cast %add3A_795 : i32 to index
        %get3A_799 = arith.constant 32 : index
        %get3A_800 = tpu.vector_load %arg7[%get3A_797, %get3A_798, %get3A_799] {strides = array<i32>} : memref<4x128x64xf32, #tpu.memory_space<vmem>>, vector<1x1x16xf32>,
        %get3A_801 = vector.shape_cast %get3A_800 : vector<1x1x16xf32> to vector<16xf32>
        %mul3A_802 = arith.mulf %get3A_801, %get3A_4 : vector<16xf32>
        %swap3A_803 = arith.constant 2 : i32
        %swap3A_804 = arith.constant 2 : i32
        %swap3A_805 = arith.index_cast %swap3A_803 : i32 to index
        %swap3A_806 = arith.index_cast %add3A_592 : i32 to index
        %swap3A_807 = arith.index_cast %swap3A_804 : i32 to index
        %swap3A_808 = arith.constant 32 : index
        %swap3A_809 = tpu.vector_load %arg8[%swap3A_805, %swap3A_806, %swap3A_807, %swap3A_808] {strides = array<i32>} : memref<4x16x8x64xf32, #tpu.memory_space<vmem>>, vector<1x1x1x16xf32>,
        %swap3A_810 = vector.shape_cast %swap3A_809 : vector<1x1x1x16xf32> to vector<16xf32>
        %swap3A_811 = vector.shape_cast %mul3A_802 : vector<16xf32> to vector<1x1x1x16xf32>
        tpu.vector_store %arg8[%swap3A_805, %swap3A_806, %swap3A_807, %swap3A_808], %swap3A_811 {strides = array<i32>} : memref<4x16x8x64xf32, #tpu.memory_space<vmem>>, vector<1x1x1x16xf32>,
        %mul3A_812 = arith.constant 8 : i32
        %mul3A_813 = arith.muli %add3A_592, %mul3A_812 : i32
        %add3A_814 = arith.constant 2 : i32
        %add3A_815 = arith.addi %mul3A_813, %add3A_814 : i32
        %get3A_816 = arith.constant 2 : i32
        %get3A_817 = arith.index_cast %get3A_816 : i32 to index
        %get3A_818 = arith.index_cast %add3A_815 : i32 to index
        %get3A_819 = arith.constant 48 : index
        %get3A_820 = tpu.vector_load %arg7[%get3A_817, %get3A_818, %get3A_819] {strides = array<i32>} : memref<4x128x64xf32, #tpu.memory_space<vmem>>, vector<1x1x16xf32>,
        %get3A_821 = vector.shape_cast %get3A_820 : vector<1x1x16xf32> to vector<16xf32>
        %mul3A_822 = arith.mulf %get3A_821, %get3A_4 : vector<16xf32>
        %swap3A_823 = arith.constant 2 : i32
        %swap3A_824 = arith.constant 2 : i32
        %swap3A_825 = arith.index_cast %swap3A_823 : i32 to index
        %swap3A_826 = arith.index_cast %add3A_592 : i32 to index
        %swap3A_827 = arith.index_cast %swap3A_824 : i32 to index
        %swap3A_828 = arith.constant 48 : index
        %swap3A_829 = tpu.vector_load %arg8[%swap3A_825, %swap3A_826, %swap3A_827, %swap3A_828] {strides = array<i32>} : memref<4x16x8x64xf32, #tpu.memory_space<vmem>>, vector<1x1x1x16xf32>,
        %swap3A_830 = vector.shape_cast %swap3A_829 : vector<1x1x1x16xf32> to vector<16xf32>
        %swap3A_831 = vector.shape_cast %mul3A_822 : vector<16xf32> to vector<1x1x1x16xf32>
        tpu.vector_store %arg8[%swap3A_825, %swap3A_826, %swap3A_827, %swap3A_828], %swap3A_831 {strides = array<i32>} : memref<4x16x8x64xf32, #tpu.memory_space<vmem>>, vector<1x1x1x16xf32>,
        %mul3A_832 = arith.constant 8 : i32
        %mul3A_833 = arith.muli %add3A_592, %mul3A_832 : i32
        %add3A_834 = arith.constant 3 : i32
        %add3A_835 = arith.addi %mul3A_833, %add3A_834 : i32
        %get3A_836 = arith.constant 2 : i32
        %get3A_837 = arith.index_cast %get3A_836 : i32 to index
        %get3A_838 = arith.index_cast %add3A_835 : i32 to index
        %get3A_839 = arith.constant 0 : index
        %get3A_840 = tpu.vector_load %arg7[%get3A_837, %get3A_838, %get3A_839] {strides = array<i32>} : memref<4x128x64xf32, #tpu.memory_space<vmem>>, vector<1x1x16xf32>,
        %get3A_841 = vector.shape_cast %get3A_840 : vector<1x1x16xf32> to vector<16xf32>
        %mul3A_842 = arith.mulf %get3A_841, %get3A_4 : vector<16xf32>
        %swap3A_843 = arith.constant 2 : i32
        %swap3A_844 = arith.constant 3 : i32
        %swap3A_845 = arith.index_cast %swap3A_843 : i32 to index
        %swap3A_846 = arith.index_cast %add3A_592 : i32 to index
        %swap3A_847 = arith.index_cast %swap3A_844 : i32 to index
        %swap3A_848 = arith.constant 0 : index
        %swap3A_849 = tpu.vector_load %arg8[%swap3A_845, %swap3A_846, %swap3A_847, %swap3A_848] {strides = array<i32>} : memref<4x16x8x64xf32, #tpu.memory_space<vmem>>, vector<1x1x1x16xf32>,
        %swap3A_850 = vector.shape_cast %swap3A_849 : vector<1x1x1x16xf32> to vector<16xf32>
        %swap3A_851 = vector.shape_cast %mul3A_842 : vector<16xf32> to vector<1x1x1x16xf32>
        tpu.vector_store %arg8[%swap3A_845, %swap3A_846, %swap3A_847, %swap3A_848], %swap3A_851 {strides = array<i32>} : memref<4x16x8x64xf32, #tpu.memory_space<vmem>>, vector<1x1x1x16xf32>,
        %mul3A_852 = arith.constant 8 : i32
        %mul3A_853 = arith.muli %add3A_592, %mul3A_852 : i32
        %add3A_854 = arith.constant 3 : i32
        %add3A_855 = arith.addi %mul3A_853, %add3A_854 : i32
        %get3A_856 = arith.constant 2 : i32
        %get3A_857 = arith.index_cast %get3A_856 : i32 to index
        %get3A_858 = arith.index_cast %add3A_855 : i32 to index
        %get3A_859 = arith.constant 16 : index
        %get3A_860 = tpu.vector_load %arg7[%get3A_857, %get3A_858, %get3A_859] {strides = array<i32>} : memref<4x128x64xf32, #tpu.memory_space<vmem>>, vector<1x1x16xf32>,
        %get3A_861 = vector.shape_cast %get3A_860 : vector<1x1x16xf32> to vector<16xf32>
        %mul3A_862 = arith.mulf %get3A_861, %get3A_4 : vector<16xf32>
        %swap3A_863 = arith.constant 2 : i32
        %swap3A_864 = arith.constant 3 : i32
        %swap3A_865 = arith.index_cast %swap3A_863 : i32 to index
        %swap3A_866 = arith.index_cast %add3A_592 : i32 to index
        %swap3A_867 = arith.index_cast %swap3A_864 : i32 to index
        %swap3A_868 = arith.constant 16 : index
        %swap3A_869 = tpu.vector_load %arg8[%swap3A_865, %swap3A_866, %swap3A_867, %swap3A_868] {strides = array<i32>} : memref<4x16x8x64xf32, #tpu.memory_space<vmem>>, vector<1x1x1x16xf32>,
        %swap3A_870 = vector.shape_cast %swap3A_869 : vector<1x1x1x16xf32> to vector<16xf32>
        %swap3A_871 = vector.shape_cast %mul3A_862 : vector<16xf32> to vector<1x1x1x16xf32>
        tpu.vector_store %arg8[%swap3A_865, %swap3A_866, %swap3A_867, %swap3A_868], %swap3A_871 {strides = array<i32>} : memref<4x16x8x64xf32, #tpu.memory_space<vmem>>, vector<1x1x1x16xf32>,
        %mul3A_872 = arith.constant 8 : i32
        %mul3A_873 = arith.muli %add3A_592, %mul3A_872 : i32
        %add3A_874 = arith.constant 3 : i32
        %add3A_875 = arith.addi %mul3A_873, %add3A_874 : i32
        %get3A_876 = arith.constant 2 : i32
        %get3A_877 = arith.index_cast %get3A_876 : i32 to index
        %get3A_878 = arith.index_cast %add3A_875 : i32 to index
        %get3A_879 = arith.constant 32 : index
        %get3A_880 = tpu.vector_load %arg7[%get3A_877, %get3A_878, %get3A_879] {strides = array<i32>} : memref<4x128x64xf32, #tpu.memory_space<vmem>>, vector<1x1x16xf32>,
        %get3A_881 = vector.shape_cast %get3A_880 : vector<1x1x16xf32> to vector<16xf32>
        %mul3A_882 = arith.mulf %get3A_881, %get3A_4 : vector<16xf32>
        %swap3A_883 = arith.constant 2 : i32
        %swap3A_884 = arith.constant 3 : i32
        %swap3A_885 = arith.index_cast %swap3A_883 : i32 to index
        %swap3A_886 = arith.index_cast %add3A_592 : i32 to index
        %swap3A_887 = arith.index_cast %swap3A_884 : i32 to index
        %swap3A_888 = arith.constant 32 : index
        %swap3A_889 = tpu.vector_load %arg8[%swap3A_885, %swap3A_886, %swap3A_887, %swap3A_888] {strides = array<i32>} : memref<4x16x8x64xf32, #tpu.memory_space<vmem>>, vector<1x1x1x16xf32>,
        %swap3A_890 = vector.shape_cast %swap3A_889 : vector<1x1x1x16xf32> to vector<16xf32>
        %swap3A_891 = vector.shape_cast %mul3A_882 : vector<16xf32> to vector<1x1x1x16xf32>
        tpu.vector_store %arg8[%swap3A_885, %swap3A_886, %swap3A_887, %swap3A_888], %swap3A_891 {strides = array<i32>} : memref<4x16x8x64xf32, #tpu.memory_space<vmem>>, vector<1x1x1x16xf32>,
        %mul3A_892 = arith.constant 8 : i32
        %mul3A_893 = arith.muli %add3A_592, %mul3A_892 : i32
        %add3A_894 = arith.constant 3 : i32
        %add3A_895 = arith.addi %mul3A_893, %add3A_894 : i32
        %get3A_896 = arith.constant 2 : i32
        %get3A_897 = arith.index_cast %get3A_896 : i32 to index
        %get3A_898 = arith.index_cast %add3A_895 : i32 to index
        %get3A_899 = arith.constant 48 : index
        %get3A_900 = tpu.vector_load %arg7[%get3A_897, %get3A_898, %get3A_899] {strides = array<i32>} : memref<4x128x64xf32, #tpu.memory_space<vmem>>, vector<1x1x16xf32>,
        %get3A_901 = vector.shape_cast %get3A_900 : vector<1x1x16xf32> to vector<16xf32>
        %mul3A_902 = arith.mulf %get3A_901, %get3A_4 : vector<16xf32>
        %swap3A_903 = arith.constant 2 : i32
        %swap3A_904 = arith.constant 3 : i32
        %swap3A_905 = arith.index_cast %swap3A_903 : i32 to index
        %swap3A_906 = arith.index_cast %add3A_592 : i32 to index
        %swap3A_907 = arith.index_cast %swap3A_904 : i32 to index
        %swap3A_908 = arith.constant 48 : index
        %swap3A_909 = tpu.vector_load %arg8[%swap3A_905, %swap3A_906, %swap3A_907, %swap3A_908] {strides = array<i32>} : memref<4x16x8x64xf32, #tpu.memory_space<vmem>>, vector<1x1x1x16xf32>,
        %swap3A_910 = vector.shape_cast %swap3A_909 : vector<1x1x1x16xf32> to vector<16xf32>
        %swap3A_911 = vector.shape_cast %mul3A_902 : vector<16xf32> to vector<1x1x1x16xf32>
        tpu.vector_store %arg8[%swap3A_905, %swap3A_906, %swap3A_907, %swap3A_908], %swap3A_911 {strides = array<i32>} : memref<4x16x8x64xf32, #tpu.memory_space<vmem>>, vector<1x1x1x16xf32>,
        %mul3A_912 = arith.constant 8 : i32
        %mul3A_913 = arith.muli %add3A_592, %mul3A_912 : i32
        %add3A_914 = arith.constant 4 : i32
        %add3A_915 = arith.addi %mul3A_913, %add3A_914 : i32
        %get3A_916 = arith.constant 2 : i32
        %get3A_917 = arith.index_cast %get3A_916 : i32 to index
        %get3A_918 = arith.index_cast %add3A_915 : i32 to index
        %get3A_919 = arith.constant 0 : index
        %get3A_920 = tpu.vector_load %arg7[%get3A_917, %get3A_918, %get3A_919] {strides = array<i32>} : memref<4x128x64xf32, #tpu.memory_space<vmem>>, vector<1x1x16xf32>,
        %get3A_921 = vector.shape_cast %get3A_920 : vector<1x1x16xf32> to vector<16xf32>
        %mul3A_922 = arith.mulf %get3A_921, %get3A_4 : vector<16xf32>
        %swap3A_923 = arith.constant 2 : i32
        %swap3A_924 = arith.constant 4 : i32
        %swap3A_925 = arith.index_cast %swap3A_923 : i32 to index
        %swap3A_926 = arith.index_cast %add3A_592 : i32 to index
        %swap3A_927 = arith.index_cast %swap3A_924 : i32 to index
        %swap3A_928 = arith.constant 0 : index
        %swap3A_929 = tpu.vector_load %arg8[%swap3A_925, %swap3A_926, %swap3A_927, %swap3A_928] {strides = array<i32>} : memref<4x16x8x64xf32, #tpu.memory_space<vmem>>, vector<1x1x1x16xf32>,
        %swap3A_930 = vector.shape_cast %swap3A_929 : vector<1x1x1x16xf32> to vector<16xf32>
        %swap3A_931 = vector.shape_cast %mul3A_922 : vector<16xf32> to vector<1x1x1x16xf32>
        tpu.vector_store %arg8[%swap3A_925, %swap3A_926, %swap3A_927, %swap3A_928], %swap3A_931 {strides = array<i32>} : memref<4x16x8x64xf32, #tpu.memory_space<vmem>>, vector<1x1x1x16xf32>,
        %mul3A_932 = arith.constant 8 : i32
        %mul3A_933 = arith.muli %add3A_592, %mul3A_932 : i32
        %add3A_934 = arith.constant 4 : i32
        %add3A_935 = arith.addi %mul3A_933, %add3A_934 : i32
        %get3A_936 = arith.constant 2 : i32
        %get3A_937 = arith.index_cast %get3A_936 : i32 to index
        %get3A_938 = arith.index_cast %add3A_935 : i32 to index
        %get3A_939 = arith.constant 16 : index
        %get3A_940 = tpu.vector_load %arg7[%get3A_937, %get3A_938, %get3A_939] {strides = array<i32>} : memref<4x128x64xf32, #tpu.memory_space<vmem>>, vector<1x1x16xf32>,
        %get3A_941 = vector.shape_cast %get3A_940 : vector<1x1x16xf32> to vector<16xf32>
        %mul3A_942 = arith.mulf %get3A_941, %get3A_4 : vector<16xf32>
        %swap3A_943 = arith.constant 2 : i32
        %swap3A_944 = arith.constant 4 : i32
        %swap3A_945 = arith.index_cast %swap3A_943 : i32 to index
        %swap3A_946 = arith.index_cast %add3A_592 : i32 to index
        %swap3A_947 = arith.index_cast %swap3A_944 : i32 to index
        %swap3A_948 = arith.constant 16 : index
        %swap3A_949 = tpu.vector_load %arg8[%swap3A_945, %swap3A_946, %swap3A_947, %swap3A_948] {strides = array<i32>} : memref<4x16x8x64xf32, #tpu.memory_space<vmem>>, vector<1x1x1x16xf32>,
        %swap3A_950 = vector.shape_cast %swap3A_949 : vector<1x1x1x16xf32> to vector<16xf32>
        %swap3A_951 = vector.shape_cast %mul3A_942 : vector<16xf32> to vector<1x1x1x16xf32>
        tpu.vector_store %arg8[%swap3A_945, %swap3A_946, %swap3A_947, %swap3A_948], %swap3A_951 {strides = array<i32>} : memref<4x16x8x64xf32, #tpu.memory_space<vmem>>, vector<1x1x1x16xf32>,
        %mul3A_952 = arith.constant 8 : i32
        %mul3A_953 = arith.muli %add3A_592, %mul3A_952 : i32
        %add3A_954 = arith.constant 4 : i32
        %add3A_955 = arith.addi %mul3A_953, %add3A_954 : i32
        %get3A_956 = arith.constant 2 : i32
        %get3A_957 = arith.index_cast %get3A_956 : i32 to index
        %get3A_958 = arith.index_cast %add3A_955 : i32 to index
        %get3A_959 = arith.constant 32 : index
        %get3A_960 = tpu.vector_load %arg7[%get3A_957, %get3A_958, %get3A_959] {strides = array<i32>} : memref<4x128x64xf32, #tpu.memory_space<vmem>>, vector<1x1x16xf32>,
        %get3A_961 = vector.shape_cast %get3A_960 : vector<1x1x16xf32> to vector<16xf32>
        %mul3A_962 = arith.mulf %get3A_961, %get3A_4 : vector<16xf32>
        %swap3A_963 = arith.constant 2 : i32
        %swap3A_964 = arith.constant 4 : i32
        %swap3A_965 = arith.index_cast %swap3A_963 : i32 to index
        %swap3A_966 = arith.index_cast %add3A_592 : i32 to index
        %swap3A_967 = arith.index_cast %swap3A_964 : i32 to index
        %swap3A_968 = arith.constant 32 : index
        %swap3A_969 = tpu.vector_load %arg8[%swap3A_965, %swap3A_966, %swap3A_967, %swap3A_968] {strides = array<i32>} : memref<4x16x8x64xf32, #tpu.memory_space<vmem>>, vector<1x1x1x16xf32>,
        %swap3A_970 = vector.shape_cast %swap3A_969 : vector<1x1x1x16xf32> to vector<16xf32>
        %swap3A_971 = vector.shape_cast %mul3A_962 : vector<16xf32> to vector<1x1x1x16xf32>
        tpu.vector_store %arg8[%swap3A_965, %swap3A_966, %swap3A_967, %swap3A_968], %swap3A_971 {strides = array<i32>} : memref<4x16x8x64xf32, #tpu.memory_space<vmem>>, vector<1x1x1x16xf32>,
        %mul3A_972 = arith.constant 8 : i32
        %mul3A_973 = arith.muli %add3A_592, %mul3A_972 : i32
        %add3A_974 = arith.constant 4 : i32
        %add3A_975 = arith.addi %mul3A_973, %add3A_974 : i32
        %get3A_976 = arith.constant 2 : i32
        %get3A_977 = arith.index_cast %get3A_976 : i32 to index
        %get3A_978 = arith.index_cast %add3A_975 : i32 to index
        %get3A_979 = arith.constant 48 : index
        %get3A_980 = tpu.vector_load %arg7[%get3A_977, %get3A_978, %get3A_979] {strides = array<i32>} : memref<4x128x64xf32, #tpu.memory_space<vmem>>, vector<1x1x16xf32>,
        %get3A_981 = vector.shape_cast %get3A_980 : vector<1x1x16xf32> to vector<16xf32>
        %mul3A_982 = arith.mulf %get3A_981, %get3A_4 : vector<16xf32>
        %swap3A_983 = arith.constant 2 : i32
        %swap3A_984 = arith.constant 4 : i32
        %swap3A_985 = arith.index_cast %swap3A_983 : i32 to index
        %swap3A_986 = arith.index_cast %add3A_592 : i32 to index
        %swap3A_987 = arith.index_cast %swap3A_984 : i32 to index
        %swap3A_988 = arith.constant 48 : index
        %swap3A_989 = tpu.vector_load %arg8[%swap3A_985, %swap3A_986, %swap3A_987, %swap3A_988] {strides = array<i32>} : memref<4x16x8x64xf32, #tpu.memory_space<vmem>>, vector<1x1x1x16xf32>,
        %swap3A_990 = vector.shape_cast %swap3A_989 : vector<1x1x1x16xf32> to vector<16xf32>
        %swap3A_991 = vector.shape_cast %mul3A_982 : vector<16xf32> to vector<1x1x1x16xf32>
        tpu.vector_store %arg8[%swap3A_985, %swap3A_986, %swap3A_987, %swap3A_988], %swap3A_991 {strides = array<i32>} : memref<4x16x8x64xf32, #tpu.memory_space<vmem>>, vector<1x1x1x16xf32>,
        %mul3A_992 = arith.constant 8 : i32
        %mul3A_993 = arith.muli %add3A_592, %mul3A_992 : i32
        %add3A_994 = arith.constant 5 : i32
        %add3A_995 = arith.addi %mul3A_993, %add3A_994 : i32
        %get3A_996 = arith.constant 2 : i32
        %get3A_997 = arith.index_cast %get3A_996 : i32 to index
        %get3A_998 = arith.index_cast %add3A_995 : i32 to index
        %get3A_999 = arith.constant 0 : index
        %get3A_1000 = tpu.vector_load %arg7[%get3A_997, %get3A_998, %get3A_999] {strides = array<i32>} : memref<4x128x64xf32, #tpu.memory_space<vmem>>, vector<1x1x16xf32>,
        %get3A_1001 = vector.shape_cast %get3A_1000 : vector<1x1x16xf32> to vector<16xf32>
        %mul3A_1002 = arith.mulf %get3A_1001, %get3A_4 : vector<16xf32>
        %swap3A_1003 = arith.constant 2 : i32
        %swap3A_1004 = arith.constant 5 : i32
        %swap3A_1005 = arith.index_cast %swap3A_1003 : i32 to index
        %swap3A_1006 = arith.index_cast %add3A_592 : i32 to index
        %swap3A_1007 = arith.index_cast %swap3A_1004 : i32 to index
        %swap3A_1008 = arith.constant 0 : index
        %swap3A_1009 = tpu.vector_load %arg8[%swap3A_1005, %swap3A_1006, %swap3A_1007, %swap3A_1008] {strides = array<i32>} : memref<4x16x8x64xf32, #tpu.memory_space<vmem>>, vector<1x1x1x16xf32>,
        %swap3A_1010 = vector.shape_cast %swap3A_1009 : vector<1x1x1x16xf32> to vector<16xf32>
        %swap3A_1011 = vector.shape_cast %mul3A_1002 : vector<16xf32> to vector<1x1x1x16xf32>
        tpu.vector_store %arg8[%swap3A_1005, %swap3A_1006, %swap3A_1007, %swap3A_1008], %swap3A_1011 {strides = array<i32>} : memref<4x16x8x64xf32, #tpu.memory_space<vmem>>, vector<1x1x1x16xf32>,
        %mul3A_1012 = arith.constant 8 : i32
        %mul3A_1013 = arith.muli %add3A_592, %mul3A_1012 : i32
        %add3A_1014 = arith.constant 5 : i32
        %add3A_1015 = arith.addi %mul3A_1013, %add3A_1014 : i32
        %get3A_1016 = arith.constant 2 : i32
        %get3A_1017 = arith.index_cast %get3A_1016 : i32 to index
        %get3A_1018 = arith.index_cast %add3A_1015 : i32 to index
        %get3A_1019 = arith.constant 16 : index
        %get3A_1020 = tpu.vector_load %arg7[%get3A_1017, %get3A_1018, %get3A_1019] {strides = array<i32>} : memref<4x128x64xf32, #tpu.memory_space<vmem>>, vector<1x1x16xf32>,
        %get3A_1021 = vector.shape_cast %get3A_1020 : vector<1x1x16xf32> to vector<16xf32>
        %mul3A_1022 = arith.mulf %get3A_1021, %get3A_4 : vector<16xf32>
        %swap3A_1023 = arith.constant 2 : i32
        %swap3A_1024 = arith.constant 5 : i32
        %swap3A_1025 = arith.index_cast %swap3A_1023 : i32 to index
        %swap3A_1026 = arith.index_cast %add3A_592 : i32 to index
        %swap3A_1027 = arith.index_cast %swap3A_1024 : i32 to index
        %swap3A_1028 = arith.constant 16 : index
        %swap3A_1029 = tpu.vector_load %arg8[%swap3A_1025, %swap3A_1026, %swap3A_1027, %swap3A_1028] {strides = array<i32>} : memref<4x16x8x64xf32, #tpu.memory_space<vmem>>, vector<1x1x1x16xf32>,
        %swap3A_1030 = vector.shape_cast %swap3A_1029 : vector<1x1x1x16xf32> to vector<16xf32>
        %swap3A_1031 = vector.shape_cast %mul3A_1022 : vector<16xf32> to vector<1x1x1x16xf32>
        tpu.vector_store %arg8[%swap3A_1025, %swap3A_1026, %swap3A_1027, %swap3A_1028], %swap3A_1031 {strides = array<i32>} : memref<4x16x8x64xf32, #tpu.memory_space<vmem>>, vector<1x1x1x16xf32>,
        %mul3A_1032 = arith.constant 8 : i32
        %mul3A_1033 = arith.muli %add3A_592, %mul3A_1032 : i32
        %add3A_1034 = arith.constant 5 : i32
        %add3A_1035 = arith.addi %mul3A_1033, %add3A_1034 : i32
        %get3A_1036 = arith.constant 2 : i32
        %get3A_1037 = arith.index_cast %get3A_1036 : i32 to index
        %get3A_1038 = arith.index_cast %add3A_1035 : i32 to index
        %get3A_1039 = arith.constant 32 : index
        %get3A_1040 = tpu.vector_load %arg7[%get3A_1037, %get3A_1038, %get3A_1039] {strides = array<i32>} : memref<4x128x64xf32, #tpu.memory_space<vmem>>, vector<1x1x16xf32>,
        %get3A_1041 = vector.shape_cast %get3A_1040 : vector<1x1x16xf32> to vector<16xf32>
        %mul3A_1042 = arith.mulf %get3A_1041, %get3A_4 : vector<16xf32>
        %swap3A_1043 = arith.constant 2 : i32
        %swap3A_1044 = arith.constant 5 : i32
        %swap3A_1045 = arith.index_cast %swap3A_1043 : i32 to index
        %swap3A_1046 = arith.index_cast %add3A_592 : i32 to index
        %swap3A_1047 = arith.index_cast %swap3A_1044 : i32 to index
        %swap3A_1048 = arith.constant 32 : index
        %swap3A_1049 = tpu.vector_load %arg8[%swap3A_1045, %swap3A_1046, %swap3A_1047, %swap3A_1048] {strides = array<i32>} : memref<4x16x8x64xf32, #tpu.memory_space<vmem>>, vector<1x1x1x16xf32>,
        %swap3A_1050 = vector.shape_cast %swap3A_1049 : vector<1x1x1x16xf32> to vector<16xf32>
        %swap3A_1051 = vector.shape_cast %mul3A_1042 : vector<16xf32> to vector<1x1x1x16xf32>
        tpu.vector_store %arg8[%swap3A_1045, %swap3A_1046, %swap3A_1047, %swap3A_1048], %swap3A_1051 {strides = array<i32>} : memref<4x16x8x64xf32, #tpu.memory_space<vmem>>, vector<1x1x1x16xf32>,
        %mul3A_1052 = arith.constant 8 : i32
        %mul3A_1053 = arith.muli %add3A_592, %mul3A_1052 : i32
        %add3A_1054 = arith.constant 5 : i32
        %add3A_1055 = arith.addi %mul3A_1053, %add3A_1054 : i32
        %get3A_1056 = arith.constant 2 : i32
        %get3A_1057 = arith.index_cast %get3A_1056 : i32 to index
        %get3A_1058 = arith.index_cast %add3A_1055 : i32 to index
        %get3A_1059 = arith.constant 48 : index
        %get3A_1060 = tpu.vector_load %arg7[%get3A_1057, %get3A_1058, %get3A_1059] {strides = array<i32>} : memref<4x128x64xf32, #tpu.memory_space<vmem>>, vector<1x1x16xf32>,
        %get3A_1061 = vector.shape_cast %get3A_1060 : vector<1x1x16xf32> to vector<16xf32>
        %mul3A_1062 = arith.mulf %get3A_1061, %get3A_4 : vector<16xf32>
        %swap3A_1063 = arith.constant 2 : i32
        %swap3A_1064 = arith.constant 5 : i32
        %swap3A_1065 = arith.index_cast %swap3A_1063 : i32 to index
        %swap3A_1066 = arith.index_cast %add3A_592 : i32 to index
        %swap3A_1067 = arith.index_cast %swap3A_1064 : i32 to index
        %swap3A_1068 = arith.constant 48 : index
        %swap3A_1069 = tpu.vector_load %arg8[%swap3A_1065, %swap3A_1066, %swap3A_1067, %swap3A_1068] {strides = array<i32>} : memref<4x16x8x64xf32, #tpu.memory_space<vmem>>, vector<1x1x1x16xf32>,
        %swap3A_1070 = vector.shape_cast %swap3A_1069 : vector<1x1x1x16xf32> to vector<16xf32>
        %swap3A_1071 = vector.shape_cast %mul3A_1062 : vector<16xf32> to vector<1x1x1x16xf32>
        tpu.vector_store %arg8[%swap3A_1065, %swap3A_1066, %swap3A_1067, %swap3A_1068], %swap3A_1071 {strides = array<i32>} : memref<4x16x8x64xf32, #tpu.memory_space<vmem>>, vector<1x1x1x16xf32>,
        %mul3A_1072 = arith.constant 8 : i32
        %mul3A_1073 = arith.muli %add3A_592, %mul3A_1072 : i32
        %add3A_1074 = arith.constant 6 : i32
        %add3A_1075 = arith.addi %mul3A_1073, %add3A_1074 : i32
        %get3A_1076 = arith.constant 2 : i32
        %get3A_1077 = arith.index_cast %get3A_1076 : i32 to index
        %get3A_1078 = arith.index_cast %add3A_1075 : i32 to index
        %get3A_1079 = arith.constant 0 : index
        %get3A_1080 = tpu.vector_load %arg7[%get3A_1077, %get3A_1078, %get3A_1079] {strides = array<i32>} : memref<4x128x64xf32, #tpu.memory_space<vmem>>, vector<1x1x16xf32>,
        %get3A_1081 = vector.shape_cast %get3A_1080 : vector<1x1x16xf32> to vector<16xf32>
        %mul3A_1082 = arith.mulf %get3A_1081, %get3A_4 : vector<16xf32>
        %swap3A_1083 = arith.constant 2 : i32
        %swap3A_1084 = arith.constant 6 : i32
        %swap3A_1085 = arith.index_cast %swap3A_1083 : i32 to index
        %swap3A_1086 = arith.index_cast %add3A_592 : i32 to index
        %swap3A_1087 = arith.index_cast %swap3A_1084 : i32 to index
        %swap3A_1088 = arith.constant 0 : index
        %swap3A_1089 = tpu.vector_load %arg8[%swap3A_1085, %swap3A_1086, %swap3A_1087, %swap3A_1088] {strides = array<i32>} : memref<4x16x8x64xf32, #tpu.memory_space<vmem>>, vector<1x1x1x16xf32>,
        %swap3A_1090 = vector.shape_cast %swap3A_1089 : vector<1x1x1x16xf32> to vector<16xf32>
        %swap3A_1091 = vector.shape_cast %mul3A_1082 : vector<16xf32> to vector<1x1x1x16xf32>
        tpu.vector_store %arg8[%swap3A_1085, %swap3A_1086, %swap3A_1087, %swap3A_1088], %swap3A_1091 {strides = array<i32>} : memref<4x16x8x64xf32, #tpu.memory_space<vmem>>, vector<1x1x1x16xf32>,
        %mul3A_1092 = arith.constant 8 : i32
        %mul3A_1093 = arith.muli %add3A_592, %mul3A_1092 : i32
        %add3A_1094 = arith.constant 6 : i32
        %add3A_1095 = arith.addi %mul3A_1093, %add3A_1094 : i32
        %get3A_1096 = arith.constant 2 : i32
        %get3A_1097 = arith.index_cast %get3A_1096 : i32 to index
        %get3A_1098 = arith.index_cast %add3A_1095 : i32 to index
        %get3A_1099 = arith.constant 16 : index
        %get3A_1100 = tpu.vector_load %arg7[%get3A_1097, %get3A_1098, %get3A_1099] {strides = array<i32>} : memref<4x128x64xf32, #tpu.memory_space<vmem>>, vector<1x1x16xf32>,
        %get3A_1101 = vector.shape_cast %get3A_1100 : vector<1x1x16xf32> to vector<16xf32>
        %mul3A_1102 = arith.mulf %get3A_1101, %get3A_4 : vector<16xf32>
        %swap3A_1103 = arith.constant 2 : i32
        %swap3A_1104 = arith.constant 6 : i32
        %swap3A_1105 = arith.index_cast %swap3A_1103 : i32 to index
        %swap3A_1106 = arith.index_cast %add3A_592 : i32 to index
        %swap3A_1107 = arith.index_cast %swap3A_1104 : i32 to index
        %swap3A_1108 = arith.constant 16 : index
        %swap3A_1109 = tpu.vector_load %arg8[%swap3A_1105, %swap3A_1106, %swap3A_1107, %swap3A_1108] {strides = array<i32>} : memref<4x16x8x64xf32, #tpu.memory_space<vmem>>, vector<1x1x1x16xf32>,
        %swap3A_1110 = vector.shape_cast %swap3A_1109 : vector<1x1x1x16xf32> to vector<16xf32>
        %swap3A_1111 = vector.shape_cast %mul3A_1102 : vector<16xf32> to vector<1x1x1x16xf32>
        tpu.vector_store %arg8[%swap3A_1105, %swap3A_1106, %swap3A_1107, %swap3A_1108], %swap3A_1111 {strides = array<i32>} : memref<4x16x8x64xf32, #tpu.memory_space<vmem>>, vector<1x1x1x16xf32>,
        %mul3A_1112 = arith.constant 8 : i32
        %mul3A_1113 = arith.muli %add3A_592, %mul3A_1112 : i32
        %add3A_1114 = arith.constant 6 : i32
        %add3A_1115 = arith.addi %mul3A_1113, %add3A_1114 : i32
        %get3A_1116 = arith.constant 2 : i32
        %get3A_1117 = arith.index_cast %get3A_1116 : i32 to index
        %get3A_1118 = arith.index_cast %add3A_1115 : i32 to index
        %get3A_1119 = arith.constant 32 : index
        %get3A_1120 = tpu.vector_load %arg7[%get3A_1117, %get3A_1118, %get3A_1119] {strides = array<i32>} : memref<4x128x64xf32, #tpu.memory_space<vmem>>, vector<1x1x16xf32>,
        %get3A_1121 = vector.shape_cast %get3A_1120 : vector<1x1x16xf32> to vector<16xf32>
        %mul3A_1122 = arith.mulf %get3A_1121, %get3A_4 : vector<16xf32>
        %swap3A_1123 = arith.constant 2 : i32
        %swap3A_1124 = arith.constant 6 : i32
        %swap3A_1125 = arith.index_cast %swap3A_1123 : i32 to index
        %swap3A_1126 = arith.index_cast %add3A_592 : i32 to index
        %swap3A_1127 = arith.index_cast %swap3A_1124 : i32 to index
        %swap3A_1128 = arith.constant 32 : index
        %swap3A_1129 = tpu.vector_load %arg8[%swap3A_1125, %swap3A_1126, %swap3A_1127, %swap3A_1128] {strides = array<i32>} : memref<4x16x8x64xf32, #tpu.memory_space<vmem>>, vector<1x1x1x16xf32>,
        %swap3A_1130 = vector.shape_cast %swap3A_1129 : vector<1x1x1x16xf32> to vector<16xf32>
        %swap3A_1131 = vector.shape_cast %mul3A_1122 : vector<16xf32> to vector<1x1x1x16xf32>
        tpu.vector_store %arg8[%swap3A_1125, %swap3A_1126, %swap3A_1127, %swap3A_1128], %swap3A_1131 {strides = array<i32>} : memref<4x16x8x64xf32, #tpu.memory_space<vmem>>, vector<1x1x1x16xf32>,
        %mul3A_1132 = arith.constant 8 : i32
        %mul3A_1133 = arith.muli %add3A_592, %mul3A_1132 : i32
        %add3A_1134 = arith.constant 6 : i32
        %add3A_1135 = arith.addi %mul3A_1133, %add3A_1134 : i32
        %get3A_1136 = arith.constant 2 : i32
        %get3A_1137 = arith.index_cast %get3A_1136 : i32 to index
        %get3A_1138 = arith.index_cast %add3A_1135 : i32 to index
        %get3A_1139 = arith.constant 48 : index
        %get3A_1140 = tpu.vector_load %arg7[%get3A_1137, %get3A_1138, %get3A_1139] {strides = array<i32>} : memref<4x128x64xf32, #tpu.memory_space<vmem>>, vector<1x1x16xf32>,
        %get3A_1141 = vector.shape_cast %get3A_1140 : vector<1x1x16xf32> to vector<16xf32>
        %mul3A_1142 = arith.mulf %get3A_1141, %get3A_4 : vector<16xf32>
        %swap3A_1143 = arith.constant 2 : i32
        %swap3A_1144 = arith.constant 6 : i32
        %swap3A_1145 = arith.index_cast %swap3A_1143 : i32 to index
        %swap3A_1146 = arith.index_cast %add3A_592 : i32 to index
        %swap3A_1147 = arith.index_cast %swap3A_1144 : i32 to index
        %swap3A_1148 = arith.constant 48 : index
        %swap3A_1149 = tpu.vector_load %arg8[%swap3A_1145, %swap3A_1146, %swap3A_1147, %swap3A_1148] {strides = array<i32>} : memref<4x16x8x64xf32, #tpu.memory_space<vmem>>, vector<1x1x1x16xf32>,
        %swap3A_1150 = vector.shape_cast %swap3A_1149 : vector<1x1x1x16xf32> to vector<16xf32>
        %swap3A_1151 = vector.shape_cast %mul3A_1142 : vector<16xf32> to vector<1x1x1x16xf32>
        tpu.vector_store %arg8[%swap3A_1145, %swap3A_1146, %swap3A_1147, %swap3A_1148], %swap3A_1151 {strides = array<i32>} : memref<4x16x8x64xf32, #tpu.memory_space<vmem>>, vector<1x1x1x16xf32>,
        %mul3A_1152 = arith.constant 8 : i32
        %mul3A_1153 = arith.muli %add3A_592, %mul3A_1152 : i32
        %add3A_1154 = arith.constant 7 : i32
        %add3A_1155 = arith.addi %mul3A_1153, %add3A_1154 : i32
        %get3A_1156 = arith.constant 2 : i32
        %get3A_1157 = arith.index_cast %get3A_1156 : i32 to index
        %get3A_1158 = arith.index_cast %add3A_1155 : i32 to index
        %get3A_1159 = arith.constant 0 : index
        %get3A_1160 = tpu.vector_load %arg7[%get3A_1157, %get3A_1158, %get3A_1159] {strides = array<i32>} : memref<4x128x64xf32, #tpu.memory_space<vmem>>, vector<1x1x16xf32>,
        %get3A_1161 = vector.shape_cast %get3A_1160 : vector<1x1x16xf32> to vector<16xf32>
        %mul3A_1162 = arith.mulf %get3A_1161, %get3A_4 : vector<16xf32>
        %swap3A_1163 = arith.constant 2 : i32
        %swap3A_1164 = arith.constant 7 : i32
        %swap3A_1165 = arith.index_cast %swap3A_1163 : i32 to index
        %swap3A_1166 = arith.index_cast %add3A_592 : i32 to index
        %swap3A_1167 = arith.index_cast %swap3A_1164 : i32 to index
        %swap3A_1168 = arith.constant 0 : index
        %swap3A_1169 = tpu.vector_load %arg8[%swap3A_1165, %swap3A_1166, %swap3A_1167, %swap3A_1168] {strides = array<i32>} : memref<4x16x8x64xf32, #tpu.memory_space<vmem>>, vector<1x1x1x16xf32>,
        %swap3A_1170 = vector.shape_cast %swap3A_1169 : vector<1x1x1x16xf32> to vector<16xf32>
        %swap3A_1171 = vector.shape_cast %mul3A_1162 : vector<16xf32> to vector<1x1x1x16xf32>
        tpu.vector_store %arg8[%swap3A_1165, %swap3A_1166, %swap3A_1167, %swap3A_1168], %swap3A_1171 {strides = array<i32>} : memref<4x16x8x64xf32, #tpu.memory_space<vmem>>, vector<1x1x1x16xf32>,
        %mul3A_1172 = arith.constant 8 : i32
        %mul3A_1173 = arith.muli %add3A_592, %mul3A_1172 : i32
        %add3A_1174 = arith.constant 7 : i32
        %add3A_1175 = arith.addi %mul3A_1173, %add3A_1174 : i32
        %get3A_1176 = arith.constant 2 : i32
        %get3A_1177 = arith.index_cast %get3A_1176 : i32 to index
        %get3A_1178 = arith.index_cast %add3A_1175 : i32 to index
        %get3A_1179 = arith.constant 16 : index
        %get3A_1180 = tpu.vector_load %arg7[%get3A_1177, %get3A_1178, %get3A_1179] {strides = array<i32>} : memref<4x128x64xf32, #tpu.memory_space<vmem>>, vector<1x1x16xf32>,
        %get3A_1181 = vector.shape_cast %get3A_1180 : vector<1x1x16xf32> to vector<16xf32>
        %mul3A_1182 = arith.mulf %get3A_1181, %get3A_4 : vector<16xf32>
        %swap3A_1183 = arith.constant 2 : i32
        %swap3A_1184 = arith.constant 7 : i32
        %swap3A_1185 = arith.index_cast %swap3A_1183 : i32 to index
        %swap3A_1186 = arith.index_cast %add3A_592 : i32 to index
        %swap3A_1187 = arith.index_cast %swap3A_1184 : i32 to index
        %swap3A_1188 = arith.constant 16 : index
        %swap3A_1189 = tpu.vector_load %arg8[%swap3A_1185, %swap3A_1186, %swap3A_1187, %swap3A_1188] {strides = array<i32>} : memref<4x16x8x64xf32, #tpu.memory_space<vmem>>, vector<1x1x1x16xf32>,
        %swap3A_1190 = vector.shape_cast %swap3A_1189 : vector<1x1x1x16xf32> to vector<16xf32>
        %swap3A_1191 = vector.shape_cast %mul3A_1182 : vector<16xf32> to vector<1x1x1x16xf32>
        tpu.vector_store %arg8[%swap3A_1185, %swap3A_1186, %swap3A_1187, %swap3A_1188], %swap3A_1191 {strides = array<i32>} : memref<4x16x8x64xf32, #tpu.memory_space<vmem>>, vector<1x1x1x16xf32>,
        %mul3A_1192 = arith.constant 8 : i32
        %mul3A_1193 = arith.muli %add3A_592, %mul3A_1192 : i32
        %add3A_1194 = arith.constant 7 : i32
        %add3A_1195 = arith.addi %mul3A_1193, %add3A_1194 : i32
        %get3A_1196 = arith.constant 2 : i32
        %get3A_1197 = arith.index_cast %get3A_1196 : i32 to index
        %get3A_1198 = arith.index_cast %add3A_1195 : i32 to index
        %get3A_1199 = arith.constant 32 : index
        %get3A_1200 = tpu.vector_load %arg7[%get3A_1197, %get3A_1198, %get3A_1199] {strides = array<i32>} : memref<4x128x64xf32, #tpu.memory_space<vmem>>, vector<1x1x16xf32>,
        %get3A_1201 = vector.shape_cast %get3A_1200 : vector<1x1x16xf32> to vector<16xf32>
        %mul3A_1202 = arith.mulf %get3A_1201, %get3A_4 : vector<16xf32>
        %swap3A_1203 = arith.constant 2 : i32
        %swap3A_1204 = arith.constant 7 : i32
        %swap3A_1205 = arith.index_cast %swap3A_1203 : i32 to index
        %swap3A_1206 = arith.index_cast %add3A_592 : i32 to index
        %swap3A_1207 = arith.index_cast %swap3A_1204 : i32 to index
        %swap3A_1208 = arith.constant 32 : index
        %swap3A_1209 = tpu.vector_load %arg8[%swap3A_1205, %swap3A_1206, %swap3A_1207, %swap3A_1208] {strides = array<i32>} : memref<4x16x8x64xf32, #tpu.memory_space<vmem>>, vector<1x1x1x16xf32>,
        %swap3A_1210 = vector.shape_cast %swap3A_1209 : vector<1x1x1x16xf32> to vector<16xf32>
        %swap3A_1211 = vector.shape_cast %mul3A_1202 : vector<16xf32> to vector<1x1x1x16xf32>
        tpu.vector_store %arg8[%swap3A_1205, %swap3A_1206, %swap3A_1207, %swap3A_1208], %swap3A_1211 {strides = array<i32>} : memref<4x16x8x64xf32, #tpu.memory_space<vmem>>, vector<1x1x1x16xf32>,
        %mul3A_1212 = arith.constant 8 : i32
        %mul3A_1213 = arith.muli %add3A_592, %mul3A_1212 : i32
        %add3A_1214 = arith.constant 7 : i32
        %add3A_1215 = arith.addi %mul3A_1213, %add3A_1214 : i32
        %get3A_1216 = arith.constant 2 : i32
        %get3A_1217 = arith.index_cast %get3A_1216 : i32 to index
        %get3A_1218 = arith.index_cast %add3A_1215 : i32 to index
        %get3A_1219 = arith.constant 48 : index
        %get3A_1220 = tpu.vector_load %arg7[%get3A_1217, %get3A_1218, %get3A_1219] {strides = array<i32>} : memref<4x128x64xf32, #tpu.memory_space<vmem>>, vector<1x1x16xf32>,
        %get3A_1221 = vector.shape_cast %get3A_1220 : vector<1x1x16xf32> to vector<16xf32>
        %mul3A_1222 = arith.mulf %get3A_1221, %get3A_4 : vector<16xf32>
        %swap3A_1223 = arith.constant 2 : i32
        %swap3A_1224 = arith.constant 7 : i32
        %swap3A_1225 = arith.index_cast %swap3A_1223 : i32 to index
        %swap3A_1226 = arith.index_cast %add3A_592 : i32 to index
        %swap3A_1227 = arith.index_cast %swap3A_1224 : i32 to index
        %swap3A_1228 = arith.constant 48 : index
        %swap3A_1229 = tpu.vector_load %arg8[%swap3A_1225, %swap3A_1226, %swap3A_1227, %swap3A_1228] {strides = array<i32>} : memref<4x16x8x64xf32, #tpu.memory_space<vmem>>, vector<1x1x1x16xf32>,
        %swap3A_1230 = vector.shape_cast %swap3A_1229 : vector<1x1x1x16xf32> to vector<16xf32>
        %swap3A_1231 = vector.shape_cast %mul3A_1222 : vector<16xf32> to vector<1x1x1x16xf32>
        tpu.vector_store %arg8[%swap3A_1225, %swap3A_1226, %swap3A_1227, %swap3A_1228], %swap3A_1231 {strides = array<i32>} : memref<4x16x8x64xf32, #tpu.memory_space<vmem>>, vector<1x1x1x16xf32>,
      }
      %scan3A_449 = arith.constant 16 : i32
      %add3A_450 = arith.constant 1 : i32
      %add3A_451 = arith.addi %add3A_267, %add3A_450 : i32
      %lt3A_452 = arith.constant 50 : i32
      %lt3A_453 = arith.cmpi slt, %add3A_451, %lt3A_452 : i32
      %convert_element_type3A_454 = arith.extui %lt3A_453 : i1 to i32
      %cond3A_455 = arith.constant 0 : i32
      %cond3A_456 = arith.cmpi ne, %convert_element_type3A_454, %cond3A_455 : i32
      scf.if %cond3A_456 {
        %add3A_588 = arith.constant 1 : i32
        %add3A_589 = arith.addi %add3A_267, %add3A_588 : i32
        %dma_start3A_590 = arith.constant 2 : i32
        %dma_start3A_591 = arith.constant 2 : i32
        %dma_start3A_592 = arith.constant 0 : i32
        %dma_start3A_593 = arith.constant 0 : i32
        %dma_start3A_594 = tpu.memref_slice %arg7[%dma_start3A_590, %dma_start3A_592, %dma_start3A_593] : memref<4x128x64xf32, #tpu.memory_space<vmem>> -> memref<1x128x64xf32, #tpu.memory_space<vmem>>
        %dma_start3A_595 = tpu.memref_squeeze %dma_start3A_594 : memref<1x128x64xf32, #tpu.memory_space<vmem>> -> memref<128x64xf32, #tpu.memory_space<vmem>>
        %dma_start3A_596 = arith.constant 256 : i32
        %dma_start3A_597 = tpu.memref_slice %arg6[%add3A_589, %dma_start3A_596] : memref<50x512xi32, #tpu.memory_space<vmem>> -> memref<1x128xi32, #tpu.memory_space<vmem>>
        %dma_start3A_598 = tpu.memref_squeeze %dma_start3A_597 : memref<1x128xi32, #tpu.memory_space<vmem>> -> memref<128xi32, #tpu.memory_space<vmem>>
        %dma_start3A_599 = arith.constant 0 : i32
        %dma_start3A_600 = arith.constant 0 : i32
        %dma_start3A_601 = tpu.memref_slice %arg2[%dma_start3A_599, %dma_start3A_600] : memref<1000000x64xf32, #tpu.memory_space<hbm>> -> memref<1000000x64xf32, #tpu.memory_space<hbm>>
        %dma_start3A_602 = tpu.memref_slice %arg10[%dma_start3A_591] : memref<4x!tpu.dma_semaphore, #tpu.memory_space<semaphore_mem>> -> memref<1x!tpu.dma_semaphore, #tpu.memory_space<semaphore_mem>>
        %dma_start3A_603 = tpu.memref_squeeze %dma_start3A_602 : memref<1x!tpu.dma_semaphore, #tpu.memory_space<semaphore_mem>> -> memref<!tpu.dma_semaphore, #tpu.memory_space<semaphore_mem>>
        tpu.enqueue_indirect_dma source(%dma_start3A_601 : memref<1000000x64xf32, #tpu.memory_space<hbm>>) target(%dma_start3A_595 : memref<128x64xf32, #tpu.memory_space<vmem>>) offsets(%dma_start3A_598 : memref<128xi32, #tpu.memory_space<vmem>>) semaphore(%dma_start3A_603 : memref<!tpu.dma_semaphore, #tpu.memory_space<semaphore_mem>>)
      } else {
      }
      %mul3A_457 = arith.constant 512 : i32
      %mul3A_458 = arith.muli %add3A, %mul3A_457 : i32
      %add3A_459 = arith.constant 256 : i32
      %add3A_460 = arith.addi %mul3A_458, %add3A_459 : i32
      %jit3A_461 = arith.constant 8 : i32
      %div3A_462 = arith.divsi %add3A_460, %jit3A_461 : i32
      %sign3A_463 = arith.constant 0 : i32
      %sign3A_464 = arith.cmpi sgt, %add3A_460, %sign3A_463 : i32
      %sign3A_465 = arith.extui %sign3A_464 : i1 to i32
      %sign3A_466 = arith.constant 0 : i32
      %sign3A_467 = arith.cmpi slt, %add3A_460, %sign3A_466 : i32
      %sign3A_468 = arith.extui %sign3A_467 : i1 to i32
      %sign3A_469 = arith.subi %sign3A_465, %sign3A_468 : i32
      %sign3A_470 = arith.constant 0 : i32
      %sign3A_471 = arith.cmpi sgt, %jit3A_461, %sign3A_470 : i32
      %sign3A_472 = arith.extui %sign3A_471 : i1 to i32
      %sign3A_473 = arith.constant 0 : i32
      %sign3A_474 = arith.cmpi slt, %jit3A_461, %sign3A_473 : i32
      %sign3A_475 = arith.extui %sign3A_474 : i1 to i32
      %sign3A_476 = arith.subi %sign3A_472, %sign3A_475 : i32
      %ne3A_477 = arith.cmpi ne, %sign3A_469, %sign3A_476 : i32
      %rem3A_478 = arith.remsi %add3A_460, %jit3A_461 : i32
      %ne3A_479 = arith.constant 0 : i32
      %ne3A_480 = arith.cmpi ne, %rem3A_478, %ne3A_479 : i32
      %and3A_481 = arith.andi %ne3A_477, %ne3A_480 : i1
      %sub3A_482 = arith.constant 1 : i32
      %sub3A_483 = arith.subi %div3A_462, %sub3A_482 : i32
      %select_n3A_484 = arith.select %and3A_481, %sub3A_483, %div3A_462 : i32
      %dma_start3A_485 = arith.constant 2 : i32
      %dma_start3A_486 = arith.constant 2 : i32
      %dma_start3A_487 = arith.constant 0 : i32
      %dma_start3A_488 = arith.constant 0 : i32
      %dma_start3A_489 = arith.constant 0 : i32
      %dma_start3A_490 = tpu.memref_slice %arg8[%dma_start3A_485, %dma_start3A_487, %dma_start3A_488, %dma_start3A_489] : memref<4x16x8x64xf32, #tpu.memory_space<vmem>> -> memref<1x16x8x64xf32, #tpu.memory_space<vmem>>
      %dma_start3A_491 = tpu.memref_squeeze %dma_start3A_490 : memref<1x16x8x64xf32, #tpu.memory_space<vmem>> -> memref<16x8x64xf32, #tpu.memory_space<vmem>>
      %dma_start3A_492 = arith.constant 0 : i32
      %dma_start3A_493 = arith.constant 0 : i32
      %dma_start3A_494 = tpu.memref_slice %arg5[%add3A_267, %select_n3A_484, %dma_start3A_492, %dma_start3A_493] : memref<50x2048x8x128xf32, #tpu.memory_space<hbm>> -> memref<1x16x8x64xf32, #tpu.memory_space<hbm>>
      %dma_start3A_495 = tpu.memref_squeeze %dma_start3A_494 : memref<1x16x8x64xf32, #tpu.memory_space<hbm>> -> memref<16x8x64xf32, #tpu.memory_space<hbm>>
      %dma_start3A_496 = tpu.memref_slice %arg11[%dma_start3A_486] : memref<4x!tpu.dma_semaphore, #tpu.memory_space<semaphore_mem>> -> memref<1x!tpu.dma_semaphore, #tpu.memory_space<semaphore_mem>>
      %dma_start3A_497 = tpu.memref_squeeze %dma_start3A_496 : memref<1x!tpu.dma_semaphore, #tpu.memory_space<semaphore_mem>> -> memref<!tpu.dma_semaphore, #tpu.memory_space<semaphore_mem>>
      %dma_start3A_498 = arith.constant 0 : i32
      %dma_start3A_499 = arith.constant 0 : i32
      %dma_start3A_500 = tpu.memref_slice %arg5[%add3A_267, %select_n3A_484, %dma_start3A_498, %dma_start3A_499] : memref<50x2048x8x128xf32, #tpu.memory_space<hbm>> -> memref<1x16x8x64xf32, #tpu.memory_space<hbm>>
      %dma_start3A_501 = tpu.memref_squeeze %dma_start3A_500 : memref<1x16x8x64xf32, #tpu.memory_space<hbm>> -> memref<16x8x64xf32, #tpu.memory_space<hbm>>
      %dma_start3A_502 = arith.constant 0 : i32
      %dma_start3A_503 = arith.constant 0 : i32
      %dma_start3A_504 = arith.constant 0 : i32
      %dma_start3A_505 = tpu.memref_slice %arg8[%dma_start3A_485, %dma_start3A_502, %dma_start3A_503, %dma_start3A_504] : memref<4x16x8x64xf32, #tpu.memory_space<vmem>> -> memref<1x16x8x64xf32, #tpu.memory_space<vmem>>
      %dma_start3A_506 = tpu.memref_squeeze %dma_start3A_505 : memref<1x16x8x64xf32, #tpu.memory_space<vmem>> -> memref<16x8x64xf32, #tpu.memory_space<vmem>>
      tpu.enqueue_dma source(%dma_start3A_506 : memref<16x8x64xf32, #tpu.memory_space<vmem>>) target(%dma_start3A_501 : memref<16x8x64xf32, #tpu.memory_space<hbm>>) target_semaphore(%dma_start3A_497 : memref<!tpu.dma_semaphore, #tpu.memory_space<semaphore_mem>>)
      %dma_wait3A_507 = arith.constant 3 : i32
      %dma_wait3A_508 = arith.constant 3 : i32
      %dma_wait3A_509 = arith.constant 0 : i32
      %dma_wait3A_510 = arith.constant 0 : i32
      %dma_wait3A_511 = tpu.memref_slice %arg7[%dma_wait3A_507, %dma_wait3A_509, %dma_wait3A_510] : memref<4x128x64xf32, #tpu.memory_space<vmem>> -> memref<1x128x64xf32, #tpu.memory_space<vmem>>
      %dma_wait3A_512 = tpu.memref_squeeze %dma_wait3A_511 : memref<1x128x64xf32, #tpu.memory_space<vmem>> -> memref<128x64xf32, #tpu.memory_space<vmem>>
      %dma_wait3A_513 = arith.constant 384 : i32
      %dma_wait3A_514 = tpu.memref_slice %arg6[%add3A_267, %dma_wait3A_513] : memref<50x512xi32, #tpu.memory_space<vmem>> -> memref<1x128xi32, #tpu.memory_space<vmem>>
      %dma_wait3A_515 = tpu.memref_squeeze %dma_wait3A_514 : memref<1x128xi32, #tpu.memory_space<vmem>> -> memref<128xi32, #tpu.memory_space<vmem>>
      %dma_wait3A_516 = arith.constant 0 : i32
      %dma_wait3A_517 = arith.constant 0 : i32
      %dma_wait3A_518 = tpu.memref_slice %arg2[%dma_wait3A_516, %dma_wait3A_517] : memref<1000000x64xf32, #tpu.memory_space<hbm>> -> memref<1000000x64xf32, #tpu.memory_space<hbm>>
      %dma_wait3A_519 = tpu.memref_slice %arg10[%dma_wait3A_508] : memref<4x!tpu.dma_semaphore, #tpu.memory_space<semaphore_mem>> -> memref<1x!tpu.dma_semaphore, #tpu.memory_space<semaphore_mem>>
      %dma_wait3A_520 = tpu.memref_squeeze %dma_wait3A_519 : memref<1x!tpu.dma_semaphore, #tpu.memory_space<semaphore_mem>> -> memref<!tpu.dma_semaphore, #tpu.memory_space<semaphore_mem>>
      tpu.wait_indirect_dma semaphore(%dma_wait3A_520 : memref<!tpu.dma_semaphore, #tpu.memory_space<semaphore_mem>>) src(%dma_wait3A_518 : memref<1000000x64xf32, #tpu.memory_space<hbm>>) dst(%dma_wait3A_512 : memref<128x64xf32, #tpu.memory_space<vmem>>)
      %gt3A_521 = arith.constant 0 : i32
      %gt3A_522 = arith.cmpi sgt, %add3A_267, %gt3A_521 : i32
      %convert_element_type3A_523 = arith.extui %gt3A_522 : i1 to i32
      %cond3A_524 = arith.constant 0 : i32
      %cond3A_525 = arith.cmpi ne, %convert_element_type3A_523, %cond3A_524 : i32
      scf.if %cond3A_525 {
        %mul3A_588 = arith.constant 512 : i32
        %mul3A_589 = arith.muli %add3A, %mul3A_588 : i32
        %add3A_590 = arith.constant 384 : i32
        %add3A_591 = arith.addi %mul3A_589, %add3A_590 : i32
        %jit3A_592 = arith.constant 8 : i32
        %div3A_593 = arith.divsi %add3A_591, %jit3A_592 : i32
        %sign3A_594 = arith.constant 0 : i32
        %sign3A_595 = arith.cmpi sgt, %add3A_591, %sign3A_594 : i32
        %sign3A_596 = arith.extui %sign3A_595 : i1 to i32
        %sign3A_597 = arith.constant 0 : i32
        %sign3A_598 = arith.cmpi slt, %add3A_591, %sign3A_597 : i32
        %sign3A_599 = arith.extui %sign3A_598 : i1 to i32
        %sign3A_600 = arith.subi %sign3A_596, %sign3A_599 : i32
        %sign3A_601 = arith.constant 0 : i32
        %sign3A_602 = arith.cmpi sgt, %jit3A_592, %sign3A_601 : i32
        %sign3A_603 = arith.extui %sign3A_602 : i1 to i32
        %sign3A_604 = arith.constant 0 : i32
        %sign3A_605 = arith.cmpi slt, %jit3A_592, %sign3A_604 : i32
        %sign3A_606 = arith.extui %sign3A_605 : i1 to i32
        %sign3A_607 = arith.subi %sign3A_603, %sign3A_606 : i32
        %ne3A_608 = arith.cmpi ne, %sign3A_600, %sign3A_607 : i32
        %rem3A_609 = arith.remsi %add3A_591, %jit3A_592 : i32
        %ne3A_610 = arith.constant 0 : i32
        %ne3A_611 = arith.cmpi ne, %rem3A_609, %ne3A_610 : i32
        %and3A_612 = arith.andi %ne3A_608, %ne3A_611 : i1
        %sub3A_613 = arith.constant 1 : i32
        %sub3A_614 = arith.subi %div3A_593, %sub3A_613 : i32
        %select_n3A_615 = arith.select %and3A_612, %sub3A_614, %div3A_593 : i32
        %dma_wait3A_616 = arith.constant 3 : i32
        %dma_wait3A_617 = arith.constant 3 : i32
        %dma_wait3A_618 = arith.constant 0 : i32
        %dma_wait3A_619 = arith.constant 0 : i32
        %dma_wait3A_620 = arith.constant 0 : i32
        %dma_wait3A_621 = tpu.memref_slice %arg8[%dma_wait3A_616, %dma_wait3A_618, %dma_wait3A_619, %dma_wait3A_620] : memref<4x16x8x64xf32, #tpu.memory_space<vmem>> -> memref<1x16x8x64xf32, #tpu.memory_space<vmem>>
        %dma_wait3A_622 = tpu.memref_squeeze %dma_wait3A_621 : memref<1x16x8x64xf32, #tpu.memory_space<vmem>> -> memref<16x8x64xf32, #tpu.memory_space<vmem>>
        %dma_wait3A_623 = arith.constant 0 : i32
        %dma_wait3A_624 = arith.constant 0 : i32
        %dma_wait3A_625 = tpu.memref_slice %arg5[%add3A_267, %select_n3A_615, %dma_wait3A_623, %dma_wait3A_624] : memref<50x2048x8x128xf32, #tpu.memory_space<hbm>> -> memref<1x16x8x64xf32, #tpu.memory_space<hbm>>
        %dma_wait3A_626 = tpu.memref_squeeze %dma_wait3A_625 : memref<1x16x8x64xf32, #tpu.memory_space<hbm>> -> memref<16x8x64xf32, #tpu.memory_space<hbm>>
        %dma_wait3A_627 = tpu.memref_slice %arg11[%dma_wait3A_617] : memref<4x!tpu.dma_semaphore, #tpu.memory_space<semaphore_mem>> -> memref<1x!tpu.dma_semaphore, #tpu.memory_space<semaphore_mem>>
        %dma_wait3A_628 = tpu.memref_squeeze %dma_wait3A_627 : memref<1x!tpu.dma_semaphore, #tpu.memory_space<semaphore_mem>> -> memref<!tpu.dma_semaphore, #tpu.memory_space<semaphore_mem>>
        %dma_wait3A_629 = arith.constant 0 : i32
        %dma_wait3A_630 = arith.constant 0 : i32
        %dma_wait3A_631 = tpu.memref_slice %arg5[%add3A_267, %select_n3A_615, %dma_wait3A_629, %dma_wait3A_630] : memref<50x2048x8x128xf32, #tpu.memory_space<hbm>> -> memref<1x16x8x64xf32, #tpu.memory_space<hbm>>
        %dma_wait3A_632 = tpu.memref_squeeze %dma_wait3A_631 : memref<1x16x8x64xf32, #tpu.memory_space<hbm>> -> memref<16x8x64xf32, #tpu.memory_space<hbm>>
        %dma_wait3A_633 = arith.constant 0 : i32
        %dma_wait3A_634 = arith.constant 0 : i32
        %dma_wait3A_635 = arith.constant 0 : i32
        %dma_wait3A_636 = tpu.memref_slice %arg8[%dma_wait3A_616, %dma_wait3A_633, %dma_wait3A_634, %dma_wait3A_635] : memref<4x16x8x64xf32, #tpu.memory_space<vmem>> -> memref<1x16x8x64xf32, #tpu.memory_space<vmem>>
        %dma_wait3A_637 = tpu.memref_squeeze %dma_wait3A_636 : memref<1x16x8x64xf32, #tpu.memory_space<vmem>> -> memref<16x8x64xf32, #tpu.memory_space<vmem>>
        tpu.wait_dma2 semaphore(%dma_wait3A_628 : memref<!tpu.dma_semaphore, #tpu.memory_space<semaphore_mem>>) src(%dma_wait3A_637 : memref<16x8x64xf32, #tpu.memory_space<vmem>>) dst(%dma_wait3A_632 : memref<16x8x64xf32, #tpu.memory_space<hbm>>)
      } else {
      }
      %scan3A_526 = arith.constant 0 : i32
      %scan3A_527 = arith.constant 16 : i32
      %scan3A_528 = arith.addi %scan3A_526, %scan3A_527 : i32
      %scan3A_529 = arith.constant 1 : i32
      scf.for %scan3A_588 = %scan3A_526 to %scan3A_528 step %scan3A_529  : i32 {
        %mul3A_589 = arith.constant 1 : i32
        %mul3A_590 = arith.muli %scan3A_588, %mul3A_589 : i32
        %add3A_591 = arith.constant 0 : i32
        %add3A_592 = arith.addi %add3A_591, %mul3A_590 : i32
        %mul3A_593 = arith.constant 8 : i32
        %mul3A_594 = arith.muli %add3A_592, %mul3A_593 : i32
        %add3A_595 = arith.constant 0 : i32
        %add3A_596 = arith.addi %mul3A_594, %add3A_595 : i32
        %get3A_597 = arith.constant 3 : i32
        %get3A_598 = arith.index_cast %get3A_597 : i32 to index
        %get3A_599 = arith.index_cast %add3A_596 : i32 to index
        %get3A_600 = arith.constant 0 : index
        %get3A_601 = tpu.vector_load %arg7[%get3A_598, %get3A_599, %get3A_600] {strides = array<i32>} : memref<4x128x64xf32, #tpu.memory_space<vmem>>, vector<1x1x16xf32>,
        %get3A_602 = vector.shape_cast %get3A_601 : vector<1x1x16xf32> to vector<16xf32>
        %mul3A_603 = arith.mulf %get3A_602, %get3A_4 : vector<16xf32>
        %swap3A = arith.constant 3 : i32
        %swap3A_604 = arith.constant 0 : i32
        %swap3A_605 = arith.index_cast %swap3A : i32 to index
        %swap3A_606 = arith.index_cast %add3A_592 : i32 to index
        %swap3A_607 = arith.index_cast %swap3A_604 : i32 to index
        %swap3A_608 = arith.constant 0 : index
        %swap3A_609 = tpu.vector_load %arg8[%swap3A_605, %swap3A_606, %swap3A_607, %swap3A_608] {strides = array<i32>} : memref<4x16x8x64xf32, #tpu.memory_space<vmem>>, vector<1x1x1x16xf32>,
        %swap3A_610 = vector.shape_cast %swap3A_609 : vector<1x1x1x16xf32> to vector<16xf32>
        %swap3A_611 = vector.shape_cast %mul3A_603 : vector<16xf32> to vector<1x1x1x16xf32>
        tpu.vector_store %arg8[%swap3A_605, %swap3A_606, %swap3A_607, %swap3A_608], %swap3A_611 {strides = array<i32>} : memref<4x16x8x64xf32, #tpu.memory_space<vmem>>, vector<1x1x1x16xf32>,
        %mul3A_612 = arith.constant 8 : i32
        %mul3A_613 = arith.muli %add3A_592, %mul3A_612 : i32
        %add3A_614 = arith.constant 0 : i32
        %add3A_615 = arith.addi %mul3A_613, %add3A_614 : i32
        %get3A_616 = arith.constant 3 : i32
        %get3A_617 = arith.index_cast %get3A_616 : i32 to index
        %get3A_618 = arith.index_cast %add3A_615 : i32 to index
        %get3A_619 = arith.constant 16 : index
        %get3A_620 = tpu.vector_load %arg7[%get3A_617, %get3A_618, %get3A_619] {strides = array<i32>} : memref<4x128x64xf32, #tpu.memory_space<vmem>>, vector<1x1x16xf32>,
        %get3A_621 = vector.shape_cast %get3A_620 : vector<1x1x16xf32> to vector<16xf32>
        %mul3A_622 = arith.mulf %get3A_621, %get3A_4 : vector<16xf32>
        %swap3A_623 = arith.constant 3 : i32
        %swap3A_624 = arith.constant 0 : i32
        %swap3A_625 = arith.index_cast %swap3A_623 : i32 to index
        %swap3A_626 = arith.index_cast %add3A_592 : i32 to index
        %swap3A_627 = arith.index_cast %swap3A_624 : i32 to index
        %swap3A_628 = arith.constant 16 : index
        %swap3A_629 = tpu.vector_load %arg8[%swap3A_625, %swap3A_626, %swap3A_627, %swap3A_628] {strides = array<i32>} : memref<4x16x8x64xf32, #tpu.memory_space<vmem>>, vector<1x1x1x16xf32>,
        %swap3A_630 = vector.shape_cast %swap3A_629 : vector<1x1x1x16xf32> to vector<16xf32>
        %swap3A_631 = vector.shape_cast %mul3A_622 : vector<16xf32> to vector<1x1x1x16xf32>
        tpu.vector_store %arg8[%swap3A_625, %swap3A_626, %swap3A_627, %swap3A_628], %swap3A_631 {strides = array<i32>} : memref<4x16x8x64xf32, #tpu.memory_space<vmem>>, vector<1x1x1x16xf32>,
        %mul3A_632 = arith.constant 8 : i32
        %mul3A_633 = arith.muli %add3A_592, %mul3A_632 : i32
        %add3A_634 = arith.constant 0 : i32
        %add3A_635 = arith.addi %mul3A_633, %add3A_634 : i32
        %get3A_636 = arith.constant 3 : i32
        %get3A_637 = arith.index_cast %get3A_636 : i32 to index
        %get3A_638 = arith.index_cast %add3A_635 : i32 to index
        %get3A_639 = arith.constant 32 : index
        %get3A_640 = tpu.vector_load %arg7[%get3A_637, %get3A_638, %get3A_639] {strides = array<i32>} : memref<4x128x64xf32, #tpu.memory_space<vmem>>, vector<1x1x16xf32>,
        %get3A_641 = vector.shape_cast %get3A_640 : vector<1x1x16xf32> to vector<16xf32>
        %mul3A_642 = arith.mulf %get3A_641, %get3A_4 : vector<16xf32>
        %swap3A_643 = arith.constant 3 : i32
        %swap3A_644 = arith.constant 0 : i32
        %swap3A_645 = arith.index_cast %swap3A_643 : i32 to index
        %swap3A_646 = arith.index_cast %add3A_592 : i32 to index
        %swap3A_647 = arith.index_cast %swap3A_644 : i32 to index
        %swap3A_648 = arith.constant 32 : index
        %swap3A_649 = tpu.vector_load %arg8[%swap3A_645, %swap3A_646, %swap3A_647, %swap3A_648] {strides = array<i32>} : memref<4x16x8x64xf32, #tpu.memory_space<vmem>>, vector<1x1x1x16xf32>,
        %swap3A_650 = vector.shape_cast %swap3A_649 : vector<1x1x1x16xf32> to vector<16xf32>
        %swap3A_651 = vector.shape_cast %mul3A_642 : vector<16xf32> to vector<1x1x1x16xf32>
        tpu.vector_store %arg8[%swap3A_645, %swap3A_646, %swap3A_647, %swap3A_648], %swap3A_651 {strides = array<i32>} : memref<4x16x8x64xf32, #tpu.memory_space<vmem>>, vector<1x1x1x16xf32>,
        %mul3A_652 = arith.constant 8 : i32
        %mul3A_653 = arith.muli %add3A_592, %mul3A_652 : i32
        %add3A_654 = arith.constant 0 : i32
        %add3A_655 = arith.addi %mul3A_653, %add3A_654 : i32
        %get3A_656 = arith.constant 3 : i32
        %get3A_657 = arith.index_cast %get3A_656 : i32 to index
        %get3A_658 = arith.index_cast %add3A_655 : i32 to index
        %get3A_659 = arith.constant 48 : index
        %get3A_660 = tpu.vector_load %arg7[%get3A_657, %get3A_658, %get3A_659] {strides = array<i32>} : memref<4x128x64xf32, #tpu.memory_space<vmem>>, vector<1x1x16xf32>,
        %get3A_661 = vector.shape_cast %get3A_660 : vector<1x1x16xf32> to vector<16xf32>
        %mul3A_662 = arith.mulf %get3A_661, %get3A_4 : vector<16xf32>
        %swap3A_663 = arith.constant 3 : i32
        %swap3A_664 = arith.constant 0 : i32
        %swap3A_665 = arith.index_cast %swap3A_663 : i32 to index
        %swap3A_666 = arith.index_cast %add3A_592 : i32 to index
        %swap3A_667 = arith.index_cast %swap3A_664 : i32 to index
        %swap3A_668 = arith.constant 48 : index
        %swap3A_669 = tpu.vector_load %arg8[%swap3A_665, %swap3A_666, %swap3A_667, %swap3A_668] {strides = array<i32>} : memref<4x16x8x64xf32, #tpu.memory_space<vmem>>, vector<1x1x1x16xf32>,
        %swap3A_670 = vector.shape_cast %swap3A_669 : vector<1x1x1x16xf32> to vector<16xf32>
        %swap3A_671 = vector.shape_cast %mul3A_662 : vector<16xf32> to vector<1x1x1x16xf32>
        tpu.vector_store %arg8[%swap3A_665, %swap3A_666, %swap3A_667, %swap3A_668], %swap3A_671 {strides = array<i32>} : memref<4x16x8x64xf32, #tpu.memory_space<vmem>>, vector<1x1x1x16xf32>,
        %mul3A_672 = arith.constant 8 : i32
        %mul3A_673 = arith.muli %add3A_592, %mul3A_672 : i32
        %add3A_674 = arith.constant 1 : i32
        %add3A_675 = arith.addi %mul3A_673, %add3A_674 : i32
        %get3A_676 = arith.constant 3 : i32
        %get3A_677 = arith.index_cast %get3A_676 : i32 to index
        %get3A_678 = arith.index_cast %add3A_675 : i32 to index
        %get3A_679 = arith.constant 0 : index
        %get3A_680 = tpu.vector_load %arg7[%get3A_677, %get3A_678, %get3A_679] {strides = array<i32>} : memref<4x128x64xf32, #tpu.memory_space<vmem>>, vector<1x1x16xf32>,
        %get3A_681 = vector.shape_cast %get3A_680 : vector<1x1x16xf32> to vector<16xf32>
        %mul3A_682 = arith.mulf %get3A_681, %get3A_4 : vector<16xf32>
        %swap3A_683 = arith.constant 3 : i32
        %swap3A_684 = arith.constant 1 : i32
        %swap3A_685 = arith.index_cast %swap3A_683 : i32 to index
        %swap3A_686 = arith.index_cast %add3A_592 : i32 to index
        %swap3A_687 = arith.index_cast %swap3A_684 : i32 to index
        %swap3A_688 = arith.constant 0 : index
        %swap3A_689 = tpu.vector_load %arg8[%swap3A_685, %swap3A_686, %swap3A_687, %swap3A_688] {strides = array<i32>} : memref<4x16x8x64xf32, #tpu.memory_space<vmem>>, vector<1x1x1x16xf32>,
        %swap3A_690 = vector.shape_cast %swap3A_689 : vector<1x1x1x16xf32> to vector<16xf32>
        %swap3A_691 = vector.shape_cast %mul3A_682 : vector<16xf32> to vector<1x1x1x16xf32>
        tpu.vector_store %arg8[%swap3A_685, %swap3A_686, %swap3A_687, %swap3A_688], %swap3A_691 {strides = array<i32>} : memref<4x16x8x64xf32, #tpu.memory_space<vmem>>, vector<1x1x1x16xf32>,
        %mul3A_692 = arith.constant 8 : i32
        %mul3A_693 = arith.muli %add3A_592, %mul3A_692 : i32
        %add3A_694 = arith.constant 1 : i32
        %add3A_695 = arith.addi %mul3A_693, %add3A_694 : i32
        %get3A_696 = arith.constant 3 : i32
        %get3A_697 = arith.index_cast %get3A_696 : i32 to index
        %get3A_698 = arith.index_cast %add3A_695 : i32 to index
        %get3A_699 = arith.constant 16 : index
        %get3A_700 = tpu.vector_load %arg7[%get3A_697, %get3A_698, %get3A_699] {strides = array<i32>} : memref<4x128x64xf32, #tpu.memory_space<vmem>>, vector<1x1x16xf32>,
        %get3A_701 = vector.shape_cast %get3A_700 : vector<1x1x16xf32> to vector<16xf32>
        %mul3A_702 = arith.mulf %get3A_701, %get3A_4 : vector<16xf32>
        %swap3A_703 = arith.constant 3 : i32
        %swap3A_704 = arith.constant 1 : i32
        %swap3A_705 = arith.index_cast %swap3A_703 : i32 to index
        %swap3A_706 = arith.index_cast %add3A_592 : i32 to index
        %swap3A_707 = arith.index_cast %swap3A_704 : i32 to index
        %swap3A_708 = arith.constant 16 : index
        %swap3A_709 = tpu.vector_load %arg8[%swap3A_705, %swap3A_706, %swap3A_707, %swap3A_708] {strides = array<i32>} : memref<4x16x8x64xf32, #tpu.memory_space<vmem>>, vector<1x1x1x16xf32>,
        %swap3A_710 = vector.shape_cast %swap3A_709 : vector<1x1x1x16xf32> to vector<16xf32>
        %swap3A_711 = vector.shape_cast %mul3A_702 : vector<16xf32> to vector<1x1x1x16xf32>
        tpu.vector_store %arg8[%swap3A_705, %swap3A_706, %swap3A_707, %swap3A_708], %swap3A_711 {strides = array<i32>} : memref<4x16x8x64xf32, #tpu.memory_space<vmem>>, vector<1x1x1x16xf32>,
        %mul3A_712 = arith.constant 8 : i32
        %mul3A_713 = arith.muli %add3A_592, %mul3A_712 : i32
        %add3A_714 = arith.constant 1 : i32
        %add3A_715 = arith.addi %mul3A_713, %add3A_714 : i32
        %get3A_716 = arith.constant 3 : i32
        %get3A_717 = arith.index_cast %get3A_716 : i32 to index
        %get3A_718 = arith.index_cast %add3A_715 : i32 to index
        %get3A_719 = arith.constant 32 : index
        %get3A_720 = tpu.vector_load %arg7[%get3A_717, %get3A_718, %get3A_719] {strides = array<i32>} : memref<4x128x64xf32, #tpu.memory_space<vmem>>, vector<1x1x16xf32>,
        %get3A_721 = vector.shape_cast %get3A_720 : vector<1x1x16xf32> to vector<16xf32>
        %mul3A_722 = arith.mulf %get3A_721, %get3A_4 : vector<16xf32>
        %swap3A_723 = arith.constant 3 : i32
        %swap3A_724 = arith.constant 1 : i32
        %swap3A_725 = arith.index_cast %swap3A_723 : i32 to index
        %swap3A_726 = arith.index_cast %add3A_592 : i32 to index
        %swap3A_727 = arith.index_cast %swap3A_724 : i32 to index
        %swap3A_728 = arith.constant 32 : index
        %swap3A_729 = tpu.vector_load %arg8[%swap3A_725, %swap3A_726, %swap3A_727, %swap3A_728] {strides = array<i32>} : memref<4x16x8x64xf32, #tpu.memory_space<vmem>>, vector<1x1x1x16xf32>,
        %swap3A_730 = vector.shape_cast %swap3A_729 : vector<1x1x1x16xf32> to vector<16xf32>
        %swap3A_731 = vector.shape_cast %mul3A_722 : vector<16xf32> to vector<1x1x1x16xf32>
        tpu.vector_store %arg8[%swap3A_725, %swap3A_726, %swap3A_727, %swap3A_728], %swap3A_731 {strides = array<i32>} : memref<4x16x8x64xf32, #tpu.memory_space<vmem>>, vector<1x1x1x16xf32>,
        %mul3A_732 = arith.constant 8 : i32
        %mul3A_733 = arith.muli %add3A_592, %mul3A_732 : i32
        %add3A_734 = arith.constant 1 : i32
        %add3A_735 = arith.addi %mul3A_733, %add3A_734 : i32
        %get3A_736 = arith.constant 3 : i32
        %get3A_737 = arith.index_cast %get3A_736 : i32 to index
        %get3A_738 = arith.index_cast %add3A_735 : i32 to index
        %get3A_739 = arith.constant 48 : index
        %get3A_740 = tpu.vector_load %arg7[%get3A_737, %get3A_738, %get3A_739] {strides = array<i32>} : memref<4x128x64xf32, #tpu.memory_space<vmem>>, vector<1x1x16xf32>,
        %get3A_741 = vector.shape_cast %get3A_740 : vector<1x1x16xf32> to vector<16xf32>
        %mul3A_742 = arith.mulf %get3A_741, %get3A_4 : vector<16xf32>
        %swap3A_743 = arith.constant 3 : i32
        %swap3A_744 = arith.constant 1 : i32
        %swap3A_745 = arith.index_cast %swap3A_743 : i32 to index
        %swap3A_746 = arith.index_cast %add3A_592 : i32 to index
        %swap3A_747 = arith.index_cast %swap3A_744 : i32 to index
        %swap3A_748 = arith.constant 48 : index
        %swap3A_749 = tpu.vector_load %arg8[%swap3A_745, %swap3A_746, %swap3A_747, %swap3A_748] {strides = array<i32>} : memref<4x16x8x64xf32, #tpu.memory_space<vmem>>, vector<1x1x1x16xf32>,
        %swap3A_750 = vector.shape_cast %swap3A_749 : vector<1x1x1x16xf32> to vector<16xf32>
        %swap3A_751 = vector.shape_cast %mul3A_742 : vector<16xf32> to vector<1x1x1x16xf32>
        tpu.vector_store %arg8[%swap3A_745, %swap3A_746, %swap3A_747, %swap3A_748], %swap3A_751 {strides = array<i32>} : memref<4x16x8x64xf32, #tpu.memory_space<vmem>>, vector<1x1x1x16xf32>,
        %mul3A_752 = arith.constant 8 : i32
        %mul3A_753 = arith.muli %add3A_592, %mul3A_752 : i32
        %add3A_754 = arith.constant 2 : i32
        %add3A_755 = arith.addi %mul3A_753, %add3A_754 : i32
        %get3A_756 = arith.constant 3 : i32
        %get3A_757 = arith.index_cast %get3A_756 : i32 to index
        %get3A_758 = arith.index_cast %add3A_755 : i32 to index
        %get3A_759 = arith.constant 0 : index
        %get3A_760 = tpu.vector_load %arg7[%get3A_757, %get3A_758, %get3A_759] {strides = array<i32>} : memref<4x128x64xf32, #tpu.memory_space<vmem>>, vector<1x1x16xf32>,
        %get3A_761 = vector.shape_cast %get3A_760 : vector<1x1x16xf32> to vector<16xf32>
        %mul3A_762 = arith.mulf %get3A_761, %get3A_4 : vector<16xf32>
        %swap3A_763 = arith.constant 3 : i32
        %swap3A_764 = arith.constant 2 : i32
        %swap3A_765 = arith.index_cast %swap3A_763 : i32 to index
        %swap3A_766 = arith.index_cast %add3A_592 : i32 to index
        %swap3A_767 = arith.index_cast %swap3A_764 : i32 to index
        %swap3A_768 = arith.constant 0 : index
        %swap3A_769 = tpu.vector_load %arg8[%swap3A_765, %swap3A_766, %swap3A_767, %swap3A_768] {strides = array<i32>} : memref<4x16x8x64xf32, #tpu.memory_space<vmem>>, vector<1x1x1x16xf32>,
        %swap3A_770 = vector.shape_cast %swap3A_769 : vector<1x1x1x16xf32> to vector<16xf32>
        %swap3A_771 = vector.shape_cast %mul3A_762 : vector<16xf32> to vector<1x1x1x16xf32>
        tpu.vector_store %arg8[%swap3A_765, %swap3A_766, %swap3A_767, %swap3A_768], %swap3A_771 {strides = array<i32>} : memref<4x16x8x64xf32, #tpu.memory_space<vmem>>, vector<1x1x1x16xf32>,
        %mul3A_772 = arith.constant 8 : i32
        %mul3A_773 = arith.muli %add3A_592, %mul3A_772 : i32
        %add3A_774 = arith.constant 2 : i32
        %add3A_775 = arith.addi %mul3A_773, %add3A_774 : i32
        %get3A_776 = arith.constant 3 : i32
        %get3A_777 = arith.index_cast %get3A_776 : i32 to index
        %get3A_778 = arith.index_cast %add3A_775 : i32 to index
        %get3A_779 = arith.constant 16 : index
        %get3A_780 = tpu.vector_load %arg7[%get3A_777, %get3A_778, %get3A_779] {strides = array<i32>} : memref<4x128x64xf32, #tpu.memory_space<vmem>>, vector<1x1x16xf32>,
        %get3A_781 = vector.shape_cast %get3A_780 : vector<1x1x16xf32> to vector<16xf32>
        %mul3A_782 = arith.mulf %get3A_781, %get3A_4 : vector<16xf32>
        %swap3A_783 = arith.constant 3 : i32
        %swap3A_784 = arith.constant 2 : i32
        %swap3A_785 = arith.index_cast %swap3A_783 : i32 to index
        %swap3A_786 = arith.index_cast %add3A_592 : i32 to index
        %swap3A_787 = arith.index_cast %swap3A_784 : i32 to index
        %swap3A_788 = arith.constant 16 : index
        %swap3A_789 = tpu.vector_load %arg8[%swap3A_785, %swap3A_786, %swap3A_787, %swap3A_788] {strides = array<i32>} : memref<4x16x8x64xf32, #tpu.memory_space<vmem>>, vector<1x1x1x16xf32>,
        %swap3A_790 = vector.shape_cast %swap3A_789 : vector<1x1x1x16xf32> to vector<16xf32>
        %swap3A_791 = vector.shape_cast %mul3A_782 : vector<16xf32> to vector<1x1x1x16xf32>
        tpu.vector_store %arg8[%swap3A_785, %swap3A_786, %swap3A_787, %swap3A_788], %swap3A_791 {strides = array<i32>} : memref<4x16x8x64xf32, #tpu.memory_space<vmem>>, vector<1x1x1x16xf32>,
        %mul3A_792 = arith.constant 8 : i32
        %mul3A_793 = arith.muli %add3A_592, %mul3A_792 : i32
        %add3A_794 = arith.constant 2 : i32
        %add3A_795 = arith.addi %mul3A_793, %add3A_794 : i32
        %get3A_796 = arith.constant 3 : i32
        %get3A_797 = arith.index_cast %get3A_796 : i32 to index
        %get3A_798 = arith.index_cast %add3A_795 : i32 to index
        %get3A_799 = arith.constant 32 : index
        %get3A_800 = tpu.vector_load %arg7[%get3A_797, %get3A_798, %get3A_799] {strides = array<i32>} : memref<4x128x64xf32, #tpu.memory_space<vmem>>, vector<1x1x16xf32>,
        %get3A_801 = vector.shape_cast %get3A_800 : vector<1x1x16xf32> to vector<16xf32>
        %mul3A_802 = arith.mulf %get3A_801, %get3A_4 : vector<16xf32>
        %swap3A_803 = arith.constant 3 : i32
        %swap3A_804 = arith.constant 2 : i32
        %swap3A_805 = arith.index_cast %swap3A_803 : i32 to index
        %swap3A_806 = arith.index_cast %add3A_592 : i32 to index
        %swap3A_807 = arith.index_cast %swap3A_804 : i32 to index
        %swap3A_808 = arith.constant 32 : index
        %swap3A_809 = tpu.vector_load %arg8[%swap3A_805, %swap3A_806, %swap3A_807, %swap3A_808] {strides = array<i32>} : memref<4x16x8x64xf32, #tpu.memory_space<vmem>>, vector<1x1x1x16xf32>,
        %swap3A_810 = vector.shape_cast %swap3A_809 : vector<1x1x1x16xf32> to vector<16xf32>
        %swap3A_811 = vector.shape_cast %mul3A_802 : vector<16xf32> to vector<1x1x1x16xf32>
        tpu.vector_store %arg8[%swap3A_805, %swap3A_806, %swap3A_807, %swap3A_808], %swap3A_811 {strides = array<i32>} : memref<4x16x8x64xf32, #tpu.memory_space<vmem>>, vector<1x1x1x16xf32>,
        %mul3A_812 = arith.constant 8 : i32
        %mul3A_813 = arith.muli %add3A_592, %mul3A_812 : i32
        %add3A_814 = arith.constant 2 : i32
        %add3A_815 = arith.addi %mul3A_813, %add3A_814 : i32
        %get3A_816 = arith.constant 3 : i32
        %get3A_817 = arith.index_cast %get3A_816 : i32 to index
        %get3A_818 = arith.index_cast %add3A_815 : i32 to index
        %get3A_819 = arith.constant 48 : index
        %get3A_820 = tpu.vector_load %arg7[%get3A_817, %get3A_818, %get3A_819] {strides = array<i32>} : memref<4x128x64xf32, #tpu.memory_space<vmem>>, vector<1x1x16xf32>,
        %get3A_821 = vector.shape_cast %get3A_820 : vector<1x1x16xf32> to vector<16xf32>
        %mul3A_822 = arith.mulf %get3A_821, %get3A_4 : vector<16xf32>
        %swap3A_823 = arith.constant 3 : i32
        %swap3A_824 = arith.constant 2 : i32
        %swap3A_825 = arith.index_cast %swap3A_823 : i32 to index
        %swap3A_826 = arith.index_cast %add3A_592 : i32 to index
        %swap3A_827 = arith.index_cast %swap3A_824 : i32 to index
        %swap3A_828 = arith.constant 48 : index
        %swap3A_829 = tpu.vector_load %arg8[%swap3A_825, %swap3A_826, %swap3A_827, %swap3A_828] {strides = array<i32>} : memref<4x16x8x64xf32, #tpu.memory_space<vmem>>, vector<1x1x1x16xf32>,
        %swap3A_830 = vector.shape_cast %swap3A_829 : vector<1x1x1x16xf32> to vector<16xf32>
        %swap3A_831 = vector.shape_cast %mul3A_822 : vector<16xf32> to vector<1x1x1x16xf32>
        tpu.vector_store %arg8[%swap3A_825, %swap3A_826, %swap3A_827, %swap3A_828], %swap3A_831 {strides = array<i32>} : memref<4x16x8x64xf32, #tpu.memory_space<vmem>>, vector<1x1x1x16xf32>,
        %mul3A_832 = arith.constant 8 : i32
        %mul3A_833 = arith.muli %add3A_592, %mul3A_832 : i32
        %add3A_834 = arith.constant 3 : i32
        %add3A_835 = arith.addi %mul3A_833, %add3A_834 : i32
        %get3A_836 = arith.constant 3 : i32
        %get3A_837 = arith.index_cast %get3A_836 : i32 to index
        %get3A_838 = arith.index_cast %add3A_835 : i32 to index
        %get3A_839 = arith.constant 0 : index
        %get3A_840 = tpu.vector_load %arg7[%get3A_837, %get3A_838, %get3A_839] {strides = array<i32>} : memref<4x128x64xf32, #tpu.memory_space<vmem>>, vector<1x1x16xf32>,
        %get3A_841 = vector.shape_cast %get3A_840 : vector<1x1x16xf32> to vector<16xf32>
        %mul3A_842 = arith.mulf %get3A_841, %get3A_4 : vector<16xf32>
        %swap3A_843 = arith.constant 3 : i32
        %swap3A_844 = arith.constant 3 : i32
        %swap3A_845 = arith.index_cast %swap3A_843 : i32 to index
        %swap3A_846 = arith.index_cast %add3A_592 : i32 to index
        %swap3A_847 = arith.index_cast %swap3A_844 : i32 to index
        %swap3A_848 = arith.constant 0 : index
        %swap3A_849 = tpu.vector_load %arg8[%swap3A_845, %swap3A_846, %swap3A_847, %swap3A_848] {strides = array<i32>} : memref<4x16x8x64xf32, #tpu.memory_space<vmem>>, vector<1x1x1x16xf32>,
        %swap3A_850 = vector.shape_cast %swap3A_849 : vector<1x1x1x16xf32> to vector<16xf32>
        %swap3A_851 = vector.shape_cast %mul3A_842 : vector<16xf32> to vector<1x1x1x16xf32>
        tpu.vector_store %arg8[%swap3A_845, %swap3A_846, %swap3A_847, %swap3A_848], %swap3A_851 {strides = array<i32>} : memref<4x16x8x64xf32, #tpu.memory_space<vmem>>, vector<1x1x1x16xf32>,
        %mul3A_852 = arith.constant 8 : i32
        %mul3A_853 = arith.muli %add3A_592, %mul3A_852 : i32
        %add3A_854 = arith.constant 3 : i32
        %add3A_855 = arith.addi %mul3A_853, %add3A_854 : i32
        %get3A_856 = arith.constant 3 : i32
        %get3A_857 = arith.index_cast %get3A_856 : i32 to index
        %get3A_858 = arith.index_cast %add3A_855 : i32 to index
        %get3A_859 = arith.constant 16 : index
        %get3A_860 = tpu.vector_load %arg7[%get3A_857, %get3A_858, %get3A_859] {strides = array<i32>} : memref<4x128x64xf32, #tpu.memory_space<vmem>>, vector<1x1x16xf32>,
        %get3A_861 = vector.shape_cast %get3A_860 : vector<1x1x16xf32> to vector<16xf32>
        %mul3A_862 = arith.mulf %get3A_861, %get3A_4 : vector<16xf32>
        %swap3A_863 = arith.constant 3 : i32
        %swap3A_864 = arith.constant 3 : i32
        %swap3A_865 = arith.index_cast %swap3A_863 : i32 to index
        %swap3A_866 = arith.index_cast %add3A_592 : i32 to index
        %swap3A_867 = arith.index_cast %swap3A_864 : i32 to index
        %swap3A_868 = arith.constant 16 : index
        %swap3A_869 = tpu.vector_load %arg8[%swap3A_865, %swap3A_866, %swap3A_867, %swap3A_868] {strides = array<i32>} : memref<4x16x8x64xf32, #tpu.memory_space<vmem>>, vector<1x1x1x16xf32>,
        %swap3A_870 = vector.shape_cast %swap3A_869 : vector<1x1x1x16xf32> to vector<16xf32>
        %swap3A_871 = vector.shape_cast %mul3A_862 : vector<16xf32> to vector<1x1x1x16xf32>
        tpu.vector_store %arg8[%swap3A_865, %swap3A_866, %swap3A_867, %swap3A_868], %swap3A_871 {strides = array<i32>} : memref<4x16x8x64xf32, #tpu.memory_space<vmem>>, vector<1x1x1x16xf32>,
        %mul3A_872 = arith.constant 8 : i32
        %mul3A_873 = arith.muli %add3A_592, %mul3A_872 : i32
        %add3A_874 = arith.constant 3 : i32
        %add3A_875 = arith.addi %mul3A_873, %add3A_874 : i32
        %get3A_876 = arith.constant 3 : i32
        %get3A_877 = arith.index_cast %get3A_876 : i32 to index
        %get3A_878 = arith.index_cast %add3A_875 : i32 to index
        %get3A_879 = arith.constant 32 : index
        %get3A_880 = tpu.vector_load %arg7[%get3A_877, %get3A_878, %get3A_879] {strides = array<i32>} : memref<4x128x64xf32, #tpu.memory_space<vmem>>, vector<1x1x16xf32>,
        %get3A_881 = vector.shape_cast %get3A_880 : vector<1x1x16xf32> to vector<16xf32>
        %mul3A_882 = arith.mulf %get3A_881, %get3A_4 : vector<16xf32>
        %swap3A_883 = arith.constant 3 : i32
        %swap3A_884 = arith.constant 3 : i32
        %swap3A_885 = arith.index_cast %swap3A_883 : i32 to index
        %swap3A_886 = arith.index_cast %add3A_592 : i32 to index
        %swap3A_887 = arith.index_cast %swap3A_884 : i32 to index
        %swap3A_888 = arith.constant 32 : index
        %swap3A_889 = tpu.vector_load %arg8[%swap3A_885, %swap3A_886, %swap3A_887, %swap3A_888] {strides = array<i32>} : memref<4x16x8x64xf32, #tpu.memory_space<vmem>>, vector<1x1x1x16xf32>,
        %swap3A_890 = vector.shape_cast %swap3A_889 : vector<1x1x1x16xf32> to vector<16xf32>
        %swap3A_891 = vector.shape_cast %mul3A_882 : vector<16xf32> to vector<1x1x1x16xf32>
        tpu.vector_store %arg8[%swap3A_885, %swap3A_886, %swap3A_887, %swap3A_888], %swap3A_891 {strides = array<i32>} : memref<4x16x8x64xf32, #tpu.memory_space<vmem>>, vector<1x1x1x16xf32>,
        %mul3A_892 = arith.constant 8 : i32
        %mul3A_893 = arith.muli %add3A_592, %mul3A_892 : i32
        %add3A_894 = arith.constant 3 : i32
        %add3A_895 = arith.addi %mul3A_893, %add3A_894 : i32
        %get3A_896 = arith.constant 3 : i32
        %get3A_897 = arith.index_cast %get3A_896 : i32 to index
        %get3A_898 = arith.index_cast %add3A_895 : i32 to index
        %get3A_899 = arith.constant 48 : index
        %get3A_900 = tpu.vector_load %arg7[%get3A_897, %get3A_898, %get3A_899] {strides = array<i32>} : memref<4x128x64xf32, #tpu.memory_space<vmem>>, vector<1x1x16xf32>,
        %get3A_901 = vector.shape_cast %get3A_900 : vector<1x1x16xf32> to vector<16xf32>
        %mul3A_902 = arith.mulf %get3A_901, %get3A_4 : vector<16xf32>
        %swap3A_903 = arith.constant 3 : i32
        %swap3A_904 = arith.constant 3 : i32
        %swap3A_905 = arith.index_cast %swap3A_903 : i32 to index
        %swap3A_906 = arith.index_cast %add3A_592 : i32 to index
        %swap3A_907 = arith.index_cast %swap3A_904 : i32 to index
        %swap3A_908 = arith.constant 48 : index
        %swap3A_909 = tpu.vector_load %arg8[%swap3A_905, %swap3A_906, %swap3A_907, %swap3A_908] {strides = array<i32>} : memref<4x16x8x64xf32, #tpu.memory_space<vmem>>, vector<1x1x1x16xf32>,
        %swap3A_910 = vector.shape_cast %swap3A_909 : vector<1x1x1x16xf32> to vector<16xf32>
        %swap3A_911 = vector.shape_cast %mul3A_902 : vector<16xf32> to vector<1x1x1x16xf32>
        tpu.vector_store %arg8[%swap3A_905, %swap3A_906, %swap3A_907, %swap3A_908], %swap3A_911 {strides = array<i32>} : memref<4x16x8x64xf32, #tpu.memory_space<vmem>>, vector<1x1x1x16xf32>,
        %mul3A_912 = arith.constant 8 : i32
        %mul3A_913 = arith.muli %add3A_592, %mul3A_912 : i32
        %add3A_914 = arith.constant 4 : i32
        %add3A_915 = arith.addi %mul3A_913, %add3A_914 : i32
        %get3A_916 = arith.constant 3 : i32
        %get3A_917 = arith.index_cast %get3A_916 : i32 to index
        %get3A_918 = arith.index_cast %add3A_915 : i32 to index
        %get3A_919 = arith.constant 0 : index
        %get3A_920 = tpu.vector_load %arg7[%get3A_917, %get3A_918, %get3A_919] {strides = array<i32>} : memref<4x128x64xf32, #tpu.memory_space<vmem>>, vector<1x1x16xf32>,
        %get3A_921 = vector.shape_cast %get3A_920 : vector<1x1x16xf32> to vector<16xf32>
        %mul3A_922 = arith.mulf %get3A_921, %get3A_4 : vector<16xf32>
        %swap3A_923 = arith.constant 3 : i32
        %swap3A_924 = arith.constant 4 : i32
        %swap3A_925 = arith.index_cast %swap3A_923 : i32 to index
        %swap3A_926 = arith.index_cast %add3A_592 : i32 to index
        %swap3A_927 = arith.index_cast %swap3A_924 : i32 to index
        %swap3A_928 = arith.constant 0 : index
        %swap3A_929 = tpu.vector_load %arg8[%swap3A_925, %swap3A_926, %swap3A_927, %swap3A_928] {strides = array<i32>} : memref<4x16x8x64xf32, #tpu.memory_space<vmem>>, vector<1x1x1x16xf32>,
        %swap3A_930 = vector.shape_cast %swap3A_929 : vector<1x1x1x16xf32> to vector<16xf32>
        %swap3A_931 = vector.shape_cast %mul3A_922 : vector<16xf32> to vector<1x1x1x16xf32>
        tpu.vector_store %arg8[%swap3A_925, %swap3A_926, %swap3A_927, %swap3A_928], %swap3A_931 {strides = array<i32>} : memref<4x16x8x64xf32, #tpu.memory_space<vmem>>, vector<1x1x1x16xf32>,
        %mul3A_932 = arith.constant 8 : i32
        %mul3A_933 = arith.muli %add3A_592, %mul3A_932 : i32
        %add3A_934 = arith.constant 4 : i32
        %add3A_935 = arith.addi %mul3A_933, %add3A_934 : i32
        %get3A_936 = arith.constant 3 : i32
        %get3A_937 = arith.index_cast %get3A_936 : i32 to index
        %get3A_938 = arith.index_cast %add3A_935 : i32 to index
        %get3A_939 = arith.constant 16 : index
        %get3A_940 = tpu.vector_load %arg7[%get3A_937, %get3A_938, %get3A_939] {strides = array<i32>} : memref<4x128x64xf32, #tpu.memory_space<vmem>>, vector<1x1x16xf32>,
        %get3A_941 = vector.shape_cast %get3A_940 : vector<1x1x16xf32> to vector<16xf32>
        %mul3A_942 = arith.mulf %get3A_941, %get3A_4 : vector<16xf32>
        %swap3A_943 = arith.constant 3 : i32
        %swap3A_944 = arith.constant 4 : i32
        %swap3A_945 = arith.index_cast %swap3A_943 : i32 to index
        %swap3A_946 = arith.index_cast %add3A_592 : i32 to index
        %swap3A_947 = arith.index_cast %swap3A_944 : i32 to index
        %swap3A_948 = arith.constant 16 : index
        %swap3A_949 = tpu.vector_load %arg8[%swap3A_945, %swap3A_946, %swap3A_947, %swap3A_948] {strides = array<i32>} : memref<4x16x8x64xf32, #tpu.memory_space<vmem>>, vector<1x1x1x16xf32>,
        %swap3A_950 = vector.shape_cast %swap3A_949 : vector<1x1x1x16xf32> to vector<16xf32>
        %swap3A_951 = vector.shape_cast %mul3A_942 : vector<16xf32> to vector<1x1x1x16xf32>
        tpu.vector_store %arg8[%swap3A_945, %swap3A_946, %swap3A_947, %swap3A_948], %swap3A_951 {strides = array<i32>} : memref<4x16x8x64xf32, #tpu.memory_space<vmem>>, vector<1x1x1x16xf32>,
        %mul3A_952 = arith.constant 8 : i32
        %mul3A_953 = arith.muli %add3A_592, %mul3A_952 : i32
        %add3A_954 = arith.constant 4 : i32
        %add3A_955 = arith.addi %mul3A_953, %add3A_954 : i32
        %get3A_956 = arith.constant 3 : i32
        %get3A_957 = arith.index_cast %get3A_956 : i32 to index
        %get3A_958 = arith.index_cast %add3A_955 : i32 to index
        %get3A_959 = arith.constant 32 : index
        %get3A_960 = tpu.vector_load %arg7[%get3A_957, %get3A_958, %get3A_959] {strides = array<i32>} : memref<4x128x64xf32, #tpu.memory_space<vmem>>, vector<1x1x16xf32>,
        %get3A_961 = vector.shape_cast %get3A_960 : vector<1x1x16xf32> to vector<16xf32>
        %mul3A_962 = arith.mulf %get3A_961, %get3A_4 : vector<16xf32>
        %swap3A_963 = arith.constant 3 : i32
        %swap3A_964 = arith.constant 4 : i32
        %swap3A_965 = arith.index_cast %swap3A_963 : i32 to index
        %swap3A_966 = arith.index_cast %add3A_592 : i32 to index
        %swap3A_967 = arith.index_cast %swap3A_964 : i32 to index
        %swap3A_968 = arith.constant 32 : index
        %swap3A_969 = tpu.vector_load %arg8[%swap3A_965, %swap3A_966, %swap3A_967, %swap3A_968] {strides = array<i32>} : memref<4x16x8x64xf32, #tpu.memory_space<vmem>>, vector<1x1x1x16xf32>,
        %swap3A_970 = vector.shape_cast %swap3A_969 : vector<1x1x1x16xf32> to vector<16xf32>
        %swap3A_971 = vector.shape_cast %mul3A_962 : vector<16xf32> to vector<1x1x1x16xf32>
        tpu.vector_store %arg8[%swap3A_965, %swap3A_966, %swap3A_967, %swap3A_968], %swap3A_971 {strides = array<i32>} : memref<4x16x8x64xf32, #tpu.memory_space<vmem>>, vector<1x1x1x16xf32>,
        %mul3A_972 = arith.constant 8 : i32
        %mul3A_973 = arith.muli %add3A_592, %mul3A_972 : i32
        %add3A_974 = arith.constant 4 : i32
        %add3A_975 = arith.addi %mul3A_973, %add3A_974 : i32
        %get3A_976 = arith.constant 3 : i32
        %get3A_977 = arith.index_cast %get3A_976 : i32 to index
        %get3A_978 = arith.index_cast %add3A_975 : i32 to index
        %get3A_979 = arith.constant 48 : index
        %get3A_980 = tpu.vector_load %arg7[%get3A_977, %get3A_978, %get3A_979] {strides = array<i32>} : memref<4x128x64xf32, #tpu.memory_space<vmem>>, vector<1x1x16xf32>,
        %get3A_981 = vector.shape_cast %get3A_980 : vector<1x1x16xf32> to vector<16xf32>
        %mul3A_982 = arith.mulf %get3A_981, %get3A_4 : vector<16xf32>
        %swap3A_983 = arith.constant 3 : i32
        %swap3A_984 = arith.constant 4 : i32
        %swap3A_985 = arith.index_cast %swap3A_983 : i32 to index
        %swap3A_986 = arith.index_cast %add3A_592 : i32 to index
        %swap3A_987 = arith.index_cast %swap3A_984 : i32 to index
        %swap3A_988 = arith.constant 48 : index
        %swap3A_989 = tpu.vector_load %arg8[%swap3A_985, %swap3A_986, %swap3A_987, %swap3A_988] {strides = array<i32>} : memref<4x16x8x64xf32, #tpu.memory_space<vmem>>, vector<1x1x1x16xf32>,
        %swap3A_990 = vector.shape_cast %swap3A_989 : vector<1x1x1x16xf32> to vector<16xf32>
        %swap3A_991 = vector.shape_cast %mul3A_982 : vector<16xf32> to vector<1x1x1x16xf32>
        tpu.vector_store %arg8[%swap3A_985, %swap3A_986, %swap3A_987, %swap3A_988], %swap3A_991 {strides = array<i32>} : memref<4x16x8x64xf32, #tpu.memory_space<vmem>>, vector<1x1x1x16xf32>,
        %mul3A_992 = arith.constant 8 : i32
        %mul3A_993 = arith.muli %add3A_592, %mul3A_992 : i32
        %add3A_994 = arith.constant 5 : i32
        %add3A_995 = arith.addi %mul3A_993, %add3A_994 : i32
        %get3A_996 = arith.constant 3 : i32
        %get3A_997 = arith.index_cast %get3A_996 : i32 to index
        %get3A_998 = arith.index_cast %add3A_995 : i32 to index
        %get3A_999 = arith.constant 0 : index
        %get3A_1000 = tpu.vector_load %arg7[%get3A_997, %get3A_998, %get3A_999] {strides = array<i32>} : memref<4x128x64xf32, #tpu.memory_space<vmem>>, vector<1x1x16xf32>,
        %get3A_1001 = vector.shape_cast %get3A_1000 : vector<1x1x16xf32> to vector<16xf32>
        %mul3A_1002 = arith.mulf %get3A_1001, %get3A_4 : vector<16xf32>
        %swap3A_1003 = arith.constant 3 : i32
        %swap3A_1004 = arith.constant 5 : i32
        %swap3A_1005 = arith.index_cast %swap3A_1003 : i32 to index
        %swap3A_1006 = arith.index_cast %add3A_592 : i32 to index
        %swap3A_1007 = arith.index_cast %swap3A_1004 : i32 to index
        %swap3A_1008 = arith.constant 0 : index
        %swap3A_1009 = tpu.vector_load %arg8[%swap3A_1005, %swap3A_1006, %swap3A_1007, %swap3A_1008] {strides = array<i32>} : memref<4x16x8x64xf32, #tpu.memory_space<vmem>>, vector<1x1x1x16xf32>,
        %swap3A_1010 = vector.shape_cast %swap3A_1009 : vector<1x1x1x16xf32> to vector<16xf32>
        %swap3A_1011 = vector.shape_cast %mul3A_1002 : vector<16xf32> to vector<1x1x1x16xf32>
        tpu.vector_store %arg8[%swap3A_1005, %swap3A_1006, %swap3A_1007, %swap3A_1008], %swap3A_1011 {strides = array<i32>} : memref<4x16x8x64xf32, #tpu.memory_space<vmem>>, vector<1x1x1x16xf32>,
        %mul3A_1012 = arith.constant 8 : i32
        %mul3A_1013 = arith.muli %add3A_592, %mul3A_1012 : i32
        %add3A_1014 = arith.constant 5 : i32
        %add3A_1015 = arith.addi %mul3A_1013, %add3A_1014 : i32
        %get3A_1016 = arith.constant 3 : i32
        %get3A_1017 = arith.index_cast %get3A_1016 : i32 to index
        %get3A_1018 = arith.index_cast %add3A_1015 : i32 to index
        %get3A_1019 = arith.constant 16 : index
        %get3A_1020 = tpu.vector_load %arg7[%get3A_1017, %get3A_1018, %get3A_1019] {strides = array<i32>} : memref<4x128x64xf32, #tpu.memory_space<vmem>>, vector<1x1x16xf32>,
        %get3A_1021 = vector.shape_cast %get3A_1020 : vector<1x1x16xf32> to vector<16xf32>
        %mul3A_1022 = arith.mulf %get3A_1021, %get3A_4 : vector<16xf32>
        %swap3A_1023 = arith.constant 3 : i32
        %swap3A_1024 = arith.constant 5 : i32
        %swap3A_1025 = arith.index_cast %swap3A_1023 : i32 to index
        %swap3A_1026 = arith.index_cast %add3A_592 : i32 to index
        %swap3A_1027 = arith.index_cast %swap3A_1024 : i32 to index
        %swap3A_1028 = arith.constant 16 : index
        %swap3A_1029 = tpu.vector_load %arg8[%swap3A_1025, %swap3A_1026, %swap3A_1027, %swap3A_1028] {strides = array<i32>} : memref<4x16x8x64xf32, #tpu.memory_space<vmem>>, vector<1x1x1x16xf32>,
        %swap3A_1030 = vector.shape_cast %swap3A_1029 : vector<1x1x1x16xf32> to vector<16xf32>
        %swap3A_1031 = vector.shape_cast %mul3A_1022 : vector<16xf32> to vector<1x1x1x16xf32>
        tpu.vector_store %arg8[%swap3A_1025, %swap3A_1026, %swap3A_1027, %swap3A_1028], %swap3A_1031 {strides = array<i32>} : memref<4x16x8x64xf32, #tpu.memory_space<vmem>>, vector<1x1x1x16xf32>,
        %mul3A_1032 = arith.constant 8 : i32
        %mul3A_1033 = arith.muli %add3A_592, %mul3A_1032 : i32
        %add3A_1034 = arith.constant 5 : i32
        %add3A_1035 = arith.addi %mul3A_1033, %add3A_1034 : i32
        %get3A_1036 = arith.constant 3 : i32
        %get3A_1037 = arith.index_cast %get3A_1036 : i32 to index
        %get3A_1038 = arith.index_cast %add3A_1035 : i32 to index
        %get3A_1039 = arith.constant 32 : index
        %get3A_1040 = tpu.vector_load %arg7[%get3A_1037, %get3A_1038, %get3A_1039] {strides = array<i32>} : memref<4x128x64xf32, #tpu.memory_space<vmem>>, vector<1x1x16xf32>,
        %get3A_1041 = vector.shape_cast %get3A_1040 : vector<1x1x16xf32> to vector<16xf32>
        %mul3A_1042 = arith.mulf %get3A_1041, %get3A_4 : vector<16xf32>
        %swap3A_1043 = arith.constant 3 : i32
        %swap3A_1044 = arith.constant 5 : i32
        %swap3A_1045 = arith.index_cast %swap3A_1043 : i32 to index
        %swap3A_1046 = arith.index_cast %add3A_592 : i32 to index
        %swap3A_1047 = arith.index_cast %swap3A_1044 : i32 to index
        %swap3A_1048 = arith.constant 32 : index
        %swap3A_1049 = tpu.vector_load %arg8[%swap3A_1045, %swap3A_1046, %swap3A_1047, %swap3A_1048] {strides = array<i32>} : memref<4x16x8x64xf32, #tpu.memory_space<vmem>>, vector<1x1x1x16xf32>,
        %swap3A_1050 = vector.shape_cast %swap3A_1049 : vector<1x1x1x16xf32> to vector<16xf32>
        %swap3A_1051 = vector.shape_cast %mul3A_1042 : vector<16xf32> to vector<1x1x1x16xf32>
        tpu.vector_store %arg8[%swap3A_1045, %swap3A_1046, %swap3A_1047, %swap3A_1048], %swap3A_1051 {strides = array<i32>} : memref<4x16x8x64xf32, #tpu.memory_space<vmem>>, vector<1x1x1x16xf32>,
        %mul3A_1052 = arith.constant 8 : i32
        %mul3A_1053 = arith.muli %add3A_592, %mul3A_1052 : i32
        %add3A_1054 = arith.constant 5 : i32
        %add3A_1055 = arith.addi %mul3A_1053, %add3A_1054 : i32
        %get3A_1056 = arith.constant 3 : i32
        %get3A_1057 = arith.index_cast %get3A_1056 : i32 to index
        %get3A_1058 = arith.index_cast %add3A_1055 : i32 to index
        %get3A_1059 = arith.constant 48 : index
        %get3A_1060 = tpu.vector_load %arg7[%get3A_1057, %get3A_1058, %get3A_1059] {strides = array<i32>} : memref<4x128x64xf32, #tpu.memory_space<vmem>>, vector<1x1x16xf32>,
        %get3A_1061 = vector.shape_cast %get3A_1060 : vector<1x1x16xf32> to vector<16xf32>
        %mul3A_1062 = arith.mulf %get3A_1061, %get3A_4 : vector<16xf32>
        %swap3A_1063 = arith.constant 3 : i32
        %swap3A_1064 = arith.constant 5 : i32
        %swap3A_1065 = arith.index_cast %swap3A_1063 : i32 to index
        %swap3A_1066 = arith.index_cast %add3A_592 : i32 to index
        %swap3A_1067 = arith.index_cast %swap3A_1064 : i32 to index
        %swap3A_1068 = arith.constant 48 : index
        %swap3A_1069 = tpu.vector_load %arg8[%swap3A_1065, %swap3A_1066, %swap3A_1067, %swap3A_1068] {strides = array<i32>} : memref<4x16x8x64xf32, #tpu.memory_space<vmem>>, vector<1x1x1x16xf32>,
        %swap3A_1070 = vector.shape_cast %swap3A_1069 : vector<1x1x1x16xf32> to vector<16xf32>
        %swap3A_1071 = vector.shape_cast %mul3A_1062 : vector<16xf32> to vector<1x1x1x16xf32>
        tpu.vector_store %arg8[%swap3A_1065, %swap3A_1066, %swap3A_1067, %swap3A_1068], %swap3A_1071 {strides = array<i32>} : memref<4x16x8x64xf32, #tpu.memory_space<vmem>>, vector<1x1x1x16xf32>,
        %mul3A_1072 = arith.constant 8 : i32
        %mul3A_1073 = arith.muli %add3A_592, %mul3A_1072 : i32
        %add3A_1074 = arith.constant 6 : i32
        %add3A_1075 = arith.addi %mul3A_1073, %add3A_1074 : i32
        %get3A_1076 = arith.constant 3 : i32
        %get3A_1077 = arith.index_cast %get3A_1076 : i32 to index
        %get3A_1078 = arith.index_cast %add3A_1075 : i32 to index
        %get3A_1079 = arith.constant 0 : index
        %get3A_1080 = tpu.vector_load %arg7[%get3A_1077, %get3A_1078, %get3A_1079] {strides = array<i32>} : memref<4x128x64xf32, #tpu.memory_space<vmem>>, vector<1x1x16xf32>,
        %get3A_1081 = vector.shape_cast %get3A_1080 : vector<1x1x16xf32> to vector<16xf32>
        %mul3A_1082 = arith.mulf %get3A_1081, %get3A_4 : vector<16xf32>
        %swap3A_1083 = arith.constant 3 : i32
        %swap3A_1084 = arith.constant 6 : i32
        %swap3A_1085 = arith.index_cast %swap3A_1083 : i32 to index
        %swap3A_1086 = arith.index_cast %add3A_592 : i32 to index
        %swap3A_1087 = arith.index_cast %swap3A_1084 : i32 to index
        %swap3A_1088 = arith.constant 0 : index
        %swap3A_1089 = tpu.vector_load %arg8[%swap3A_1085, %swap3A_1086, %swap3A_1087, %swap3A_1088] {strides = array<i32>} : memref<4x16x8x64xf32, #tpu.memory_space<vmem>>, vector<1x1x1x16xf32>,
        %swap3A_1090 = vector.shape_cast %swap3A_1089 : vector<1x1x1x16xf32> to vector<16xf32>
        %swap3A_1091 = vector.shape_cast %mul3A_1082 : vector<16xf32> to vector<1x1x1x16xf32>
        tpu.vector_store %arg8[%swap3A_1085, %swap3A_1086, %swap3A_1087, %swap3A_1088], %swap3A_1091 {strides = array<i32>} : memref<4x16x8x64xf32, #tpu.memory_space<vmem>>, vector<1x1x1x16xf32>,
        %mul3A_1092 = arith.constant 8 : i32
        %mul3A_1093 = arith.muli %add3A_592, %mul3A_1092 : i32
        %add3A_1094 = arith.constant 6 : i32
        %add3A_1095 = arith.addi %mul3A_1093, %add3A_1094 : i32
        %get3A_1096 = arith.constant 3 : i32
        %get3A_1097 = arith.index_cast %get3A_1096 : i32 to index
        %get3A_1098 = arith.index_cast %add3A_1095 : i32 to index
        %get3A_1099 = arith.constant 16 : index
        %get3A_1100 = tpu.vector_load %arg7[%get3A_1097, %get3A_1098, %get3A_1099] {strides = array<i32>} : memref<4x128x64xf32, #tpu.memory_space<vmem>>, vector<1x1x16xf32>,
        %get3A_1101 = vector.shape_cast %get3A_1100 : vector<1x1x16xf32> to vector<16xf32>
        %mul3A_1102 = arith.mulf %get3A_1101, %get3A_4 : vector<16xf32>
        %swap3A_1103 = arith.constant 3 : i32
        %swap3A_1104 = arith.constant 6 : i32
        %swap3A_1105 = arith.index_cast %swap3A_1103 : i32 to index
        %swap3A_1106 = arith.index_cast %add3A_592 : i32 to index
        %swap3A_1107 = arith.index_cast %swap3A_1104 : i32 to index
        %swap3A_1108 = arith.constant 16 : index
        %swap3A_1109 = tpu.vector_load %arg8[%swap3A_1105, %swap3A_1106, %swap3A_1107, %swap3A_1108] {strides = array<i32>} : memref<4x16x8x64xf32, #tpu.memory_space<vmem>>, vector<1x1x1x16xf32>,
        %swap3A_1110 = vector.shape_cast %swap3A_1109 : vector<1x1x1x16xf32> to vector<16xf32>
        %swap3A_1111 = vector.shape_cast %mul3A_1102 : vector<16xf32> to vector<1x1x1x16xf32>
        tpu.vector_store %arg8[%swap3A_1105, %swap3A_1106, %swap3A_1107, %swap3A_1108], %swap3A_1111 {strides = array<i32>} : memref<4x16x8x64xf32, #tpu.memory_space<vmem>>, vector<1x1x1x16xf32>,
        %mul3A_1112 = arith.constant 8 : i32
        %mul3A_1113 = arith.muli %add3A_592, %mul3A_1112 : i32
        %add3A_1114 = arith.constant 6 : i32
        %add3A_1115 = arith.addi %mul3A_1113, %add3A_1114 : i32
        %get3A_1116 = arith.constant 3 : i32
        %get3A_1117 = arith.index_cast %get3A_1116 : i32 to index
        %get3A_1118 = arith.index_cast %add3A_1115 : i32 to index
        %get3A_1119 = arith.constant 32 : index
        %get3A_1120 = tpu.vector_load %arg7[%get3A_1117, %get3A_1118, %get3A_1119] {strides = array<i32>} : memref<4x128x64xf32, #tpu.memory_space<vmem>>, vector<1x1x16xf32>,
        %get3A_1121 = vector.shape_cast %get3A_1120 : vector<1x1x16xf32> to vector<16xf32>
        %mul3A_1122 = arith.mulf %get3A_1121, %get3A_4 : vector<16xf32>
        %swap3A_1123 = arith.constant 3 : i32
        %swap3A_1124 = arith.constant 6 : i32
        %swap3A_1125 = arith.index_cast %swap3A_1123 : i32 to index
        %swap3A_1126 = arith.index_cast %add3A_592 : i32 to index
        %swap3A_1127 = arith.index_cast %swap3A_1124 : i32 to index
        %swap3A_1128 = arith.constant 32 : index
        %swap3A_1129 = tpu.vector_load %arg8[%swap3A_1125, %swap3A_1126, %swap3A_1127, %swap3A_1128] {strides = array<i32>} : memref<4x16x8x64xf32, #tpu.memory_space<vmem>>, vector<1x1x1x16xf32>,
        %swap3A_1130 = vector.shape_cast %swap3A_1129 : vector<1x1x1x16xf32> to vector<16xf32>
        %swap3A_1131 = vector.shape_cast %mul3A_1122 : vector<16xf32> to vector<1x1x1x16xf32>
        tpu.vector_store %arg8[%swap3A_1125, %swap3A_1126, %swap3A_1127, %swap3A_1128], %swap3A_1131 {strides = array<i32>} : memref<4x16x8x64xf32, #tpu.memory_space<vmem>>, vector<1x1x1x16xf32>,
        %mul3A_1132 = arith.constant 8 : i32
        %mul3A_1133 = arith.muli %add3A_592, %mul3A_1132 : i32
        %add3A_1134 = arith.constant 6 : i32
        %add3A_1135 = arith.addi %mul3A_1133, %add3A_1134 : i32
        %get3A_1136 = arith.constant 3 : i32
        %get3A_1137 = arith.index_cast %get3A_1136 : i32 to index
        %get3A_1138 = arith.index_cast %add3A_1135 : i32 to index
        %get3A_1139 = arith.constant 48 : index
        %get3A_1140 = tpu.vector_load %arg7[%get3A_1137, %get3A_1138, %get3A_1139] {strides = array<i32>} : memref<4x128x64xf32, #tpu.memory_space<vmem>>, vector<1x1x16xf32>,
        %get3A_1141 = vector.shape_cast %get3A_1140 : vector<1x1x16xf32> to vector<16xf32>
        %mul3A_1142 = arith.mulf %get3A_1141, %get3A_4 : vector<16xf32>
        %swap3A_1143 = arith.constant 3 : i32
        %swap3A_1144 = arith.constant 6 : i32
        %swap3A_1145 = arith.index_cast %swap3A_1143 : i32 to index
        %swap3A_1146 = arith.index_cast %add3A_592 : i32 to index
        %swap3A_1147 = arith.index_cast %swap3A_1144 : i32 to index
        %swap3A_1148 = arith.constant 48 : index
        %swap3A_1149 = tpu.vector_load %arg8[%swap3A_1145, %swap3A_1146, %swap3A_1147, %swap3A_1148] {strides = array<i32>} : memref<4x16x8x64xf32, #tpu.memory_space<vmem>>, vector<1x1x1x16xf32>,
        %swap3A_1150 = vector.shape_cast %swap3A_1149 : vector<1x1x1x16xf32> to vector<16xf32>
        %swap3A_1151 = vector.shape_cast %mul3A_1142 : vector<16xf32> to vector<1x1x1x16xf32>
        tpu.vector_store %arg8[%swap3A_1145, %swap3A_1146, %swap3A_1147, %swap3A_1148], %swap3A_1151 {strides = array<i32>} : memref<4x16x8x64xf32, #tpu.memory_space<vmem>>, vector<1x1x1x16xf32>,
        %mul3A_1152 = arith.constant 8 : i32
        %mul3A_1153 = arith.muli %add3A_592, %mul3A_1152 : i32
        %add3A_1154 = arith.constant 7 : i32
        %add3A_1155 = arith.addi %mul3A_1153, %add3A_1154 : i32
        %get3A_1156 = arith.constant 3 : i32
        %get3A_1157 = arith.index_cast %get3A_1156 : i32 to index
        %get3A_1158 = arith.index_cast %add3A_1155 : i32 to index
        %get3A_1159 = arith.constant 0 : index
        %get3A_1160 = tpu.vector_load %arg7[%get3A_1157, %get3A_1158, %get3A_1159] {strides = array<i32>} : memref<4x128x64xf32, #tpu.memory_space<vmem>>, vector<1x1x16xf32>,
        %get3A_1161 = vector.shape_cast %get3A_1160 : vector<1x1x16xf32> to vector<16xf32>
        %mul3A_1162 = arith.mulf %get3A_1161, %get3A_4 : vector<16xf32>
        %swap3A_1163 = arith.constant 3 : i32
        %swap3A_1164 = arith.constant 7 : i32
        %swap3A_1165 = arith.index_cast %swap3A_1163 : i32 to index
        %swap3A_1166 = arith.index_cast %add3A_592 : i32 to index
        %swap3A_1167 = arith.index_cast %swap3A_1164 : i32 to index
        %swap3A_1168 = arith.constant 0 : index
        %swap3A_1169 = tpu.vector_load %arg8[%swap3A_1165, %swap3A_1166, %swap3A_1167, %swap3A_1168] {strides = array<i32>} : memref<4x16x8x64xf32, #tpu.memory_space<vmem>>, vector<1x1x1x16xf32>,
        %swap3A_1170 = vector.shape_cast %swap3A_1169 : vector<1x1x1x16xf32> to vector<16xf32>
        %swap3A_1171 = vector.shape_cast %mul3A_1162 : vector<16xf32> to vector<1x1x1x16xf32>
        tpu.vector_store %arg8[%swap3A_1165, %swap3A_1166, %swap3A_1167, %swap3A_1168], %swap3A_1171 {strides = array<i32>} : memref<4x16x8x64xf32, #tpu.memory_space<vmem>>, vector<1x1x1x16xf32>,
        %mul3A_1172 = arith.constant 8 : i32
        %mul3A_1173 = arith.muli %add3A_592, %mul3A_1172 : i32
        %add3A_1174 = arith.constant 7 : i32
        %add3A_1175 = arith.addi %mul3A_1173, %add3A_1174 : i32
        %get3A_1176 = arith.constant 3 : i32
        %get3A_1177 = arith.index_cast %get3A_1176 : i32 to index
        %get3A_1178 = arith.index_cast %add3A_1175 : i32 to index
        %get3A_1179 = arith.constant 16 : index
        %get3A_1180 = tpu.vector_load %arg7[%get3A_1177, %get3A_1178, %get3A_1179] {strides = array<i32>} : memref<4x128x64xf32, #tpu.memory_space<vmem>>, vector<1x1x16xf32>,
        %get3A_1181 = vector.shape_cast %get3A_1180 : vector<1x1x16xf32> to vector<16xf32>
        %mul3A_1182 = arith.mulf %get3A_1181, %get3A_4 : vector<16xf32>
        %swap3A_1183 = arith.constant 3 : i32
        %swap3A_1184 = arith.constant 7 : i32
        %swap3A_1185 = arith.index_cast %swap3A_1183 : i32 to index
        %swap3A_1186 = arith.index_cast %add3A_592 : i32 to index
        %swap3A_1187 = arith.index_cast %swap3A_1184 : i32 to index
        %swap3A_1188 = arith.constant 16 : index
        %swap3A_1189 = tpu.vector_load %arg8[%swap3A_1185, %swap3A_1186, %swap3A_1187, %swap3A_1188] {strides = array<i32>} : memref<4x16x8x64xf32, #tpu.memory_space<vmem>>, vector<1x1x1x16xf32>,
        %swap3A_1190 = vector.shape_cast %swap3A_1189 : vector<1x1x1x16xf32> to vector<16xf32>
        %swap3A_1191 = vector.shape_cast %mul3A_1182 : vector<16xf32> to vector<1x1x1x16xf32>
        tpu.vector_store %arg8[%swap3A_1185, %swap3A_1186, %swap3A_1187, %swap3A_1188], %swap3A_1191 {strides = array<i32>} : memref<4x16x8x64xf32, #tpu.memory_space<vmem>>, vector<1x1x1x16xf32>,
        %mul3A_1192 = arith.constant 8 : i32
        %mul3A_1193 = arith.muli %add3A_592, %mul3A_1192 : i32
        %add3A_1194 = arith.constant 7 : i32
        %add3A_1195 = arith.addi %mul3A_1193, %add3A_1194 : i32
        %get3A_1196 = arith.constant 3 : i32
        %get3A_1197 = arith.index_cast %get3A_1196 : i32 to index
        %get3A_1198 = arith.index_cast %add3A_1195 : i32 to index
        %get3A_1199 = arith.constant 32 : index
        %get3A_1200 = tpu.vector_load %arg7[%get3A_1197, %get3A_1198, %get3A_1199] {strides = array<i32>} : memref<4x128x64xf32, #tpu.memory_space<vmem>>, vector<1x1x16xf32>,
        %get3A_1201 = vector.shape_cast %get3A_1200 : vector<1x1x16xf32> to vector<16xf32>
        %mul3A_1202 = arith.mulf %get3A_1201, %get3A_4 : vector<16xf32>
        %swap3A_1203 = arith.constant 3 : i32
        %swap3A_1204 = arith.constant 7 : i32
        %swap3A_1205 = arith.index_cast %swap3A_1203 : i32 to index
        %swap3A_1206 = arith.index_cast %add3A_592 : i32 to index
        %swap3A_1207 = arith.index_cast %swap3A_1204 : i32 to index
        %swap3A_1208 = arith.constant 32 : index
        %swap3A_1209 = tpu.vector_load %arg8[%swap3A_1205, %swap3A_1206, %swap3A_1207, %swap3A_1208] {strides = array<i32>} : memref<4x16x8x64xf32, #tpu.memory_space<vmem>>, vector<1x1x1x16xf32>,
        %swap3A_1210 = vector.shape_cast %swap3A_1209 : vector<1x1x1x16xf32> to vector<16xf32>
        %swap3A_1211 = vector.shape_cast %mul3A_1202 : vector<16xf32> to vector<1x1x1x16xf32>
        tpu.vector_store %arg8[%swap3A_1205, %swap3A_1206, %swap3A_1207, %swap3A_1208], %swap3A_1211 {strides = array<i32>} : memref<4x16x8x64xf32, #tpu.memory_space<vmem>>, vector<1x1x1x16xf32>,
        %mul3A_1212 = arith.constant 8 : i32
        %mul3A_1213 = arith.muli %add3A_592, %mul3A_1212 : i32
        %add3A_1214 = arith.constant 7 : i32
        %add3A_1215 = arith.addi %mul3A_1213, %add3A_1214 : i32
        %get3A_1216 = arith.constant 3 : i32
        %get3A_1217 = arith.index_cast %get3A_1216 : i32 to index
        %get3A_1218 = arith.index_cast %add3A_1215 : i32 to index
        %get3A_1219 = arith.constant 48 : index
        %get3A_1220 = tpu.vector_load %arg7[%get3A_1217, %get3A_1218, %get3A_1219] {strides = array<i32>} : memref<4x128x64xf32, #tpu.memory_space<vmem>>, vector<1x1x16xf32>,
        %get3A_1221 = vector.shape_cast %get3A_1220 : vector<1x1x16xf32> to vector<16xf32>
        %mul3A_1222 = arith.mulf %get3A_1221, %get3A_4 : vector<16xf32>
        %swap3A_1223 = arith.constant 3 : i32
        %swap3A_1224 = arith.constant 7 : i32
        %swap3A_1225 = arith.index_cast %swap3A_1223 : i32 to index
        %swap3A_1226 = arith.index_cast %add3A_592 : i32 to index
        %swap3A_1227 = arith.index_cast %swap3A_1224 : i32 to index
        %swap3A_1228 = arith.constant 48 : index
        %swap3A_1229 = tpu.vector_load %arg8[%swap3A_1225, %swap3A_1226, %swap3A_1227, %swap3A_1228] {strides = array<i32>} : memref<4x16x8x64xf32, #tpu.memory_space<vmem>>, vector<1x1x1x16xf32>,
        %swap3A_1230 = vector.shape_cast %swap3A_1229 : vector<1x1x1x16xf32> to vector<16xf32>
        %swap3A_1231 = vector.shape_cast %mul3A_1222 : vector<16xf32> to vector<1x1x1x16xf32>
        tpu.vector_store %arg8[%swap3A_1225, %swap3A_1226, %swap3A_1227, %swap3A_1228], %swap3A_1231 {strides = array<i32>} : memref<4x16x8x64xf32, #tpu.memory_space<vmem>>, vector<1x1x1x16xf32>,
      }
      %scan3A_530 = arith.constant 16 : i32
      %add3A_531 = arith.constant 1 : i32
      %add3A_532 = arith.addi %add3A_267, %add3A_531 : i32
      %lt3A_533 = arith.constant 50 : i32
      %lt3A_534 = arith.cmpi slt, %add3A_532, %lt3A_533 : i32
      %convert_element_type3A_535 = arith.extui %lt3A_534 : i1 to i32
      %cond3A_536 = arith.constant 0 : i32
      %cond3A_537 = arith.cmpi ne, %convert_element_type3A_535, %cond3A_536 : i32
      scf.if %cond3A_537 {
        %add3A_588 = arith.constant 1 : i32
        %add3A_589 = arith.addi %add3A_267, %add3A_588 : i32
        %dma_start3A_590 = arith.constant 3 : i32
        %dma_start3A_591 = arith.constant 3 : i32
        %dma_start3A_592 = arith.constant 0 : i32
        %dma_start3A_593 = arith.constant 0 : i32
        %dma_start3A_594 = tpu.memref_slice %arg7[%dma_start3A_590, %dma_start3A_592, %dma_start3A_593] : memref<4x128x64xf32, #tpu.memory_space<vmem>> -> memref<1x128x64xf32, #tpu.memory_space<vmem>>
        %dma_start3A_595 = tpu.memref_squeeze %dma_start3A_594 : memref<1x128x64xf32, #tpu.memory_space<vmem>> -> memref<128x64xf32, #tpu.memory_space<vmem>>
        %dma_start3A_596 = arith.constant 384 : i32
        %dma_start3A_597 = tpu.memref_slice %arg6[%add3A_589, %dma_start3A_596] : memref<50x512xi32, #tpu.memory_space<vmem>> -> memref<1x128xi32, #tpu.memory_space<vmem>>
        %dma_start3A_598 = tpu.memref_squeeze %dma_start3A_597 : memref<1x128xi32, #tpu.memory_space<vmem>> -> memref<128xi32, #tpu.memory_space<vmem>>
        %dma_start3A_599 = arith.constant 0 : i32
        %dma_start3A_600 = arith.constant 0 : i32
        %dma_start3A_601 = tpu.memref_slice %arg2[%dma_start3A_599, %dma_start3A_600] : memref<1000000x64xf32, #tpu.memory_space<hbm>> -> memref<1000000x64xf32, #tpu.memory_space<hbm>>
        %dma_start3A_602 = tpu.memref_slice %arg10[%dma_start3A_591] : memref<4x!tpu.dma_semaphore, #tpu.memory_space<semaphore_mem>> -> memref<1x!tpu.dma_semaphore, #tpu.memory_space<semaphore_mem>>
        %dma_start3A_603 = tpu.memref_squeeze %dma_start3A_602 : memref<1x!tpu.dma_semaphore, #tpu.memory_space<semaphore_mem>> -> memref<!tpu.dma_semaphore, #tpu.memory_space<semaphore_mem>>
        tpu.enqueue_indirect_dma source(%dma_start3A_601 : memref<1000000x64xf32, #tpu.memory_space<hbm>>) target(%dma_start3A_595 : memref<128x64xf32, #tpu.memory_space<vmem>>) offsets(%dma_start3A_598 : memref<128xi32, #tpu.memory_space<vmem>>) semaphore(%dma_start3A_603 : memref<!tpu.dma_semaphore, #tpu.memory_space<semaphore_mem>>)
      } else {
      }
      %mul3A_538 = arith.constant 512 : i32
      %mul3A_539 = arith.muli %add3A, %mul3A_538 : i32
      %add3A_540 = arith.constant 384 : i32
      %add3A_541 = arith.addi %mul3A_539, %add3A_540 : i32
      %jit3A_542 = arith.constant 8 : i32
      %div3A_543 = arith.divsi %add3A_541, %jit3A_542 : i32
      %sign3A_544 = arith.constant 0 : i32
      %sign3A_545 = arith.cmpi sgt, %add3A_541, %sign3A_544 : i32
      %sign3A_546 = arith.extui %sign3A_545 : i1 to i32
      %sign3A_547 = arith.constant 0 : i32
      %sign3A_548 = arith.cmpi slt, %add3A_541, %sign3A_547 : i32
      %sign3A_549 = arith.extui %sign3A_548 : i1 to i32
      %sign3A_550 = arith.subi %sign3A_546, %sign3A_549 : i32
      %sign3A_551 = arith.constant 0 : i32
      %sign3A_552 = arith.cmpi sgt, %jit3A_542, %sign3A_551 : i32
      %sign3A_553 = arith.extui %sign3A_552 : i1 to i32
      %sign3A_554 = arith.constant 0 : i32
      %sign3A_555 = arith.cmpi slt, %jit3A_542, %sign3A_554 : i32
      %sign3A_556 = arith.extui %sign3A_555 : i1 to i32
      %sign3A_557 = arith.subi %sign3A_553, %sign3A_556 : i32
      %ne3A_558 = arith.cmpi ne, %sign3A_550, %sign3A_557 : i32
      %rem3A_559 = arith.remsi %add3A_541, %jit3A_542 : i32
      %ne3A_560 = arith.constant 0 : i32
      %ne3A_561 = arith.cmpi ne, %rem3A_559, %ne3A_560 : i32
      %and3A_562 = arith.andi %ne3A_558, %ne3A_561 : i1
      %sub3A_563 = arith.constant 1 : i32
      %sub3A_564 = arith.subi %div3A_543, %sub3A_563 : i32
      %select_n3A_565 = arith.select %and3A_562, %sub3A_564, %div3A_543 : i32
      %dma_start3A_566 = arith.constant 3 : i32
      %dma_start3A_567 = arith.constant 3 : i32
      %dma_start3A_568 = arith.constant 0 : i32
      %dma_start3A_569 = arith.constant 0 : i32
      %dma_start3A_570 = arith.constant 0 : i32
      %dma_start3A_571 = tpu.memref_slice %arg8[%dma_start3A_566, %dma_start3A_568, %dma_start3A_569, %dma_start3A_570] : memref<4x16x8x64xf32, #tpu.memory_space<vmem>> -> memref<1x16x8x64xf32, #tpu.memory_space<vmem>>
      %dma_start3A_572 = tpu.memref_squeeze %dma_start3A_571 : memref<1x16x8x64xf32, #tpu.memory_space<vmem>> -> memref<16x8x64xf32, #tpu.memory_space<vmem>>
      %dma_start3A_573 = arith.constant 0 : i32
      %dma_start3A_574 = arith.constant 0 : i32
      %dma_start3A_575 = tpu.memref_slice %arg5[%add3A_267, %select_n3A_565, %dma_start3A_573, %dma_start3A_574] : memref<50x2048x8x128xf32, #tpu.memory_space<hbm>> -> memref<1x16x8x64xf32, #tpu.memory_space<hbm>>
      %dma_start3A_576 = tpu.memref_squeeze %dma_start3A_575 : memref<1x16x8x64xf32, #tpu.memory_space<hbm>> -> memref<16x8x64xf32, #tpu.memory_space<hbm>>
      %dma_start3A_577 = tpu.memref_slice %arg11[%dma_start3A_567] : memref<4x!tpu.dma_semaphore, #tpu.memory_space<semaphore_mem>> -> memref<1x!tpu.dma_semaphore, #tpu.memory_space<semaphore_mem>>
      %dma_start3A_578 = tpu.memref_squeeze %dma_start3A_577 : memref<1x!tpu.dma_semaphore, #tpu.memory_space<semaphore_mem>> -> memref<!tpu.dma_semaphore, #tpu.memory_space<semaphore_mem>>
      %dma_start3A_579 = arith.constant 0 : i32
      %dma_start3A_580 = arith.constant 0 : i32
      %dma_start3A_581 = tpu.memref_slice %arg5[%add3A_267, %select_n3A_565, %dma_start3A_579, %dma_start3A_580] : memref<50x2048x8x128xf32, #tpu.memory_space<hbm>> -> memref<1x16x8x64xf32, #tpu.memory_space<hbm>>
      %dma_start3A_582 = tpu.memref_squeeze %dma_start3A_581 : memref<1x16x8x64xf32, #tpu.memory_space<hbm>> -> memref<16x8x64xf32, #tpu.memory_space<hbm>>
      %dma_start3A_583 = arith.constant 0 : i32
      %dma_start3A_584 = arith.constant 0 : i32
      %dma_start3A_585 = arith.constant 0 : i32
      %dma_start3A_586 = tpu.memref_slice %arg8[%dma_start3A_566, %dma_start3A_583, %dma_start3A_584, %dma_start3A_585] : memref<4x16x8x64xf32, #tpu.memory_space<vmem>> -> memref<1x16x8x64xf32, #tpu.memory_space<vmem>>
      %dma_start3A_587 = tpu.memref_squeeze %dma_start3A_586 : memref<1x16x8x64xf32, #tpu.memory_space<vmem>> -> memref<16x8x64xf32, #tpu.memory_space<vmem>>
      tpu.enqueue_dma source(%dma_start3A_587 : memref<16x8x64xf32, #tpu.memory_space<vmem>>) target(%dma_start3A_582 : memref<16x8x64xf32, #tpu.memory_space<hbm>>) target_semaphore(%dma_start3A_578 : memref<!tpu.dma_semaphore, #tpu.memory_space<semaphore_mem>>)
    }
    %scan3A_67 = arith.constant 50 : i32
    %mul3A_68 = arith.constant 512 : i32
    %mul3A_69 = arith.muli %add3A, %mul3A_68 : i32
    %add3A_70 = arith.constant 0 : i32
    %add3A_71 = arith.addi %mul3A_69, %add3A_70 : i32
    %jit3A = arith.constant 8 : i32
    %div3A = arith.divsi %add3A_71, %jit3A : i32
    %sign3A = arith.constant 0 : i32
    %sign3A_72 = arith.cmpi sgt, %add3A_71, %sign3A : i32
    %sign3A_73 = arith.extui %sign3A_72 : i1 to i32
    %sign3A_74 = arith.constant 0 : i32
    %sign3A_75 = arith.cmpi slt, %add3A_71, %sign3A_74 : i32
    %sign3A_76 = arith.extui %sign3A_75 : i1 to i32
    %sign3A_77 = arith.subi %sign3A_73, %sign3A_76 : i32
    %sign3A_78 = arith.constant 0 : i32
    %sign3A_79 = arith.cmpi sgt, %jit3A, %sign3A_78 : i32
    %sign3A_80 = arith.extui %sign3A_79 : i1 to i32
    %sign3A_81 = arith.constant 0 : i32
    %sign3A_82 = arith.cmpi slt, %jit3A, %sign3A_81 : i32
    %sign3A_83 = arith.extui %sign3A_82 : i1 to i32
    %sign3A_84 = arith.subi %sign3A_80, %sign3A_83 : i32
    %ne3A = arith.cmpi ne, %sign3A_77, %sign3A_84 : i32
    %rem3A = arith.remsi %add3A_71, %jit3A : i32
    %ne3A_85 = arith.constant 0 : i32
    %ne3A_86 = arith.cmpi ne, %rem3A, %ne3A_85 : i32
    %and3A = arith.andi %ne3A, %ne3A_86 : i1
    %sub3A = arith.constant 1 : i32
    %sub3A_87 = arith.subi %div3A, %sub3A : i32
    %select_n3A = arith.select %and3A, %sub3A_87, %div3A : i32
    %dma_wait3A = arith.constant 0 : i32
    %dma_wait3A_88 = arith.constant 49 : i32
    %dma_wait3A_89 = arith.constant 0 : i32
    %dma_wait3A_90 = arith.constant 0 : i32
    %dma_wait3A_91 = arith.constant 0 : i32
    %dma_wait3A_92 = arith.constant 0 : i32
    %dma_wait3A_93 = tpu.memref_slice %arg8[%dma_wait3A, %dma_wait3A_90, %dma_wait3A_91, %dma_wait3A_92] : memref<4x16x8x64xf32, #tpu.memory_space<vmem>> -> memref<1x16x8x64xf32, #tpu.memory_space<vmem>>
    %dma_wait3A_94 = tpu.memref_squeeze %dma_wait3A_93 : memref<1x16x8x64xf32, #tpu.memory_space<vmem>> -> memref<16x8x64xf32, #tpu.memory_space<vmem>>
    %dma_wait3A_95 = arith.constant 0 : i32
    %dma_wait3A_96 = arith.constant 0 : i32
    %dma_wait3A_97 = tpu.memref_slice %arg5[%dma_wait3A_88, %select_n3A, %dma_wait3A_95, %dma_wait3A_96] : memref<50x2048x8x128xf32, #tpu.memory_space<hbm>> -> memref<1x16x8x64xf32, #tpu.memory_space<hbm>>
    %dma_wait3A_98 = tpu.memref_squeeze %dma_wait3A_97 : memref<1x16x8x64xf32, #tpu.memory_space<hbm>> -> memref<16x8x64xf32, #tpu.memory_space<hbm>>
    %dma_wait3A_99 = tpu.memref_slice %arg11[%dma_wait3A_89] : memref<4x!tpu.dma_semaphore, #tpu.memory_space<semaphore_mem>> -> memref<1x!tpu.dma_semaphore, #tpu.memory_space<semaphore_mem>>
    %dma_wait3A_100 = tpu.memref_squeeze %dma_wait3A_99 : memref<1x!tpu.dma_semaphore, #tpu.memory_space<semaphore_mem>> -> memref<!tpu.dma_semaphore, #tpu.memory_space<semaphore_mem>>
    %dma_wait3A_101 = arith.constant 0 : i32
    %dma_wait3A_102 = arith.constant 0 : i32
    %dma_wait3A_103 = tpu.memref_slice %arg5[%dma_wait3A_88, %select_n3A, %dma_wait3A_101, %dma_wait3A_102] : memref<50x2048x8x128xf32, #tpu.memory_space<hbm>> -> memref<1x16x8x64xf32, #tpu.memory_space<hbm>>
    %dma_wait3A_104 = tpu.memref_squeeze %dma_wait3A_103 : memref<1x16x8x64xf32, #tpu.memory_space<hbm>> -> memref<16x8x64xf32, #tpu.memory_space<hbm>>
    %dma_wait3A_105 = arith.constant 0 : i32
    %dma_wait3A_106 = arith.constant 0 : i32
    %dma_wait3A_107 = arith.constant 0 : i32
    %dma_wait3A_108 = tpu.memref_slice %arg8[%dma_wait3A, %dma_wait3A_105, %dma_wait3A_106, %dma_wait3A_107] : memref<4x16x8x64xf32, #tpu.memory_space<vmem>> -> memref<1x16x8x64xf32, #tpu.memory_space<vmem>>
    %dma_wait3A_109 = tpu.memref_squeeze %dma_wait3A_108 : memref<1x16x8x64xf32, #tpu.memory_space<vmem>> -> memref<16x8x64xf32, #tpu.memory_space<vmem>>
    tpu.wait_dma2 semaphore(%dma_wait3A_100 : memref<!tpu.dma_semaphore, #tpu.memory_space<semaphore_mem>>) src(%dma_wait3A_109 : memref<16x8x64xf32, #tpu.memory_space<vmem>>) dst(%dma_wait3A_104 : memref<16x8x64xf32, #tpu.memory_space<hbm>>)
    %mul3A_110 = arith.constant 512 : i32
    %mul3A_111 = arith.muli %add3A, %mul3A_110 : i32
    %add3A_112 = arith.constant 128 : i32
    %add3A_113 = arith.addi %mul3A_111, %add3A_112 : i32
    %jit3A_114 = arith.constant 8 : i32
    %div3A_115 = arith.divsi %add3A_113, %jit3A_114 : i32
    %sign3A_116 = arith.constant 0 : i32
    %sign3A_117 = arith.cmpi sgt, %add3A_113, %sign3A_116 : i32
    %sign3A_118 = arith.extui %sign3A_117 : i1 to i32
    %sign3A_119 = arith.constant 0 : i32
    %sign3A_120 = arith.cmpi slt, %add3A_113, %sign3A_119 : i32
    %sign3A_121 = arith.extui %sign3A_120 : i1 to i32
    %sign3A_122 = arith.subi %sign3A_118, %sign3A_121 : i32
    %sign3A_123 = arith.constant 0 : i32
    %sign3A_124 = arith.cmpi sgt, %jit3A_114, %sign3A_123 : i32
    %sign3A_125 = arith.extui %sign3A_124 : i1 to i32
    %sign3A_126 = arith.constant 0 : i32
    %sign3A_127 = arith.cmpi slt, %jit3A_114, %sign3A_126 : i32
    %sign3A_128 = arith.extui %sign3A_127 : i1 to i32
    %sign3A_129 = arith.subi %sign3A_125, %sign3A_128 : i32
    %ne3A_130 = arith.cmpi ne, %sign3A_122, %sign3A_129 : i32
    %rem3A_131 = arith.remsi %add3A_113, %jit3A_114 : i32
    %ne3A_132 = arith.constant 0 : i32
    %ne3A_133 = arith.cmpi ne, %rem3A_131, %ne3A_132 : i32
    %and3A_134 = arith.andi %ne3A_130, %ne3A_133 : i1
    %sub3A_135 = arith.constant 1 : i32
    %sub3A_136 = arith.subi %div3A_115, %sub3A_135 : i32
    %select_n3A_137 = arith.select %and3A_134, %sub3A_136, %div3A_115 : i32
    %dma_wait3A_138 = arith.constant 1 : i32
    %dma_wait3A_139 = arith.constant 49 : i32
    %dma_wait3A_140 = arith.constant 1 : i32
    %dma_wait3A_141 = arith.constant 0 : i32
    %dma_wait3A_142 = arith.constant 0 : i32
    %dma_wait3A_143 = arith.constant 0 : i32
    %dma_wait3A_144 = tpu.memref_slice %arg8[%dma_wait3A_138, %dma_wait3A_141, %dma_wait3A_142, %dma_wait3A_143] : memref<4x16x8x64xf32, #tpu.memory_space<vmem>> -> memref<1x16x8x64xf32, #tpu.memory_space<vmem>>
    %dma_wait3A_145 = tpu.memref_squeeze %dma_wait3A_144 : memref<1x16x8x64xf32, #tpu.memory_space<vmem>> -> memref<16x8x64xf32, #tpu.memory_space<vmem>>
    %dma_wait3A_146 = arith.constant 0 : i32
    %dma_wait3A_147 = arith.constant 0 : i32
    %dma_wait3A_148 = tpu.memref_slice %arg5[%dma_wait3A_139, %select_n3A_137, %dma_wait3A_146, %dma_wait3A_147] : memref<50x2048x8x128xf32, #tpu.memory_space<hbm>> -> memref<1x16x8x64xf32, #tpu.memory_space<hbm>>
    %dma_wait3A_149 = tpu.memref_squeeze %dma_wait3A_148 : memref<1x16x8x64xf32, #tpu.memory_space<hbm>> -> memref<16x8x64xf32, #tpu.memory_space<hbm>>
    %dma_wait3A_150 = tpu.memref_slice %arg11[%dma_wait3A_140] : memref<4x!tpu.dma_semaphore, #tpu.memory_space<semaphore_mem>> -> memref<1x!tpu.dma_semaphore, #tpu.memory_space<semaphore_mem>>
    %dma_wait3A_151 = tpu.memref_squeeze %dma_wait3A_150 : memref<1x!tpu.dma_semaphore, #tpu.memory_space<semaphore_mem>> -> memref<!tpu.dma_semaphore, #tpu.memory_space<semaphore_mem>>
    %dma_wait3A_152 = arith.constant 0 : i32
    %dma_wait3A_153 = arith.constant 0 : i32
    %dma_wait3A_154 = tpu.memref_slice %arg5[%dma_wait3A_139, %select_n3A_137, %dma_wait3A_152, %dma_wait3A_153] : memref<50x2048x8x128xf32, #tpu.memory_space<hbm>> -> memref<1x16x8x64xf32, #tpu.memory_space<hbm>>
    %dma_wait3A_155 = tpu.memref_squeeze %dma_wait3A_154 : memref<1x16x8x64xf32, #tpu.memory_space<hbm>> -> memref<16x8x64xf32, #tpu.memory_space<hbm>>
    %dma_wait3A_156 = arith.constant 0 : i32
    %dma_wait3A_157 = arith.constant 0 : i32
    %dma_wait3A_158 = arith.constant 0 : i32
    %dma_wait3A_159 = tpu.memref_slice %arg8[%dma_wait3A_138, %dma_wait3A_156, %dma_wait3A_157, %dma_wait3A_158] : memref<4x16x8x64xf32, #tpu.memory_space<vmem>> -> memref<1x16x8x64xf32, #tpu.memory_space<vmem>>
    %dma_wait3A_160 = tpu.memref_squeeze %dma_wait3A_159 : memref<1x16x8x64xf32, #tpu.memory_space<vmem>> -> memref<16x8x64xf32, #tpu.memory_space<vmem>>
    tpu.wait_dma2 semaphore(%dma_wait3A_151 : memref<!tpu.dma_semaphore, #tpu.memory_space<semaphore_mem>>) src(%dma_wait3A_160 : memref<16x8x64xf32, #tpu.memory_space<vmem>>) dst(%dma_wait3A_155 : memref<16x8x64xf32, #tpu.memory_space<hbm>>)
    %mul3A_161 = arith.constant 512 : i32
    %mul3A_162 = arith.muli %add3A, %mul3A_161 : i32
    %add3A_163 = arith.constant 256 : i32
    %add3A_164 = arith.addi %mul3A_162, %add3A_163 : i32
    %jit3A_165 = arith.constant 8 : i32
    %div3A_166 = arith.divsi %add3A_164, %jit3A_165 : i32
    %sign3A_167 = arith.constant 0 : i32
    %sign3A_168 = arith.cmpi sgt, %add3A_164, %sign3A_167 : i32
    %sign3A_169 = arith.extui %sign3A_168 : i1 to i32
    %sign3A_170 = arith.constant 0 : i32
    %sign3A_171 = arith.cmpi slt, %add3A_164, %sign3A_170 : i32
    %sign3A_172 = arith.extui %sign3A_171 : i1 to i32
    %sign3A_173 = arith.subi %sign3A_169, %sign3A_172 : i32
    %sign3A_174 = arith.constant 0 : i32
    %sign3A_175 = arith.cmpi sgt, %jit3A_165, %sign3A_174 : i32
    %sign3A_176 = arith.extui %sign3A_175 : i1 to i32
    %sign3A_177 = arith.constant 0 : i32
    %sign3A_178 = arith.cmpi slt, %jit3A_165, %sign3A_177 : i32
    %sign3A_179 = arith.extui %sign3A_178 : i1 to i32
    %sign3A_180 = arith.subi %sign3A_176, %sign3A_179 : i32
    %ne3A_181 = arith.cmpi ne, %sign3A_173, %sign3A_180 : i32
    %rem3A_182 = arith.remsi %add3A_164, %jit3A_165 : i32
    %ne3A_183 = arith.constant 0 : i32
    %ne3A_184 = arith.cmpi ne, %rem3A_182, %ne3A_183 : i32
    %and3A_185 = arith.andi %ne3A_181, %ne3A_184 : i1
    %sub3A_186 = arith.constant 1 : i32
    %sub3A_187 = arith.subi %div3A_166, %sub3A_186 : i32
    %select_n3A_188 = arith.select %and3A_185, %sub3A_187, %div3A_166 : i32
    %dma_wait3A_189 = arith.constant 2 : i32
    %dma_wait3A_190 = arith.constant 49 : i32
    %dma_wait3A_191 = arith.constant 2 : i32
    %dma_wait3A_192 = arith.constant 0 : i32
    %dma_wait3A_193 = arith.constant 0 : i32
    %dma_wait3A_194 = arith.constant 0 : i32
    %dma_wait3A_195 = tpu.memref_slice %arg8[%dma_wait3A_189, %dma_wait3A_192, %dma_wait3A_193, %dma_wait3A_194] : memref<4x16x8x64xf32, #tpu.memory_space<vmem>> -> memref<1x16x8x64xf32, #tpu.memory_space<vmem>>
    %dma_wait3A_196 = tpu.memref_squeeze %dma_wait3A_195 : memref<1x16x8x64xf32, #tpu.memory_space<vmem>> -> memref<16x8x64xf32, #tpu.memory_space<vmem>>
    %dma_wait3A_197 = arith.constant 0 : i32
    %dma_wait3A_198 = arith.constant 0 : i32
    %dma_wait3A_199 = tpu.memref_slice %arg5[%dma_wait3A_190, %select_n3A_188, %dma_wait3A_197, %dma_wait3A_198] : memref<50x2048x8x128xf32, #tpu.memory_space<hbm>> -> memref<1x16x8x64xf32, #tpu.memory_space<hbm>>
    %dma_wait3A_200 = tpu.memref_squeeze %dma_wait3A_199 : memref<1x16x8x64xf32, #tpu.memory_space<hbm>> -> memref<16x8x64xf32, #tpu.memory_space<hbm>>
    %dma_wait3A_201 = tpu.memref_slice %arg11[%dma_wait3A_191] : memref<4x!tpu.dma_semaphore, #tpu.memory_space<semaphore_mem>> -> memref<1x!tpu.dma_semaphore, #tpu.memory_space<semaphore_mem>>
    %dma_wait3A_202 = tpu.memref_squeeze %dma_wait3A_201 : memref<1x!tpu.dma_semaphore, #tpu.memory_space<semaphore_mem>> -> memref<!tpu.dma_semaphore, #tpu.memory_space<semaphore_mem>>
    %dma_wait3A_203 = arith.constant 0 : i32
    %dma_wait3A_204 = arith.constant 0 : i32
    %dma_wait3A_205 = tpu.memref_slice %arg5[%dma_wait3A_190, %select_n3A_188, %dma_wait3A_203, %dma_wait3A_204] : memref<50x2048x8x128xf32, #tpu.memory_space<hbm>> -> memref<1x16x8x64xf32, #tpu.memory_space<hbm>>
    %dma_wait3A_206 = tpu.memref_squeeze %dma_wait3A_205 : memref<1x16x8x64xf32, #tpu.memory_space<hbm>> -> memref<16x8x64xf32, #tpu.memory_space<hbm>>
    %dma_wait3A_207 = arith.constant 0 : i32
    %dma_wait3A_208 = arith.constant 0 : i32
    %dma_wait3A_209 = arith.constant 0 : i32
    %dma_wait3A_210 = tpu.memref_slice %arg8[%dma_wait3A_189, %dma_wait3A_207, %dma_wait3A_208, %dma_wait3A_209] : memref<4x16x8x64xf32, #tpu.memory_space<vmem>> -> memref<1x16x8x64xf32, #tpu.memory_space<vmem>>
    %dma_wait3A_211 = tpu.memref_squeeze %dma_wait3A_210 : memref<1x16x8x64xf32, #tpu.memory_space<vmem>> -> memref<16x8x64xf32, #tpu.memory_space<vmem>>
    tpu.wait_dma2 semaphore(%dma_wait3A_202 : memref<!tpu.dma_semaphore, #tpu.memory_space<semaphore_mem>>) src(%dma_wait3A_211 : memref<16x8x64xf32, #tpu.memory_space<vmem>>) dst(%dma_wait3A_206 : memref<16x8x64xf32, #tpu.memory_space<hbm>>)
    %mul3A_212 = arith.constant 512 : i32
    %mul3A_213 = arith.muli %add3A, %mul3A_212 : i32
    %add3A_214 = arith.constant 384 : i32
    %add3A_215 = arith.addi %mul3A_213, %add3A_214 : i32
    %jit3A_216 = arith.constant 8 : i32
    %div3A_217 = arith.divsi %add3A_215, %jit3A_216 : i32
    %sign3A_218 = arith.constant 0 : i32
    %sign3A_219 = arith.cmpi sgt, %add3A_215, %sign3A_218 : i32
    %sign3A_220 = arith.extui %sign3A_219 : i1 to i32
    %sign3A_221 = arith.constant 0 : i32
    %sign3A_222 = arith.cmpi slt, %add3A_215, %sign3A_221 : i32
    %sign3A_223 = arith.extui %sign3A_222 : i1 to i32
    %sign3A_224 = arith.subi %sign3A_220, %sign3A_223 : i32
    %sign3A_225 = arith.constant 0 : i32
    %sign3A_226 = arith.cmpi sgt, %jit3A_216, %sign3A_225 : i32
    %sign3A_227 = arith.extui %sign3A_226 : i1 to i32
    %sign3A_228 = arith.constant 0 : i32
    %sign3A_229 = arith.cmpi slt, %jit3A_216, %sign3A_228 : i32
    %sign3A_230 = arith.extui %sign3A_229 : i1 to i32
    %sign3A_231 = arith.subi %sign3A_227, %sign3A_230 : i32
    %ne3A_232 = arith.cmpi ne, %sign3A_224, %sign3A_231 : i32
    %rem3A_233 = arith.remsi %add3A_215, %jit3A_216 : i32
    %ne3A_234 = arith.constant 0 : i32
    %ne3A_235 = arith.cmpi ne, %rem3A_233, %ne3A_234 : i32
    %and3A_236 = arith.andi %ne3A_232, %ne3A_235 : i1
    %sub3A_237 = arith.constant 1 : i32
    %sub3A_238 = arith.subi %div3A_217, %sub3A_237 : i32
    %select_n3A_239 = arith.select %and3A_236, %sub3A_238, %div3A_217 : i32
    %dma_wait3A_240 = arith.constant 3 : i32
    %dma_wait3A_241 = arith.constant 49 : i32
    %dma_wait3A_242 = arith.constant 3 : i32
    %dma_wait3A_243 = arith.constant 0 : i32
    %dma_wait3A_244 = arith.constant 0 : i32
    %dma_wait3A_245 = arith.constant 0 : i32
    %dma_wait3A_246 = tpu.memref_slice %arg8[%dma_wait3A_240, %dma_wait3A_243, %dma_wait3A_244, %dma_wait3A_245] : memref<4x16x8x64xf32, #tpu.memory_space<vmem>> -> memref<1x16x8x64xf32, #tpu.memory_space<vmem>>
    %dma_wait3A_247 = tpu.memref_squeeze %dma_wait3A_246 : memref<1x16x8x64xf32, #tpu.memory_space<vmem>> -> memref<16x8x64xf32, #tpu.memory_space<vmem>>
    %dma_wait3A_248 = arith.constant 0 : i32
    %dma_wait3A_249 = arith.constant 0 : i32
    %dma_wait3A_250 = tpu.memref_slice %arg5[%dma_wait3A_241, %select_n3A_239, %dma_wait3A_248, %dma_wait3A_249] : memref<50x2048x8x128xf32, #tpu.memory_space<hbm>> -> memref<1x16x8x64xf32, #tpu.memory_space<hbm>>
    %dma_wait3A_251 = tpu.memref_squeeze %dma_wait3A_250 : memref<1x16x8x64xf32, #tpu.memory_space<hbm>> -> memref<16x8x64xf32, #tpu.memory_space<hbm>>
    %dma_wait3A_252 = tpu.memref_slice %arg11[%dma_wait3A_242] : memref<4x!tpu.dma_semaphore, #tpu.memory_space<semaphore_mem>> -> memref<1x!tpu.dma_semaphore, #tpu.memory_space<semaphore_mem>>
    %dma_wait3A_253 = tpu.memref_squeeze %dma_wait3A_252 : memref<1x!tpu.dma_semaphore, #tpu.memory_space<semaphore_mem>> -> memref<!tpu.dma_semaphore, #tpu.memory_space<semaphore_mem>>
    %dma_wait3A_254 = arith.constant 0 : i32
    %dma_wait3A_255 = arith.constant 0 : i32
    %dma_wait3A_256 = tpu.memref_slice %arg5[%dma_wait3A_241, %select_n3A_239, %dma_wait3A_254, %dma_wait3A_255] : memref<50x2048x8x128xf32, #tpu.memory_space<hbm>> -> memref<1x16x8x64xf32, #tpu.memory_space<hbm>>
    %dma_wait3A_257 = tpu.memref_squeeze %dma_wait3A_256 : memref<1x16x8x64xf32, #tpu.memory_space<hbm>> -> memref<16x8x64xf32, #tpu.memory_space<hbm>>
    %dma_wait3A_258 = arith.constant 0 : i32
    %dma_wait3A_259 = arith.constant 0 : i32
    %dma_wait3A_260 = arith.constant 0 : i32
    %dma_wait3A_261 = tpu.memref_slice %arg8[%dma_wait3A_240, %dma_wait3A_258, %dma_wait3A_259, %dma_wait3A_260] : memref<4x16x8x64xf32, #tpu.memory_space<vmem>> -> memref<1x16x8x64xf32, #tpu.memory_space<vmem>>
    %dma_wait3A_262 = tpu.memref_squeeze %dma_wait3A_261 : memref<1x16x8x64xf32, #tpu.memory_space<vmem>> -> memref<16x8x64xf32, #tpu.memory_space<vmem>>
    tpu.wait_dma2 semaphore(%dma_wait3A_253 : memref<!tpu.dma_semaphore, #tpu.memory_space<semaphore_mem>>) src(%dma_wait3A_262 : memref<16x8x64xf32, #tpu.memory_space<vmem>>) dst(%dma_wait3A_257 : memref<16x8x64xf32, #tpu.memory_space<hbm>>)
    return
  }
}

</mosaic_0001>

<sc_bundles>
// kernel: kernel.3.cloned.1.call-start
scs
__scs_entry_jumppad:
0x0: {  	(pc) =	sbr.rel $0x88, $3  }
0x1: {  	(tag) =	ssettag $0x0;
	lr =	simm.s32 $0x1  }
0x2: {  	[smem:$0x3F9E] =	sst lr;
	_ =	strace $0xD0000000  }
0x3: {  	_ = 	snop  }
0x4: {  	_ = 	snop  }
0x5: {  	_ = 	snop  }
0x6: {  	_ = 	snop  }
0x7: {  	_ = 	snop  }
__scs_overlays_trampoline_lowered:
0x8: {  	[smem:$0x3FAD] =	sst s0  }
0x9: {  	[smem:$0x3FAE] =	sst s1  }
0xa: {  	[smem:$0x3FAF] =	sst s2  }
0xb: {  	[smem:$0x3FB0] =	sst s3  }
0xc: {  	[smem:$0x3FB1] =	sst s4  }
0xd: {  	[smem:$0x3FB2] =	sst s5  }
0xe: {  	[smem:$0x3FB3] =	sst s6  }
0xf: {  	[smem:$0x3FB4] =	sst s7  }
0x10: {  	[smem:$0x3FB5] =	sst s8  }
0x11: {  	[smem:$0x3FB6] =	sst s9;
	s0 =	simm.s32 @!p0 $0x0  }
0x12: {  	s1 =	sld [smem:$0x3F9C];
	s0 =	simm.s32 @p0 $0x1  }
0x13: {  	[smem:$0x3FB7] =	sst s0;
	s0 =	simm.s32 @!p1 $0x0  }
0x14: {  	s2 =	sld [smem:$0x3F9B];
	s0 =	simm.s32 @p1 $0x1  }
0x15: {  	[smem:$0x3FB8] =	sst s0;
	s0 =	simm.s32 @!p2 $0x0  }
0x16: {  	s3 =	sld [smem:$0x3FDB];
	s0 =	simm.s32 @p2 $0x1  }
0x17: {  	s4 =	simm.s32 $0x1BF5;
	[smem:$0x3FBA] =	sst s0  }
0x18: {  	s0 =	sld [smem:$0x3F9D];
	_ =	swait.ge [sflag:s4], $0x0  }
0x19: {  	s7 =	sld [smem:$0x3F9E]  }
0x1a: {  	s8 =	sadd.s32 $0xFFFFE003, lr  }
0x1b: {  	s9 =	sadd.s32 $0xFFFFFEF7, lr;
	s5 =	simm.s32 $0xFFFFFFFF;
	p2 =	slt.u32 s8, $0xFFFFF086  }
0x1c: {  	p1 =	slt.u32 s9, $0xF7A;
	s5 =	simm.s32 @!p2 $0x0  }
0x1d: {  	s5 =	simm.s32 @p1 $0x1;
	p0 =	seq.s32 s7, s2  }
0x1e: {  	s7 =	smul.u32 @!p0 $0xF7A, s2;
	p2 =	seq.s32 @!p0 s5, $0x0  }
0x1f: {  	s9 =	smul.u32 $0xF7A, s1;
	s8 =	simm.s32 @!p0 $0x1BF5;
	p2 =	por !p2, p0  }
0x20: {  	[sflag:s8] =	ssyncset.s32 @!p0 $0xFFFFF086;
	s6 =	sadd.s32 @!p0 s3, s7;
	s7 =	simm.s32 @!p0 $0x108  }
0x21: {  	s3 =	sadd.s32 s3, s9;
	s6 =	sadd.s32 @!p0 $0x88, s6;
	s7 =	simm.s32 @p2 $0x1082  }
0x22: {  	[simem:s7], [sflag:s8] =	dma.local @!p0 [hbm:s6], $0xF7A  }
0x23: {  	s9 =	sor.u32 $0xD0000000, s2;
	s6 =	simm.s32 $0x108;
	_ =	swait.ge @!p0 [sflag:s8], $0x0  }
0x24: {  	s3 =	sadd.s32 $0x88, s3;
	s6 =	simm.s32 @!p1 $0x1082;
	[sflag:s4] =	ssyncset.s32 $0xFFFFF086  }
0x25: {  	[simem:s6], [sflag:s4] =	dma.local [hbm:s3], $0xF7A  }
0x26: {  	[smem:$0x3F9E] =	sst s1;
	(tag) =	ssettag s2;
	_ =	strace s9  }
0x27: {  	s1 =	sld [smem:$0x3FAE]  }
0x28: {  	s2 =	sld [smem:$0x3FAF]  }
0x29: {  	s4 =	sld [smem:$0x3FB1]  }
0x2a: {  	p0 =	seq.s32 s5, $0x0;
	s5 =	sld [smem:$0x3FB2]  }
0x2b: {  	s6 =	sld [smem:$0x3FB3]  }
0x2c: {  	s7 =	sld [smem:$0x3FB4]  }
0x2d: {  	s3 =	simm.s32 $0x108;
	s8 =	sld [smem:$0x3FB5]  }
0x2e: {  	s3 =	simm.s32 @!p0 $0x1082;
	s9 =	sld [smem:$0x3FB6]  }
0x2f: {  	lr =	sadd.s32 s0, s3;
	s0 =	sld [smem:$0x3FAD]  }
0x30: {  	s3 =	sld [smem:$0x3FB0]  }
0x31: {  	[smem:$0x3FB9] =	sst s10  }
0x32: {  	s10 =	sld [smem:$0x3FB7];
	_ =	sdelay $0x3  }
0x33: {  	p0 =	seq.s32 s10, $0x1;
	s10 =	sld [smem:$0x3FB9];
	_ =	sdelay $0x3  }
0x34: {  	[smem:$0x3FB9] =	sst s10  }
0x35: {  	s10 =	sld [smem:$0x3FB8];
	_ =	sdelay $0x3  }
0x36: {  	p1 =	seq.s32 s10, $0x1;
	s10 =	sld [smem:$0x3FB9];
	_ =	sdelay $0x3  }
0x37: {  	[smem:$0x3FB9] =	sst s10  }
0x38: {  	s10 =	sld [smem:$0x3FBA]  }
0x39: {  	_ = 	snop;
	(pc) =	sbr.ind lr, $3  }
0x3a: {  	_ = 	snop  }
0x3b: {  	_ = 	snop  }
0x3c: {  	p2 =	seq.s32 s10, $0x1;
	s10 =	sld [smem:$0x3FB9]  }
0x3d: {  	_ =	shalt  }
0x3e: {  	_ =	shalt  }
0x3f: {  	_ =	shalt  }
0x40: {  	_ =	shalt  }
0x41: {  	_ =	shalt  }
0x42: {  	_ =	shalt  }
0x43: {  	_ =	shalt  }
0x44: {  	_ =	shalt  }
0x45: {  	_ =	shalt  }
0x46: {  	_ =	shalt  }
0x47: {  	_ =	shalt  }
0x48: {  	_ =	shalt  }
0x49: {  	_ =	shalt  }
0x4a: {  	_ =	shalt  }
0x4b: {  	_ =	shalt  }
0x4c: {  	_ =	shalt  }
0x4d: {  	_ =	shalt  }
0x4e: {  	_ =	shalt  }
0x4f: {  	_ =	shalt  }
0x50: {  	_ =	shalt  }
0x51: {  	_ =	shalt  }
0x52: {  	_ =	shalt  }
0x53: {  	_ =	shalt  }
0x54: {  	_ =	shalt  }
0x55: {  	_ =	shalt  }
0x56: {  	_ =	shalt  }
0x57: {  	_ =	shalt  }
0x58: {  	_ =	shalt  }
0x59: {  	_ =	shalt  }
0x5a: {  	_ =	shalt  }
0x5b: {  	_ =	shalt  }
0x5c: {  	_ =	shalt  }
0x5d: {  	_ =	shalt  }
0x5e: {  	_ =	shalt  }
0x5f: {  	_ =	shalt  }
0x60: {  	_ =	shalt  }
0x61: {  	_ =	shalt  }
0x62: {  	_ =	shalt  }
0x63: {  	_ =	shalt  }
0x64: {  	_ =	shalt  }
0x65: {  	_ =	shalt  }
0x66: {  	_ =	shalt  }
0x67: {  	_ =	shalt  }
0x68: {  	_ =	shalt  }
0x69: {  	_ =	shalt  }
0x6a: {  	_ =	shalt  }
0x6b: {  	_ =	shalt  }
0x6c: {  	_ =	shalt  }
0x6d: {  	_ =	shalt  }
0x6e: {  	_ =	shalt  }
0x6f: {  	_ =	shalt  }
0x70: {  	_ =	shalt  }
0x71: {  	_ =	shalt  }
0x72: {  	_ =	shalt  }
0x73: {  	_ =	shalt  }
0x74: {  	_ =	shalt  }
0x75: {  	_ =	shalt  }
0x76: {  	_ =	shalt  }
0x77: {  	_ =	shalt  }
0x78: {  	_ =	shalt  }
0x79: {  	_ =	shalt  }
0x7a: {  	_ =	shalt  }
0x7b: {  	_ =	shalt  }
0x7c: {  	_ =	shalt  }
0x7d: {  	_ =	shalt  }
0x7e: {  	_ =	shalt  }
0x7f: {  	_ =	shalt  }
0x80: {  	_ =	shalt  }
0x81: {  	_ =	shalt  }
0x82: {  	_ =	shalt  }
0x83: {  	_ =	shalt  }
0x84: {  	_ =	shalt  }
0x85: {  	_ =	shalt  }
0x86: {  	_ =	shalt  }
0x87: {  	_ =	shalt  }
.Lfunc_end0:
.L_simem_size_0:
called_computation.1_lowered:
.L_overlay_start_0:
0x88: {  	s2 =	sld [smem:$0x3FD9]  }
0x89: {  	s3 =	sld [smem:$0x3FFE];
	_ =	sdelay $0x1  }
0x8a: {  	s1 =	srdreg.scid  }
0x8b: {  	s0 =	sand.u32 $0x1, s1  }
0x8c: {  	s17 =	sshll.u32 s0, $0xA;
	s2 =	sadd.s32 s3, s2  }
0x8d: {  	s2 =	sadd.s32 s2, s17  }
0x8e: {  	[smem:$0x3FC5] =	sst s2  }
0x8f: {  	_ = 	snop  }
0x90: {  	s2 =	sld [smem:$0x3FD0];
	(tm) =	ssettm $0x1  }
0x91: {  	s18 =	sld [smem:$0x3FFB];
	_ =	sdelay $0x3  }
0x92: {  	_ =	strace s18  }
0x93: {  	s3 =	sld [smem:$0x3FFC];
	_ =	sdelay $0x3  }
0x94: {  	_ =	strace s3  }
0x95: {  	s3 =	sld [smem:$0x3FFD];
	_ =	sdelay $0x3  }
0x96: {  	_ =	strace s3  }
0x97: {  	_ =	strace $0x8FFFFFFF  }
0x98: {  	s19 =	sld [smem:$0x3FDB];
	_ =	sdelay $0x1  }
0x99: {  	s4 =	simm.s32 $_scs_section_size  }
0x9a: {  	s5 =	simm.s32 $_size__tile_overlayer_lowered;
	s6 =	simm.s32 $_tile_overlayer_lowered  }
0x9b: {  	s22 =	simm.s32 $0x1BFF;
	s21 =	sshll.u32 s6, $0x1;
	s3 =	sadd.s32 s4, s19  }
0x9c: {  	s7 =	simm.s32 $0x0;
	s20 =	sshll.u32 s5, $0x1;
	s5 =	sadd.s32 s21, s3  }
0x9d: {  	[timem:s7], [sflag:s22] =	dma.local [hbm:s5], s20  }
0x9e: {  	_ =	swait.ge [sflag:s22], s20  }
0x9f: {  	s4 =	ssub.s32 $0x0, s20;
	[sflag:s22] =	ssyncset.done $0x0  }
0xa0: {  	[sflag:s22] =	ssyncadd.s32 s4;
	_ =	sdelay $0x1  }
0xa1: {  	s23 =	simm.s32 $0x1B8B  }
0xa2: {  	_ =	swait.ge [sflag:s23], $0x1  }
0xa3: {  	[sflag:s23] =	ssyncset.done $0x0  }
0xa4: {  	s25 =	simm.s32 $0x1B8E;
	s24 =	sld [smem:$0x3FFE];
	[sflag:s23] =	ssyncadd.s32 $0xFFFFFFFF  }
0xa5: {  	s26 =	simm.s32 $execute0_lowered;
	[smem:$0x3FD2] =	sst s25  }
0xa6: {  	s5 =	sshll.u32 s26, $0x1;
	_ =	strace $0x80000046;
	[dreg:$0x1] =	wrdreg $0xFFFFFFFF  }
0xa7: {  	s28 =	simm.s32 $_size_execute0_lowered;
	s3 =	sadd.s32 s3, s5;
	[dreg:$0x0] =	wrdreg $0x0  }
0xa8: {  	s5 =	sshll.u32 s28, $0x1;
	[dreg:$0x2] =	wrdreg s3  }
0xa9: {  	[dreg:$0x3] =	wrdreg s5  }
0xaa: {  	[dreg:$0x4] =	wrdreg $0xC0  }
0xab: {  	_ =	task [dreg:s7], $0x5FFFF  }
0xac: {  	[dreg:$0x1] =	wrdreg $0xFFFFFFFF  }
0xad: {  	[dreg:$0x0] =	wrdreg $0x60  }
0xae: {  	[dreg:$0x2] =	wrdreg s24  }
0xaf: {  	[dreg:$0x3] =	wrdreg s2  }
0xb0: {  	[dreg:$0x4] =	wrdreg $0x9  }
0xb1: {  	_ =	task.clear_ibuf [dreg:s7], $0x5FFFF;
	_ =	strace $0x90000046  }
0xb2: {  	s29 =	simm.s32 $0x9;
	_ =	strace $0x80000048  }
0xb3: {  	_ =	swait.ge [sflag:s29], $0x1  }
0xb4: {  	[sflag:s29] =	ssyncadd.s32 $0xFFFFFFFF  }
0xb5: {  	_ =	strace $0x90000048  }
0xb6: {  	_ =	sfence  }
0xb7: {  	s30 =	sld [smem:$0x0];
	_ =	sdelay $0x2  }
0xb8: {  	s31 =	sshll.u32 s1, $0xD;
	s1 =	sshrl.u32 s1, $0x2  }
0xb9: {  	s3 =	sand.u32 $0x4000, s31;
	s1 =	sadd.s32 s1, s30  }
0xba: {  	s0 =	sor.u32 s3, s0;
	s1 =	sshll.u32 s1, $0x11  }
0xbb: {  	s0 =	sor.u32 s1, s0  }
0xbc: {  	s0 =	sadd.s32 $0x8F2B, s0  }
0xbd: {  	[sflag:s0] =	ssyncadd.remote.s32 $0x1  }
0xbe: {  	_ =	sfence.sel $0xFFFF  }
0xbf: {  	[dreg:$0x0] =	wrdreg $0xFFFFFFFF;
	(pc) =	sbr.abs _section_cstart, $3  }
0xc0: {  	[dreg:$0x1] =	wrdreg $0xFFFFFFFF  }
0xc1: {  	_ =	task.clear_ibuf [dreg:s7], $0x2FFFF;
	_ =	strace $0x9FFFFFFF  }
0xc2: {  	(tm) =	ssettm $0x7FFFFFFF  }
0xc3: {  	_ =	shalt  }
tec
execute0_lowered:
.L_overlay_start_1:
0x0: {  	(tag) =	ssettag $0x1  }
0x1: {  	s0 =	rddreg [dreg:$0x0]  }
0x2: {  	s2 =	rddreg [dreg:$0x1]  }
0x3: {  	s1 =	simm.s32 $0x0;
	s4 =	srdreg.scid;
	s25 =	stileid.u32  }
0x4: {  	s13 =	simm.s32 $0x9;
	s16 =	simm.s32 $0x80;
	s23 =	simm.s32 $0x1  }
0x5: {  	s24 =	simm.s32 $0x40;
	s28 =	simm.s32 $0x10400;
	s29 =	simm.s32 $0x3  }
0x6: {  	s30 =	simm.s32 $0x12400;
	s31 =	simm.s32 $0x4;
	s12 =	simm.s32 $0x6  }
0x7: {  	s14 =	simm.s32 $0x7;
	s15 =	simm.s32 $0x8;
	s17 =	simm.s32 $0x0  }
0x8: {  	[smem:$0x7FF] =	sst s1;
	s3 =	sadd.s32 $0xF42C00, s0;
	s5 =	sadd.s32 $0x800, s0  }
0x9: {  	s4 =	sand.u32 $0x1, s4;
	s7 =	sshll.u32 s25, $0xA;
	s25 =	simm.s32 $0xE400  }
0xa: {  	_ =	strace $0x80000047;
	s6 =	ssub.s32 $0x2, s4;
	s4 =	sshll.u32 s4, $0x9  }
0xb: {  	[dreg:$0x3] =	wrdreg s5;
	s26 =	sshrl.u32 s6, $0x1;
	s4 =	sor.u32 s4, s7  }
0xc: {  	s5 =	sadd.s32 $0xA00, s0;
	s0 =	ssub.s32 s6, s26;
	s7 =	sshrl.u32 s4, $0x3  }
0xd: {  	s6 =	sshll.u32 s4, $0x7;
	s26 =	simm.s32 $0x2;
	s7 =	sadd.s32 s2, s7  }
0xe: {  	s8 =	sor.u32 $0x4000, s6;
	s9 =	sor.u32 $0x8000, s6;
	s10 =	sor.u32 $0xC000, s6  }
0xf: {  	s11 =	smax.u32 s0, $0x1;
	s0 =	simm.s32 $0x14400;
	s2 =	simm.s32 $0x5  }
.LBB2_1:
0x10: {  	s4 =	rddreg [dreg:$0x3];
	s18 =	simm.s32 $0x16400  }
0x11: {  	[tilespmem:s18], [sflag:$0x9] =	stream.linear.gather [hbm4b:s4+s1], $0x10, $0x38;
	[tilespmem:$0x16410] =	vst v63  }
0x12: {  	_ =	swait.ge [sflag:s13], $0x10  }
0x13: {  	[sflag:s13] =	ssyncset.done $0x0  }
0x14: {  	s20 =	simm.s32 $0x200;
	s21 =	simm.s32 $0x4000;
	[sflag:s13] =	ssyncadd.s32 $0xFFFFFFF0  }
0x15: {  	[tilespmem:s1], [sflag:$0x9] =	stream.strided.gather [hbm4b:s7+s20], $0x6400, s21, s20, $0x38;
	[tilespmem:$0x16410] =	vst v63  }
0x16: {  	_ =	swait.ge [sflag:s13], $0x6400  }
0x17: {  	[sflag:s13] =	ssyncset.done $0x0  }
0x18: {  	s22 =	simm.s32 $0x6400;
	[sflag:s13] =	ssyncadd.s32 $0xFFFF9C00  }
0x19: {  	v0 =	vld [tilespmem:$0x16400];
	[tilespmem:s22], [sflag:$0x1] =	stream.indirect.gather [hbm4b:s3+s16], $0x40, s1, s16, $0xb8  }
0x1a: {  	s18 =	simm.s32 $0x8400  }
0x1b: {  	[tilespmem:s18], [sflag:$0x2] =	stream.indirect.gather [hbm4b:s3+s16], $0x40, s16, s16, $0xb8;
	[tilespmem:$0x16410] =	vst v63  }
0x1c: {  	s19 =	simm.s32 $0x100;
	s20 =	simm.s32 $0xA400  }
0x1d: {  	[tilespmem:s20], [sflag:$0x3] =	stream.indirect.gather [hbm4b:s3+s16], $0x40, s19, s16, $0xb8;
	[tilespmem:$0x16410] =	vst v63  }
0x1e: {  	s21 =	simm.s32 $0x180;
	s22 =	simm.s32 $0xC400;
	s19 =	simm.s32 $0x0  }
0x1f: {  	[tilespmem:s22], [sflag:$0x4] =	stream.indirect.gather [hbm4b:s3+s16], $0x40, s21, s16, $0xb8;
	[tilespmem:$0x16410] =	vst v63  }
.LBB2_2:
0x20: {  	_ =	swait.ge [sflag:s23], $0x2000  }
0x21: {  	p0 =	seq.s32 s19, $0x0;
	[sflag:s23] =	ssyncset.done $0x0  }
0x22: {  	s4 =	simm.s32 @!p0 $0x5;
	[sflag:s23] =	ssyncadd.s32 $0xFFFFE000  }
0x23: {  	_ =	swait.ge @!p0 [sflag:s4], $0x2000  }
0x24: {  	[sflag:s4] =	ssyncset.done @!p0 $0x0  }
0x25: {  	s18 =	simm.s32 $0x0;
	[sflag:s4] =	ssyncadd.s32 @!p0 $0xFFFFE000  }
0x26: {  	v1 =	vld [tilespmem:s18+$0x65F0]  }
0x27: {  	v2 =	vld [tilespmem:s18+$0x6400];
	_ =	sdelay $0x1  }
0x28: {  	v3 =	vld [tilespmem:s18+$0x6410]  }
0x29: {  	v4 =	vld [tilespmem:s18+$0x6420]  }
0x2a: {  	v5 =	vld [tilespmem:s18+$0x6430];
	v1 =	vmul.f32 v1, v0  }
0x2b: {  	v6 =	vld [tilespmem:s18+$0x6440];
	v2 =	vmul.f32 v2, v0  }
0x2c: {  	v7 =	vld [tilespmem:s18+$0x6450];
	[tilespmem:s18+$0xE5F0] =	vst v1  }
0x2d: {  	v1 =	vmul.f32 v3, v0;
	[tilespmem:s18+$0xE400] =	vst v2;
	v2 =	vld [tilespmem:s18+$0x6470]  }
0x2e: {  	v8 =	vld [tilespmem:s18+$0x6460];
	v3 =	vmul.f32 v4, v0  }
0x2f: {  	v4 =	vmul.f32 v5, v0;
	[tilespmem:s18+$0xE410] =	vst v1;
	v1 =	vld [tilespmem:s18+$0x6480]  }
0x30: {  	v5 =	vmul.f32 v6, v0;
	[tilespmem:s18+$0xE420] =	vst v3;
	v3 =	vld [tilespmem:s18+$0x6490]  }
0x31: {  	v6 =	vmul.f32 v7, v0;
	[tilespmem:s18+$0xE430] =	vst v4;
	v4 =	vld [tilespmem:s18+$0x64A0]  }
0x32: {  	[tilespmem:s18+$0xE440] =	vst v5;
	v5 =	vld [tilespmem:s18+$0x64B0];
	v2 =	vmul.f32 v2, v0  }
0x33: {  	v7 =	vmul.f32 v8, v0;
	[tilespmem:s18+$0xE450] =	vst v6;
	v6 =	vld [tilespmem:s18+$0x64C0]  }
0x34: {  	v1 =	vmul.f32 v1, v0;
	[tilespmem:s18+$0xE470] =	vst v2;
	v2 =	vld [tilespmem:s18+$0x64E0]  }
0x35: {  	[tilespmem:s18+$0xE460] =	vst v7;
	v7 =	vld [tilespmem:s18+$0x64D0];
	v3 =	vmul.f32 v3, v0  }
0x36: {  	v4 =	vmul.f32 v4, v0;
	[tilespmem:s18+$0xE480] =	vst v1;
	v1 =	vld [tilespmem:s18+$0x64F0]  }
0x37: {  	v5 =	vmul.f32 v5, v0;
	[tilespmem:s18+$0xE490] =	vst v3;
	v3 =	vld [tilespmem:s18+$0x6500]  }
0x38: {  	v6 =	vmul.f32 v6, v0;
	[tilespmem:s18+$0xE4A0] =	vst v4;
	v4 =	vld [tilespmem:s18+$0x6510]  }
0x39: {  	[tilespmem:s18+$0xE4B0] =	vst v5;
	v5 =	vld [tilespmem:s18+$0x6520];
	v2 =	vmul.f32 v2, v0  }
0x3a: {  	v7 =	vmul.f32 v7, v0;
	[tilespmem:s18+$0xE4C0] =	vst v6;
	v6 =	vld [tilespmem:s18+$0x6530]  }
0x3b: {  	v1 =	vmul.f32 v1, v0;
	[tilespmem:s18+$0xE4E0] =	vst v2;
	v2 =	vld [tilespmem:s18+$0x6550]  }
0x3c: {  	[tilespmem:s18+$0xE4D0] =	vst v7;
	v7 =	vld [tilespmem:s18+$0x6540];
	v3 =	vmul.f32 v3, v0  }
0x3d: {  	[tilespmem:s18+$0xE4F0] =	vst v1;
	v1 =	vmul.f32 v4, v0;
	v4 =	vld [tilespmem:s18+$0x6570]  }
0x3e: {  	v8 =	vld [tilespmem:s18+$0x6560];
	[tilespmem:s18+$0xE500] =	vst v3;
	v3 =	vmul.f32 v5, v0  }
0x3f: {  	v5 =	vld [tilespmem:s18+$0x6580];
	[tilespmem:s18+$0xE510] =	vst v1;
	v1 =	vmul.f32 v6, v0  }
0x40: {  	v9 =	vld [tilespmem:s18+$0x6590];
	[tilespmem:s18+$0xE520] =	vst v3;
	v6 =	vmul.f32 v2, v0  }
0x41: {  	v3 =	vmul.f32 v7, v0;
	[tilespmem:s18+$0xE530] =	vst v1;
	v1 =	vld [tilespmem:s18+$0x65A0]  }
0x42: {  	v2 =	vld [tilespmem:s18+$0x65B0];
	[tilespmem:s18+$0xE550] =	vst v6;
	v6 =	vmul.f32 v4, v0  }
0x43: {  	v7 =	vmul.f32 v8, v0;
	[tilespmem:s18+$0xE540] =	vst v3;
	v3 =	vld [tilespmem:s18+$0x65C0]  }
0x44: {  	v4 =	vld [tilespmem:s18+$0x65D0];
	[tilespmem:s18+$0xE570] =	vst v6;
	v6 =	vmul.f32 v5, v0  }
0x45: {  	s20 =	simm.s32 $0x200;
	s21 =	simm.s32 $0x1000;
	[tilespmem:s18+$0xE560] =	vst v7;
	v7 =	vmul.f32 v9, v0;
	v5 =	vld [tilespmem:s18+$0x65E0]  }
.LBB2_3:
0x46: {  	p1 =	sne.s32 s21, $0x7800;
	v8 =	vld [tilespmem:s20+$0x65F0];
	[tilespmem:s18+$0xE580] =	vst v6;
	v1 =	vmul.f32 v1, v0  }
0x47: {  	v6 =	vld [tilespmem:s20+$0x6400];
	[tilespmem:s18+$0xE590] =	vst v7;
	v2 =	vmul.f32 v2, v0  }
0x48: {  	v7 =	vld [tilespmem:s20+$0x6410];
	[tilespmem:s18+$0xE5A0] =	vst v1;
	v1 =	vmul.f32 v3, v0  }
0x49: {  	v3 =	vld [tilespmem:s20+$0x6420];
	[tilespmem:s18+$0xE5B0] =	vst v2;
	v2 =	vmul.f32 v4, v0  }
0x4a: {  	v4 =	vld [tilespmem:s20+$0x6430];
	[tilespmem:s18+$0xE5C0] =	vst v1;
	v1 =	vmul.f32 v5, v0  }
0x4b: {  	v5 =	vld [tilespmem:s20+$0x6440];
	v8 =	vmul.f32 v8, v0;
	[tilespmem:s18+$0xE5D0] =	vst v2  }
0x4c: {  	v2 =	vmul.f32 v6, v0;
	v6 =	vld [tilespmem:s20+$0x6450];
	[tilespmem:s18+$0xE5E0] =	vst v1;
	s18 =	smov.u32 s20  }
0x4d: {  	v1 =	vmul.f32 v7, v0;
	v7 =	vld [tilespmem:s18+$0x6460];
	[tilespmem:s18+$0xE5F0] =	vst v8  }
0x4e: {  	[tilespmem:s18+$0xE400] =	vst v2;
	v2 =	vmul.f32 v3, v0;
	v3 =	vld [tilespmem:s18+$0x6470]  }
0x4f: {  	[tilespmem:s18+$0xE410] =	vst v1;
	v1 =	vmul.f32 v4, v0;
	v4 =	vld [tilespmem:s18+$0x6480]  }
0x50: {  	[tilespmem:s18+$0xE420] =	vst v2;
	v2 =	vmul.f32 v5, v0;
	v5 =	vld [tilespmem:s18+$0x6490]  }
0x51: {  	[tilespmem:s18+$0xE430] =	vst v1;
	v1 =	vmul.f32 v6, v0;
	v6 =	vld [tilespmem:s18+$0x64A0]  }
0x52: {  	[tilespmem:s18+$0xE440] =	vst v2;
	v2 =	vmul.f32 v7, v0;
	v7 =	vld [tilespmem:s18+$0x64B0]  }
0x53: {  	[tilespmem:s18+$0xE450] =	vst v1;
	v1 =	vmul.f32 v3, v0;
	v3 =	vld [tilespmem:s18+$0x64C0]  }
0x54: {  	[tilespmem:s18+$0xE460] =	vst v2;
	v2 =	vmul.f32 v4, v0;
	v4 =	vld [tilespmem:s18+$0x64D0]  }
0x55: {  	[tilespmem:s18+$0xE470] =	vst v1;
	v1 =	vmul.f32 v5, v0;
	v5 =	vld [tilespmem:s18+$0x64E0]  }
0x56: {  	[tilespmem:s18+$0xE480] =	vst v2;
	v2 =	vmul.f32 v6, v0;
	v6 =	vld [tilespmem:s18+$0x64F0]  }
0x57: {  	[tilespmem:s18+$0xE490] =	vst v1;
	v1 =	vmul.f32 v7, v0;
	v7 =	vld [tilespmem:s18+$0x6500]  }
0x58: {  	[tilespmem:s18+$0xE4A0] =	vst v2;
	v2 =	vmul.f32 v3, v0;
	v3 =	vld [tilespmem:s18+$0x6510]  }
0x59: {  	[tilespmem:s18+$0xE4B0] =	vst v1;
	v1 =	vmul.f32 v4, v0;
	v4 =	vld [tilespmem:s18+$0x6520]  }
0x5a: {  	[tilespmem:s18+$0xE4C0] =	vst v2;
	v2 =	vmul.f32 v5, v0;
	v5 =	vld [tilespmem:s18+$0x6530]  }
0x5b: {  	[tilespmem:s18+$0xE4D0] =	vst v1;
	v1 =	vmul.f32 v6, v0;
	v6 =	vld [tilespmem:s18+$0x6540]  }
0x5c: {  	[tilespmem:s18+$0xE4E0] =	vst v2;
	v2 =	vmul.f32 v7, v0;
	v7 =	vld [tilespmem:s18+$0x6550]  }
0x5d: {  	[tilespmem:s18+$0xE4F0] =	vst v1;
	v1 =	vmul.f32 v3, v0;
	v3 =	vld [tilespmem:s18+$0x6560]  }
0x5e: {  	[tilespmem:s18+$0xE500] =	vst v2;
	v2 =	vmul.f32 v4, v0;
	v4 =	vld [tilespmem:s18+$0x6570]  }
0x5f: {  	[tilespmem:s18+$0xE510] =	vst v1;
	v1 =	vmul.f32 v5, v0;
	v5 =	vld [tilespmem:s18+$0x6580]  }
0x60: {  	[tilespmem:s18+$0xE520] =	vst v2;
	v2 =	vmul.f32 v6, v0;
	v8 =	vld [tilespmem:s18+$0x6590]  }
.Ltmp0:
0x61: {  	[tilespmem:s18+$0xE530] =	vst v1;
	v6 =	vmul.f32 v7, v0;
	v1 =	vld [tilespmem:s18+$0x65A0];
	(pc) =	sbr.rel @p1 .LBB2_3-.Ltmp0, $4  }
0x62: {  	[tilespmem:s18+$0xE540] =	vst v2;
	v7 =	vmul.f32 v3, v0;
	v2 =	vld [tilespmem:s18+$0x65B0]  }
0x63: {  	[tilespmem:s18+$0xE550] =	vst v6;
	v9 =	vmul.f32 v4, v0;
	v3 =	vld [tilespmem:s18+$0x65C0]  }
0x64: {  	[tilespmem:s18+$0xE560] =	vst v7;
	v6 =	vmul.f32 v5, v0;
	v4 =	vld [tilespmem:s18+$0x65D0]  }
0x65: {  	s20 =	sshra.s32 s21, $0x2;
	s21 =	sadd.s32 $0x800, s21;
	[tilespmem:s18+$0xE570] =	vst v9;
	v7 =	vmul.f32 v8, v0;
	v5 =	vld [tilespmem:s18+$0x65E0]  }
0x66: {  	v8 =	vld [tilespmem:s20+$0x65F0];
	[tilespmem:s18+$0xE580] =	vst v6;
	v1 =	vmul.f32 v1, v0  }
0x67: {  	v6 =	vld [tilespmem:s20+$0x6400];
	[tilespmem:s18+$0xE590] =	vst v7;
	v2 =	vmul.f32 v2, v0  }
0x68: {  	v7 =	vld [tilespmem:s20+$0x6410];
	[tilespmem:s18+$0xE5A0] =	vst v1;
	v3 =	vmul.f32 v3, v0  }
0x69: {  	v1 =	vld [tilespmem:s20+$0x6420];
	[tilespmem:s18+$0xE5B0] =	vst v2;
	v4 =	vmul.f32 v4, v0  }
0x6a: {  	v2 =	vld [tilespmem:s20+$0x6430];
	[tilespmem:s18+$0xE5C0] =	vst v3;
	v5 =	vmul.f32 v5, v0  }
0x6b: {  	v3 =	vld [tilespmem:s20+$0x6440];
	[tilespmem:s18+$0xE5D0] =	vst v4;
	v8 =	vmul.f32 v8, v0  }
0x6c: {  	v4 =	vld [tilespmem:s20+$0x6450];
	[tilespmem:s18+$0xE5E0] =	vst v5;
	v5 =	vmul.f32 v6, v0  }
0x6d: {  	v6 =	vld [tilespmem:s20+$0x6460];
	[tilespmem:s20+$0xE5F0] =	vst v8;
	v7 =	vmul.f32 v7, v0  }
0x6e: {  	[tilespmem:s20+$0xE400] =	vst v5;
	v5 =	vld [tilespmem:s20+$0x6470];
	v1 =	vmul.f32 v1, v0  }
0x6f: {  	[tilespmem:s20+$0xE410] =	vst v7;
	v7 =	vld [tilespmem:s20+$0x6480];
	v2 =	vmul.f32 v2, v0  }
0x70: {  	[tilespmem:s20+$0xE420] =	vst v1;
	v1 =	vld [tilespmem:s20+$0x6490];
	v3 =	vmul.f32 v3, v0  }
0x71: {  	[tilespmem:s20+$0xE430] =	vst v2;
	v2 =	vld [tilespmem:s20+$0x64A0];
	v4 =	vmul.f32 v4, v0  }
0x72: {  	[tilespmem:s20+$0xE440] =	vst v3;
	v3 =	vld [tilespmem:s20+$0x64B0];
	v6 =	vmul.f32 v6, v0  }
0x73: {  	[tilespmem:s20+$0xE450] =	vst v4;
	v4 =	vld [tilespmem:s20+$0x64C0];
	v5 =	vmul.f32 v5, v0  }
0x74: {  	[tilespmem:s20+$0xE460] =	vst v6;
	v6 =	vld [tilespmem:s20+$0x64D0];
	v7 =	vmul.f32 v7, v0  }
0x75: {  	[tilespmem:s20+$0xE470] =	vst v5;
	v5 =	vld [tilespmem:s20+$0x64E0];
	v1 =	vmul.f32 v1, v0  }
0x76: {  	[tilespmem:s20+$0xE480] =	vst v7;
	v7 =	vld [tilespmem:s20+$0x64F0];
	v2 =	vmul.f32 v2, v0  }
0x77: {  	[tilespmem:s20+$0xE490] =	vst v1;
	v1 =	vld [tilespmem:s20+$0x6500];
	v3 =	vmul.f32 v3, v0  }
0x78: {  	[tilespmem:s20+$0xE4A0] =	vst v2;
	v2 =	vld [tilespmem:s20+$0x6510];
	v4 =	vmul.f32 v4, v0  }
0x79: {  	[tilespmem:s20+$0xE4B0] =	vst v3;
	v3 =	vld [tilespmem:s20+$0x6520];
	v6 =	vmul.f32 v6, v0  }
0x7a: {  	[tilespmem:s20+$0xE4C0] =	vst v4;
	v4 =	vld [tilespmem:s20+$0x6530];
	v5 =	vmul.f32 v5, v0  }
0x7b: {  	[tilespmem:s20+$0xE4D0] =	vst v6;
	v6 =	vld [tilespmem:s20+$0x6540];
	v7 =	vmul.f32 v7, v0  }
0x7c: {  	[tilespmem:s20+$0xE4E0] =	vst v5;
	v5 =	vld [tilespmem:s20+$0x6550];
	v1 =	vmul.f32 v1, v0  }
0x7d: {  	[tilespmem:s20+$0xE4F0] =	vst v7;
	v7 =	vld [tilespmem:s20+$0x6560];
	v2 =	vmul.f32 v2, v0  }
0x7e: {  	[tilespmem:s20+$0xE500] =	vst v1;
	v1 =	vld [tilespmem:s20+$0x6570];
	v3 =	vmul.f32 v3, v0  }
0x7f: {  	[tilespmem:s20+$0xE510] =	vst v2;
	v2 =	vld [tilespmem:s20+$0x6580];
	v4 =	vmul.f32 v4, v0  }
0x80: {  	[tilespmem:s20+$0xE520] =	vst v3;
	v3 =	vld [tilespmem:s20+$0x6590];
	v6 =	vmul.f32 v6, v0  }
0x81: {  	[tilespmem:s20+$0xE530] =	vst v4;
	v4 =	vld [tilespmem:s20+$0x65A0];
	v5 =	vmul.f32 v5, v0  }
0x82: {  	[tilespmem:s20+$0xE540] =	vst v6;
	v6 =	vld [tilespmem:s20+$0x65B0];
	v7 =	vmul.f32 v7, v0  }
0x83: {  	[tilespmem:s20+$0xE550] =	vst v5;
	v5 =	vld [tilespmem:s20+$0x65C0];
	v1 =	vmul.f32 v1, v0  }
0x84: {  	[tilespmem:s20+$0xE560] =	vst v7;
	v7 =	vld [tilespmem:s20+$0x65D0];
	v2 =	vmul.f32 v2, v0  }
0x85: {  	[tilespmem:s20+$0xE570] =	vst v1;
	v1 =	vmul.f32 v3, v0;
	v3 =	vld [tilespmem:s20+$0x65E0]  }
0x86: {  	[tilespmem:s20+$0xE580] =	vst v2;
	v2 =	vmul.f32 v4, v0  }
0x87: {  	[tilespmem:s20+$0xE590] =	vst v1;
	v1 =	vmul.f32 v6, v0  }
0x88: {  	[tilespmem:s20+$0xE5A0] =	vst v2;
	v2 =	vmul.f32 v5, v0  }
0x89: {  	[tilespmem:s20+$0xE5B0] =	vst v1;
	v1 =	vmul.f32 v7, v0  }
0x8a: {  	p1 =	seq.s32 s19, $0x31;
	s18 =	sadd.s32 $0x1, s19;
	[tilespmem:s20+$0xE5C0] =	vst v2;
	v2 =	vmul.f32 v3, v0  }
0x8b: {  	s21 =	simm.s32 @!p1 $0x6400;
	s19 =	sshll.u32 s19, $0x15;
	s4 =	sshll.u32 @!p1 s18, $0x9;
	[tilespmem:s20+$0xE5D0] =	vst v1  }
0x8c: {  	s22 =	sor.u32 s6, s19;
	[tilespmem:s20+$0xE5E0] =	vst v2;
	s20 =	sand.u32 @!p1 $0x3FFFFE00, s4;
	s4 =	simm.s32 @!p1 $0x80  }
0x8d: {  	[tilespmem:s21], [sflag:$0x1] =	stream.indirect.gather @!p1 [hbm4b:s3+s4], $0x40, s20, s4, $0xb8;
	[tilespmem:$0x16410] =	vst v63  }
0x8e: {  	s4 =	sshrl.u32 s22, $0x3  }
0x8f: {  	s4 =	sadd.s32 s5, s4  }
0x90: {  	[hbm4b:s4+s24] =	stream.strided.scatter [tilespmem:s25], [sflag:$0x5], $0x2000, s16, s24, $0x38;
	[tilespmem:$0x16410] =	vst v63  }
0x91: {  	_ =	swait.ge [sflag:s26], $0x2000  }
0x92: {  	[sflag:s26] =	ssyncset.done $0x0  }
0x93: {  	s4 =	simm.s32 @!p0 $0x6;
	[sflag:s26] =	ssyncadd.s32 $0xFFFFE000  }
0x94: {  	_ =	swait.ge @!p0 [sflag:s4], $0x2000  }
0x95: {  	[sflag:s4] =	ssyncset.done @!p0 $0x0  }
0x96: {  	s21 =	simm.s32 $0x0;
	[sflag:s4] =	ssyncadd.s32 @!p0 $0xFFFFE000  }
0x97: {  	v1 =	vld [tilespmem:s21+$0x85F0]  }
0x98: {  	v2 =	vld [tilespmem:s21+$0x8400];
	_ =	sdelay $0x1  }
0x99: {  	v3 =	vld [tilespmem:s21+$0x8410]  }
0x9a: {  	v4 =	vld [tilespmem:s21+$0x8420]  }
0x9b: {  	v5 =	vld [tilespmem:s21+$0x8430];
	v1 =	vmul.f32 v1, v0  }
0x9c: {  	v6 =	vld [tilespmem:s21+$0x8440];
	v2 =	vmul.f32 v2, v0  }
0x9d: {  	v7 =	vld [tilespmem:s21+$0x8450];
	[tilespmem:s21+$0x105F0] =	vst v1  }
0x9e: {  	v1 =	vmul.f32 v3, v0;
	[tilespmem:s21+$0x10400] =	vst v2;
	v2 =	vld [tilespmem:s21+$0x8470]  }
0x9f: {  	v8 =	vld [tilespmem:s21+$0x8460];
	v3 =	vmul.f32 v4, v0  }
0xa0: {  	v4 =	vmul.f32 v5, v0;
	[tilespmem:s21+$0x10410] =	vst v1;
	v1 =	vld [tilespmem:s21+$0x8480]  }
0xa1: {  	v5 =	vmul.f32 v6, v0;
	[tilespmem:s21+$0x10420] =	vst v3;
	v3 =	vld [tilespmem:s21+$0x8490]  }
0xa2: {  	v6 =	vmul.f32 v7, v0;
	[tilespmem:s21+$0x10430] =	vst v4;
	v4 =	vld [tilespmem:s21+$0x84A0]  }
0xa3: {  	[tilespmem:s21+$0x10440] =	vst v5;
	v5 =	vld [tilespmem:s21+$0x84B0];
	v2 =	vmul.f32 v2, v0  }
0xa4: {  	v7 =	vmul.f32 v8, v0;
	[tilespmem:s21+$0x10450] =	vst v6;
	v6 =	vld [tilespmem:s21+$0x84C0]  }
0xa5: {  	v1 =	vmul.f32 v1, v0;
	[tilespmem:s21+$0x10470] =	vst v2;
	v2 =	vld [tilespmem:s21+$0x84E0]  }
0xa6: {  	[tilespmem:s21+$0x10460] =	vst v7;
	v7 =	vld [tilespmem:s21+$0x84D0];
	v3 =	vmul.f32 v3, v0  }
0xa7: {  	v4 =	vmul.f32 v4, v0;
	[tilespmem:s21+$0x10480] =	vst v1;
	v1 =	vld [tilespmem:s21+$0x84F0]  }
0xa8: {  	v5 =	vmul.f32 v5, v0;
	[tilespmem:s21+$0x10490] =	vst v3;
	v3 =	vld [tilespmem:s21+$0x8500]  }
0xa9: {  	v6 =	vmul.f32 v6, v0;
	[tilespmem:s21+$0x104A0] =	vst v4;
	v4 =	vld [tilespmem:s21+$0x8510]  }
0xaa: {  	[tilespmem:s21+$0x104B0] =	vst v5;
	v5 =	vld [tilespmem:s21+$0x8520];
	v2 =	vmul.f32 v2, v0  }
0xab: {  	v7 =	vmul.f32 v7, v0;
	[tilespmem:s21+$0x104C0] =	vst v6;
	v6 =	vld [tilespmem:s21+$0x8530]  }
0xac: {  	v1 =	vmul.f32 v1, v0;
	[tilespmem:s21+$0x104E0] =	vst v2;
	v2 =	vld [tilespmem:s21+$0x8550]  }
0xad: {  	[tilespmem:s21+$0x104D0] =	vst v7;
	v7 =	vld [tilespmem:s21+$0x8540];
	v3 =	vmul.f32 v3, v0  }
0xae: {  	[tilespmem:s21+$0x104F0] =	vst v1;
	v1 =	vmul.f32 v4, v0;
	v4 =	vld [tilespmem:s21+$0x8570]  }
0xaf: {  	v8 =	vld [tilespmem:s21+$0x8560];
	[tilespmem:s21+$0x10500] =	vst v3;
	v3 =	vmul.f32 v5, v0  }
0xb0: {  	v5 =	vld [tilespmem:s21+$0x8580];
	[tilespmem:s21+$0x10510] =	vst v1;
	v1 =	vmul.f32 v6, v0  }
0xb1: {  	v9 =	vld [tilespmem:s21+$0x8590];
	[tilespmem:s21+$0x10520] =	vst v3;
	v6 =	vmul.f32 v2, v0  }
0xb2: {  	v3 =	vmul.f32 v7, v0;
	[tilespmem:s21+$0x10530] =	vst v1;
	v1 =	vld [tilespmem:s21+$0x85A0]  }
0xb3: {  	v2 =	vld [tilespmem:s21+$0x85B0];
	[tilespmem:s21+$0x10550] =	vst v6;
	v6 =	vmul.f32 v4, v0  }
0xb4: {  	v7 =	vmul.f32 v8, v0;
	[tilespmem:s21+$0x10540] =	vst v3;
	v3 =	vld [tilespmem:s21+$0x85C0]  }
0xb5: {  	v4 =	vld [tilespmem:s21+$0x85D0];
	[tilespmem:s21+$0x10570] =	vst v6;
	v6 =	vmul.f32 v5, v0  }
0xb6: {  	s22 =	simm.s32 $0x200;
	s4 =	simm.s32 $0x1000;
	[tilespmem:s21+$0x10560] =	vst v7;
	v7 =	vmul.f32 v9, v0;
	v5 =	vld [tilespmem:s21+$0x85E0]  }
.LBB2_5:
0xb7: {  	p2 =	sne.s32 s4, $0x7800;
	v8 =	vld [tilespmem:s22+$0x85F0];
	[tilespmem:s21+$0x10580] =	vst v6;
	v1 =	vmul.f32 v1, v0  }
0xb8: {  	v6 =	vld [tilespmem:s22+$0x8400];
	[tilespmem:s21+$0x10590] =	vst v7;
	v2 =	vmul.f32 v2, v0  }
0xb9: {  	v7 =	vld [tilespmem:s22+$0x8410];
	[tilespmem:s21+$0x105A0] =	vst v1;
	v1 =	vmul.f32 v3, v0  }
0xba: {  	v3 =	vld [tilespmem:s22+$0x8420];
	[tilespmem:s21+$0x105B0] =	vst v2;
	v2 =	vmul.f32 v4, v0  }
0xbb: {  	v4 =	vld [tilespmem:s22+$0x8430];
	[tilespmem:s21+$0x105C0] =	vst v1;
	v1 =	vmul.f32 v5, v0  }
0xbc: {  	v5 =	vld [tilespmem:s22+$0x8440];
	v8 =	vmul.f32 v8, v0;
	[tilespmem:s21+$0x105D0] =	vst v2  }
0xbd: {  	v2 =	vmul.f32 v6, v0;
	v6 =	vld [tilespmem:s22+$0x8450];
	[tilespmem:s21+$0x105E0] =	vst v1;
	s21 =	smov.u32 s22  }
0xbe: {  	v1 =	vmul.f32 v7, v0;
	v7 =	vld [tilespmem:s21+$0x8460];
	[tilespmem:s21+$0x105F0] =	vst v8  }
0xbf: {  	[tilespmem:s21+$0x10400] =	vst v2;
	v2 =	vmul.f32 v3, v0;
	v3 =	vld [tilespmem:s21+$0x8470]  }
0xc0: {  	[tilespmem:s21+$0x10410] =	vst v1;
	v1 =	vmul.f32 v4, v0;
	v4 =	vld [tilespmem:s21+$0x8480]  }
0xc1: {  	[tilespmem:s21+$0x10420] =	vst v2;
	v2 =	vmul.f32 v5, v0;
	v5 =	vld [tilespmem:s21+$0x8490]  }
0xc2: {  	[tilespmem:s21+$0x10430] =	vst v1;
	v1 =	vmul.f32 v6, v0;
	v6 =	vld [tilespmem:s21+$0x84A0]  }
0xc3: {  	[tilespmem:s21+$0x10440] =	vst v2;
	v2 =	vmul.f32 v7, v0;
	v7 =	vld [tilespmem:s21+$0x84B0]  }
0xc4: {  	[tilespmem:s21+$0x10450] =	vst v1;
	v1 =	vmul.f32 v3, v0;
	v3 =	vld [tilespmem:s21+$0x84C0]  }
0xc5: {  	[tilespmem:s21+$0x10460] =	vst v2;
	v2 =	vmul.f32 v4, v0;
	v4 =	vld [tilespmem:s21+$0x84D0]  }
0xc6: {  	[tilespmem:s21+$0x10470] =	vst v1;
	v1 =	vmul.f32 v5, v0;
	v5 =	vld [tilespmem:s21+$0x84E0]  }
0xc7: {  	[tilespmem:s21+$0x10480] =	vst v2;
	v2 =	vmul.f32 v6, v0;
	v6 =	vld [tilespmem:s21+$0x84F0]  }
0xc8: {  	[tilespmem:s21+$0x10490] =	vst v1;
	v1 =	vmul.f32 v7, v0;
	v7 =	vld [tilespmem:s21+$0x8500]  }
0xc9: {  	[tilespmem:s21+$0x104A0] =	vst v2;
	v2 =	vmul.f32 v3, v0;
	v3 =	vld [tilespmem:s21+$0x8510]  }
0xca: {  	[tilespmem:s21+$0x104B0] =	vst v1;
	v1 =	vmul.f32 v4, v0;
	v4 =	vld [tilespmem:s21+$0x8520]  }
0xcb: {  	[tilespmem:s21+$0x104C0] =	vst v2;
	v2 =	vmul.f32 v5, v0;
	v5 =	vld [tilespmem:s21+$0x8530]  }
0xcc: {  	[tilespmem:s21+$0x104D0] =	vst v1;
	v1 =	vmul.f32 v6, v0;
	v6 =	vld [tilespmem:s21+$0x8540]  }
0xcd: {  	[tilespmem:s21+$0x104E0] =	vst v2;
	v2 =	vmul.f32 v7, v0;
	v7 =	vld [tilespmem:s21+$0x8550]  }
0xce: {  	[tilespmem:s21+$0x104F0] =	vst v1;
	v1 =	vmul.f32 v3, v0;
	v3 =	vld [tilespmem:s21+$0x8560]  }
0xcf: {  	[tilespmem:s21+$0x10500] =	vst v2;
	v2 =	vmul.f32 v4, v0;
	v4 =	vld [tilespmem:s21+$0x8570]  }
0xd0: {  	[tilespmem:s21+$0x10510] =	vst v1;
	v1 =	vmul.f32 v5, v0;
	v5 =	vld [tilespmem:s21+$0x8580]  }
0xd1: {  	[tilespmem:s21+$0x10520] =	vst v2;
	v2 =	vmul.f32 v6, v0;
	v8 =	vld [tilespmem:s21+$0x8590]  }
.Ltmp1:
0xd2: {  	[tilespmem:s21+$0x10530] =	vst v1;
	v6 =	vmul.f32 v7, v0;
	v1 =	vld [tilespmem:s21+$0x85A0];
	(pc) =	sbr.rel @p2 .LBB2_5-.Ltmp1, $4  }
0xd3: {  	[tilespmem:s21+$0x10540] =	vst v2;
	v7 =	vmul.f32 v3, v0;
	v2 =	vld [tilespmem:s21+$0x85B0]  }
0xd4: {  	[tilespmem:s21+$0x10550] =	vst v6;
	v9 =	vmul.f32 v4, v0;
	v3 =	vld [tilespmem:s21+$0x85C0]  }
0xd5: {  	[tilespmem:s21+$0x10560] =	vst v7;
	v6 =	vmul.f32 v5, v0;
	v4 =	vld [tilespmem:s21+$0x85D0]  }
0xd6: {  	s22 =	sshra.s32 s4, $0x2;
	s4 =	sadd.s32 $0x800, s4;
	[tilespmem:s21+$0x10570] =	vst v9;
	v7 =	vmul.f32 v8, v0;
	v5 =	vld [tilespmem:s21+$0x85E0]  }
0xd7: {  	v8 =	vld [tilespmem:s22+$0x85F0];
	[tilespmem:s21+$0x10580] =	vst v6;
	v1 =	vmul.f32 v1, v0  }
0xd8: {  	v6 =	vld [tilespmem:s22+$0x8400];
	[tilespmem:s21+$0x10590] =	vst v7;
	v2 =	vmul.f32 v2, v0  }
0xd9: {  	v7 =	vld [tilespmem:s22+$0x8410];
	[tilespmem:s21+$0x105A0] =	vst v1;
	v3 =	vmul.f32 v3, v0  }
0xda: {  	v1 =	vld [tilespmem:s22+$0x8420];
	[tilespmem:s21+$0x105B0] =	vst v2;
	v4 =	vmul.f32 v4, v0  }
0xdb: {  	v2 =	vld [tilespmem:s22+$0x8430];
	[tilespmem:s21+$0x105C0] =	vst v3;
	v5 =	vmul.f32 v5, v0  }
0xdc: {  	v3 =	vld [tilespmem:s22+$0x8440];
	[tilespmem:s21+$0x105D0] =	vst v4;
	v8 =	vmul.f32 v8, v0  }
0xdd: {  	v4 =	vld [tilespmem:s22+$0x8450];
	[tilespmem:s21+$0x105E0] =	vst v5;
	v5 =	vmul.f32 v6, v0  }
0xde: {  	v6 =	vld [tilespmem:s22+$0x8460];
	[tilespmem:s22+$0x105F0] =	vst v8;
	v7 =	vmul.f32 v7, v0  }
0xdf: {  	[tilespmem:s22+$0x10400] =	vst v5;
	v5 =	vld [tilespmem:s22+$0x8470];
	v1 =	vmul.f32 v1, v0  }
0xe0: {  	[tilespmem:s22+$0x10410] =	vst v7;
	v7 =	vld [tilespmem:s22+$0x8480];
	v2 =	vmul.f32 v2, v0  }
0xe1: {  	[tilespmem:s22+$0x10420] =	vst v1;
	v1 =	vld [tilespmem:s22+$0x8490];
	v3 =	vmul.f32 v3, v0  }
0xe2: {  	[tilespmem:s22+$0x10430] =	vst v2;
	v2 =	vld [tilespmem:s22+$0x84A0];
	v4 =	vmul.f32 v4, v0  }
0xe3: {  	[tilespmem:s22+$0x10440] =	vst v3;
	v3 =	vld [tilespmem:s22+$0x84B0];
	v6 =	vmul.f32 v6, v0  }
0xe4: {  	[tilespmem:s22+$0x10450] =	vst v4;
	v4 =	vld [tilespmem:s22+$0x84C0];
	v5 =	vmul.f32 v5, v0  }
0xe5: {  	[tilespmem:s22+$0x10460] =	vst v6;
	v6 =	vld [tilespmem:s22+$0x84D0];
	v7 =	vmul.f32 v7, v0  }
0xe6: {  	[tilespmem:s22+$0x10470] =	vst v5;
	v5 =	vld [tilespmem:s22+$0x84E0];
	v1 =	vmul.f32 v1, v0  }
0xe7: {  	[tilespmem:s22+$0x10480] =	vst v7;
	v7 =	vld [tilespmem:s22+$0x84F0];
	v2 =	vmul.f32 v2, v0  }
0xe8: {  	[tilespmem:s22+$0x10490] =	vst v1;
	v1 =	vld [tilespmem:s22+$0x8500];
	v3 =	vmul.f32 v3, v0  }
0xe9: {  	[tilespmem:s22+$0x104A0] =	vst v2;
	v2 =	vld [tilespmem:s22+$0x8510];
	v4 =	vmul.f32 v4, v0  }
0xea: {  	[tilespmem:s22+$0x104B0] =	vst v3;
	v3 =	vld [tilespmem:s22+$0x8520];
	v6 =	vmul.f32 v6, v0  }
0xeb: {  	[tilespmem:s22+$0x104C0] =	vst v4;
	v4 =	vld [tilespmem:s22+$0x8530];
	v5 =	vmul.f32 v5, v0  }
0xec: {  	[tilespmem:s22+$0x104D0] =	vst v6;
	v6 =	vld [tilespmem:s22+$0x8540];
	v7 =	vmul.f32 v7, v0  }
0xed: {  	[tilespmem:s22+$0x104E0] =	vst v5;
	v5 =	vld [tilespmem:s22+$0x8550];
	v1 =	vmul.f32 v1, v0  }
0xee: {  	[tilespmem:s22+$0x104F0] =	vst v7;
	v7 =	vld [tilespmem:s22+$0x8560];
	v2 =	vmul.f32 v2, v0  }
0xef: {  	[tilespmem:s22+$0x10500] =	vst v1;
	v1 =	vld [tilespmem:s22+$0x8570];
	v3 =	vmul.f32 v3, v0  }
0xf0: {  	[tilespmem:s22+$0x10510] =	vst v2;
	v2 =	vld [tilespmem:s22+$0x8580];
	v4 =	vmul.f32 v4, v0  }
0xf1: {  	[tilespmem:s22+$0x10520] =	vst v3;
	v3 =	vld [tilespmem:s22+$0x8590];
	v6 =	vmul.f32 v6, v0  }
0xf2: {  	[tilespmem:s22+$0x10530] =	vst v4;
	v4 =	vld [tilespmem:s22+$0x85A0];
	v5 =	vmul.f32 v5, v0  }
0xf3: {  	[tilespmem:s22+$0x10540] =	vst v6;
	v6 =	vld [tilespmem:s22+$0x85B0];
	v7 =	vmul.f32 v7, v0  }
0xf4: {  	[tilespmem:s22+$0x10550] =	vst v5;
	v5 =	vld [tilespmem:s22+$0x85C0];
	v1 =	vmul.f32 v1, v0  }
0xf5: {  	[tilespmem:s22+$0x10560] =	vst v7;
	v7 =	vld [tilespmem:s22+$0x85D0];
	v2 =	vmul.f32 v2, v0  }
0xf6: {  	[tilespmem:s22+$0x10570] =	vst v1;
	v1 =	vmul.f32 v3, v0;
	v3 =	vld [tilespmem:s22+$0x85E0]  }
0xf7: {  	[tilespmem:s22+$0x10580] =	vst v2;
	v2 =	vmul.f32 v4, v0  }
0xf8: {  	[tilespmem:s22+$0x10590] =	vst v1;
	v1 =	vmul.f32 v6, v0  }
0xf9: {  	[tilespmem:s22+$0x105A0] =	vst v2;
	v2 =	vmul.f32 v5, v0  }
0xfa: {  	[tilespmem:s22+$0x105B0] =	vst v1;
	v1 =	vmul.f32 v7, v0  }
0xfb: {  	[tilespmem:s22+$0x105C0] =	vst v2;
	v2 =	vmul.f32 v3, v0  }
0xfc: {  	[tilespmem:s22+$0x105D0] =	vst v1  }
0xfd: {  	s4 =	sor.u32 @!p1 $0x80, s20;
	s21 =	simm.s32 @!p1 $0x80;
	[tilespmem:s22+$0x105E0] =	vst v2;
	s22 =	simm.s32 @!p1 $0x8400  }
0xfe: {  	[tilespmem:s22], [sflag:$0x2] =	stream.indirect.gather @!p1 [hbm4b:s3+s21], $0x40, s4, s21, $0xb8;
	[tilespmem:$0x16410] =	vst v63  }
0xff: {  	s22 =	sor.u32 s8, s19  }
0x100: {  	s4 =	sshrl.u32 s22, $0x3  }
0x101: {  	s4 =	sadd.s32 s5, s4  }
0x102: {  	[hbm4b:s4+s24] =	stream.strided.scatter [tilespmem:s28], [sflag:$0x6], $0x2000, s16, s24, $0x38;
	[tilespmem:$0x16410] =	vst v63  }
0x103: {  	_ =	swait.ge [sflag:s29], $0x2000  }
0x104: {  	[sflag:s29] =	ssyncset.done $0x0  }
0x105: {  	s4 =	simm.s32 @!p0 $0x7;
	[sflag:s29] =	ssyncadd.s32 $0xFFFFE000  }
0x106: {  	_ =	swait.ge @!p0 [sflag:s4], $0x2000  }
0x107: {  	[sflag:s4] =	ssyncset.done @!p0 $0x0  }
0x108: {  	s21 =	simm.s32 $0x0;
	[sflag:s4] =	ssyncadd.s32 @!p0 $0xFFFFE000  }
0x109: {  	v1 =	vld [tilespmem:s21+$0xA5F0]  }
0x10a: {  	v2 =	vld [tilespmem:s21+$0xA400];
	_ =	sdelay $0x1  }
0x10b: {  	v3 =	vld [tilespmem:s21+$0xA410]  }
0x10c: {  	v4 =	vld [tilespmem:s21+$0xA420]  }
0x10d: {  	v5 =	vld [tilespmem:s21+$0xA430];
	v1 =	vmul.f32 v1, v0  }
0x10e: {  	v6 =	vld [tilespmem:s21+$0xA440];
	v2 =	vmul.f32 v2, v0  }
0x10f: {  	v7 =	vld [tilespmem:s21+$0xA450];
	[tilespmem:s21+$0x125F0] =	vst v1  }
0x110: {  	v1 =	vmul.f32 v3, v0;
	[tilespmem:s21+$0x12400] =	vst v2;
	v2 =	vld [tilespmem:s21+$0xA470]  }
0x111: {  	v8 =	vld [tilespmem:s21+$0xA460];
	v3 =	vmul.f32 v4, v0  }
0x112: {  	v4 =	vmul.f32 v5, v0;
	[tilespmem:s21+$0x12410] =	vst v1;
	v1 =	vld [tilespmem:s21+$0xA480]  }
0x113: {  	v5 =	vmul.f32 v6, v0;
	[tilespmem:s21+$0x12420] =	vst v3;
	v3 =	vld [tilespmem:s21+$0xA490]  }
0x114: {  	v6 =	vmul.f32 v7, v0;
	[tilespmem:s21+$0x12430] =	vst v4;
	v4 =	vld [tilespmem:s21+$0xA4A0]  }
0x115: {  	[tilespmem:s21+$0x12440] =	vst v5;
	v5 =	vld [tilespmem:s21+$0xA4B0];
	v2 =	vmul.f32 v2, v0  }
0x116: {  	v7 =	vmul.f32 v8, v0;
	[tilespmem:s21+$0x12450] =	vst v6;
	v6 =	vld [tilespmem:s21+$0xA4C0]  }
0x117: {  	v1 =	vmul.f32 v1, v0;
	[tilespmem:s21+$0x12470] =	vst v2;
	v2 =	vld [tilespmem:s21+$0xA4E0]  }
0x118: {  	[tilespmem:s21+$0x12460] =	vst v7;
	v7 =	vld [tilespmem:s21+$0xA4D0];
	v3 =	vmul.f32 v3, v0  }
0x119: {  	v4 =	vmul.f32 v4, v0;
	[tilespmem:s21+$0x12480] =	vst v1;
	v1 =	vld [tilespmem:s21+$0xA4F0]  }
0x11a: {  	v5 =	vmul.f32 v5, v0;
	[tilespmem:s21+$0x12490] =	vst v3;
	v3 =	vld [tilespmem:s21+$0xA500]  }
0x11b: {  	v6 =	vmul.f32 v6, v0;
	[tilespmem:s21+$0x124A0] =	vst v4;
	v4 =	vld [tilespmem:s21+$0xA510]  }
0x11c: {  	[tilespmem:s21+$0x124B0] =	vst v5;
	v5 =	vld [tilespmem:s21+$0xA520];
	v2 =	vmul.f32 v2, v0  }
0x11d: {  	v7 =	vmul.f32 v7, v0;
	[tilespmem:s21+$0x124C0] =	vst v6;
	v6 =	vld [tilespmem:s21+$0xA530]  }
0x11e: {  	v1 =	vmul.f32 v1, v0;
	[tilespmem:s21+$0x124E0] =	vst v2;
	v2 =	vld [tilespmem:s21+$0xA550]  }
0x11f: {  	[tilespmem:s21+$0x124D0] =	vst v7;
	v7 =	vld [tilespmem:s21+$0xA540];
	v3 =	vmul.f32 v3, v0  }
0x120: {  	[tilespmem:s21+$0x124F0] =	vst v1;
	v1 =	vmul.f32 v4, v0;
	v4 =	vld [tilespmem:s21+$0xA570]  }
0x121: {  	v8 =	vld [tilespmem:s21+$0xA560];
	[tilespmem:s21+$0x12500] =	vst v3;
	v3 =	vmul.f32 v5, v0  }
0x122: {  	v5 =	vld [tilespmem:s21+$0xA580];
	[tilespmem:s21+$0x12510] =	vst v1;
	v1 =	vmul.f32 v6, v0  }
0x123: {  	v9 =	vld [tilespmem:s21+$0xA590];
	[tilespmem:s21+$0x12520] =	vst v3;
	v6 =	vmul.f32 v2, v0  }
0x124: {  	v3 =	vmul.f32 v7, v0;
	[tilespmem:s21+$0x12530] =	vst v1;
	v1 =	vld [tilespmem:s21+$0xA5A0]  }
0x125: {  	v2 =	vld [tilespmem:s21+$0xA5B0];
	[tilespmem:s21+$0x12550] =	vst v6;
	v6 =	vmul.f32 v4, v0  }
0x126: {  	v7 =	vmul.f32 v8, v0;
	[tilespmem:s21+$0x12540] =	vst v3;
	v3 =	vld [tilespmem:s21+$0xA5C0]  }
0x127: {  	v4 =	vld [tilespmem:s21+$0xA5D0];
	[tilespmem:s21+$0x12570] =	vst v6;
	v6 =	vmul.f32 v5, v0  }
0x128: {  	s22 =	simm.s32 $0x200;
	s4 =	simm.s32 $0x1000;
	[tilespmem:s21+$0x12560] =	vst v7;
	v7 =	vmul.f32 v9, v0;
	v5 =	vld [tilespmem:s21+$0xA5E0]  }
.LBB2_7:
0x129: {  	p2 =	sne.s32 s4, $0x7800;
	v8 =	vld [tilespmem:s22+$0xA5F0];
	[tilespmem:s21+$0x12580] =	vst v6;
	v1 =	vmul.f32 v1, v0  }
0x12a: {  	v6 =	vld [tilespmem:s22+$0xA400];
	[tilespmem:s21+$0x12590] =	vst v7;
	v2 =	vmul.f32 v2, v0  }
0x12b: {  	v7 =	vld [tilespmem:s22+$0xA410];
	[tilespmem:s21+$0x125A0] =	vst v1;
	v1 =	vmul.f32 v3, v0  }
0x12c: {  	v3 =	vld [tilespmem:s22+$0xA420];
	[tilespmem:s21+$0x125B0] =	vst v2;
	v2 =	vmul.f32 v4, v0  }
0x12d: {  	v4 =	vld [tilespmem:s22+$0xA430];
	[tilespmem:s21+$0x125C0] =	vst v1;
	v1 =	vmul.f32 v5, v0  }
0x12e: {  	v5 =	vld [tilespmem:s22+$0xA440];
	v8 =	vmul.f32 v8, v0;
	[tilespmem:s21+$0x125D0] =	vst v2  }
0x12f: {  	v2 =	vmul.f32 v6, v0;
	v6 =	vld [tilespmem:s22+$0xA450];
	[tilespmem:s21+$0x125E0] =	vst v1;
	s21 =	smov.u32 s22  }
0x130: {  	v1 =	vmul.f32 v7, v0;
	v7 =	vld [tilespmem:s21+$0xA460];
	[tilespmem:s21+$0x125F0] =	vst v8  }
0x131: {  	[tilespmem:s21+$0x12400] =	vst v2;
	v2 =	vmul.f32 v3, v0;
	v3 =	vld [tilespmem:s21+$0xA470]  }
0x132: {  	[tilespmem:s21+$0x12410] =	vst v1;
	v1 =	vmul.f32 v4, v0;
	v4 =	vld [tilespmem:s21+$0xA480]  }
0x133: {  	[tilespmem:s21+$0x12420] =	vst v2;
	v2 =	vmul.f32 v5, v0;
	v5 =	vld [tilespmem:s21+$0xA490]  }
0x134: {  	[tilespmem:s21+$0x12430] =	vst v1;
	v1 =	vmul.f32 v6, v0;
	v6 =	vld [tilespmem:s21+$0xA4A0]  }
0x135: {  	[tilespmem:s21+$0x12440] =	vst v2;
	v2 =	vmul.f32 v7, v0;
	v7 =	vld [tilespmem:s21+$0xA4B0]  }
0x136: {  	[tilespmem:s21+$0x12450] =	vst v1;
	v1 =	vmul.f32 v3, v0;
	v3 =	vld [tilespmem:s21+$0xA4C0]  }
0x137: {  	[tilespmem:s21+$0x12460] =	vst v2;
	v2 =	vmul.f32 v4, v0;
	v4 =	vld [tilespmem:s21+$0xA4D0]  }
0x138: {  	[tilespmem:s21+$0x12470] =	vst v1;
	v1 =	vmul.f32 v5, v0;
	v5 =	vld [tilespmem:s21+$0xA4E0]  }
0x139: {  	[tilespmem:s21+$0x12480] =	vst v2;
	v2 =	vmul.f32 v6, v0;
	v6 =	vld [tilespmem:s21+$0xA4F0]  }
0x13a: {  	[tilespmem:s21+$0x12490] =	vst v1;
	v1 =	vmul.f32 v7, v0;
	v7 =	vld [tilespmem:s21+$0xA500]  }
0x13b: {  	[tilespmem:s21+$0x124A0] =	vst v2;
	v2 =	vmul.f32 v3, v0;
	v3 =	vld [tilespmem:s21+$0xA510]  }
0x13c: {  	[tilespmem:s21+$0x124B0] =	vst v1;
	v1 =	vmul.f32 v4, v0;
	v4 =	vld [tilespmem:s21+$0xA520]  }
0x13d: {  	[tilespmem:s21+$0x124C0] =	vst v2;
	v2 =	vmul.f32 v5, v0;
	v5 =	vld [tilespmem:s21+$0xA530]  }
0x13e: {  	[tilespmem:s21+$0x124D0] =	vst v1;
	v1 =	vmul.f32 v6, v0;
	v6 =	vld [tilespmem:s21+$0xA540]  }
0x13f: {  	[tilespmem:s21+$0x124E0] =	vst v2;
	v2 =	vmul.f32 v7, v0;
	v7 =	vld [tilespmem:s21+$0xA550]  }
0x140: {  	[tilespmem:s21+$0x124F0] =	vst v1;
	v1 =	vmul.f32 v3, v0;
	v3 =	vld [tilespmem:s21+$0xA560]  }
0x141: {  	[tilespmem:s21+$0x12500] =	vst v2;
	v2 =	vmul.f32 v4, v0;
	v4 =	vld [tilespmem:s21+$0xA570]  }
0x142: {  	[tilespmem:s21+$0x12510] =	vst v1;
	v1 =	vmul.f32 v5, v0;
	v5 =	vld [tilespmem:s21+$0xA580]  }
0x143: {  	[tilespmem:s21+$0x12520] =	vst v2;
	v2 =	vmul.f32 v6, v0;
	v8 =	vld [tilespmem:s21+$0xA590]  }
.Ltmp2:
0x144: {  	[tilespmem:s21+$0x12530] =	vst v1;
	v6 =	vmul.f32 v7, v0;
	v1 =	vld [tilespmem:s21+$0xA5A0];
	(pc) =	sbr.rel @p2 .LBB2_7-.Ltmp2, $4  }
0x145: {  	[tilespmem:s21+$0x12540] =	vst v2;
	v7 =	vmul.f32 v3, v0;
	v2 =	vld [tilespmem:s21+$0xA5B0]  }
0x146: {  	[tilespmem:s21+$0x12550] =	vst v6;
	v9 =	vmul.f32 v4, v0;
	v3 =	vld [tilespmem:s21+$0xA5C0]  }
0x147: {  	[tilespmem:s21+$0x12560] =	vst v7;
	v6 =	vmul.f32 v5, v0;
	v4 =	vld [tilespmem:s21+$0xA5D0]  }
0x148: {  	s22 =	sshra.s32 s4, $0x2;
	s4 =	sadd.s32 $0x800, s4;
	[tilespmem:s21+$0x12570] =	vst v9;
	v7 =	vmul.f32 v8, v0;
	v5 =	vld [tilespmem:s21+$0xA5E0]  }
0x149: {  	v8 =	vld [tilespmem:s22+$0xA5F0];
	[tilespmem:s21+$0x12580] =	vst v6;
	v1 =	vmul.f32 v1, v0  }
0x14a: {  	v6 =	vld [tilespmem:s22+$0xA400];
	[tilespmem:s21+$0x12590] =	vst v7;
	v2 =	vmul.f32 v2, v0  }
0x14b: {  	v7 =	vld [tilespmem:s22+$0xA410];
	[tilespmem:s21+$0x125A0] =	vst v1;
	v3 =	vmul.f32 v3, v0  }
0x14c: {  	v1 =	vld [tilespmem:s22+$0xA420];
	[tilespmem:s21+$0x125B0] =	vst v2;
	v4 =	vmul.f32 v4, v0  }
0x14d: {  	v2 =	vld [tilespmem:s22+$0xA430];
	[tilespmem:s21+$0x125C0] =	vst v3;
	v5 =	vmul.f32 v5, v0  }
0x14e: {  	v3 =	vld [tilespmem:s22+$0xA440];
	[tilespmem:s21+$0x125D0] =	vst v4;
	v8 =	vmul.f32 v8, v0  }
0x14f: {  	v4 =	vld [tilespmem:s22+$0xA450];
	[tilespmem:s21+$0x125E0] =	vst v5;
	v5 =	vmul.f32 v6, v0  }
0x150: {  	v6 =	vld [tilespmem:s22+$0xA460];
	[tilespmem:s22+$0x125F0] =	vst v8;
	v7 =	vmul.f32 v7, v0  }
0x151: {  	[tilespmem:s22+$0x12400] =	vst v5;
	v5 =	vld [tilespmem:s22+$0xA470];
	v1 =	vmul.f32 v1, v0  }
0x152: {  	[tilespmem:s22+$0x12410] =	vst v7;
	v7 =	vld [tilespmem:s22+$0xA480];
	v2 =	vmul.f32 v2, v0  }
0x153: {  	[tilespmem:s22+$0x12420] =	vst v1;
	v1 =	vld [tilespmem:s22+$0xA490];
	v3 =	vmul.f32 v3, v0  }
0x154: {  	[tilespmem:s22+$0x12430] =	vst v2;
	v2 =	vld [tilespmem:s22+$0xA4A0];
	v4 =	vmul.f32 v4, v0  }
0x155: {  	[tilespmem:s22+$0x12440] =	vst v3;
	v3 =	vld [tilespmem:s22+$0xA4B0];
	v6 =	vmul.f32 v6, v0  }
0x156: {  	[tilespmem:s22+$0x12450] =	vst v4;
	v4 =	vld [tilespmem:s22+$0xA4C0];
	v5 =	vmul.f32 v5, v0  }
0x157: {  	[tilespmem:s22+$0x12460] =	vst v6;
	v6 =	vld [tilespmem:s22+$0xA4D0];
	v7 =	vmul.f32 v7, v0  }
0x158: {  	[tilespmem:s22+$0x12470] =	vst v5;
	v5 =	vld [tilespmem:s22+$0xA4E0];
	v1 =	vmul.f32 v1, v0  }
0x159: {  	[tilespmem:s22+$0x12480] =	vst v7;
	v7 =	vld [tilespmem:s22+$0xA4F0];
	v2 =	vmul.f32 v2, v0  }
0x15a: {  	[tilespmem:s22+$0x12490] =	vst v1;
	v1 =	vld [tilespmem:s22+$0xA500];
	v3 =	vmul.f32 v3, v0  }
0x15b: {  	[tilespmem:s22+$0x124A0] =	vst v2;
	v2 =	vld [tilespmem:s22+$0xA510];
	v4 =	vmul.f32 v4, v0  }
0x15c: {  	[tilespmem:s22+$0x124B0] =	vst v3;
	v3 =	vld [tilespmem:s22+$0xA520];
	v6 =	vmul.f32 v6, v0  }
0x15d: {  	[tilespmem:s22+$0x124C0] =	vst v4;
	v4 =	vld [tilespmem:s22+$0xA530];
	v5 =	vmul.f32 v5, v0  }
0x15e: {  	[tilespmem:s22+$0x124D0] =	vst v6;
	v6 =	vld [tilespmem:s22+$0xA540];
	v7 =	vmul.f32 v7, v0  }
0x15f: {  	[tilespmem:s22+$0x124E0] =	vst v5;
	v5 =	vld [tilespmem:s22+$0xA550];
	v1 =	vmul.f32 v1, v0  }
0x160: {  	[tilespmem:s22+$0x124F0] =	vst v7;
	v7 =	vld [tilespmem:s22+$0xA560];
	v2 =	vmul.f32 v2, v0  }
0x161: {  	[tilespmem:s22+$0x12500] =	vst v1;
	v1 =	vld [tilespmem:s22+$0xA570];
	v3 =	vmul.f32 v3, v0  }
0x162: {  	[tilespmem:s22+$0x12510] =	vst v2;
	v2 =	vld [tilespmem:s22+$0xA580];
	v4 =	vmul.f32 v4, v0  }
0x163: {  	[tilespmem:s22+$0x12520] =	vst v3;
	v3 =	vld [tilespmem:s22+$0xA590];
	v6 =	vmul.f32 v6, v0  }
0x164: {  	[tilespmem:s22+$0x12530] =	vst v4;
	v4 =	vld [tilespmem:s22+$0xA5A0];
	v5 =	vmul.f32 v5, v0  }
0x165: {  	[tilespmem:s22+$0x12540] =	vst v6;
	v6 =	vld [tilespmem:s22+$0xA5B0];
	v7 =	vmul.f32 v7, v0  }
0x166: {  	[tilespmem:s22+$0x12550] =	vst v5;
	v5 =	vld [tilespmem:s22+$0xA5C0];
	v1 =	vmul.f32 v1, v0  }
0x167: {  	[tilespmem:s22+$0x12560] =	vst v7;
	v7 =	vld [tilespmem:s22+$0xA5D0];
	v2 =	vmul.f32 v2, v0  }
0x168: {  	[tilespmem:s22+$0x12570] =	vst v1;
	v1 =	vmul.f32 v3, v0;
	v3 =	vld [tilespmem:s22+$0xA5E0]  }
0x169: {  	[tilespmem:s22+$0x12580] =	vst v2;
	v2 =	vmul.f32 v4, v0  }
0x16a: {  	[tilespmem:s22+$0x12590] =	vst v1;
	v1 =	vmul.f32 v6, v0  }
0x16b: {  	[tilespmem:s22+$0x125A0] =	vst v2;
	v2 =	vmul.f32 v5, v0  }
0x16c: {  	[tilespmem:s22+$0x125B0] =	vst v1;
	v1 =	vmul.f32 v7, v0  }
0x16d: {  	[tilespmem:s22+$0x125C0] =	vst v2;
	v2 =	vmul.f32 v3, v0  }
0x16e: {  	[tilespmem:s22+$0x125D0] =	vst v1  }
0x16f: {  	s4 =	sor.u32 @!p1 $0x100, s20;
	s21 =	simm.s32 @!p1 $0x80;
	[tilespmem:s22+$0x125E0] =	vst v2;
	s22 =	simm.s32 @!p1 $0xA400  }
0x170: {  	[tilespmem:s22], [sflag:$0x3] =	stream.indirect.gather @!p1 [hbm4b:s3+s21], $0x40, s4, s21, $0xb8;
	[tilespmem:$0x16410] =	vst v63  }
0x171: {  	s22 =	sor.u32 s9, s19  }
0x172: {  	s4 =	sshrl.u32 s22, $0x3  }
0x173: {  	s4 =	sadd.s32 s5, s4  }
0x174: {  	[hbm4b:s4+s24] =	stream.strided.scatter [tilespmem:s30], [sflag:$0x7], $0x2000, s16, s24, $0x38;
	[tilespmem:$0x16410] =	vst v63  }
0x175: {  	_ =	swait.ge [sflag:s31], $0x2000  }
0x176: {  	[sflag:s31] =	ssyncset.done $0x0  }
0x177: {  	s4 =	simm.s32 @!p0 $0x8;
	[sflag:s31] =	ssyncadd.s32 $0xFFFFE000  }
0x178: {  	_ =	swait.ge @!p0 [sflag:s4], $0x2000  }
0x179: {  	[sflag:s4] =	ssyncset.done @!p0 $0x0  }
0x17a: {  	s21 =	simm.s32 $0x0;
	[sflag:s4] =	ssyncadd.s32 @!p0 $0xFFFFE000  }
0x17b: {  	v1 =	vld [tilespmem:s21+$0xC5F0]  }
0x17c: {  	v2 =	vld [tilespmem:s21+$0xC400];
	_ =	sdelay $0x1  }
0x17d: {  	v3 =	vld [tilespmem:s21+$0xC410]  }
0x17e: {  	v4 =	vld [tilespmem:s21+$0xC420]  }
0x17f: {  	v5 =	vld [tilespmem:s21+$0xC430];
	v1 =	vmul.f32 v1, v0  }
0x180: {  	v6 =	vld [tilespmem:s21+$0xC440];
	v2 =	vmul.f32 v2, v0  }
0x181: {  	v7 =	vld [tilespmem:s21+$0xC450];
	[tilespmem:s21+$0x145F0] =	vst v1  }
0x182: {  	v1 =	vmul.f32 v3, v0;
	[tilespmem:s21+$0x14400] =	vst v2;
	v2 =	vld [tilespmem:s21+$0xC470]  }
0x183: {  	v8 =	vld [tilespmem:s21+$0xC460];
	v3 =	vmul.f32 v4, v0  }
0x184: {  	v4 =	vmul.f32 v5, v0;
	[tilespmem:s21+$0x14410] =	vst v1;
	v1 =	vld [tilespmem:s21+$0xC480]  }
0x185: {  	v5 =	vmul.f32 v6, v0;
	[tilespmem:s21+$0x14420] =	vst v3;
	v3 =	vld [tilespmem:s21+$0xC490]  }
0x186: {  	v6 =	vmul.f32 v7, v0;
	[tilespmem:s21+$0x14430] =	vst v4;
	v4 =	vld [tilespmem:s21+$0xC4A0]  }
0x187: {  	[tilespmem:s21+$0x14440] =	vst v5;
	v5 =	vld [tilespmem:s21+$0xC4B0];
	v2 =	vmul.f32 v2, v0  }
0x188: {  	v7 =	vmul.f32 v8, v0;
	[tilespmem:s21+$0x14450] =	vst v6;
	v6 =	vld [tilespmem:s21+$0xC4C0]  }
0x189: {  	v1 =	vmul.f32 v1, v0;
	[tilespmem:s21+$0x14470] =	vst v2;
	v2 =	vld [tilespmem:s21+$0xC4E0]  }
0x18a: {  	[tilespmem:s21+$0x14460] =	vst v7;
	v7 =	vld [tilespmem:s21+$0xC4D0];
	v3 =	vmul.f32 v3, v0  }
0x18b: {  	v4 =	vmul.f32 v4, v0;
	[tilespmem:s21+$0x14480] =	vst v1;
	v1 =	vld [tilespmem:s21+$0xC4F0]  }
0x18c: {  	v5 =	vmul.f32 v5, v0;
	[tilespmem:s21+$0x14490] =	vst v3;
	v3 =	vld [tilespmem:s21+$0xC500]  }
0x18d: {  	v6 =	vmul.f32 v6, v0;
	[tilespmem:s21+$0x144A0] =	vst v4;
	v4 =	vld [tilespmem:s21+$0xC510]  }
0x18e: {  	[tilespmem:s21+$0x144B0] =	vst v5;
	v5 =	vld [tilespmem:s21+$0xC520];
	v2 =	vmul.f32 v2, v0  }
0x18f: {  	v7 =	vmul.f32 v7, v0;
	[tilespmem:s21+$0x144C0] =	vst v6;
	v6 =	vld [tilespmem:s21+$0xC530]  }
0x190: {  	v1 =	vmul.f32 v1, v0;
	[tilespmem:s21+$0x144E0] =	vst v2;
	v2 =	vld [tilespmem:s21+$0xC550]  }
0x191: {  	[tilespmem:s21+$0x144D0] =	vst v7;
	v7 =	vld [tilespmem:s21+$0xC540];
	v3 =	vmul.f32 v3, v0  }
0x192: {  	[tilespmem:s21+$0x144F0] =	vst v1;
	v1 =	vmul.f32 v4, v0;
	v4 =	vld [tilespmem:s21+$0xC570]  }
0x193: {  	v8 =	vld [tilespmem:s21+$0xC560];
	[tilespmem:s21+$0x14500] =	vst v3;
	v3 =	vmul.f32 v5, v0  }
0x194: {  	v5 =	vld [tilespmem:s21+$0xC580];
	[tilespmem:s21+$0x14510] =	vst v1;
	v1 =	vmul.f32 v6, v0  }
0x195: {  	v9 =	vld [tilespmem:s21+$0xC590];
	[tilespmem:s21+$0x14520] =	vst v3;
	v6 =	vmul.f32 v2, v0  }
0x196: {  	v3 =	vmul.f32 v7, v0;
	[tilespmem:s21+$0x14530] =	vst v1;
	v1 =	vld [tilespmem:s21+$0xC5A0]  }
0x197: {  	v2 =	vld [tilespmem:s21+$0xC5B0];
	[tilespmem:s21+$0x14550] =	vst v6;
	v6 =	vmul.f32 v4, v0  }
0x198: {  	v7 =	vmul.f32 v8, v0;
	[tilespmem:s21+$0x14540] =	vst v3;
	v3 =	vld [tilespmem:s21+$0xC5C0]  }
0x199: {  	v4 =	vld [tilespmem:s21+$0xC5D0];
	[tilespmem:s21+$0x14570] =	vst v6;
	v6 =	vmul.f32 v5, v0  }
0x19a: {  	s22 =	simm.s32 $0x200;
	s4 =	simm.s32 $0x1000;
	[tilespmem:s21+$0x14560] =	vst v7;
	v7 =	vmul.f32 v9, v0;
	v5 =	vld [tilespmem:s21+$0xC5E0]  }
.LBB2_9:
0x19b: {  	p0 =	sne.s32 s4, $0x7800;
	v8 =	vld [tilespmem:s22+$0xC5F0];
	[tilespmem:s21+$0x14580] =	vst v6;
	v1 =	vmul.f32 v1, v0  }
0x19c: {  	v6 =	vld [tilespmem:s22+$0xC400];
	[tilespmem:s21+$0x14590] =	vst v7;
	v2 =	vmul.f32 v2, v0  }
0x19d: {  	v7 =	vld [tilespmem:s22+$0xC410];
	[tilespmem:s21+$0x145A0] =	vst v1;
	v1 =	vmul.f32 v3, v0  }
0x19e: {  	v3 =	vld [tilespmem:s22+$0xC420];
	[tilespmem:s21+$0x145B0] =	vst v2;
	v2 =	vmul.f32 v4, v0  }
0x19f: {  	v4 =	vld [tilespmem:s22+$0xC430];
	[tilespmem:s21+$0x145C0] =	vst v1;
	v1 =	vmul.f32 v5, v0  }
0x1a0: {  	v5 =	vld [tilespmem:s22+$0xC440];
	v8 =	vmul.f32 v8, v0;
	[tilespmem:s21+$0x145D0] =	vst v2  }
0x1a1: {  	v2 =	vmul.f32 v6, v0;
	v6 =	vld [tilespmem:s22+$0xC450];
	[tilespmem:s21+$0x145E0] =	vst v1;
	s21 =	smov.u32 s22  }
0x1a2: {  	v1 =	vmul.f32 v7, v0;
	v7 =	vld [tilespmem:s21+$0xC460];
	[tilespmem:s21+$0x145F0] =	vst v8  }
0x1a3: {  	[tilespmem:s21+$0x14400] =	vst v2;
	v2 =	vmul.f32 v3, v0;
	v3 =	vld [tilespmem:s21+$0xC470]  }
0x1a4: {  	[tilespmem:s21+$0x14410] =	vst v1;
	v1 =	vmul.f32 v4, v0;
	v4 =	vld [tilespmem:s21+$0xC480]  }
0x1a5: {  	[tilespmem:s21+$0x14420] =	vst v2;
	v2 =	vmul.f32 v5, v0;
	v5 =	vld [tilespmem:s21+$0xC490]  }
0x1a6: {  	[tilespmem:s21+$0x14430] =	vst v1;
	v1 =	vmul.f32 v6, v0;
	v6 =	vld [tilespmem:s21+$0xC4A0]  }
0x1a7: {  	[tilespmem:s21+$0x14440] =	vst v2;
	v2 =	vmul.f32 v7, v0;
	v7 =	vld [tilespmem:s21+$0xC4B0]  }
0x1a8: {  	[tilespmem:s21+$0x14450] =	vst v1;
	v1 =	vmul.f32 v3, v0;
	v3 =	vld [tilespmem:s21+$0xC4C0]  }
0x1a9: {  	[tilespmem:s21+$0x14460] =	vst v2;
	v2 =	vmul.f32 v4, v0;
	v4 =	vld [tilespmem:s21+$0xC4D0]  }
0x1aa: {  	[tilespmem:s21+$0x14470] =	vst v1;
	v1 =	vmul.f32 v5, v0;
	v5 =	vld [tilespmem:s21+$0xC4E0]  }
0x1ab: {  	[tilespmem:s21+$0x14480] =	vst v2;
	v2 =	vmul.f32 v6, v0;
	v6 =	vld [tilespmem:s21+$0xC4F0]  }
0x1ac: {  	[tilespmem:s21+$0x14490] =	vst v1;
	v1 =	vmul.f32 v7, v0;
	v7 =	vld [tilespmem:s21+$0xC500]  }
0x1ad: {  	[tilespmem:s21+$0x144A0] =	vst v2;
	v2 =	vmul.f32 v3, v0;
	v3 =	vld [tilespmem:s21+$0xC510]  }
0x1ae: {  	[tilespmem:s21+$0x144B0] =	vst v1;
	v1 =	vmul.f32 v4, v0;
	v4 =	vld [tilespmem:s21+$0xC520]  }
0x1af: {  	[tilespmem:s21+$0x144C0] =	vst v2;
	v2 =	vmul.f32 v5, v0;
	v5 =	vld [tilespmem:s21+$0xC530]  }
0x1b0: {  	[tilespmem:s21+$0x144D0] =	vst v1;
	v1 =	vmul.f32 v6, v0;
	v6 =	vld [tilespmem:s21+$0xC540]  }
0x1b1: {  	[tilespmem:s21+$0x144E0] =	vst v2;
	v2 =	vmul.f32 v7, v0;
	v7 =	vld [tilespmem:s21+$0xC550]  }
0x1b2: {  	[tilespmem:s21+$0x144F0] =	vst v1;
	v1 =	vmul.f32 v3, v0;
	v3 =	vld [tilespmem:s21+$0xC560]  }
0x1b3: {  	[tilespmem:s21+$0x14500] =	vst v2;
	v2 =	vmul.f32 v4, v0;
	v4 =	vld [tilespmem:s21+$0xC570]  }
0x1b4: {  	[tilespmem:s21+$0x14510] =	vst v1;
	v1 =	vmul.f32 v5, v0;
	v5 =	vld [tilespmem:s21+$0xC580]  }
0x1b5: {  	[tilespmem:s21+$0x14520] =	vst v2;
	v2 =	vmul.f32 v6, v0;
	v8 =	vld [tilespmem:s21+$0xC590]  }
.Ltmp3:
0x1b6: {  	[tilespmem:s21+$0x14530] =	vst v1;
	v6 =	vmul.f32 v7, v0;
	v1 =	vld [tilespmem:s21+$0xC5A0];
	(pc) =	sbr.rel @p0 .LBB2_9-.Ltmp3, $4  }
0x1b7: {  	[tilespmem:s21+$0x14540] =	vst v2;
	v7 =	vmul.f32 v3, v0;
	v2 =	vld [tilespmem:s21+$0xC5B0]  }
0x1b8: {  	[tilespmem:s21+$0x14550] =	vst v6;
	v9 =	vmul.f32 v4, v0;
	v3 =	vld [tilespmem:s21+$0xC5C0]  }
0x1b9: {  	[tilespmem:s21+$0x14560] =	vst v7;
	v6 =	vmul.f32 v5, v0;
	v4 =	vld [tilespmem:s21+$0xC5D0]  }
0x1ba: {  	s22 =	sshra.s32 s4, $0x2;
	s4 =	sadd.s32 $0x800, s4;
	[tilespmem:s21+$0x14570] =	vst v9;
	v7 =	vmul.f32 v8, v0;
	v5 =	vld [tilespmem:s21+$0xC5E0]  }
0x1bb: {  	v8 =	vld [tilespmem:s22+$0xC5F0];
	[tilespmem:s21+$0x14580] =	vst v6;
	v1 =	vmul.f32 v1, v0  }
0x1bc: {  	v6 =	vld [tilespmem:s22+$0xC400];
	[tilespmem:s21+$0x14590] =	vst v7;
	v2 =	vmul.f32 v2, v0  }
0x1bd: {  	v7 =	vld [tilespmem:s22+$0xC410];
	[tilespmem:s21+$0x145A0] =	vst v1;
	v3 =	vmul.f32 v3, v0  }
0x1be: {  	v1 =	vld [tilespmem:s22+$0xC420];
	[tilespmem:s21+$0x145B0] =	vst v2;
	v4 =	vmul.f32 v4, v0  }
0x1bf: {  	v2 =	vld [tilespmem:s22+$0xC430];
	[tilespmem:s21+$0x145C0] =	vst v3;
	v5 =	vmul.f32 v5, v0  }
0x1c0: {  	v3 =	vld [tilespmem:s22+$0xC440];
	[tilespmem:s21+$0x145D0] =	vst v4;
	v8 =	vmul.f32 v8, v0  }
0x1c1: {  	v4 =	vld [tilespmem:s22+$0xC450];
	[tilespmem:s21+$0x145E0] =	vst v5;
	v48 =	vmul.f32 v6, v0  }
0x1c2: {  	v49 =	vld [tilespmem:s22+$0xC460];
	[tilespmem:s22+$0x145F0] =	vst v8;
	v7 =	vmul.f32 v7, v0  }
0x1c3: {  	v50 =	vld [tilespmem:s22+$0xC470];
	[tilespmem:s22+$0x14400] =	vst v48;
	v1 =	vmul.f32 v1, v0  }
0x1c4: {  	v51 =	vld [tilespmem:s22+$0xC480];
	[tilespmem:s22+$0x14410] =	vst v7;
	v2 =	vmul.f32 v2, v0  }
0x1c5: {  	[tilespmem:s22+$0x14420] =	vst v1;
	v1 =	vld [tilespmem:s22+$0xC490];
	v3 =	vmul.f32 v3, v0  }
0x1c6: {  	[tilespmem:s22+$0x14430] =	vst v2;
	v2 =	vld [tilespmem:s22+$0xC4A0];
	v4 =	vmul.f32 v4, v0  }
0x1c7: {  	[tilespmem:s22+$0x14440] =	vst v3;
	v3 =	vld [tilespmem:s22+$0xC4B0];
	v6 =	vmul.f32 v49, v0  }
0x1c8: {  	v52 =	vld [tilespmem:s22+$0xC4C0];
	v5 =	vmul.f32 v50, v0;
	[tilespmem:s22+$0x14450] =	vst v4  }
0x1c9: {  	v53 =	vld [tilespmem:s22+$0xC4D0];
	v7 =	vmul.f32 v51, v0;
	[tilespmem:s22+$0x14460] =	vst v6  }
0x1ca: {  	v54 =	vld [tilespmem:s22+$0xC4E0];
	[tilespmem:s22+$0x14470] =	vst v5;
	v1 =	vmul.f32 v1, v0  }
0x1cb: {  	v55 =	vld [tilespmem:s22+$0xC4F0];
	[tilespmem:s22+$0x14480] =	vst v7;
	v2 =	vmul.f32 v2, v0  }
0x1cc: {  	[tilespmem:s22+$0x14490] =	vst v1;
	v1 =	vld [tilespmem:s22+$0xC500];
	v3 =	vmul.f32 v3, v0  }
0x1cd: {  	v4 =	vmul.f32 v52, v0;
	[tilespmem:s22+$0x144A0] =	vst v2;
	v2 =	vld [tilespmem:s22+$0xC510]  }
0x1ce: {  	v6 =	vmul.f32 v53, v0;
	[tilespmem:s22+$0x144B0] =	vst v3;
	v3 =	vld [tilespmem:s22+$0xC520]  }
0x1cf: {  	v56 =	vld [tilespmem:s22+$0xC530];
	v5 =	vmul.f32 v54, v0;
	[tilespmem:s22+$0x144C0] =	vst v4  }
0x1d0: {  	v57 =	vld [tilespmem:s22+$0xC540];
	v7 =	vmul.f32 v55, v0;
	[tilespmem:s22+$0x144D0] =	vst v6  }
0x1d1: {  	v58 =	vld [tilespmem:s22+$0xC550];
	[tilespmem:s22+$0x144E0] =	vst v5;
	v1 =	vmul.f32 v1, v0  }
0x1d2: {  	v59 =	vld [tilespmem:s22+$0xC560];
	[tilespmem:s22+$0x144F0] =	vst v7;
	v2 =	vmul.f32 v2, v0  }
0x1d3: {  	[tilespmem:s22+$0x14500] =	vst v1;
	v1 =	vld [tilespmem:s22+$0xC570];
	v3 =	vmul.f32 v3, v0  }
0x1d4: {  	v4 =	vmul.f32 v56, v0;
	[tilespmem:s22+$0x14510] =	vst v2;
	v2 =	vld [tilespmem:s22+$0xC580]  }
0x1d5: {  	v6 =	vmul.f32 v57, v0;
	[tilespmem:s22+$0x14520] =	vst v3;
	v3 =	vld [tilespmem:s22+$0xC590]  }
0x1d6: {  	v60 =	vld [tilespmem:s22+$0xC5A0];
	v5 =	vmul.f32 v58, v0;
	[tilespmem:s22+$0x14530] =	vst v4  }
0x1d7: {  	v61 =	vld [tilespmem:s22+$0xC5B0];
	v7 =	vmul.f32 v59, v0;
	[tilespmem:s22+$0x14540] =	vst v6  }
0x1d8: {  	v62 =	vld [tilespmem:s22+$0xC5C0];
	[tilespmem:s22+$0x14550] =	vst v5;
	v1 =	vmul.f32 v1, v0  }
0x1d9: {  	v63 =	vld [tilespmem:s22+$0xC5D0];
	[tilespmem:s22+$0x14560] =	vst v7;
	v2 =	vmul.f32 v2, v0  }
0x1da: {  	[tilespmem:s22+$0x14570] =	vst v1;
	v1 =	vmul.f32 v3, v0;
	v3 =	vld [tilespmem:s22+$0xC5E0]  }
0x1db: {  	[tilespmem:s22+$0x14580] =	vst v2;
	v2 =	vmul.f32 v60, v0  }
0x1dc: {  	[tilespmem:s22+$0x14590] =	vst v1;
	v1 =	vmul.f32 v61, v0  }
0x1dd: {  	[tilespmem:s22+$0x145A0] =	vst v2;
	v2 =	vmul.f32 v62, v0  }
0x1de: {  	[tilespmem:s22+$0x145B0] =	vst v1;
	v1 =	vmul.f32 v63, v0  }
0x1df: {  	[tilespmem:s22+$0x145C0] =	vst v2;
	v2 =	vmul.f32 v3, v0  }
0x1e0: {  	s4 =	sor.u32 @!p1 $0x180, s20;
	s20 =	simm.s32 @!p1 $0x80;
	p0 =	sne.s32 s18, $0x32;
	[tilespmem:s22+$0x145D0] =	vst v1  }
.Ltmp4:
0x1e1: {  	s21 =	simm.s32 @!p1 $0xC400;
	[tilespmem:s22+$0x145E0] =	vst v2;
	s22 =	sor.u32 s10, s19;
	(pc) =	sbr.rel @p0 .LBB2_2-.Ltmp4, $4  }
0x1e2: {  	[tilespmem:s21], [sflag:$0x4] =	stream.indirect.gather @!p1 [hbm4b:s3+s20], $0x40, s4, s20, $0xb8;
	[tilespmem:$0x16410] =	vst v63  }
0x1e3: {  	s4 =	sshrl.u32 s22, $0x3  }
0x1e4: {  	s19 =	smov.u32 s18;
	s4 =	sadd.s32 s5, s4  }
0x1e5: {  	[hbm4b:s4+s24] =	stream.strided.scatter [tilespmem:s0], [sflag:$0x8], $0x2000, s16, s24, $0x38;
	[tilespmem:$0x16410] =	vst v63  }
0x1e6: {  	_ =	swait.ge [sflag:s2], $0x2000  }
0x1e7: {  	[sflag:s2] =	ssyncset.done $0x0  }
0x1e8: {  	[sflag:s2] =	ssyncadd.s32 $0xFFFFE000  }
0x1e9: {  	_ =	swait.ge [sflag:s12], $0x2000  }
0x1ea: {  	[sflag:s12] =	ssyncset.done $0x0  }
0x1eb: {  	s17 =	sadd.s32 $0x1, s17;
	[sflag:s12] =	ssyncadd.s32 $0xFFFFE000  }
0x1ec: {  	p0 =	sne.s32 s17, s11;
	_ =	swait.ge [sflag:s14], $0x2000  }
.Ltmp5:
0x1ed: {  	[sflag:s14] =	ssyncset.done $0x0;
	(pc) =	sbr.rel @p0 .LBB2_1-.Ltmp5, $4  }
0x1ee: {  	[sflag:s14] =	ssyncadd.s32 $0xFFFFE000  }
0x1ef: {  	_ =	swait.ge [sflag:s15], $0x2000  }
0x1f0: {  	[sflag:s15] =	ssyncset.done $0x0  }
0x1f1: {  	[sflag:s15] =	ssyncadd.s32 $0xFFFFE000  }
0x1f2: {  	_ =	sfence.sel $0x180000  }
0x1f3: {  	[bflag:$0x0] =	sbarrier.arrive $0xFFFF  }
0x1f4: {  	_ =	strace $0x90000047  }
0x1f5: {  	s0 =	stileid.u32;
	[bflag:$0x2] =	sbarrier.arrive $0xFFFF  }
0x1f6: {  	p0 =	sne.s32 s0, $0x0;
	s0 =	rddreg [dreg:$0x2]  }
0x1f7: {  	s0 =	sadd.s32 @!p0 $0x100000, s0  }
0x1f8: {  	[sflag:s0] =	ssyncadd.tile.s32 @!p0 $0x1;
	_ =	shalt  }
.Lfunc_end2:
_tile_overlayer_lowered:
.L_overlay_start_2:
0x1f9: {  	(tag) =	ssettag $0x2  }
0x1fa: {  	s0 =	rddreg [dreg:$0x0];
	s2 =	stileid.u32  }
0x1fb: {  	s1 =	rddreg [dreg:$0x1];
	p0 =	sne.s32 s2, $0x0  }
0x1fc: {  	s3 =	rddreg [dreg:$0x2];
	[bflag:$0x3] =	sbarrier.arrive $0xFFFF;
	s2 =	simm.s32 @!p0 $0x1C09  }
0x1fd: {  	[timem:s3], [sflag:s2] =	dma.local @!p0 [hbm:s0], s1  }
0x1fe: {  	s0 =	simm.s32 @!p0 $0x9  }
0x1ff: {  	_ =	swait.ge @!p0 [sflag:s0], s1  }
0x200: {  	s1 =	ssub.s32 @!p0 $0x0, s1;
	[sflag:s0] =	ssyncset.done @!p0 $0x0  }
0x201: {  	[sflag:s0] =	ssyncadd.s32 @!p0 s1  }
0x202: {  	[bflag:$0x3] =	sbarrier.arrive $0xFFFF  }
0x203: {  	_ =	shalt  }

// kernel: sparse-core-data-format-call.cloned.1.call-start
scs
called_computation_lowered:
.L_overlay_start_0:
0x0: {  	s2 =	sld [smem:$0x3FD9]  }
0x1: {  	s3 =	sld [smem:$0x3FFE];
	_ =	sdelay $0x1  }
0x2: {  	s1 =	srdreg.scid  }
0x3: {  	s0 =	sand.u32 $0x1, s1  }
0x4: {  	s18 =	sshll.u32 s0, $0xA;
	s2 =	sadd.s32 s3, s2  }
0x5: {  	s2 =	sadd.s32 s2, s18  }
0x6: {  	[smem:$0x3FC5] =	sst s2  }
0x7: {  	_ = 	snop  }
0x8: {  	s2 =	sld [smem:$0x3FD0];
	(tm) =	ssettm $0x1  }
0x9: {  	s19 =	sld [smem:$0x3FFB];
	_ =	sdelay $0x3  }
0xa: {  	_ =	strace s19  }
0xb: {  	s3 =	sld [smem:$0x3FFC];
	_ =	sdelay $0x3  }
0xc: {  	_ =	strace s3  }
0xd: {  	s3 =	sld [smem:$0x3FFD];
	_ =	sdelay $0x3  }
0xe: {  	_ =	strace s3  }
0xf: {  	_ =	strace $0x8FFFFFFF  }
0x10: {  	s20 =	sld [smem:$0x3FDB];
	_ =	sdelay $0x1  }
0x11: {  	s4 =	simm.s32 $_scs_section_size  }
0x12: {  	s5 =	simm.s32 $_size__tile_overlayer_lowered;
	s6 =	simm.s32 $_tile_overlayer_lowered  }
0x13: {  	s23 =	simm.s32 $0x1BFF;
	s22 =	sshll.u32 s6, $0x1;
	s3 =	sadd.s32 s4, s20  }
0x14: {  	s7 =	simm.s32 $0x0;
	s21 =	sshll.u32 s5, $0x1;
	s5 =	sadd.s32 s22, s3  }
0x15: {  	[timem:s7], [sflag:s23] =	dma.local [hbm:s5], s21  }
0x16: {  	_ =	swait.ge [sflag:s23], s21  }
0x17: {  	s4 =	ssub.s32 $0x0, s21;
	[sflag:s23] =	ssyncset.done $0x0  }
0x18: {  	[sflag:s23] =	ssyncadd.s32 s4;
	_ =	sdelay $0x1  }
0x19: {  	s24 =	simm.s32 $0x1B8B  }
0x1a: {  	_ =	swait.ge [sflag:s24], $0x1  }
0x1b: {  	[sflag:s24] =	ssyncset.done $0x0  }
0x1c: {  	s26 =	simm.s32 $0x1B8E;
	s25 =	sld [smem:$0x3FFE];
	[sflag:s24] =	ssyncadd.s32 $0xFFFFFFFF  }
0x1d: {  	s27 =	simm.s32 $execute0_lowered;
	[smem:$0x3FD2] =	sst s26  }
0x1e: {  	s5 =	sshll.u32 s27, $0x1;
	_ =	strace $0x80000049;
	[dreg:$0x1] =	wrdreg $0xFFFFFFFF  }
0x1f: {  	s28 =	simm.s32 $_size_execute0_lowered;
	s3 =	sadd.s32 s3, s5;
	[dreg:$0x0] =	wrdreg $0x0  }
0x20: {  	s5 =	sshll.u32 s28, $0x1;
	[dreg:$0x2] =	wrdreg s3  }
0x21: {  	[dreg:$0x3] =	wrdreg s5  }
0x22: {  	[dreg:$0x4] =	wrdreg $0xC0  }
0x23: {  	_ =	task [dreg:s7], $0x5FFFF  }
0x24: {  	[dreg:$0x1] =	wrdreg $0xFFFFFFFF  }
0x25: {  	[dreg:$0x0] =	wrdreg $0x60  }
0x26: {  	[dreg:$0x2] =	wrdreg s25  }
0x27: {  	[dreg:$0x3] =	wrdreg s2  }
0x28: {  	[dreg:$0x4] =	wrdreg $0x9  }
0x29: {  	_ =	task.clear_ibuf [dreg:s7], $0x5FFFF;
	_ =	strace $0x90000049  }
0x2a: {  	s29 =	simm.s32 $0x9;
	_ =	strace $0x8000004B  }
0x2b: {  	_ =	swait.ge [sflag:s29], $0x1  }
0x2c: {  	[sflag:s29] =	ssyncadd.s32 $0xFFFFFFFF  }
0x2d: {  	_ =	strace $0x9000004B  }
0x2e: {  	_ =	sfence  }
0x2f: {  	s30 =	sld [smem:$0x0];
	_ =	sdelay $0x2  }
0x30: {  	s31 =	sshll.u32 s1, $0xD;
	s1 =	sshrl.u32 s1, $0x2  }
0x31: {  	s3 =	sand.u32 $0x4000, s31;
	s1 =	sadd.s32 s1, s30  }
0x32: {  	s0 =	sor.u32 s3, s0;
	s1 =	sshll.u32 s1, $0x11  }
0x33: {  	s0 =	sor.u32 s1, s0  }
0x34: {  	s0 =	sadd.s32 $0x8F2B, s0  }
0x35: {  	[sflag:s0] =	ssyncadd.remote.s32 $0x1  }
0x36: {  	_ =	sfence.sel $0xFFFF  }
0x37: {  	[dreg:$0x0] =	wrdreg $0xFFFFFFFF;
	(pc) =	sbr.abs _section_cstart, $3  }
0x38: {  	[dreg:$0x1] =	wrdreg $0xFFFFFFFF  }
0x39: {  	_ =	task.clear_ibuf [dreg:s7], $0x2FFFF;
	_ =	strace $0x9FFFFFFF  }
0x3a: {  	(tm) =	ssettm $0x7FFFFFFF  }
0x3b: {  	_ =	shalt  }
tec
execute0_lowered:
.L_overlay_start_1:
0x0: {  	(tag) =	ssettag $0x1  }
0x1: {  	s0 =	srdreg.scid  }
0x2: {  	s1 =	sshll.u32 s0, $0x4  }
0x3: {  	s0 =	stileid.u32;
	s1 =	sand.u32 $0x10, s1  }
0x4: {  	s7 =	rddreg [dreg:$0x0];
	s1 =	sor.u32 s0, s1  }
0x5: {  	s4 =	simm.s32 $0x1;
	s8 =	simm.s32 $0x2;
	s2 =	sshll.u32 s1, $0x7  }
0x6: {  	s13 =	simm.s32 $0x0;
	s9 =	simm.s32 $0x20000;
	s1 =	ssub.s32 $0x4000, s2  }
0x7: {  	s14 =	simm.s32 $0x0;
	s11 =	simm.s32 $0x0;
	s3 =	sand.u32 $0xF80, s1  }
0x8: {  	s12 =	simm.s32 $0x0;
	s5 =	sshrl.u32 s1, $0xC;
	p0 =	sne.s32 s3, $0x0  }
.Ltmp0:
0x9: {  	s1 =	rddreg [dreg:$0x2];
	s4 =	simm.s32 @!p0 $0x0;
	(pc) =	sbr.rel .LBB1_1-.Ltmp0, $4  }
0xa: {  	s6 =	sadd.s32 $0xC80A00, s7;
	s3 =	rddreg [dreg:$0x1];
	s5 =	sadd.s32 s4, s5  }
0xb: {  	_ =	strace $0x8000004A;
	s4 =	simm.s32 $0x1;
	s5 =	smul.u32 $0x19, s5  }
0xc: {  	s7 =	sadd.s32 $0xCC0A00, s7;
	s10 =	smov.u32 s2;
	[sflag:s4] =	ssyncpa.u1 $0x0  }
0xd: {  	p0 =	por $0x0, $0x0;
	[sflag:s8] =	ssyncpa.u1 $0x0;
	s8 =	sadd.s32 $0x1, s5  }
.LBB1_7:
0xe: {  	s15 =	sadd.s32 $0x1000, s10  }
0xf: {  	s13 =	sadd.s32 $0x2, s11;
	s17 =	smov.u32 s11;
	p2 =	sgt.s32 s15, $0x3FFF  }
0x10: {  	s17 =	smov.u32 @p2 s13  }
0x11: {  	s15 =	smov.u32 @p2 s2;
	p2 =	sgt.s32 s17, $0x31  }
0x12: {  	s17 =	simm.s32 @p2 $0x0;
	p2 =	sne.s32 s12, s8  }
.Ltmp1:
0x13: {  	p1 =	slt.u32 s12, $0x2;
	(pc) =	sbr.rel @!p2 .LBB1_8-.Ltmp1, $4  }
0x14: {  	s16 =	simm.s32 @!p1 $0x2  }
0x15: {  	s14 =	smov.u32 s11;
	p0 =	por !p0, !p0;
	_ =	swait.ge @!p1 [sflag:s16], $0x4000  }
0x16: {  	s13 =	smov.u32 s10;
	[sflag:s16] =	ssyncset.done @!p1 $0x0;
	s10 =	smov.u32 s15  }
0x17: {  	s12 =	sadd.s32 $0x1, s12;
	[sflag:s16] =	ssyncadd.s32 @!p1 $0xFFFFC000;
	s11 =	smov.u32 s17  }
.LBB1_1:
0x18: {  	p1 =	sge.u32 s12, s5  }
0x19: {  	s15 =	sxor.u32 @!p1 $0xFFFFFFFF, s12;
	s16 =	sshll.u32 @!p1 s11, $0x12  }
0x1a: {  	s17 =	sshll.u32 @!p1 s10, $0x4;
	s19 =	simm.s32 @!p1 $0x40;
	s20 =	simm.s32 @!p1 $0x80  }
0x1b: {  	s15 =	sshll.u32 @!p1 s15, $0xE;
	s17 =	sand.u32 @!p1 $0x3FFF0, s17;
	s18 =	sadd.s32 @!p1 s6, s16  }
0x1c: {  	s16 =	sadd.s32 @!p1 s16, s7;
	s15 =	sand.u32 @!p1 $0x4000, s15;
	s18 =	sadd.s32 @!p1 s17, s18  }
0x1d: {  	[tilespmem:s15], [sflag:$0x1] =	stream.strided.gather @!p1 [hbm4b:s18+s19], $0x2000, s20, s19, $0x38;
	[tilespmem:$0x10100] =	vst v63  }
0x1e: {  	s31 =	sadd.s32 $0xFFFFFFFF, s12;
	s16 =	sadd.s32 @!p1 s17, s16;
	s15 =	sor.u32 @!p1 $0x2000, s15  }
0x1f: {  	[tilespmem:s15], [sflag:$0x1] =	stream.strided.gather @!p1 [hbm4b:s16+s19], $0x2000, s20, s19, $0x38;
	[tilespmem:$0x10100] =	vst v63  }
0x20: {  	p1 =	sge.u32 s31, s5  }
.Ltmp2:
0x21: {  	_ = 	snop;
	(pc) =	sbr.rel @p1 .LBB1_7-.Ltmp2, $1  }
0x22: {  	_ =	sdelay $0x3  }
0x23: {  	s15 =	simm.s32 $0x1;
	s17 =	sand.u32 $0x1, s12  }
0x24: {  	_ =	swait.ge [sflag:s4], $0x4000;
	s15 =	simm.s32 @!p0 $0x0;
	s17 =	smul.u32 $0x10200, s17  }
0x25: {  	p2 =	por $0x1, $0x1;
	[sflag:s4] =	ssyncset.done $0x0;
	s16 =	smul.u32 $0x10200, s15  }
0x26: {  	s18 =	sshll.u32 s15, $0x10;
	[sflag:s4] =	ssyncadd.s32 $0xFFFFC000;
	s30 =	sshrl.u32 s17, $0x2  }
0x27: {  	s31 =	sshrl.u32 s18, $0x2;
	s18 =	simm.s32 $0x0;
	s16 =	sshrl.u32 s16, $0x2  }
0x28: {  	s15 =	sor.u32 $0x8000, s30;
	s17 =	sadd.s32 $0x20, s31;
	s16 =	sor.u32 $0x8000, s16  }
.LBB1_3:
0x29: {  	s19 =	sshll.u32 s18, $0xD  }
0x2a: {  	s19 =	sand.u32 $0x3FFFE000, s19  }
0x2b: {  	s21 =	sadd.s32 s19, s17  }
0x2c: {  	s31 =	smul.u32 $0x8100, s18;
	v3 =	vld [tilespmem:s21+$0x10]  }
0x2d: {  	v1 =	vld [tilespmem:s21+$0xFFFFFFF0]  }
0x2e: {  	s18 =	sshra.s32 s31, $0x2;
	v0 =	vld [tilespmem:s21+$0x0]  }
0x2f: {  	s18 =	sadd.s32 s18, s16;
	v2 =	vld [tilespmem:s21+$0xFFFFFFE0]  }
0x30: {  	s19 =	sadd.s32 $0x0, s18  }
0x31: {  	p1 =	por p2, p2;
	s20 =	simm.s32 $0x4;
	s21 =	sadd.s32 $0x40, s21;
	[tilespmem:s19+$0x1830 ss:$0x81] =	vst.msk $0xffff, v3  }
.LBB1_4:
0x32: {  	v3 =	vld [tilespmem:s21+$0x10];
	p2 =	sne.s32 s20, $0x1FC;
	[tilespmem:s19+$0x810 ss:$0x81] =	vst.msk $0xffff, v1;
	s22 =	smov.u32 s20;
	s20 =	sadd.s32 $0x4, s20  }
.Ltmp3:
0x33: {  	v1 =	vld [tilespmem:s21+$0xFFFFFFF0];
	[tilespmem:s19+$0x1020 ss:$0x81] =	vst.msk $0xffff, v0;
	(pc) =	sbr.rel @p2 .LBB1_4-.Ltmp3, $4  }
0x34: {  	v0 =	vld [tilespmem:s21+$0x0];
	[tilespmem:s19+$0x0 ss:$0x81] =	vst.msk $0xffff, v2  }
0x35: {  	s19 =	sshra.s32 s22, $0x2;
	v2 =	vld [tilespmem:s21+$0xFFFFFFE0]  }
0x36: {  	s19 =	sadd.s32 s19, s18  }
0x37: {  	s21 =	sadd.s32 $0x40, s21;
	[tilespmem:s19+$0x1830 ss:$0x81] =	vst.msk $0xffff, v3  }
.Ltmp4:
0x38: {  	(pc) =	sbr.rel @p1 .LBB1_3-.Ltmp4, $4  }
0x39: {  	_ = 	snop  }
0x3a: {  	[tilespmem:s19+$0x810 ss:$0x81] =	vst.msk $0xffff, v1  }
0x3b: {  	[tilespmem:s19+$0x1020 ss:$0x81] =	vst.msk $0xffff, v0  }
0x3c: {  	s18 =	simm.s32 $0x1;
	p2 =	por $0x0, $0x0;
	[tilespmem:s19+$0x0 ss:$0x81] =	vst.msk $0xffff, v2  }
0x3d: {  	s16 =	sshll.u32 s13, $0x3;
	s17 =	sand.u32 $0x78, s13;
	s14 =	sshll.u32 s14, $0x11  }
.Ltmp5:
0x3e: {  	s30 =	sand.u32 $0x1F800, s13;
	s16 =	sand.u32 $0x3C00, s16;
	(pc) =	sbr.rel .LBB1_7-.Ltmp5, $4  }
0x3f: {  	s31 =	sand.u32 $0x7, s13;
	s14 =	sadd.s32 s3, s14;
	s16 =	sor.u32 s17, s16  }
0x40: {  	s13 =	sshll.u32 s31, $0x12;
	s14 =	sadd.s32 s30, s14;
	s16 =	sshrl.u32 s16, $0x3  }
0x41: {  	s13 =	sor.u32 $0x400, s13;
	s14 =	sadd.s32 s16, s14  }
0x42: {  	[hbm4b:s14+s13] =	stream.strided.scatter [tilespmem:s15], [sflag:$0x2], $0x4000, s9, s13, $0x20;
	[tilespmem:$0x10100] =	vst v63  }
.LBB1_8:
0x43: {  	_ =	sfence.sel $0x180000  }
0x44: {  	s2 =	simm.s32 $0x1;
	[bflag:$0x0] =	sbarrier.arrive $0xFFFF  }
0x45: {  	s31 =	simm.s32 $0x2;
	[sflag:s2] =	ssyncpa.u1 $0x1  }
0x46: {  	[sflag:s31] =	ssyncpa.u1 $0x1  }
0x47: {  	p0 =	sne.s32 s0, $0x0;
	_ =	strace $0x9000004A  }
0x48: {  	s0 =	sadd.s32 @!p0 $0x100000, s1;
	[bflag:$0x2] =	sbarrier.arrive $0xFFFF  }
0x49: {  	[sflag:s0] =	ssyncadd.tile.s32 @!p0 $0x1;
	_ =	shalt  }
.Lfunc_end1:
_tile_overlayer_lowered:
.L_overlay_start_2:
0x4a: {  	(tag) =	ssettag $0x2  }
0x4b: {  	s0 =	rddreg [dreg:$0x0];
	s2 =	stileid.u32  }
0x4c: {  	s1 =	rddreg [dreg:$0x1];
	p0 =	sne.s32 s2, $0x0  }
0x4d: {  	s3 =	rddreg [dreg:$0x2];
	[bflag:$0x3] =	sbarrier.arrive $0xFFFF;
	s2 =	simm.s32 @!p0 $0x1C01  }
0x4e: {  	[timem:s3], [sflag:s2] =	dma.local @!p0 [hbm:s0], s1  }
0x4f: {  	s0 =	simm.s32 @!p0 $0x1  }
0x50: {  	_ =	swait.ge @!p0 [sflag:s0], s1  }
0x51: {  	s1 =	ssub.s32 @!p0 $0x0, s1;
	[sflag:s0] =	ssyncset.done @!p0 $0x0  }
0x52: {  	[sflag:s0] =	ssyncadd.s32 @!p0 s1  }
0x53: {  	[bflag:$0x3] =	sbarrier.arrive $0xFFFF  }
0x54: {  	_ =	shalt  }

</sc_bundles>
